<compile_context>
chip_gen: v7x
topology: tpu7x:2x2x1
jax: 0.10.2.dev20260603
libtpu: 0.0.44.dev20260713+nightly
codegen_flags: <defaults>
</compile_context>

<pallas_src>
import functools

import jax
import jax.numpy as jnp
from jax import lax
from jax.experimental import pallas as pl
from jax.experimental.pallas import tpu as pltpu
from jax.experimental.pallas import tpu_sc as plsc

_NC = 2
_NS = 16
_NW = _NC * _NS

_B = 1024
_T = 20
_V = 35
_E = 64
_ROWS = _T * _V
_RPAD = 704
_CHUNK = 128
_N_ELT = _ROWS * _E
_EPS = 1e-5


def _sc_fused_fn():
    spw = _B // _NW
    nfull, rem = divmod(_RPAD, _CHUNK)

    mesh = plsc.VectorSubcoreMesh(
        core_axis_name="c", subcore_axis_name="s",
        num_cores=_NC, num_subcores=_NS)

    @functools.partial(
        pl.kernel,
        out_type=jax.ShapeDtypeStruct((_B, _T, _V, _E), jnp.float32),
        mesh=mesh,
        scratch_types=[
            pltpu.VMEM((_RPAD,), jnp.int32),
            pltpu.VMEM((_RPAD,), jnp.int32),
            pltpu.VMEM((_RPAD, _E), jnp.float32),
            pltpu.VMEM((_RPAD, _E), jnp.float32),
            pltpu.VMEM((24, _E), jnp.float32),
            pltpu.SemaphoreType.DMA,
            pltpu.SemaphoreType.DMA,
            pltpu.SemaphoreType.DMA,
            pltpu.SemaphoreType.DMA,
        ],
        compiler_params=pltpu.CompilerParams(
            use_tc_tiling_on_sc=False, needs_layout_passes=False),
    )
    def sc_fused(idx_hbm, table_hbm, pe_hbm, out_hbm, idx0, idx1, y0, y1,
                 pe_v, g0, g1, o0, o1):
        wid = lax.axis_index("s") * _NC + lax.axis_index("c")
        base = wid * spw
        zero16 = jnp.full((16,), 0.0, jnp.float32)
        pltpu.sync_copy(pe_hbm, pe_v)
        idxs = (idx0, idx1)
        ys = (y0, y1)
        gs = (g0, g1)
        os_ = (o0, o1)

        def gcps(idx_v, y_v, gsem):
            cps = []
            for ch in range(nfull):
                cps.append(pltpu.make_async_copy(
                    table_hbm.at[idx_v.at[pl.ds(ch * _CHUNK, _CHUNK)]],
                    y_v.at[pl.ds(ch * _CHUNK, _CHUNK)], gsem))
            if rem:
                cps.append(pltpu.make_async_copy(
                    table_hbm.at[idx_v.at[pl.ds(nfull * _CHUNK, rem)]],
                    y_v.at[pl.ds(nfull * _CHUNK, rem)], gsem))
            return cps

        def ocps(bb, y_v, osem):
            return [pltpu.make_async_copy(
                y_v.at[pl.ds(tt * _V, _V)], out_hbm.at[bb, tt], osem)
                for tt in range(_T)]

        def process(i, p):
            bb = base + i
            idx_v, y_v = idxs[p], ys[p]
            for cp in gcps(idx_v, y_v, gs[p]):
                cp.wait()

            @pl.when(i > 0)
            def _():
                for cp in ocps(bb - 1, ys[1 - p], os_[1 - p]):
                    cp.wait()

            @pl.when(i + 1 < spw)
            def _():
                pltpu.sync_copy(
                    idx_hbm.at[pl.ds((bb + 1) * _RPAD, _RPAD)], idxs[1 - p])
                for cp in gcps(idxs[1 - p], ys[1 - p], gs[1 - p]):
                    cp.start()

            def t_acc(tt, acc):
                pe4 = [pe_v[tt, pl.ds(k * 16, 16)] for k in range(4)]

                def v_acc(vv, acc2):
                    r = tt * _V + vv
                    out = list(acc2)
                    for k in range(4):
                        x = y_v[r, pl.ds(k * 16, 16)] + pe4[k]
                        y_v[r, pl.ds(k * 16, 16)] = x
                        out[k] = out[k] + x
                        out[4 + k] = out[4 + k] + x * x
                    return tuple(out)

                return lax.fori_loop(0, _V, v_acc, acc)

            acc = lax.fori_loop(0, _T, t_acc, (zero16,) * 8)
            s16 = acc[0] + acc[1] + acc[2] + acc[3]
            q16 = acc[4] + acc[5] + acc[6] + acc[7]
            mean = jnp.sum(s16) * (1.0 / _N_ELT)
            var = jnp.sum(q16) * (1.0 / _N_ELT) - mean * mean
            ve = var + _EPS
            bits = lax.bitcast_convert_type(ve, jnp.int32)
            bits = 0x5F3759DF - lax.shift_right_arithmetic(bits, 1)
            r0 = lax.bitcast_convert_type(bits, jnp.float32)
            for _ in range(4):
                r0 = r0 * (1.5 - 0.5 * ve * r0 * r0)
            inv16 = jnp.full((16,), r0, jnp.float32)
            mv16 = jnp.full((16,), mean * r0, jnp.float32)

            def r_norm(r, c):
                for k in range(4):
                    y_v[r, pl.ds(k * 16, 16)] = (
                        y_v[r, pl.ds(k * 16, 16)] * inv16 - mv16)
                return c

            lax.fori_loop(0, _ROWS, r_norm, 0)

            for cp in ocps(bb, y_v, os_[p]):
                cp.start()

        def body2(ii, carry):
            process(2 * ii, 0)
            process(2 * ii + 1, 1)
            return carry

        pltpu.sync_copy(idx_hbm.at[pl.ds(base * _RPAD, _RPAD)], idx0)
        for cp in gcps(idx0, y0, g0):
            cp.start()
        lax.fori_loop(0, spw // 2, body2, 0)
        for cp in ocps(base + spw - 1, y1, o1):
            cp.wait()

    return sc_fused


_sc_fused_cache = []


def _sc_fused(idx, table, pe):
    if not _sc_fused_cache:
        _sc_fused_cache.append(_sc_fused_fn())
    return _sc_fused_cache[0](idx, table, pe)


def kernel(diag_seq, proc_seq, drug_seq, delta_t, service, admtype, insur,
           marit, seq_length, token_table, pe_dt, pe_pos):
    b, t = delta_t.shape
    vocab, e = token_table.shape

    dt = delta_t / 15.0
    len_mask = jnp.arange(t)[None, :] < seq_length[:, None]
    dt = jnp.cumsum(jnp.round(dt), axis=1) * len_mask.astype(dt.dtype)
    dt_idx = jnp.clip(dt.astype(jnp.int32), 0, pe_dt.shape[0] - 1)

    tok34 = jnp.concatenate(
        [diag_seq, proc_seq, drug_seq, service, admtype,
         insur[..., None], marit[..., None]], axis=2)
    idx35 = jnp.concatenate([tok34, (dt_idx + vocab)[..., None]], axis=2)
    idx = jnp.pad(idx35.reshape(b, _ROWS), ((0, 0), (0, _RPAD - _ROWS)))
    idx = idx.reshape(-1)

    table64 = jnp.concatenate([token_table, pe_dt], axis=0)
    pe24 = jnp.pad(pe_pos[:t], ((0, 4), (0, 0)))

    return _sc_fused(idx, table64, pe24)

# --- scband reference (transcript-rebuilt; emitter-appended) ---
"""Pipeline reference for scband-mimicvisitwise-axial-embedding-34411277976115 (READ-ONLY COPY).

The authoritative reference and input builder live on the scoring server;
editing this copy changes nothing except your own understanding.
"""

import jax, jax.numpy as jnp
import numpy as np


def make_pe(max_len, d_model):
    position = np.arange(max_len).astype(np.float32)[:, None]
    div_term = np.exp(np.arange(0, d_model, 2).astype(np.float32) * -(np.log(10000.0) / d_model))
    pe = np.zeros((max_len, d_model), dtype=np.float32)
    pe[:, 0::2] = np.sin(position * div_term)
    pe[:, 1::2] = np.cos(position * div_term)
    return jnp.asarray(pe)


def setup_inputs(seed: int = 0) -> dict:
    key = jax.random.key(seed)
    ks = jax.random.split(key, 12)
    b, t = 1024, 20
    vocab, e = 100000, 64
    diag_seq = jax.random.randint(ks[0], (b, t, 10), 0, vocab, dtype=jnp.int32)
    proc_seq = jax.random.randint(ks[1], (b, t, 10), 0, vocab, dtype=jnp.int32)
    drug_seq = jax.random.randint(ks[2], (b, t, 10), 0, vocab, dtype=jnp.int32)
    delta_t = jax.random.uniform(ks[3], (b, t), dtype=jnp.float32)
    service = jax.random.randint(ks[4], (b, t, 1), 0, vocab, dtype=jnp.int32)
    admtype = jax.random.randint(ks[5], (b, t, 1), 0, vocab, dtype=jnp.int32)
    insur = jax.random.randint(ks[6], (b, t), 0, vocab, dtype=jnp.int32)
    marit = jax.random.randint(ks[7], (b, t), 0, vocab, dtype=jnp.int32)
    seq_length = jax.random.randint(ks[8], (b,), 0, t + 1, dtype=jnp.int32).at[0].set(t)
    token_table = jax.random.normal(ks[9], (vocab, e), dtype=jnp.float32)
    pe_dt = make_pe(100000, e)
    pe_pos = make_pe(5000, e)
    return {"diag_seq": diag_seq, "proc_seq": proc_seq, "drug_seq": drug_seq,
            "delta_t": delta_t, "service": service, "admtype": admtype,
            "insur": insur, "marit": marit, "seq_length": seq_length,
            "token_table": token_table, "pe_dt": pe_dt, "pe_pos": pe_pos}


def reference(diag_seq, proc_seq, drug_seq, delta_t, service, admtype, insur, marit, seq_length, token_table, pe_dt, pe_pos):
    # delta_t.div_(15.0)
    delta_t = delta_t / 15.0
    max_t = delta_t.shape[1]
    indices = jnp.arange(max_t)
    len_mask = indices[None, :] < seq_length[:, None]
    dt = jnp.cumsum(jnp.round(delta_t), axis=1)
    dt = dt * len_mask.astype(dt.dtype)
    dt_idx = dt.astype(jnp.int32)
    # DeltTEncoding: gather pe rows by delta_t indices -> [b, t, e]
    doy_embedded = jnp.take(pe_dt, dt_idx, axis=0)[:, :, None, :]
    icd_embed_sum = jnp.take(token_table, diag_seq, axis=0)
    proc_embed_sum = jnp.take(token_table, proc_seq, axis=0)
    drug_embed_sum = jnp.take(token_table, drug_seq, axis=0)
    service_embed = jnp.take(token_table, service, axis=0)
    admtype_embed = jnp.take(token_table, admtype, axis=0)
    insur_embed = jnp.take(token_table, insur, axis=0)[:, :, None, :]
    marit_embed = jnp.take(token_table, marit, axis=0)[:, :, None, :]
    visit_embed = jnp.concatenate([icd_embed_sum, proc_embed_sum, drug_embed_sum,
                                   service_embed, admtype_embed, insur_embed,
                                   marit_embed, doy_embedded], axis=2)
    # FixedAxialPositionalEncoding (dropout in eval mode = identity)
    tdim = visit_embed.shape[1]
    visit_embed = visit_embed + pe_pos[:tdim][None, :, None, :]
    # F.layer_norm over last 3 dims [t, v, e], no affine params
    mean = jnp.mean(visit_embed, axis=(1, 2, 3), keepdims=True)
    var = jnp.var(visit_embed, axis=(1, 2, 3), keepdims=True)
    out = (visit_embed - mean) / jnp.sqrt(var + 1e-5)
    return out

if __name__ == "__main__":
    import jax
    _d = setup_inputs()
    print(jax.jit(kernel)(*tuple(_d.values())))

</pallas_src>

<mosaic_0001>
#map = affine_map<(d0, d1) -> (0)>
#map1 = affine_map<(d0, d1) -> (0, 0)>
#map2 = affine_map<(d0, d1) -> (0, 0, 0, 0)>
module attributes {stable_mosaic.version = 14 : i64} {
  func.func @sc_fused(%arg0: i32, %arg1: i32, %arg2: memref<720896xi32, #tpu.memory_space<hbm>>, %arg3: memref<200000x64xf32, #tpu.memory_space<hbm>>, %arg4: memref<24x64xf32, #tpu.memory_space<hbm>>, %arg5: memref<1024x20x35x64xf32, #tpu.memory_space<hbm>>, %arg6: memref<704xi32, #tpu.memory_space<vmem>>, %arg7: memref<704xi32, #tpu.memory_space<vmem>>, %arg8: memref<704x64xf32, #tpu.memory_space<vmem>>, %arg9: memref<704x64xf32, #tpu.memory_space<vmem>>, %arg10: memref<24x64xf32, #tpu.memory_space<vmem>>, %arg11: memref<!tpu.dma_semaphore, #tpu.memory_space<semaphore_mem>>, %arg12: memref<!tpu.dma_semaphore, #tpu.memory_space<semaphore_mem>>, %arg13: memref<!tpu.dma_semaphore, #tpu.memory_space<semaphore_mem>>, %arg14: memref<!tpu.dma_semaphore, #tpu.memory_space<semaphore_mem>>) attributes {dimension_semantics = [#tpu.dimension_semantics<core_parallel>, #tpu.dimension_semantics<subcore_parallel>], iteration_bounds = array<i64: 2, 16>, scalar_prefetch = 0 : i64, scratch_operands = 9 : i64, tpu.core_type = #tpu.core_type<sc_vector_subcore>, window_params = [{transform_indices = #map}, {transform_indices = #map1}, {transform_indices = #map1}, {transform_indices = #map2}]} {
    %mul3A = arith.constant 2 : i32
    %mul3A_0 = arith.muli %arg1, %mul3A : i32
    %add3A = arith.addi %mul3A_0, %arg0 : i32
    %mul3A_1 = arith.constant 32 : i32
    %mul3A_2 = arith.muli %add3A, %mul3A_1 : i32
    %broadcast_in_dim3A = arith.constant 0.000000e+00 : f32
    %broadcast_in_dim3A_3 = vector.broadcast %broadcast_in_dim3A : f32 to vector<16xf32>
    "tpu.region"() ({
      %run_scoped3A = tpu.sem_alloc : memref<!tpu.dma_semaphore, #tpu.memory_space<semaphore_mem>>
      tpu.enqueue_dma source(%arg4 : memref<24x64xf32, #tpu.memory_space<hbm>>) target(%arg10 : memref<24x64xf32, #tpu.memory_space<vmem>>) target_semaphore(%run_scoped3A : memref<!tpu.dma_semaphore, #tpu.memory_space<semaphore_mem>>)
      tpu.wait_dma2 semaphore(%run_scoped3A : memref<!tpu.dma_semaphore, #tpu.memory_space<semaphore_mem>>) src(%arg4 : memref<24x64xf32, #tpu.memory_space<hbm>>) dst(%arg10 : memref<24x64xf32, #tpu.memory_space<vmem>>)
      tpu.yield
    }) : () -> ()
    %mul3A_4 = arith.constant 704 : i32
    %mul3A_5 = arith.muli %mul3A_2, %mul3A_4 : i32
    "tpu.region"() ({
      %run_scoped3A = tpu.sem_alloc : memref<!tpu.dma_semaphore, #tpu.memory_space<semaphore_mem>>
      %dma_start3A_360 = tpu.memref_slice %arg2[%mul3A_5] : memref<720896xi32, #tpu.memory_space<hbm>> -> memref<704xi32, #tpu.memory_space<hbm>>
      %dma_start3A_361 = tpu.memref_slice %arg2[%mul3A_5] : memref<720896xi32, #tpu.memory_space<hbm>> -> memref<704xi32, #tpu.memory_space<hbm>>
      tpu.enqueue_dma source(%dma_start3A_361 : memref<704xi32, #tpu.memory_space<hbm>>) target(%arg6 : memref<704xi32, #tpu.memory_space<vmem>>) target_semaphore(%run_scoped3A : memref<!tpu.dma_semaphore, #tpu.memory_space<semaphore_mem>>)
      %dma_wait3A_362 = tpu.memref_slice %arg2[%mul3A_5] : memref<720896xi32, #tpu.memory_space<hbm>> -> memref<704xi32, #tpu.memory_space<hbm>>
      %dma_wait3A_363 = tpu.memref_slice %arg2[%mul3A_5] : memref<720896xi32, #tpu.memory_space<hbm>> -> memref<704xi32, #tpu.memory_space<hbm>>
      tpu.wait_dma2 semaphore(%run_scoped3A : memref<!tpu.dma_semaphore, #tpu.memory_space<semaphore_mem>>) src(%dma_wait3A_363 : memref<704xi32, #tpu.memory_space<hbm>>) dst(%arg6 : memref<704xi32, #tpu.memory_space<vmem>>)
      tpu.yield
    }) : () -> ()
    %dma_start3A = arith.constant 0 : i32
    %dma_start3A_6 = arith.constant 0 : i32
    %dma_start3A_7 = tpu.memref_slice %arg8[%dma_start3A, %dma_start3A_6] : memref<704x64xf32, #tpu.memory_space<vmem>> -> memref<128x64xf32, #tpu.memory_space<vmem>>
    %dma_start3A_8 = arith.constant 0 : i32
    %dma_start3A_9 = tpu.memref_slice %arg6[%dma_start3A_8] : memref<704xi32, #tpu.memory_space<vmem>> -> memref<128xi32, #tpu.memory_space<vmem>>
    %dma_start3A_10 = arith.constant 0 : i32
    %dma_start3A_11 = arith.constant 0 : i32
    %dma_start3A_12 = tpu.memref_slice %arg3[%dma_start3A_10, %dma_start3A_11] : memref<200000x64xf32, #tpu.memory_space<hbm>> -> memref<200000x64xf32, #tpu.memory_space<hbm>>
    tpu.enqueue_indirect_dma source(%dma_start3A_12 : memref<200000x64xf32, #tpu.memory_space<hbm>>) target(%dma_start3A_7 : memref<128x64xf32, #tpu.memory_space<vmem>>) offsets(%dma_start3A_9 : memref<128xi32, #tpu.memory_space<vmem>>) semaphore(%arg11 : memref<!tpu.dma_semaphore, #tpu.memory_space<semaphore_mem>>)
    %dma_start3A_13 = arith.constant 128 : i32
    %dma_start3A_14 = arith.constant 0 : i32
    %dma_start3A_15 = tpu.memref_slice %arg8[%dma_start3A_13, %dma_start3A_14] : memref<704x64xf32, #tpu.memory_space<vmem>> -> memref<128x64xf32, #tpu.memory_space<vmem>>
    %dma_start3A_16 = arith.constant 128 : i32
    %dma_start3A_17 = tpu.memref_slice %arg6[%dma_start3A_16] : memref<704xi32, #tpu.memory_space<vmem>> -> memref<128xi32, #tpu.memory_space<vmem>>
    %dma_start3A_18 = arith.constant 0 : i32
    %dma_start3A_19 = arith.constant 0 : i32
    %dma_start3A_20 = tpu.memref_slice %arg3[%dma_start3A_18, %dma_start3A_19] : memref<200000x64xf32, #tpu.memory_space<hbm>> -> memref<200000x64xf32, #tpu.memory_space<hbm>>
    tpu.enqueue_indirect_dma source(%dma_start3A_20 : memref<200000x64xf32, #tpu.memory_space<hbm>>) target(%dma_start3A_15 : memref<128x64xf32, #tpu.memory_space<vmem>>) offsets(%dma_start3A_17 : memref<128xi32, #tpu.memory_space<vmem>>) semaphore(%arg11 : memref<!tpu.dma_semaphore, #tpu.memory_space<semaphore_mem>>)
    %dma_start3A_21 = arith.constant 256 : i32
    %dma_start3A_22 = arith.constant 0 : i32
    %dma_start3A_23 = tpu.memref_slice %arg8[%dma_start3A_21, %dma_start3A_22] : memref<704x64xf32, #tpu.memory_space<vmem>> -> memref<128x64xf32, #tpu.memory_space<vmem>>
    %dma_start3A_24 = arith.constant 256 : i32
    %dma_start3A_25 = tpu.memref_slice %arg6[%dma_start3A_24] : memref<704xi32, #tpu.memory_space<vmem>> -> memref<128xi32, #tpu.memory_space<vmem>>
    %dma_start3A_26 = arith.constant 0 : i32
    %dma_start3A_27 = arith.constant 0 : i32
    %dma_start3A_28 = tpu.memref_slice %arg3[%dma_start3A_26, %dma_start3A_27] : memref<200000x64xf32, #tpu.memory_space<hbm>> -> memref<200000x64xf32, #tpu.memory_space<hbm>>
    tpu.enqueue_indirect_dma source(%dma_start3A_28 : memref<200000x64xf32, #tpu.memory_space<hbm>>) target(%dma_start3A_23 : memref<128x64xf32, #tpu.memory_space<vmem>>) offsets(%dma_start3A_25 : memref<128xi32, #tpu.memory_space<vmem>>) semaphore(%arg11 : memref<!tpu.dma_semaphore, #tpu.memory_space<semaphore_mem>>)
    %dma_start3A_29 = arith.constant 384 : i32
    %dma_start3A_30 = arith.constant 0 : i32
    %dma_start3A_31 = tpu.memref_slice %arg8[%dma_start3A_29, %dma_start3A_30] : memref<704x64xf32, #tpu.memory_space<vmem>> -> memref<128x64xf32, #tpu.memory_space<vmem>>
    %dma_start3A_32 = arith.constant 384 : i32
    %dma_start3A_33 = tpu.memref_slice %arg6[%dma_start3A_32] : memref<704xi32, #tpu.memory_space<vmem>> -> memref<128xi32, #tpu.memory_space<vmem>>
    %dma_start3A_34 = arith.constant 0 : i32
    %dma_start3A_35 = arith.constant 0 : i32
    %dma_start3A_36 = tpu.memref_slice %arg3[%dma_start3A_34, %dma_start3A_35] : memref<200000x64xf32, #tpu.memory_space<hbm>> -> memref<200000x64xf32, #tpu.memory_space<hbm>>
    tpu.enqueue_indirect_dma source(%dma_start3A_36 : memref<200000x64xf32, #tpu.memory_space<hbm>>) target(%dma_start3A_31 : memref<128x64xf32, #tpu.memory_space<vmem>>) offsets(%dma_start3A_33 : memref<128xi32, #tpu.memory_space<vmem>>) semaphore(%arg11 : memref<!tpu.dma_semaphore, #tpu.memory_space<semaphore_mem>>)
    %dma_start3A_37 = arith.constant 512 : i32
    %dma_start3A_38 = arith.constant 0 : i32
    %dma_start3A_39 = tpu.memref_slice %arg8[%dma_start3A_37, %dma_start3A_38] : memref<704x64xf32, #tpu.memory_space<vmem>> -> memref<128x64xf32, #tpu.memory_space<vmem>>
    %dma_start3A_40 = arith.constant 512 : i32
    %dma_start3A_41 = tpu.memref_slice %arg6[%dma_start3A_40] : memref<704xi32, #tpu.memory_space<vmem>> -> memref<128xi32, #tpu.memory_space<vmem>>
    %dma_start3A_42 = arith.constant 0 : i32
    %dma_start3A_43 = arith.constant 0 : i32
    %dma_start3A_44 = tpu.memref_slice %arg3[%dma_start3A_42, %dma_start3A_43] : memref<200000x64xf32, #tpu.memory_space<hbm>> -> memref<200000x64xf32, #tpu.memory_space<hbm>>
    tpu.enqueue_indirect_dma source(%dma_start3A_44 : memref<200000x64xf32, #tpu.memory_space<hbm>>) target(%dma_start3A_39 : memref<128x64xf32, #tpu.memory_space<vmem>>) offsets(%dma_start3A_41 : memref<128xi32, #tpu.memory_space<vmem>>) semaphore(%arg11 : memref<!tpu.dma_semaphore, #tpu.memory_space<semaphore_mem>>)
    %dma_start3A_45 = arith.constant 640 : i32
    %dma_start3A_46 = arith.constant 0 : i32
    %dma_start3A_47 = tpu.memref_slice %arg8[%dma_start3A_45, %dma_start3A_46] : memref<704x64xf32, #tpu.memory_space<vmem>> -> memref<64x64xf32, #tpu.memory_space<vmem>>
    %dma_start3A_48 = arith.constant 640 : i32
    %dma_start3A_49 = tpu.memref_slice %arg6[%dma_start3A_48] : memref<704xi32, #tpu.memory_space<vmem>> -> memref<64xi32, #tpu.memory_space<vmem>>
    %dma_start3A_50 = arith.constant 0 : i32
    %dma_start3A_51 = arith.constant 0 : i32
    %dma_start3A_52 = tpu.memref_slice %arg3[%dma_start3A_50, %dma_start3A_51] : memref<200000x64xf32, #tpu.memory_space<hbm>> -> memref<200000x64xf32, #tpu.memory_space<hbm>>
    tpu.enqueue_indirect_dma source(%dma_start3A_52 : memref<200000x64xf32, #tpu.memory_space<hbm>>) target(%dma_start3A_47 : memref<64x64xf32, #tpu.memory_space<vmem>>) offsets(%dma_start3A_49 : memref<64xi32, #tpu.memory_space<vmem>>) semaphore(%arg11 : memref<!tpu.dma_semaphore, #tpu.memory_space<semaphore_mem>>)
    %scan3A = arith.constant 0 : i32
    %scan3A_53 = arith.constant 0 : i32
    %scan3A_54 = arith.constant 16 : i32
    %scan3A_55 = arith.addi %scan3A_53, %scan3A_54 : i32
    %scan3A_56 = arith.constant 1 : i32
    scf.for %scan3A_360 = %scan3A_53 to %scan3A_55 step %scan3A_56  : i32 {
      %mul3A_361 = arith.constant 2 : i32
      %mul3A_362 = arith.muli %mul3A_361, %scan3A_360 : i32
      %add3A_363 = arith.addi %mul3A_2, %mul3A_362 : i32
      %dma_wait3A_364 = arith.constant 0 : i32
      %dma_wait3A_365 = arith.constant 0 : i32
      %dma_wait3A_366 = tpu.memref_slice %arg8[%dma_wait3A_364, %dma_wait3A_365] : memref<704x64xf32, #tpu.memory_space<vmem>> -> memref<128x64xf32, #tpu.memory_space<vmem>>
      %dma_wait3A_367 = arith.constant 0 : i32
      %dma_wait3A_368 = tpu.memref_slice %arg6[%dma_wait3A_367] : memref<704xi32, #tpu.memory_space<vmem>> -> memref<128xi32, #tpu.memory_space<vmem>>
      %dma_wait3A_369 = arith.constant 0 : i32
      %dma_wait3A_370 = arith.constant 0 : i32
      %dma_wait3A_371 = tpu.memref_slice %arg3[%dma_wait3A_369, %dma_wait3A_370] : memref<200000x64xf32, #tpu.memory_space<hbm>> -> memref<200000x64xf32, #tpu.memory_space<hbm>>
      tpu.wait_indirect_dma semaphore(%arg11 : memref<!tpu.dma_semaphore, #tpu.memory_space<semaphore_mem>>) src(%dma_wait3A_371 : memref<200000x64xf32, #tpu.memory_space<hbm>>) dst(%dma_wait3A_366 : memref<128x64xf32, #tpu.memory_space<vmem>>)
      %dma_wait3A_372 = arith.constant 128 : i32
      %dma_wait3A_373 = arith.constant 0 : i32
      %dma_wait3A_374 = tpu.memref_slice %arg8[%dma_wait3A_372, %dma_wait3A_373] : memref<704x64xf32, #tpu.memory_space<vmem>> -> memref<128x64xf32, #tpu.memory_space<vmem>>
      %dma_wait3A_375 = arith.constant 128 : i32
      %dma_wait3A_376 = tpu.memref_slice %arg6[%dma_wait3A_375] : memref<704xi32, #tpu.memory_space<vmem>> -> memref<128xi32, #tpu.memory_space<vmem>>
      %dma_wait3A_377 = arith.constant 0 : i32
      %dma_wait3A_378 = arith.constant 0 : i32
      %dma_wait3A_379 = tpu.memref_slice %arg3[%dma_wait3A_377, %dma_wait3A_378] : memref<200000x64xf32, #tpu.memory_space<hbm>> -> memref<200000x64xf32, #tpu.memory_space<hbm>>
      tpu.wait_indirect_dma semaphore(%arg11 : memref<!tpu.dma_semaphore, #tpu.memory_space<semaphore_mem>>) src(%dma_wait3A_379 : memref<200000x64xf32, #tpu.memory_space<hbm>>) dst(%dma_wait3A_374 : memref<128x64xf32, #tpu.memory_space<vmem>>)
      %dma_wait3A_380 = arith.constant 256 : i32
      %dma_wait3A_381 = arith.constant 0 : i32
      %dma_wait3A_382 = tpu.memref_slice %arg8[%dma_wait3A_380, %dma_wait3A_381] : memref<704x64xf32, #tpu.memory_space<vmem>> -> memref<128x64xf32, #tpu.memory_space<vmem>>
      %dma_wait3A_383 = arith.constant 256 : i32
      %dma_wait3A_384 = tpu.memref_slice %arg6[%dma_wait3A_383] : memref<704xi32, #tpu.memory_space<vmem>> -> memref<128xi32, #tpu.memory_space<vmem>>
      %dma_wait3A_385 = arith.constant 0 : i32
      %dma_wait3A_386 = arith.constant 0 : i32
      %dma_wait3A_387 = tpu.memref_slice %arg3[%dma_wait3A_385, %dma_wait3A_386] : memref<200000x64xf32, #tpu.memory_space<hbm>> -> memref<200000x64xf32, #tpu.memory_space<hbm>>
      tpu.wait_indirect_dma semaphore(%arg11 : memref<!tpu.dma_semaphore, #tpu.memory_space<semaphore_mem>>) src(%dma_wait3A_387 : memref<200000x64xf32, #tpu.memory_space<hbm>>) dst(%dma_wait3A_382 : memref<128x64xf32, #tpu.memory_space<vmem>>)
      %dma_wait3A_388 = arith.constant 384 : i32
      %dma_wait3A_389 = arith.constant 0 : i32
      %dma_wait3A_390 = tpu.memref_slice %arg8[%dma_wait3A_388, %dma_wait3A_389] : memref<704x64xf32, #tpu.memory_space<vmem>> -> memref<128x64xf32, #tpu.memory_space<vmem>>
      %dma_wait3A_391 = arith.constant 384 : i32
      %dma_wait3A_392 = tpu.memref_slice %arg6[%dma_wait3A_391] : memref<704xi32, #tpu.memory_space<vmem>> -> memref<128xi32, #tpu.memory_space<vmem>>
      %dma_wait3A_393 = arith.constant 0 : i32
      %dma_wait3A_394 = arith.constant 0 : i32
      %dma_wait3A_395 = tpu.memref_slice %arg3[%dma_wait3A_393, %dma_wait3A_394] : memref<200000x64xf32, #tpu.memory_space<hbm>> -> memref<200000x64xf32, #tpu.memory_space<hbm>>
      tpu.wait_indirect_dma semaphore(%arg11 : memref<!tpu.dma_semaphore, #tpu.memory_space<semaphore_mem>>) src(%dma_wait3A_395 : memref<200000x64xf32, #tpu.memory_space<hbm>>) dst(%dma_wait3A_390 : memref<128x64xf32, #tpu.memory_space<vmem>>)
      %dma_wait3A_396 = arith.constant 512 : i32
      %dma_wait3A_397 = arith.constant 0 : i32
      %dma_wait3A_398 = tpu.memref_slice %arg8[%dma_wait3A_396, %dma_wait3A_397] : memref<704x64xf32, #tpu.memory_space<vmem>> -> memref<128x64xf32, #tpu.memory_space<vmem>>
      %dma_wait3A_399 = arith.constant 512 : i32
      %dma_wait3A_400 = tpu.memref_slice %arg6[%dma_wait3A_399] : memref<704xi32, #tpu.memory_space<vmem>> -> memref<128xi32, #tpu.memory_space<vmem>>
      %dma_wait3A_401 = arith.constant 0 : i32
      %dma_wait3A_402 = arith.constant 0 : i32
      %dma_wait3A_403 = tpu.memref_slice %arg3[%dma_wait3A_401, %dma_wait3A_402] : memref<200000x64xf32, #tpu.memory_space<hbm>> -> memref<200000x64xf32, #tpu.memory_space<hbm>>
      tpu.wait_indirect_dma semaphore(%arg11 : memref<!tpu.dma_semaphore, #tpu.memory_space<semaphore_mem>>) src(%dma_wait3A_403 : memref<200000x64xf32, #tpu.memory_space<hbm>>) dst(%dma_wait3A_398 : memref<128x64xf32, #tpu.memory_space<vmem>>)
      %dma_wait3A_404 = arith.constant 640 : i32
      %dma_wait3A_405 = arith.constant 0 : i32
      %dma_wait3A_406 = tpu.memref_slice %arg8[%dma_wait3A_404, %dma_wait3A_405] : memref<704x64xf32, #tpu.memory_space<vmem>> -> memref<64x64xf32, #tpu.memory_space<vmem>>
      %dma_wait3A_407 = arith.constant 640 : i32
      %dma_wait3A_408 = tpu.memref_slice %arg6[%dma_wait3A_407] : memref<704xi32, #tpu.memory_space<vmem>> -> memref<64xi32, #tpu.memory_space<vmem>>
      %dma_wait3A_409 = arith.constant 0 : i32
      %dma_wait3A_410 = arith.constant 0 : i32
      %dma_wait3A_411 = tpu.memref_slice %arg3[%dma_wait3A_409, %dma_wait3A_410] : memref<200000x64xf32, #tpu.memory_space<hbm>> -> memref<200000x64xf32, #tpu.memory_space<hbm>>
      tpu.wait_indirect_dma semaphore(%arg11 : memref<!tpu.dma_semaphore, #tpu.memory_space<semaphore_mem>>) src(%dma_wait3A_411 : memref<200000x64xf32, #tpu.memory_space<hbm>>) dst(%dma_wait3A_406 : memref<64x64xf32, #tpu.memory_space<vmem>>)
      %gt3A = arith.constant 0 : i32
      %gt3A_412 = arith.cmpi sgt, %mul3A_362, %gt3A : i32
      %convert_element_type3A = arith.extui %gt3A_412 : i1 to i32
      %cond3A = arith.constant 0 : i32
      %cond3A_413 = arith.cmpi ne, %convert_element_type3A, %cond3A : i32
      scf.if %cond3A_413 {
        %sub3A_1224 = arith.constant 1 : i32
        %sub3A_1225 = arith.subi %add3A_363, %sub3A_1224 : i32
        %dma_wait3A_1226 = arith.constant 0 : i32
        %dma_wait3A_1227 = arith.constant 0 : i32
        %dma_wait3A_1228 = arith.constant 0 : i32
        %dma_wait3A_1229 = tpu.memref_slice %arg9[%dma_wait3A_1227, %dma_wait3A_1228] : memref<704x64xf32, #tpu.memory_space<vmem>> -> memref<35x64xf32, #tpu.memory_space<vmem>>
        %dma_wait3A_1230 = arith.constant 0 : i32
        %dma_wait3A_1231 = arith.constant 0 : i32
        %dma_wait3A_1232 = tpu.memref_slice %arg5[%sub3A_1225, %dma_wait3A_1226, %dma_wait3A_1230, %dma_wait3A_1231] : memref<1024x20x35x64xf32, #tpu.memory_space<hbm>> -> memref<1x1x35x64xf32, #tpu.memory_space<hbm>>
        %dma_wait3A_1233 = tpu.memref_squeeze %dma_wait3A_1232 : memref<1x1x35x64xf32, #tpu.memory_space<hbm>> -> memref<35x64xf32, #tpu.memory_space<hbm>>
        %dma_wait3A_1234 = arith.constant 0 : i32
        %dma_wait3A_1235 = arith.constant 0 : i32
        %dma_wait3A_1236 = tpu.memref_slice %arg5[%sub3A_1225, %dma_wait3A_1226, %dma_wait3A_1234, %dma_wait3A_1235] : memref<1024x20x35x64xf32, #tpu.memory_space<hbm>> -> memref<1x1x35x64xf32, #tpu.memory_space<hbm>>
        %dma_wait3A_1237 = tpu.memref_squeeze %dma_wait3A_1236 : memref<1x1x35x64xf32, #tpu.memory_space<hbm>> -> memref<35x64xf32, #tpu.memory_space<hbm>>
        %dma_wait3A_1238 = arith.constant 0 : i32
        %dma_wait3A_1239 = arith.constant 0 : i32
        %dma_wait3A_1240 = tpu.memref_slice %arg9[%dma_wait3A_1238, %dma_wait3A_1239] : memref<704x64xf32, #tpu.memory_space<vmem>> -> memref<35x64xf32, #tpu.memory_space<vmem>>
        tpu.wait_dma2 semaphore(%arg14 : memref<!tpu.dma_semaphore, #tpu.memory_space<semaphore_mem>>) src(%dma_wait3A_1240 : memref<35x64xf32, #tpu.memory_space<vmem>>) dst(%dma_wait3A_1237 : memref<35x64xf32, #tpu.memory_space<hbm>>)
        %dma_wait3A_1241 = arith.constant 1 : i32
        %dma_wait3A_1242 = arith.constant 35 : i32
        %dma_wait3A_1243 = arith.constant 0 : i32
        %dma_wait3A_1244 = tpu.memref_slice %arg9[%dma_wait3A_1242, %dma_wait3A_1243] : memref<704x64xf32, #tpu.memory_space<vmem>> -> memref<35x64xf32, #tpu.memory_space<vmem>>
        %dma_wait3A_1245 = arith.constant 0 : i32
        %dma_wait3A_1246 = arith.constant 0 : i32
        %dma_wait3A_1247 = tpu.memref_slice %arg5[%sub3A_1225, %dma_wait3A_1241, %dma_wait3A_1245, %dma_wait3A_1246] : memref<1024x20x35x64xf32, #tpu.memory_space<hbm>> -> memref<1x1x35x64xf32, #tpu.memory_space<hbm>>
        %dma_wait3A_1248 = tpu.memref_squeeze %dma_wait3A_1247 : memref<1x1x35x64xf32, #tpu.memory_space<hbm>> -> memref<35x64xf32, #tpu.memory_space<hbm>>
        %dma_wait3A_1249 = arith.constant 0 : i32
        %dma_wait3A_1250 = arith.constant 0 : i32
        %dma_wait3A_1251 = tpu.memref_slice %arg5[%sub3A_1225, %dma_wait3A_1241, %dma_wait3A_1249, %dma_wait3A_1250] : memref<1024x20x35x64xf32, #tpu.memory_space<hbm>> -> memref<1x1x35x64xf32, #tpu.memory_space<hbm>>
        %dma_wait3A_1252 = tpu.memref_squeeze %dma_wait3A_1251 : memref<1x1x35x64xf32, #tpu.memory_space<hbm>> -> memref<35x64xf32, #tpu.memory_space<hbm>>
        %dma_wait3A_1253 = arith.constant 35 : i32
        %dma_wait3A_1254 = arith.constant 0 : i32
        %dma_wait3A_1255 = tpu.memref_slice %arg9[%dma_wait3A_1253, %dma_wait3A_1254] : memref<704x64xf32, #tpu.memory_space<vmem>> -> memref<35x64xf32, #tpu.memory_space<vmem>>
        tpu.wait_dma2 semaphore(%arg14 : memref<!tpu.dma_semaphore, #tpu.memory_space<semaphore_mem>>) src(%dma_wait3A_1255 : memref<35x64xf32, #tpu.memory_space<vmem>>) dst(%dma_wait3A_1252 : memref<35x64xf32, #tpu.memory_space<hbm>>)
        %dma_wait3A_1256 = arith.constant 2 : i32
        %dma_wait3A_1257 = arith.constant 70 : i32
        %dma_wait3A_1258 = arith.constant 0 : i32
        %dma_wait3A_1259 = tpu.memref_slice %arg9[%dma_wait3A_1257, %dma_wait3A_1258] : memref<704x64xf32, #tpu.memory_space<vmem>> -> memref<35x64xf32, #tpu.memory_space<vmem>>
        %dma_wait3A_1260 = arith.constant 0 : i32
        %dma_wait3A_1261 = arith.constant 0 : i32
        %dma_wait3A_1262 = tpu.memref_slice %arg5[%sub3A_1225, %dma_wait3A_1256, %dma_wait3A_1260, %dma_wait3A_1261] : memref<1024x20x35x64xf32, #tpu.memory_space<hbm>> -> memref<1x1x35x64xf32, #tpu.memory_space<hbm>>
        %dma_wait3A_1263 = tpu.memref_squeeze %dma_wait3A_1262 : memref<1x1x35x64xf32, #tpu.memory_space<hbm>> -> memref<35x64xf32, #tpu.memory_space<hbm>>
        %dma_wait3A_1264 = arith.constant 0 : i32
        %dma_wait3A_1265 = arith.constant 0 : i32
        %dma_wait3A_1266 = tpu.memref_slice %arg5[%sub3A_1225, %dma_wait3A_1256, %dma_wait3A_1264, %dma_wait3A_1265] : memref<1024x20x35x64xf32, #tpu.memory_space<hbm>> -> memref<1x1x35x64xf32, #tpu.memory_space<hbm>>
        %dma_wait3A_1267 = tpu.memref_squeeze %dma_wait3A_1266 : memref<1x1x35x64xf32, #tpu.memory_space<hbm>> -> memref<35x64xf32, #tpu.memory_space<hbm>>
        %dma_wait3A_1268 = arith.constant 70 : i32
        %dma_wait3A_1269 = arith.constant 0 : i32
        %dma_wait3A_1270 = tpu.memref_slice %arg9[%dma_wait3A_1268, %dma_wait3A_1269] : memref<704x64xf32, #tpu.memory_space<vmem>> -> memref<35x64xf32, #tpu.memory_space<vmem>>
        tpu.wait_dma2 semaphore(%arg14 : memref<!tpu.dma_semaphore, #tpu.memory_space<semaphore_mem>>) src(%dma_wait3A_1270 : memref<35x64xf32, #tpu.memory_space<vmem>>) dst(%dma_wait3A_1267 : memref<35x64xf32, #tpu.memory_space<hbm>>)
        %dma_wait3A_1271 = arith.constant 3 : i32
        %dma_wait3A_1272 = arith.constant 105 : i32
        %dma_wait3A_1273 = arith.constant 0 : i32
        %dma_wait3A_1274 = tpu.memref_slice %arg9[%dma_wait3A_1272, %dma_wait3A_1273] : memref<704x64xf32, #tpu.memory_space<vmem>> -> memref<35x64xf32, #tpu.memory_space<vmem>>
        %dma_wait3A_1275 = arith.constant 0 : i32
        %dma_wait3A_1276 = arith.constant 0 : i32
        %dma_wait3A_1277 = tpu.memref_slice %arg5[%sub3A_1225, %dma_wait3A_1271, %dma_wait3A_1275, %dma_wait3A_1276] : memref<1024x20x35x64xf32, #tpu.memory_space<hbm>> -> memref<1x1x35x64xf32, #tpu.memory_space<hbm>>
        %dma_wait3A_1278 = tpu.memref_squeeze %dma_wait3A_1277 : memref<1x1x35x64xf32, #tpu.memory_space<hbm>> -> memref<35x64xf32, #tpu.memory_space<hbm>>
        %dma_wait3A_1279 = arith.constant 0 : i32
        %dma_wait3A_1280 = arith.constant 0 : i32
        %dma_wait3A_1281 = tpu.memref_slice %arg5[%sub3A_1225, %dma_wait3A_1271, %dma_wait3A_1279, %dma_wait3A_1280] : memref<1024x20x35x64xf32, #tpu.memory_space<hbm>> -> memref<1x1x35x64xf32, #tpu.memory_space<hbm>>
        %dma_wait3A_1282 = tpu.memref_squeeze %dma_wait3A_1281 : memref<1x1x35x64xf32, #tpu.memory_space<hbm>> -> memref<35x64xf32, #tpu.memory_space<hbm>>
        %dma_wait3A_1283 = arith.constant 105 : i32
        %dma_wait3A_1284 = arith.constant 0 : i32
        %dma_wait3A_1285 = tpu.memref_slice %arg9[%dma_wait3A_1283, %dma_wait3A_1284] : memref<704x64xf32, #tpu.memory_space<vmem>> -> memref<35x64xf32, #tpu.memory_space<vmem>>
        tpu.wait_dma2 semaphore(%arg14 : memref<!tpu.dma_semaphore, #tpu.memory_space<semaphore_mem>>) src(%dma_wait3A_1285 : memref<35x64xf32, #tpu.memory_space<vmem>>) dst(%dma_wait3A_1282 : memref<35x64xf32, #tpu.memory_space<hbm>>)
        %dma_wait3A_1286 = arith.constant 4 : i32
        %dma_wait3A_1287 = arith.constant 140 : i32
        %dma_wait3A_1288 = arith.constant 0 : i32
        %dma_wait3A_1289 = tpu.memref_slice %arg9[%dma_wait3A_1287, %dma_wait3A_1288] : memref<704x64xf32, #tpu.memory_space<vmem>> -> memref<35x64xf32, #tpu.memory_space<vmem>>
        %dma_wait3A_1290 = arith.constant 0 : i32
        %dma_wait3A_1291 = arith.constant 0 : i32
        %dma_wait3A_1292 = tpu.memref_slice %arg5[%sub3A_1225, %dma_wait3A_1286, %dma_wait3A_1290, %dma_wait3A_1291] : memref<1024x20x35x64xf32, #tpu.memory_space<hbm>> -> memref<1x1x35x64xf32, #tpu.memory_space<hbm>>
        %dma_wait3A_1293 = tpu.memref_squeeze %dma_wait3A_1292 : memref<1x1x35x64xf32, #tpu.memory_space<hbm>> -> memref<35x64xf32, #tpu.memory_space<hbm>>
        %dma_wait3A_1294 = arith.constant 0 : i32
        %dma_wait3A_1295 = arith.constant 0 : i32
        %dma_wait3A_1296 = tpu.memref_slice %arg5[%sub3A_1225, %dma_wait3A_1286, %dma_wait3A_1294, %dma_wait3A_1295] : memref<1024x20x35x64xf32, #tpu.memory_space<hbm>> -> memref<1x1x35x64xf32, #tpu.memory_space<hbm>>
        %dma_wait3A_1297 = tpu.memref_squeeze %dma_wait3A_1296 : memref<1x1x35x64xf32, #tpu.memory_space<hbm>> -> memref<35x64xf32, #tpu.memory_space<hbm>>
        %dma_wait3A_1298 = arith.constant 140 : i32
        %dma_wait3A_1299 = arith.constant 0 : i32
        %dma_wait3A_1300 = tpu.memref_slice %arg9[%dma_wait3A_1298, %dma_wait3A_1299] : memref<704x64xf32, #tpu.memory_space<vmem>> -> memref<35x64xf32, #tpu.memory_space<vmem>>
        tpu.wait_dma2 semaphore(%arg14 : memref<!tpu.dma_semaphore, #tpu.memory_space<semaphore_mem>>) src(%dma_wait3A_1300 : memref<35x64xf32, #tpu.memory_space<vmem>>) dst(%dma_wait3A_1297 : memref<35x64xf32, #tpu.memory_space<hbm>>)
        %dma_wait3A_1301 = arith.constant 5 : i32
        %dma_wait3A_1302 = arith.constant 175 : i32
        %dma_wait3A_1303 = arith.constant 0 : i32
        %dma_wait3A_1304 = tpu.memref_slice %arg9[%dma_wait3A_1302, %dma_wait3A_1303] : memref<704x64xf32, #tpu.memory_space<vmem>> -> memref<35x64xf32, #tpu.memory_space<vmem>>
        %dma_wait3A_1305 = arith.constant 0 : i32
        %dma_wait3A_1306 = arith.constant 0 : i32
        %dma_wait3A_1307 = tpu.memref_slice %arg5[%sub3A_1225, %dma_wait3A_1301, %dma_wait3A_1305, %dma_wait3A_1306] : memref<1024x20x35x64xf32, #tpu.memory_space<hbm>> -> memref<1x1x35x64xf32, #tpu.memory_space<hbm>>
        %dma_wait3A_1308 = tpu.memref_squeeze %dma_wait3A_1307 : memref<1x1x35x64xf32, #tpu.memory_space<hbm>> -> memref<35x64xf32, #tpu.memory_space<hbm>>
        %dma_wait3A_1309 = arith.constant 0 : i32
        %dma_wait3A_1310 = arith.constant 0 : i32
        %dma_wait3A_1311 = tpu.memref_slice %arg5[%sub3A_1225, %dma_wait3A_1301, %dma_wait3A_1309, %dma_wait3A_1310] : memref<1024x20x35x64xf32, #tpu.memory_space<hbm>> -> memref<1x1x35x64xf32, #tpu.memory_space<hbm>>
        %dma_wait3A_1312 = tpu.memref_squeeze %dma_wait3A_1311 : memref<1x1x35x64xf32, #tpu.memory_space<hbm>> -> memref<35x64xf32, #tpu.memory_space<hbm>>
        %dma_wait3A_1313 = arith.constant 175 : i32
        %dma_wait3A_1314 = arith.constant 0 : i32
        %dma_wait3A_1315 = tpu.memref_slice %arg9[%dma_wait3A_1313, %dma_wait3A_1314] : memref<704x64xf32, #tpu.memory_space<vmem>> -> memref<35x64xf32, #tpu.memory_space<vmem>>
        tpu.wait_dma2 semaphore(%arg14 : memref<!tpu.dma_semaphore, #tpu.memory_space<semaphore_mem>>) src(%dma_wait3A_1315 : memref<35x64xf32, #tpu.memory_space<vmem>>) dst(%dma_wait3A_1312 : memref<35x64xf32, #tpu.memory_space<hbm>>)
        %dma_wait3A_1316 = arith.constant 6 : i32
        %dma_wait3A_1317 = arith.constant 210 : i32
        %dma_wait3A_1318 = arith.constant 0 : i32
        %dma_wait3A_1319 = tpu.memref_slice %arg9[%dma_wait3A_1317, %dma_wait3A_1318] : memref<704x64xf32, #tpu.memory_space<vmem>> -> memref<35x64xf32, #tpu.memory_space<vmem>>
        %dma_wait3A_1320 = arith.constant 0 : i32
        %dma_wait3A_1321 = arith.constant 0 : i32
        %dma_wait3A_1322 = tpu.memref_slice %arg5[%sub3A_1225, %dma_wait3A_1316, %dma_wait3A_1320, %dma_wait3A_1321] : memref<1024x20x35x64xf32, #tpu.memory_space<hbm>> -> memref<1x1x35x64xf32, #tpu.memory_space<hbm>>
        %dma_wait3A_1323 = tpu.memref_squeeze %dma_wait3A_1322 : memref<1x1x35x64xf32, #tpu.memory_space<hbm>> -> memref<35x64xf32, #tpu.memory_space<hbm>>
        %dma_wait3A_1324 = arith.constant 0 : i32
        %dma_wait3A_1325 = arith.constant 0 : i32
        %dma_wait3A_1326 = tpu.memref_slice %arg5[%sub3A_1225, %dma_wait3A_1316, %dma_wait3A_1324, %dma_wait3A_1325] : memref<1024x20x35x64xf32, #tpu.memory_space<hbm>> -> memref<1x1x35x64xf32, #tpu.memory_space<hbm>>
        %dma_wait3A_1327 = tpu.memref_squeeze %dma_wait3A_1326 : memref<1x1x35x64xf32, #tpu.memory_space<hbm>> -> memref<35x64xf32, #tpu.memory_space<hbm>>
        %dma_wait3A_1328 = arith.constant 210 : i32
        %dma_wait3A_1329 = arith.constant 0 : i32
        %dma_wait3A_1330 = tpu.memref_slice %arg9[%dma_wait3A_1328, %dma_wait3A_1329] : memref<704x64xf32, #tpu.memory_space<vmem>> -> memref<35x64xf32, #tpu.memory_space<vmem>>
        tpu.wait_dma2 semaphore(%arg14 : memref<!tpu.dma_semaphore, #tpu.memory_space<semaphore_mem>>) src(%dma_wait3A_1330 : memref<35x64xf32, #tpu.memory_space<vmem>>) dst(%dma_wait3A_1327 : memref<35x64xf32, #tpu.memory_space<hbm>>)
        %dma_wait3A_1331 = arith.constant 7 : i32
        %dma_wait3A_1332 = arith.constant 245 : i32
        %dma_wait3A_1333 = arith.constant 0 : i32
        %dma_wait3A_1334 = tpu.memref_slice %arg9[%dma_wait3A_1332, %dma_wait3A_1333] : memref<704x64xf32, #tpu.memory_space<vmem>> -> memref<35x64xf32, #tpu.memory_space<vmem>>
        %dma_wait3A_1335 = arith.constant 0 : i32
        %dma_wait3A_1336 = arith.constant 0 : i32
        %dma_wait3A_1337 = tpu.memref_slice %arg5[%sub3A_1225, %dma_wait3A_1331, %dma_wait3A_1335, %dma_wait3A_1336] : memref<1024x20x35x64xf32, #tpu.memory_space<hbm>> -> memref<1x1x35x64xf32, #tpu.memory_space<hbm>>
        %dma_wait3A_1338 = tpu.memref_squeeze %dma_wait3A_1337 : memref<1x1x35x64xf32, #tpu.memory_space<hbm>> -> memref<35x64xf32, #tpu.memory_space<hbm>>
        %dma_wait3A_1339 = arith.constant 0 : i32
        %dma_wait3A_1340 = arith.constant 0 : i32
        %dma_wait3A_1341 = tpu.memref_slice %arg5[%sub3A_1225, %dma_wait3A_1331, %dma_wait3A_1339, %dma_wait3A_1340] : memref<1024x20x35x64xf32, #tpu.memory_space<hbm>> -> memref<1x1x35x64xf32, #tpu.memory_space<hbm>>
        %dma_wait3A_1342 = tpu.memref_squeeze %dma_wait3A_1341 : memref<1x1x35x64xf32, #tpu.memory_space<hbm>> -> memref<35x64xf32, #tpu.memory_space<hbm>>
        %dma_wait3A_1343 = arith.constant 245 : i32
        %dma_wait3A_1344 = arith.constant 0 : i32
        %dma_wait3A_1345 = tpu.memref_slice %arg9[%dma_wait3A_1343, %dma_wait3A_1344] : memref<704x64xf32, #tpu.memory_space<vmem>> -> memref<35x64xf32, #tpu.memory_space<vmem>>
        tpu.wait_dma2 semaphore(%arg14 : memref<!tpu.dma_semaphore, #tpu.memory_space<semaphore_mem>>) src(%dma_wait3A_1345 : memref<35x64xf32, #tpu.memory_space<vmem>>) dst(%dma_wait3A_1342 : memref<35x64xf32, #tpu.memory_space<hbm>>)
        %dma_wait3A_1346 = arith.constant 8 : i32
        %dma_wait3A_1347 = arith.constant 280 : i32
        %dma_wait3A_1348 = arith.constant 0 : i32
        %dma_wait3A_1349 = tpu.memref_slice %arg9[%dma_wait3A_1347, %dma_wait3A_1348] : memref<704x64xf32, #tpu.memory_space<vmem>> -> memref<35x64xf32, #tpu.memory_space<vmem>>
        %dma_wait3A_1350 = arith.constant 0 : i32
        %dma_wait3A_1351 = arith.constant 0 : i32
        %dma_wait3A_1352 = tpu.memref_slice %arg5[%sub3A_1225, %dma_wait3A_1346, %dma_wait3A_1350, %dma_wait3A_1351] : memref<1024x20x35x64xf32, #tpu.memory_space<hbm>> -> memref<1x1x35x64xf32, #tpu.memory_space<hbm>>
        %dma_wait3A_1353 = tpu.memref_squeeze %dma_wait3A_1352 : memref<1x1x35x64xf32, #tpu.memory_space<hbm>> -> memref<35x64xf32, #tpu.memory_space<hbm>>
        %dma_wait3A_1354 = arith.constant 0 : i32
        %dma_wait3A_1355 = arith.constant 0 : i32
        %dma_wait3A_1356 = tpu.memref_slice %arg5[%sub3A_1225, %dma_wait3A_1346, %dma_wait3A_1354, %dma_wait3A_1355] : memref<1024x20x35x64xf32, #tpu.memory_space<hbm>> -> memref<1x1x35x64xf32, #tpu.memory_space<hbm>>
        %dma_wait3A_1357 = tpu.memref_squeeze %dma_wait3A_1356 : memref<1x1x35x64xf32, #tpu.memory_space<hbm>> -> memref<35x64xf32, #tpu.memory_space<hbm>>
        %dma_wait3A_1358 = arith.constant 280 : i32
        %dma_wait3A_1359 = arith.constant 0 : i32
        %dma_wait3A_1360 = tpu.memref_slice %arg9[%dma_wait3A_1358, %dma_wait3A_1359] : memref<704x64xf32, #tpu.memory_space<vmem>> -> memref<35x64xf32, #tpu.memory_space<vmem>>
        tpu.wait_dma2 semaphore(%arg14 : memref<!tpu.dma_semaphore, #tpu.memory_space<semaphore_mem>>) src(%dma_wait3A_1360 : memref<35x64xf32, #tpu.memory_space<vmem>>) dst(%dma_wait3A_1357 : memref<35x64xf32, #tpu.memory_space<hbm>>)
        %dma_wait3A_1361 = arith.constant 9 : i32
        %dma_wait3A_1362 = arith.constant 315 : i32
        %dma_wait3A_1363 = arith.constant 0 : i32
        %dma_wait3A_1364 = tpu.memref_slice %arg9[%dma_wait3A_1362, %dma_wait3A_1363] : memref<704x64xf32, #tpu.memory_space<vmem>> -> memref<35x64xf32, #tpu.memory_space<vmem>>
        %dma_wait3A_1365 = arith.constant 0 : i32
        %dma_wait3A_1366 = arith.constant 0 : i32
        %dma_wait3A_1367 = tpu.memref_slice %arg5[%sub3A_1225, %dma_wait3A_1361, %dma_wait3A_1365, %dma_wait3A_1366] : memref<1024x20x35x64xf32, #tpu.memory_space<hbm>> -> memref<1x1x35x64xf32, #tpu.memory_space<hbm>>
        %dma_wait3A_1368 = tpu.memref_squeeze %dma_wait3A_1367 : memref<1x1x35x64xf32, #tpu.memory_space<hbm>> -> memref<35x64xf32, #tpu.memory_space<hbm>>
        %dma_wait3A_1369 = arith.constant 0 : i32
        %dma_wait3A_1370 = arith.constant 0 : i32
        %dma_wait3A_1371 = tpu.memref_slice %arg5[%sub3A_1225, %dma_wait3A_1361, %dma_wait3A_1369, %dma_wait3A_1370] : memref<1024x20x35x64xf32, #tpu.memory_space<hbm>> -> memref<1x1x35x64xf32, #tpu.memory_space<hbm>>
        %dma_wait3A_1372 = tpu.memref_squeeze %dma_wait3A_1371 : memref<1x1x35x64xf32, #tpu.memory_space<hbm>> -> memref<35x64xf32, #tpu.memory_space<hbm>>
        %dma_wait3A_1373 = arith.constant 315 : i32
        %dma_wait3A_1374 = arith.constant 0 : i32
        %dma_wait3A_1375 = tpu.memref_slice %arg9[%dma_wait3A_1373, %dma_wait3A_1374] : memref<704x64xf32, #tpu.memory_space<vmem>> -> memref<35x64xf32, #tpu.memory_space<vmem>>
        tpu.wait_dma2 semaphore(%arg14 : memref<!tpu.dma_semaphore, #tpu.memory_space<semaphore_mem>>) src(%dma_wait3A_1375 : memref<35x64xf32, #tpu.memory_space<vmem>>) dst(%dma_wait3A_1372 : memref<35x64xf32, #tpu.memory_space<hbm>>)
        %dma_wait3A_1376 = arith.constant 10 : i32
        %dma_wait3A_1377 = arith.constant 350 : i32
        %dma_wait3A_1378 = arith.constant 0 : i32
        %dma_wait3A_1379 = tpu.memref_slice %arg9[%dma_wait3A_1377, %dma_wait3A_1378] : memref<704x64xf32, #tpu.memory_space<vmem>> -> memref<35x64xf32, #tpu.memory_space<vmem>>
        %dma_wait3A_1380 = arith.constant 0 : i32
        %dma_wait3A_1381 = arith.constant 0 : i32
        %dma_wait3A_1382 = tpu.memref_slice %arg5[%sub3A_1225, %dma_wait3A_1376, %dma_wait3A_1380, %dma_wait3A_1381] : memref<1024x20x35x64xf32, #tpu.memory_space<hbm>> -> memref<1x1x35x64xf32, #tpu.memory_space<hbm>>
        %dma_wait3A_1383 = tpu.memref_squeeze %dma_wait3A_1382 : memref<1x1x35x64xf32, #tpu.memory_space<hbm>> -> memref<35x64xf32, #tpu.memory_space<hbm>>
        %dma_wait3A_1384 = arith.constant 0 : i32
        %dma_wait3A_1385 = arith.constant 0 : i32
        %dma_wait3A_1386 = tpu.memref_slice %arg5[%sub3A_1225, %dma_wait3A_1376, %dma_wait3A_1384, %dma_wait3A_1385] : memref<1024x20x35x64xf32, #tpu.memory_space<hbm>> -> memref<1x1x35x64xf32, #tpu.memory_space<hbm>>
        %dma_wait3A_1387 = tpu.memref_squeeze %dma_wait3A_1386 : memref<1x1x35x64xf32, #tpu.memory_space<hbm>> -> memref<35x64xf32, #tpu.memory_space<hbm>>
        %dma_wait3A_1388 = arith.constant 350 : i32
        %dma_wait3A_1389 = arith.constant 0 : i32
        %dma_wait3A_1390 = tpu.memref_slice %arg9[%dma_wait3A_1388, %dma_wait3A_1389] : memref<704x64xf32, #tpu.memory_space<vmem>> -> memref<35x64xf32, #tpu.memory_space<vmem>>
        tpu.wait_dma2 semaphore(%arg14 : memref<!tpu.dma_semaphore, #tpu.memory_space<semaphore_mem>>) src(%dma_wait3A_1390 : memref<35x64xf32, #tpu.memory_space<vmem>>) dst(%dma_wait3A_1387 : memref<35x64xf32, #tpu.memory_space<hbm>>)
        %dma_wait3A_1391 = arith.constant 11 : i32
        %dma_wait3A_1392 = arith.constant 385 : i32
        %dma_wait3A_1393 = arith.constant 0 : i32
        %dma_wait3A_1394 = tpu.memref_slice %arg9[%dma_wait3A_1392, %dma_wait3A_1393] : memref<704x64xf32, #tpu.memory_space<vmem>> -> memref<35x64xf32, #tpu.memory_space<vmem>>
        %dma_wait3A_1395 = arith.constant 0 : i32
        %dma_wait3A_1396 = arith.constant 0 : i32
        %dma_wait3A_1397 = tpu.memref_slice %arg5[%sub3A_1225, %dma_wait3A_1391, %dma_wait3A_1395, %dma_wait3A_1396] : memref<1024x20x35x64xf32, #tpu.memory_space<hbm>> -> memref<1x1x35x64xf32, #tpu.memory_space<hbm>>
        %dma_wait3A_1398 = tpu.memref_squeeze %dma_wait3A_1397 : memref<1x1x35x64xf32, #tpu.memory_space<hbm>> -> memref<35x64xf32, #tpu.memory_space<hbm>>
        %dma_wait3A_1399 = arith.constant 0 : i32
        %dma_wait3A_1400 = arith.constant 0 : i32
        %dma_wait3A_1401 = tpu.memref_slice %arg5[%sub3A_1225, %dma_wait3A_1391, %dma_wait3A_1399, %dma_wait3A_1400] : memref<1024x20x35x64xf32, #tpu.memory_space<hbm>> -> memref<1x1x35x64xf32, #tpu.memory_space<hbm>>
        %dma_wait3A_1402 = tpu.memref_squeeze %dma_wait3A_1401 : memref<1x1x35x64xf32, #tpu.memory_space<hbm>> -> memref<35x64xf32, #tpu.memory_space<hbm>>
        %dma_wait3A_1403 = arith.constant 385 : i32
        %dma_wait3A_1404 = arith.constant 0 : i32
        %dma_wait3A_1405 = tpu.memref_slice %arg9[%dma_wait3A_1403, %dma_wait3A_1404] : memref<704x64xf32, #tpu.memory_space<vmem>> -> memref<35x64xf32, #tpu.memory_space<vmem>>
        tpu.wait_dma2 semaphore(%arg14 : memref<!tpu.dma_semaphore, #tpu.memory_space<semaphore_mem>>) src(%dma_wait3A_1405 : memref<35x64xf32, #tpu.memory_space<vmem>>) dst(%dma_wait3A_1402 : memref<35x64xf32, #tpu.memory_space<hbm>>)
        %dma_wait3A_1406 = arith.constant 12 : i32
        %dma_wait3A_1407 = arith.constant 420 : i32
        %dma_wait3A_1408 = arith.constant 0 : i32
        %dma_wait3A_1409 = tpu.memref_slice %arg9[%dma_wait3A_1407, %dma_wait3A_1408] : memref<704x64xf32, #tpu.memory_space<vmem>> -> memref<35x64xf32, #tpu.memory_space<vmem>>
        %dma_wait3A_1410 = arith.constant 0 : i32
        %dma_wait3A_1411 = arith.constant 0 : i32
        %dma_wait3A_1412 = tpu.memref_slice %arg5[%sub3A_1225, %dma_wait3A_1406, %dma_wait3A_1410, %dma_wait3A_1411] : memref<1024x20x35x64xf32, #tpu.memory_space<hbm>> -> memref<1x1x35x64xf32, #tpu.memory_space<hbm>>
        %dma_wait3A_1413 = tpu.memref_squeeze %dma_wait3A_1412 : memref<1x1x35x64xf32, #tpu.memory_space<hbm>> -> memref<35x64xf32, #tpu.memory_space<hbm>>
        %dma_wait3A_1414 = arith.constant 0 : i32
        %dma_wait3A_1415 = arith.constant 0 : i32
        %dma_wait3A_1416 = tpu.memref_slice %arg5[%sub3A_1225, %dma_wait3A_1406, %dma_wait3A_1414, %dma_wait3A_1415] : memref<1024x20x35x64xf32, #tpu.memory_space<hbm>> -> memref<1x1x35x64xf32, #tpu.memory_space<hbm>>
        %dma_wait3A_1417 = tpu.memref_squeeze %dma_wait3A_1416 : memref<1x1x35x64xf32, #tpu.memory_space<hbm>> -> memref<35x64xf32, #tpu.memory_space<hbm>>
        %dma_wait3A_1418 = arith.constant 420 : i32
        %dma_wait3A_1419 = arith.constant 0 : i32
        %dma_wait3A_1420 = tpu.memref_slice %arg9[%dma_wait3A_1418, %dma_wait3A_1419] : memref<704x64xf32, #tpu.memory_space<vmem>> -> memref<35x64xf32, #tpu.memory_space<vmem>>
        tpu.wait_dma2 semaphore(%arg14 : memref<!tpu.dma_semaphore, #tpu.memory_space<semaphore_mem>>) src(%dma_wait3A_1420 : memref<35x64xf32, #tpu.memory_space<vmem>>) dst(%dma_wait3A_1417 : memref<35x64xf32, #tpu.memory_space<hbm>>)
        %dma_wait3A_1421 = arith.constant 13 : i32
        %dma_wait3A_1422 = arith.constant 455 : i32
        %dma_wait3A_1423 = arith.constant 0 : i32
        %dma_wait3A_1424 = tpu.memref_slice %arg9[%dma_wait3A_1422, %dma_wait3A_1423] : memref<704x64xf32, #tpu.memory_space<vmem>> -> memref<35x64xf32, #tpu.memory_space<vmem>>
        %dma_wait3A_1425 = arith.constant 0 : i32
        %dma_wait3A_1426 = arith.constant 0 : i32
        %dma_wait3A_1427 = tpu.memref_slice %arg5[%sub3A_1225, %dma_wait3A_1421, %dma_wait3A_1425, %dma_wait3A_1426] : memref<1024x20x35x64xf32, #tpu.memory_space<hbm>> -> memref<1x1x35x64xf32, #tpu.memory_space<hbm>>
        %dma_wait3A_1428 = tpu.memref_squeeze %dma_wait3A_1427 : memref<1x1x35x64xf32, #tpu.memory_space<hbm>> -> memref<35x64xf32, #tpu.memory_space<hbm>>
        %dma_wait3A_1429 = arith.constant 0 : i32
        %dma_wait3A_1430 = arith.constant 0 : i32
        %dma_wait3A_1431 = tpu.memref_slice %arg5[%sub3A_1225, %dma_wait3A_1421, %dma_wait3A_1429, %dma_wait3A_1430] : memref<1024x20x35x64xf32, #tpu.memory_space<hbm>> -> memref<1x1x35x64xf32, #tpu.memory_space<hbm>>
        %dma_wait3A_1432 = tpu.memref_squeeze %dma_wait3A_1431 : memref<1x1x35x64xf32, #tpu.memory_space<hbm>> -> memref<35x64xf32, #tpu.memory_space<hbm>>
        %dma_wait3A_1433 = arith.constant 455 : i32
        %dma_wait3A_1434 = arith.constant 0 : i32
        %dma_wait3A_1435 = tpu.memref_slice %arg9[%dma_wait3A_1433, %dma_wait3A_1434] : memref<704x64xf32, #tpu.memory_space<vmem>> -> memref<35x64xf32, #tpu.memory_space<vmem>>
        tpu.wait_dma2 semaphore(%arg14 : memref<!tpu.dma_semaphore, #tpu.memory_space<semaphore_mem>>) src(%dma_wait3A_1435 : memref<35x64xf32, #tpu.memory_space<vmem>>) dst(%dma_wait3A_1432 : memref<35x64xf32, #tpu.memory_space<hbm>>)
        %dma_wait3A_1436 = arith.constant 14 : i32
        %dma_wait3A_1437 = arith.constant 490 : i32
        %dma_wait3A_1438 = arith.constant 0 : i32
        %dma_wait3A_1439 = tpu.memref_slice %arg9[%dma_wait3A_1437, %dma_wait3A_1438] : memref<704x64xf32, #tpu.memory_space<vmem>> -> memref<35x64xf32, #tpu.memory_space<vmem>>
        %dma_wait3A_1440 = arith.constant 0 : i32
        %dma_wait3A_1441 = arith.constant 0 : i32
        %dma_wait3A_1442 = tpu.memref_slice %arg5[%sub3A_1225, %dma_wait3A_1436, %dma_wait3A_1440, %dma_wait3A_1441] : memref<1024x20x35x64xf32, #tpu.memory_space<hbm>> -> memref<1x1x35x64xf32, #tpu.memory_space<hbm>>
        %dma_wait3A_1443 = tpu.memref_squeeze %dma_wait3A_1442 : memref<1x1x35x64xf32, #tpu.memory_space<hbm>> -> memref<35x64xf32, #tpu.memory_space<hbm>>
        %dma_wait3A_1444 = arith.constant 0 : i32
        %dma_wait3A_1445 = arith.constant 0 : i32
        %dma_wait3A_1446 = tpu.memref_slice %arg5[%sub3A_1225, %dma_wait3A_1436, %dma_wait3A_1444, %dma_wait3A_1445] : memref<1024x20x35x64xf32, #tpu.memory_space<hbm>> -> memref<1x1x35x64xf32, #tpu.memory_space<hbm>>
        %dma_wait3A_1447 = tpu.memref_squeeze %dma_wait3A_1446 : memref<1x1x35x64xf32, #tpu.memory_space<hbm>> -> memref<35x64xf32, #tpu.memory_space<hbm>>
        %dma_wait3A_1448 = arith.constant 490 : i32
        %dma_wait3A_1449 = arith.constant 0 : i32
        %dma_wait3A_1450 = tpu.memref_slice %arg9[%dma_wait3A_1448, %dma_wait3A_1449] : memref<704x64xf32, #tpu.memory_space<vmem>> -> memref<35x64xf32, #tpu.memory_space<vmem>>
        tpu.wait_dma2 semaphore(%arg14 : memref<!tpu.dma_semaphore, #tpu.memory_space<semaphore_mem>>) src(%dma_wait3A_1450 : memref<35x64xf32, #tpu.memory_space<vmem>>) dst(%dma_wait3A_1447 : memref<35x64xf32, #tpu.memory_space<hbm>>)
        %dma_wait3A_1451 = arith.constant 15 : i32
        %dma_wait3A_1452 = arith.constant 525 : i32
        %dma_wait3A_1453 = arith.constant 0 : i32
        %dma_wait3A_1454 = tpu.memref_slice %arg9[%dma_wait3A_1452, %dma_wait3A_1453] : memref<704x64xf32, #tpu.memory_space<vmem>> -> memref<35x64xf32, #tpu.memory_space<vmem>>
        %dma_wait3A_1455 = arith.constant 0 : i32
        %dma_wait3A_1456 = arith.constant 0 : i32
        %dma_wait3A_1457 = tpu.memref_slice %arg5[%sub3A_1225, %dma_wait3A_1451, %dma_wait3A_1455, %dma_wait3A_1456] : memref<1024x20x35x64xf32, #tpu.memory_space<hbm>> -> memref<1x1x35x64xf32, #tpu.memory_space<hbm>>
        %dma_wait3A_1458 = tpu.memref_squeeze %dma_wait3A_1457 : memref<1x1x35x64xf32, #tpu.memory_space<hbm>> -> memref<35x64xf32, #tpu.memory_space<hbm>>
        %dma_wait3A_1459 = arith.constant 0 : i32
        %dma_wait3A_1460 = arith.constant 0 : i32
        %dma_wait3A_1461 = tpu.memref_slice %arg5[%sub3A_1225, %dma_wait3A_1451, %dma_wait3A_1459, %dma_wait3A_1460] : memref<1024x20x35x64xf32, #tpu.memory_space<hbm>> -> memref<1x1x35x64xf32, #tpu.memory_space<hbm>>
        %dma_wait3A_1462 = tpu.memref_squeeze %dma_wait3A_1461 : memref<1x1x35x64xf32, #tpu.memory_space<hbm>> -> memref<35x64xf32, #tpu.memory_space<hbm>>
        %dma_wait3A_1463 = arith.constant 525 : i32
        %dma_wait3A_1464 = arith.constant 0 : i32
        %dma_wait3A_1465 = tpu.memref_slice %arg9[%dma_wait3A_1463, %dma_wait3A_1464] : memref<704x64xf32, #tpu.memory_space<vmem>> -> memref<35x64xf32, #tpu.memory_space<vmem>>
        tpu.wait_dma2 semaphore(%arg14 : memref<!tpu.dma_semaphore, #tpu.memory_space<semaphore_mem>>) src(%dma_wait3A_1465 : memref<35x64xf32, #tpu.memory_space<vmem>>) dst(%dma_wait3A_1462 : memref<35x64xf32, #tpu.memory_space<hbm>>)
        %dma_wait3A_1466 = arith.constant 16 : i32
        %dma_wait3A_1467 = arith.constant 560 : i32
        %dma_wait3A_1468 = arith.constant 0 : i32
        %dma_wait3A_1469 = tpu.memref_slice %arg9[%dma_wait3A_1467, %dma_wait3A_1468] : memref<704x64xf32, #tpu.memory_space<vmem>> -> memref<35x64xf32, #tpu.memory_space<vmem>>
        %dma_wait3A_1470 = arith.constant 0 : i32
        %dma_wait3A_1471 = arith.constant 0 : i32
        %dma_wait3A_1472 = tpu.memref_slice %arg5[%sub3A_1225, %dma_wait3A_1466, %dma_wait3A_1470, %dma_wait3A_1471] : memref<1024x20x35x64xf32, #tpu.memory_space<hbm>> -> memref<1x1x35x64xf32, #tpu.memory_space<hbm>>
        %dma_wait3A_1473 = tpu.memref_squeeze %dma_wait3A_1472 : memref<1x1x35x64xf32, #tpu.memory_space<hbm>> -> memref<35x64xf32, #tpu.memory_space<hbm>>
        %dma_wait3A_1474 = arith.constant 0 : i32
        %dma_wait3A_1475 = arith.constant 0 : i32
        %dma_wait3A_1476 = tpu.memref_slice %arg5[%sub3A_1225, %dma_wait3A_1466, %dma_wait3A_1474, %dma_wait3A_1475] : memref<1024x20x35x64xf32, #tpu.memory_space<hbm>> -> memref<1x1x35x64xf32, #tpu.memory_space<hbm>>
        %dma_wait3A_1477 = tpu.memref_squeeze %dma_wait3A_1476 : memref<1x1x35x64xf32, #tpu.memory_space<hbm>> -> memref<35x64xf32, #tpu.memory_space<hbm>>
        %dma_wait3A_1478 = arith.constant 560 : i32
        %dma_wait3A_1479 = arith.constant 0 : i32
        %dma_wait3A_1480 = tpu.memref_slice %arg9[%dma_wait3A_1478, %dma_wait3A_1479] : memref<704x64xf32, #tpu.memory_space<vmem>> -> memref<35x64xf32, #tpu.memory_space<vmem>>
        tpu.wait_dma2 semaphore(%arg14 : memref<!tpu.dma_semaphore, #tpu.memory_space<semaphore_mem>>) src(%dma_wait3A_1480 : memref<35x64xf32, #tpu.memory_space<vmem>>) dst(%dma_wait3A_1477 : memref<35x64xf32, #tpu.memory_space<hbm>>)
        %dma_wait3A_1481 = arith.constant 17 : i32
        %dma_wait3A_1482 = arith.constant 595 : i32
        %dma_wait3A_1483 = arith.constant 0 : i32
        %dma_wait3A_1484 = tpu.memref_slice %arg9[%dma_wait3A_1482, %dma_wait3A_1483] : memref<704x64xf32, #tpu.memory_space<vmem>> -> memref<35x64xf32, #tpu.memory_space<vmem>>
        %dma_wait3A_1485 = arith.constant 0 : i32
        %dma_wait3A_1486 = arith.constant 0 : i32
        %dma_wait3A_1487 = tpu.memref_slice %arg5[%sub3A_1225, %dma_wait3A_1481, %dma_wait3A_1485, %dma_wait3A_1486] : memref<1024x20x35x64xf32, #tpu.memory_space<hbm>> -> memref<1x1x35x64xf32, #tpu.memory_space<hbm>>
        %dma_wait3A_1488 = tpu.memref_squeeze %dma_wait3A_1487 : memref<1x1x35x64xf32, #tpu.memory_space<hbm>> -> memref<35x64xf32, #tpu.memory_space<hbm>>
        %dma_wait3A_1489 = arith.constant 0 : i32
        %dma_wait3A_1490 = arith.constant 0 : i32
        %dma_wait3A_1491 = tpu.memref_slice %arg5[%sub3A_1225, %dma_wait3A_1481, %dma_wait3A_1489, %dma_wait3A_1490] : memref<1024x20x35x64xf32, #tpu.memory_space<hbm>> -> memref<1x1x35x64xf32, #tpu.memory_space<hbm>>
        %dma_wait3A_1492 = tpu.memref_squeeze %dma_wait3A_1491 : memref<1x1x35x64xf32, #tpu.memory_space<hbm>> -> memref<35x64xf32, #tpu.memory_space<hbm>>
        %dma_wait3A_1493 = arith.constant 595 : i32
        %dma_wait3A_1494 = arith.constant 0 : i32
        %dma_wait3A_1495 = tpu.memref_slice %arg9[%dma_wait3A_1493, %dma_wait3A_1494] : memref<704x64xf32, #tpu.memory_space<vmem>> -> memref<35x64xf32, #tpu.memory_space<vmem>>
        tpu.wait_dma2 semaphore(%arg14 : memref<!tpu.dma_semaphore, #tpu.memory_space<semaphore_mem>>) src(%dma_wait3A_1495 : memref<35x64xf32, #tpu.memory_space<vmem>>) dst(%dma_wait3A_1492 : memref<35x64xf32, #tpu.memory_space<hbm>>)
        %dma_wait3A_1496 = arith.constant 18 : i32
        %dma_wait3A_1497 = arith.constant 630 : i32
        %dma_wait3A_1498 = arith.constant 0 : i32
        %dma_wait3A_1499 = tpu.memref_slice %arg9[%dma_wait3A_1497, %dma_wait3A_1498] : memref<704x64xf32, #tpu.memory_space<vmem>> -> memref<35x64xf32, #tpu.memory_space<vmem>>
        %dma_wait3A_1500 = arith.constant 0 : i32
        %dma_wait3A_1501 = arith.constant 0 : i32
        %dma_wait3A_1502 = tpu.memref_slice %arg5[%sub3A_1225, %dma_wait3A_1496, %dma_wait3A_1500, %dma_wait3A_1501] : memref<1024x20x35x64xf32, #tpu.memory_space<hbm>> -> memref<1x1x35x64xf32, #tpu.memory_space<hbm>>
        %dma_wait3A_1503 = tpu.memref_squeeze %dma_wait3A_1502 : memref<1x1x35x64xf32, #tpu.memory_space<hbm>> -> memref<35x64xf32, #tpu.memory_space<hbm>>
        %dma_wait3A_1504 = arith.constant 0 : i32
        %dma_wait3A_1505 = arith.constant 0 : i32
        %dma_wait3A_1506 = tpu.memref_slice %arg5[%sub3A_1225, %dma_wait3A_1496, %dma_wait3A_1504, %dma_wait3A_1505] : memref<1024x20x35x64xf32, #tpu.memory_space<hbm>> -> memref<1x1x35x64xf32, #tpu.memory_space<hbm>>
        %dma_wait3A_1507 = tpu.memref_squeeze %dma_wait3A_1506 : memref<1x1x35x64xf32, #tpu.memory_space<hbm>> -> memref<35x64xf32, #tpu.memory_space<hbm>>
        %dma_wait3A_1508 = arith.constant 630 : i32
        %dma_wait3A_1509 = arith.constant 0 : i32
        %dma_wait3A_1510 = tpu.memref_slice %arg9[%dma_wait3A_1508, %dma_wait3A_1509] : memref<704x64xf32, #tpu.memory_space<vmem>> -> memref<35x64xf32, #tpu.memory_space<vmem>>
        tpu.wait_dma2 semaphore(%arg14 : memref<!tpu.dma_semaphore, #tpu.memory_space<semaphore_mem>>) src(%dma_wait3A_1510 : memref<35x64xf32, #tpu.memory_space<vmem>>) dst(%dma_wait3A_1507 : memref<35x64xf32, #tpu.memory_space<hbm>>)
        %dma_wait3A_1511 = arith.constant 19 : i32
        %dma_wait3A_1512 = arith.constant 665 : i32
        %dma_wait3A_1513 = arith.constant 0 : i32
        %dma_wait3A_1514 = tpu.memref_slice %arg9[%dma_wait3A_1512, %dma_wait3A_1513] : memref<704x64xf32, #tpu.memory_space<vmem>> -> memref<35x64xf32, #tpu.memory_space<vmem>>
        %dma_wait3A_1515 = arith.constant 0 : i32
        %dma_wait3A_1516 = arith.constant 0 : i32
        %dma_wait3A_1517 = tpu.memref_slice %arg5[%sub3A_1225, %dma_wait3A_1511, %dma_wait3A_1515, %dma_wait3A_1516] : memref<1024x20x35x64xf32, #tpu.memory_space<hbm>> -> memref<1x1x35x64xf32, #tpu.memory_space<hbm>>
        %dma_wait3A_1518 = tpu.memref_squeeze %dma_wait3A_1517 : memref<1x1x35x64xf32, #tpu.memory_space<hbm>> -> memref<35x64xf32, #tpu.memory_space<hbm>>
        %dma_wait3A_1519 = arith.constant 0 : i32
        %dma_wait3A_1520 = arith.constant 0 : i32
        %dma_wait3A_1521 = tpu.memref_slice %arg5[%sub3A_1225, %dma_wait3A_1511, %dma_wait3A_1519, %dma_wait3A_1520] : memref<1024x20x35x64xf32, #tpu.memory_space<hbm>> -> memref<1x1x35x64xf32, #tpu.memory_space<hbm>>
        %dma_wait3A_1522 = tpu.memref_squeeze %dma_wait3A_1521 : memref<1x1x35x64xf32, #tpu.memory_space<hbm>> -> memref<35x64xf32, #tpu.memory_space<hbm>>
        %dma_wait3A_1523 = arith.constant 665 : i32
        %dma_wait3A_1524 = arith.constant 0 : i32
        %dma_wait3A_1525 = tpu.memref_slice %arg9[%dma_wait3A_1523, %dma_wait3A_1524] : memref<704x64xf32, #tpu.memory_space<vmem>> -> memref<35x64xf32, #tpu.memory_space<vmem>>
        tpu.wait_dma2 semaphore(%arg14 : memref<!tpu.dma_semaphore, #tpu.memory_space<semaphore_mem>>) src(%dma_wait3A_1525 : memref<35x64xf32, #tpu.memory_space<vmem>>) dst(%dma_wait3A_1522 : memref<35x64xf32, #tpu.memory_space<hbm>>)
      } else {
      }
      %add3A_414 = arith.constant 1 : i32
      %add3A_415 = arith.addi %mul3A_362, %add3A_414 : i32
      %lt3A = arith.constant 32 : i32
      %lt3A_416 = arith.cmpi slt, %add3A_415, %lt3A : i32
      %convert_element_type3A_417 = arith.extui %lt3A_416 : i1 to i32
      %cond3A_418 = arith.constant 0 : i32
      %cond3A_419 = arith.cmpi ne, %convert_element_type3A_417, %cond3A_418 : i32
      scf.if %cond3A_419 {
        %add3A_1224 = arith.constant 1 : i32
        %add3A_1225 = arith.addi %add3A_363, %add3A_1224 : i32
        %mul3A_1226 = arith.constant 704 : i32
        %mul3A_1227 = arith.muli %add3A_1225, %mul3A_1226 : i32
        "tpu.region"() ({
          %run_scoped3A = tpu.sem_alloc : memref<!tpu.dma_semaphore, #tpu.memory_space<semaphore_mem>>
          %dma_start3A_1276 = tpu.memref_slice %arg2[%mul3A_1227] : memref<720896xi32, #tpu.memory_space<hbm>> -> memref<704xi32, #tpu.memory_space<hbm>>
          %dma_start3A_1277 = tpu.memref_slice %arg2[%mul3A_1227] : memref<720896xi32, #tpu.memory_space<hbm>> -> memref<704xi32, #tpu.memory_space<hbm>>
          tpu.enqueue_dma source(%dma_start3A_1277 : memref<704xi32, #tpu.memory_space<hbm>>) target(%arg7 : memref<704xi32, #tpu.memory_space<vmem>>) target_semaphore(%run_scoped3A : memref<!tpu.dma_semaphore, #tpu.memory_space<semaphore_mem>>)
          %dma_wait3A_1278 = tpu.memref_slice %arg2[%mul3A_1227] : memref<720896xi32, #tpu.memory_space<hbm>> -> memref<704xi32, #tpu.memory_space<hbm>>
          %dma_wait3A_1279 = tpu.memref_slice %arg2[%mul3A_1227] : memref<720896xi32, #tpu.memory_space<hbm>> -> memref<704xi32, #tpu.memory_space<hbm>>
          tpu.wait_dma2 semaphore(%run_scoped3A : memref<!tpu.dma_semaphore, #tpu.memory_space<semaphore_mem>>) src(%dma_wait3A_1279 : memref<704xi32, #tpu.memory_space<hbm>>) dst(%arg7 : memref<704xi32, #tpu.memory_space<vmem>>)
          tpu.yield
        }) : () -> ()
        %dma_start3A_1228 = arith.constant 0 : i32
        %dma_start3A_1229 = arith.constant 0 : i32
        %dma_start3A_1230 = tpu.memref_slice %arg9[%dma_start3A_1228, %dma_start3A_1229] : memref<704x64xf32, #tpu.memory_space<vmem>> -> memref<128x64xf32, #tpu.memory_space<vmem>>
        %dma_start3A_1231 = arith.constant 0 : i32
        %dma_start3A_1232 = tpu.memref_slice %arg7[%dma_start3A_1231] : memref<704xi32, #tpu.memory_space<vmem>> -> memref<128xi32, #tpu.memory_space<vmem>>
        %dma_start3A_1233 = arith.constant 0 : i32
        %dma_start3A_1234 = arith.constant 0 : i32
        %dma_start3A_1235 = tpu.memref_slice %arg3[%dma_start3A_1233, %dma_start3A_1234] : memref<200000x64xf32, #tpu.memory_space<hbm>> -> memref<200000x64xf32, #tpu.memory_space<hbm>>
        tpu.enqueue_indirect_dma source(%dma_start3A_1235 : memref<200000x64xf32, #tpu.memory_space<hbm>>) target(%dma_start3A_1230 : memref<128x64xf32, #tpu.memory_space<vmem>>) offsets(%dma_start3A_1232 : memref<128xi32, #tpu.memory_space<vmem>>) semaphore(%arg12 : memref<!tpu.dma_semaphore, #tpu.memory_space<semaphore_mem>>)
        %dma_start3A_1236 = arith.constant 128 : i32
        %dma_start3A_1237 = arith.constant 0 : i32
        %dma_start3A_1238 = tpu.memref_slice %arg9[%dma_start3A_1236, %dma_start3A_1237] : memref<704x64xf32, #tpu.memory_space<vmem>> -> memref<128x64xf32, #tpu.memory_space<vmem>>
        %dma_start3A_1239 = arith.constant 128 : i32
        %dma_start3A_1240 = tpu.memref_slice %arg7[%dma_start3A_1239] : memref<704xi32, #tpu.memory_space<vmem>> -> memref<128xi32, #tpu.memory_space<vmem>>
        %dma_start3A_1241 = arith.constant 0 : i32
        %dma_start3A_1242 = arith.constant 0 : i32
        %dma_start3A_1243 = tpu.memref_slice %arg3[%dma_start3A_1241, %dma_start3A_1242] : memref<200000x64xf32, #tpu.memory_space<hbm>> -> memref<200000x64xf32, #tpu.memory_space<hbm>>
        tpu.enqueue_indirect_dma source(%dma_start3A_1243 : memref<200000x64xf32, #tpu.memory_space<hbm>>) target(%dma_start3A_1238 : memref<128x64xf32, #tpu.memory_space<vmem>>) offsets(%dma_start3A_1240 : memref<128xi32, #tpu.memory_space<vmem>>) semaphore(%arg12 : memref<!tpu.dma_semaphore, #tpu.memory_space<semaphore_mem>>)
        %dma_start3A_1244 = arith.constant 256 : i32
        %dma_start3A_1245 = arith.constant 0 : i32
        %dma_start3A_1246 = tpu.memref_slice %arg9[%dma_start3A_1244, %dma_start3A_1245] : memref<704x64xf32, #tpu.memory_space<vmem>> -> memref<128x64xf32, #tpu.memory_space<vmem>>
        %dma_start3A_1247 = arith.constant 256 : i32
        %dma_start3A_1248 = tpu.memref_slice %arg7[%dma_start3A_1247] : memref<704xi32, #tpu.memory_space<vmem>> -> memref<128xi32, #tpu.memory_space<vmem>>
        %dma_start3A_1249 = arith.constant 0 : i32
        %dma_start3A_1250 = arith.constant 0 : i32
        %dma_start3A_1251 = tpu.memref_slice %arg3[%dma_start3A_1249, %dma_start3A_1250] : memref<200000x64xf32, #tpu.memory_space<hbm>> -> memref<200000x64xf32, #tpu.memory_space<hbm>>
        tpu.enqueue_indirect_dma source(%dma_start3A_1251 : memref<200000x64xf32, #tpu.memory_space<hbm>>) target(%dma_start3A_1246 : memref<128x64xf32, #tpu.memory_space<vmem>>) offsets(%dma_start3A_1248 : memref<128xi32, #tpu.memory_space<vmem>>) semaphore(%arg12 : memref<!tpu.dma_semaphore, #tpu.memory_space<semaphore_mem>>)
        %dma_start3A_1252 = arith.constant 384 : i32
        %dma_start3A_1253 = arith.constant 0 : i32
        %dma_start3A_1254 = tpu.memref_slice %arg9[%dma_start3A_1252, %dma_start3A_1253] : memref<704x64xf32, #tpu.memory_space<vmem>> -> memref<128x64xf32, #tpu.memory_space<vmem>>
        %dma_start3A_1255 = arith.constant 384 : i32
        %dma_start3A_1256 = tpu.memref_slice %arg7[%dma_start3A_1255] : memref<704xi32, #tpu.memory_space<vmem>> -> memref<128xi32, #tpu.memory_space<vmem>>
        %dma_start3A_1257 = arith.constant 0 : i32
        %dma_start3A_1258 = arith.constant 0 : i32
        %dma_start3A_1259 = tpu.memref_slice %arg3[%dma_start3A_1257, %dma_start3A_1258] : memref<200000x64xf32, #tpu.memory_space<hbm>> -> memref<200000x64xf32, #tpu.memory_space<hbm>>
        tpu.enqueue_indirect_dma source(%dma_start3A_1259 : memref<200000x64xf32, #tpu.memory_space<hbm>>) target(%dma_start3A_1254 : memref<128x64xf32, #tpu.memory_space<vmem>>) offsets(%dma_start3A_1256 : memref<128xi32, #tpu.memory_space<vmem>>) semaphore(%arg12 : memref<!tpu.dma_semaphore, #tpu.memory_space<semaphore_mem>>)
        %dma_start3A_1260 = arith.constant 512 : i32
        %dma_start3A_1261 = arith.constant 0 : i32
        %dma_start3A_1262 = tpu.memref_slice %arg9[%dma_start3A_1260, %dma_start3A_1261] : memref<704x64xf32, #tpu.memory_space<vmem>> -> memref<128x64xf32, #tpu.memory_space<vmem>>
        %dma_start3A_1263 = arith.constant 512 : i32
        %dma_start3A_1264 = tpu.memref_slice %arg7[%dma_start3A_1263] : memref<704xi32, #tpu.memory_space<vmem>> -> memref<128xi32, #tpu.memory_space<vmem>>
        %dma_start3A_1265 = arith.constant 0 : i32
        %dma_start3A_1266 = arith.constant 0 : i32
        %dma_start3A_1267 = tpu.memref_slice %arg3[%dma_start3A_1265, %dma_start3A_1266] : memref<200000x64xf32, #tpu.memory_space<hbm>> -> memref<200000x64xf32, #tpu.memory_space<hbm>>
        tpu.enqueue_indirect_dma source(%dma_start3A_1267 : memref<200000x64xf32, #tpu.memory_space<hbm>>) target(%dma_start3A_1262 : memref<128x64xf32, #tpu.memory_space<vmem>>) offsets(%dma_start3A_1264 : memref<128xi32, #tpu.memory_space<vmem>>) semaphore(%arg12 : memref<!tpu.dma_semaphore, #tpu.memory_space<semaphore_mem>>)
        %dma_start3A_1268 = arith.constant 640 : i32
        %dma_start3A_1269 = arith.constant 0 : i32
        %dma_start3A_1270 = tpu.memref_slice %arg9[%dma_start3A_1268, %dma_start3A_1269] : memref<704x64xf32, #tpu.memory_space<vmem>> -> memref<64x64xf32, #tpu.memory_space<vmem>>
        %dma_start3A_1271 = arith.constant 640 : i32
        %dma_start3A_1272 = tpu.memref_slice %arg7[%dma_start3A_1271] : memref<704xi32, #tpu.memory_space<vmem>> -> memref<64xi32, #tpu.memory_space<vmem>>
        %dma_start3A_1273 = arith.constant 0 : i32
        %dma_start3A_1274 = arith.constant 0 : i32
        %dma_start3A_1275 = tpu.memref_slice %arg3[%dma_start3A_1273, %dma_start3A_1274] : memref<200000x64xf32, #tpu.memory_space<hbm>> -> memref<200000x64xf32, #tpu.memory_space<hbm>>
        tpu.enqueue_indirect_dma source(%dma_start3A_1275 : memref<200000x64xf32, #tpu.memory_space<hbm>>) target(%dma_start3A_1270 : memref<64x64xf32, #tpu.memory_space<vmem>>) offsets(%dma_start3A_1272 : memref<64xi32, #tpu.memory_space<vmem>>) semaphore(%arg12 : memref<!tpu.dma_semaphore, #tpu.memory_space<semaphore_mem>>)
      } else {
      }
      %scan3A_420 = arith.constant 0 : i32
      %scan3A_421 = arith.constant 20 : i32
      %scan3A_422 = arith.addi %scan3A_420, %scan3A_421 : i32
      %scan3A_423 = arith.constant 1 : i32
      %scan3A_424:8 = scf.for %scan3A_1224 = %scan3A_420 to %scan3A_422 step %scan3A_423 iter_args(%scan3A_1225 = %broadcast_in_dim3A_3, %scan3A_1226 = %broadcast_in_dim3A_3, %scan3A_1227 = %broadcast_in_dim3A_3, %scan3A_1228 = %broadcast_in_dim3A_3, %scan3A_1229 = %broadcast_in_dim3A_3, %scan3A_1230 = %broadcast_in_dim3A_3, %scan3A_1231 = %broadcast_in_dim3A_3, %scan3A_1232 = %broadcast_in_dim3A_3) -> (vector<16xf32>, vector<16xf32>, vector<16xf32>, vector<16xf32>, vector<16xf32>, vector<16xf32>, vector<16xf32>, vector<16xf32>)  : i32 {
        %get3A = arith.index_cast %scan3A_1224 : i32 to index
        %get3A_1233 = arith.constant 0 : index
        %get3A_1234 = tpu.vector_load %arg10[%get3A, %get3A_1233] {strides = array<i32>} : memref<24x64xf32, #tpu.memory_space<vmem>>, vector<16xf32>,
        %get3A_1235 = arith.index_cast %scan3A_1224 : i32 to index
        %get3A_1236 = arith.constant 16 : index
        %get3A_1237 = tpu.vector_load %arg10[%get3A_1235, %get3A_1236] {strides = array<i32>} : memref<24x64xf32, #tpu.memory_space<vmem>>, vector<16xf32>,
        %get3A_1238 = arith.index_cast %scan3A_1224 : i32 to index
        %get3A_1239 = arith.constant 32 : index
        %get3A_1240 = tpu.vector_load %arg10[%get3A_1238, %get3A_1239] {strides = array<i32>} : memref<24x64xf32, #tpu.memory_space<vmem>>, vector<16xf32>,
        %get3A_1241 = arith.index_cast %scan3A_1224 : i32 to index
        %get3A_1242 = arith.constant 48 : index
        %get3A_1243 = tpu.vector_load %arg10[%get3A_1241, %get3A_1242] {strides = array<i32>} : memref<24x64xf32, #tpu.memory_space<vmem>>, vector<16xf32>,
        %scan3A_1244 = arith.constant 0 : i32
        %scan3A_1245 = arith.constant 35 : i32
        %scan3A_1246 = arith.addi %scan3A_1244, %scan3A_1245 : i32
        %scan3A_1247 = arith.constant 1 : i32
        %scan3A_1248:8 = scf.for %scan3A_1250 = %scan3A_1244 to %scan3A_1246 step %scan3A_1247 iter_args(%scan3A_1251 = %scan3A_1225, %scan3A_1252 = %scan3A_1226, %scan3A_1253 = %scan3A_1227, %scan3A_1254 = %scan3A_1228, %scan3A_1255 = %scan3A_1229, %scan3A_1256 = %scan3A_1230, %scan3A_1257 = %scan3A_1231, %scan3A_1258 = %scan3A_1232) -> (vector<16xf32>, vector<16xf32>, vector<16xf32>, vector<16xf32>, vector<16xf32>, vector<16xf32>, vector<16xf32>, vector<16xf32>)  : i32 {
          %mul3A_1259 = arith.constant 35 : i32
          %mul3A_1260 = arith.muli %scan3A_1224, %mul3A_1259 : i32
          %add3A_1261 = arith.addi %mul3A_1260, %scan3A_1250 : i32
          %get3A_1262 = arith.index_cast %add3A_1261 : i32 to index
          %get3A_1263 = arith.constant 0 : index
          %get3A_1264 = tpu.vector_load %arg8[%get3A_1262, %get3A_1263] {strides = array<i32>} : memref<704x64xf32, #tpu.memory_space<vmem>>, vector<16xf32>,
          %add3A_1265 = arith.addf %get3A_1264, %get3A_1234 : vector<16xf32>
          %swap3A = arith.index_cast %add3A_1261 : i32 to index
          %swap3A_1266 = arith.constant 0 : index
          %swap3A_1267 = tpu.vector_load %arg8[%swap3A, %swap3A_1266] {strides = array<i32>} : memref<704x64xf32, #tpu.memory_space<vmem>>, vector<16xf32>,
          tpu.vector_store %arg8[%swap3A, %swap3A_1266], %add3A_1265 {strides = array<i32>} : memref<704x64xf32, #tpu.memory_space<vmem>>, vector<16xf32>,
          %add3A_1268 = arith.addf %scan3A_1251, %add3A_1265 : vector<16xf32>
          %mul3A_1269 = arith.mulf %add3A_1265, %add3A_1265 : vector<16xf32>
          %add3A_1270 = arith.addf %scan3A_1255, %mul3A_1269 : vector<16xf32>
          %get3A_1271 = arith.index_cast %add3A_1261 : i32 to index
          %get3A_1272 = arith.constant 16 : index
          %get3A_1273 = tpu.vector_load %arg8[%get3A_1271, %get3A_1272] {strides = array<i32>} : memref<704x64xf32, #tpu.memory_space<vmem>>, vector<16xf32>,
          %add3A_1274 = arith.addf %get3A_1273, %get3A_1237 : vector<16xf32>
          %swap3A_1275 = arith.index_cast %add3A_1261 : i32 to index
          %swap3A_1276 = arith.constant 16 : index
          %swap3A_1277 = tpu.vector_load %arg8[%swap3A_1275, %swap3A_1276] {strides = array<i32>} : memref<704x64xf32, #tpu.memory_space<vmem>>, vector<16xf32>,
          tpu.vector_store %arg8[%swap3A_1275, %swap3A_1276], %add3A_1274 {strides = array<i32>} : memref<704x64xf32, #tpu.memory_space<vmem>>, vector<16xf32>,
          %add3A_1278 = arith.addf %scan3A_1252, %add3A_1274 : vector<16xf32>
          %mul3A_1279 = arith.mulf %add3A_1274, %add3A_1274 : vector<16xf32>
          %add3A_1280 = arith.addf %scan3A_1256, %mul3A_1279 : vector<16xf32>
          %get3A_1281 = arith.index_cast %add3A_1261 : i32 to index
          %get3A_1282 = arith.constant 32 : index
          %get3A_1283 = tpu.vector_load %arg8[%get3A_1281, %get3A_1282] {strides = array<i32>} : memref<704x64xf32, #tpu.memory_space<vmem>>, vector<16xf32>,
          %add3A_1284 = arith.addf %get3A_1283, %get3A_1240 : vector<16xf32>
          %swap3A_1285 = arith.index_cast %add3A_1261 : i32 to index
          %swap3A_1286 = arith.constant 32 : index
          %swap3A_1287 = tpu.vector_load %arg8[%swap3A_1285, %swap3A_1286] {strides = array<i32>} : memref<704x64xf32, #tpu.memory_space<vmem>>, vector<16xf32>,
          tpu.vector_store %arg8[%swap3A_1285, %swap3A_1286], %add3A_1284 {strides = array<i32>} : memref<704x64xf32, #tpu.memory_space<vmem>>, vector<16xf32>,
          %add3A_1288 = arith.addf %scan3A_1253, %add3A_1284 : vector<16xf32>
          %mul3A_1289 = arith.mulf %add3A_1284, %add3A_1284 : vector<16xf32>
          %add3A_1290 = arith.addf %scan3A_1257, %mul3A_1289 : vector<16xf32>
          %get3A_1291 = arith.index_cast %add3A_1261 : i32 to index
          %get3A_1292 = arith.constant 48 : index
          %get3A_1293 = tpu.vector_load %arg8[%get3A_1291, %get3A_1292] {strides = array<i32>} : memref<704x64xf32, #tpu.memory_space<vmem>>, vector<16xf32>,
          %add3A_1294 = arith.addf %get3A_1293, %get3A_1243 : vector<16xf32>
          %swap3A_1295 = arith.index_cast %add3A_1261 : i32 to index
          %swap3A_1296 = arith.constant 48 : index
          %swap3A_1297 = tpu.vector_load %arg8[%swap3A_1295, %swap3A_1296] {strides = array<i32>} : memref<704x64xf32, #tpu.memory_space<vmem>>, vector<16xf32>,
          tpu.vector_store %arg8[%swap3A_1295, %swap3A_1296], %add3A_1294 {strides = array<i32>} : memref<704x64xf32, #tpu.memory_space<vmem>>, vector<16xf32>,
          %add3A_1298 = arith.addf %scan3A_1254, %add3A_1294 : vector<16xf32>
          %mul3A_1299 = arith.mulf %add3A_1294, %add3A_1294 : vector<16xf32>
          %add3A_1300 = arith.addf %scan3A_1258, %mul3A_1299 : vector<16xf32>
          scf.yield %add3A_1268, %add3A_1278, %add3A_1288, %add3A_1298, %add3A_1270, %add3A_1280, %add3A_1290, %add3A_1300 : vector<16xf32>, vector<16xf32>, vector<16xf32>, vector<16xf32>, vector<16xf32>, vector<16xf32>, vector<16xf32>, vector<16xf32>
        }
        %scan3A_1249 = arith.constant 35 : i32
        scf.yield %scan3A_1248#0, %scan3A_1248#1, %scan3A_1248#2, %scan3A_1248#3, %scan3A_1248#4, %scan3A_1248#5, %scan3A_1248#6, %scan3A_1248#7 : vector<16xf32>, vector<16xf32>, vector<16xf32>, vector<16xf32>, vector<16xf32>, vector<16xf32>, vector<16xf32>, vector<16xf32>
      }
      %scan3A_425 = arith.constant 20 : i32
      %add3A_426 = arith.addf %scan3A_424#0, %scan3A_424#1 : vector<16xf32>
      %add3A_427 = arith.addf %add3A_426, %scan3A_424#2 : vector<16xf32>
      %add3A_428 = arith.addf %add3A_427, %scan3A_424#3 : vector<16xf32>
      %add3A_429 = arith.addf %scan3A_424#4, %scan3A_424#5 : vector<16xf32>
      %add3A_430 = arith.addf %add3A_429, %scan3A_424#6 : vector<16xf32>
      %add3A_431 = arith.addf %add3A_430, %scan3A_424#7 : vector<16xf32>
      %reduce_sum3A = arith.constant true
      %reduce_sum3A_432 = vector.broadcast %reduce_sum3A : i1 to vector<16xi1>
      %reduce_sum3A_433 = tpu.scan <sum>, %add3A_428 masked %reduce_sum3A_432 : vector<16xf32>, vector<16xi1> -> vector<16xf32>
      %reduce_sum3A_434 = vector.extract %reduce_sum3A_433[15] : f32 from vector<16xf32>
      %mul3A_435 = arith.constant 2.23214283E-5 : f32
      %mul3A_436 = arith.mulf %reduce_sum3A_434, %mul3A_435 : f32
      %reduce_sum3A_437 = arith.constant true
      %reduce_sum3A_438 = vector.broadcast %reduce_sum3A_437 : i1 to vector<16xi1>
      %reduce_sum3A_439 = tpu.scan <sum>, %add3A_431 masked %reduce_sum3A_438 : vector<16xf32>, vector<16xi1> -> vector<16xf32>
      %reduce_sum3A_440 = vector.extract %reduce_sum3A_439[15] : f32 from vector<16xf32>
      %mul3A_441 = arith.constant 2.23214283E-5 : f32
      %mul3A_442 = arith.mulf %reduce_sum3A_440, %mul3A_441 : f32
      %mul3A_443 = arith.mulf %mul3A_436, %mul3A_436 : f32
      %sub3A_444 = arith.subf %mul3A_442, %mul3A_443 : f32
      %add3A_445 = arith.constant 9.99999974E-6 : f32
      %add3A_446 = arith.addf %sub3A_444, %add3A_445 : f32
      %bitcast_convert_type3A = arith.bitcast %add3A_446 : f32 to i32
      %shift_right_arithmetic3A = arith.constant 1 : i32
      %shift_right_arithmetic3A_447 = arith.shrsi %bitcast_convert_type3A, %shift_right_arithmetic3A : i32
      %sub3A_448 = arith.constant 1597463007 : i32
      %sub3A_449 = arith.subi %sub3A_448, %shift_right_arithmetic3A_447 : i32
      %bitcast_convert_type3A_450 = arith.bitcast %sub3A_449 : i32 to f32
      %mul3A_451 = arith.constant 5.000000e-01 : f32
      %mul3A_452 = arith.mulf %mul3A_451, %add3A_446 : f32
      %mul3A_453 = arith.mulf %mul3A_452, %bitcast_convert_type3A_450 : f32
      %mul3A_454 = arith.mulf %mul3A_453, %bitcast_convert_type3A_450 : f32
      %sub3A_455 = arith.constant 1.500000e+00 : f32
      %sub3A_456 = arith.subf %sub3A_455, %mul3A_454 : f32
      %mul3A_457 = arith.mulf %bitcast_convert_type3A_450, %sub3A_456 : f32
      %mul3A_458 = arith.constant 5.000000e-01 : f32
      %mul3A_459 = arith.mulf %mul3A_458, %add3A_446 : f32
      %mul3A_460 = arith.mulf %mul3A_459, %mul3A_457 : f32
      %mul3A_461 = arith.mulf %mul3A_460, %mul3A_457 : f32
      %sub3A_462 = arith.constant 1.500000e+00 : f32
      %sub3A_463 = arith.subf %sub3A_462, %mul3A_461 : f32
      %mul3A_464 = arith.mulf %mul3A_457, %sub3A_463 : f32
      %mul3A_465 = arith.constant 5.000000e-01 : f32
      %mul3A_466 = arith.mulf %mul3A_465, %add3A_446 : f32
      %mul3A_467 = arith.mulf %mul3A_466, %mul3A_464 : f32
      %mul3A_468 = arith.mulf %mul3A_467, %mul3A_464 : f32
      %sub3A_469 = arith.constant 1.500000e+00 : f32
      %sub3A_470 = arith.subf %sub3A_469, %mul3A_468 : f32
      %mul3A_471 = arith.mulf %mul3A_464, %sub3A_470 : f32
      %mul3A_472 = arith.constant 5.000000e-01 : f32
      %mul3A_473 = arith.mulf %mul3A_472, %add3A_446 : f32
      %mul3A_474 = arith.mulf %mul3A_473, %mul3A_471 : f32
      %mul3A_475 = arith.mulf %mul3A_474, %mul3A_471 : f32
      %sub3A_476 = arith.constant 1.500000e+00 : f32
      %sub3A_477 = arith.subf %sub3A_476, %mul3A_475 : f32
      %mul3A_478 = arith.mulf %mul3A_471, %sub3A_477 : f32
      %broadcast_in_dim3A_479 = vector.broadcast %mul3A_478 : f32 to vector<16xf32>
      %mul3A_480 = arith.mulf %mul3A_436, %mul3A_478 : f32
      %broadcast_in_dim3A_481 = vector.broadcast %mul3A_480 : f32 to vector<16xf32>
      %scan3A_482 = arith.constant 0 : i32
      %scan3A_483 = arith.constant 0 : i32
      %scan3A_484 = arith.constant 700 : i32
      %scan3A_485 = arith.addi %scan3A_483, %scan3A_484 : i32
      %scan3A_486 = arith.constant 1 : i32
      scf.for %scan3A_1224 = %scan3A_483 to %scan3A_485 step %scan3A_486  : i32 {
        %get3A = arith.index_cast %scan3A_1224 : i32 to index
        %get3A_1225 = arith.constant 0 : index
        %get3A_1226 = tpu.vector_load %arg8[%get3A, %get3A_1225] {strides = array<i32>} : memref<704x64xf32, #tpu.memory_space<vmem>>, vector<16xf32>,
        %mul3A_1227 = arith.mulf %get3A_1226, %broadcast_in_dim3A_479 : vector<16xf32>
        %sub3A_1228 = arith.subf %mul3A_1227, %broadcast_in_dim3A_481 : vector<16xf32>
        %swap3A = arith.index_cast %scan3A_1224 : i32 to index
        %swap3A_1229 = arith.constant 0 : index
        %swap3A_1230 = tpu.vector_load %arg8[%swap3A, %swap3A_1229] {strides = array<i32>} : memref<704x64xf32, #tpu.memory_space<vmem>>, vector<16xf32>,
        tpu.vector_store %arg8[%swap3A, %swap3A_1229], %sub3A_1228 {strides = array<i32>} : memref<704x64xf32, #tpu.memory_space<vmem>>, vector<16xf32>,
        %get3A_1231 = arith.index_cast %scan3A_1224 : i32 to index
        %get3A_1232 = arith.constant 16 : index
        %get3A_1233 = tpu.vector_load %arg8[%get3A_1231, %get3A_1232] {strides = array<i32>} : memref<704x64xf32, #tpu.memory_space<vmem>>, vector<16xf32>,
        %mul3A_1234 = arith.mulf %get3A_1233, %broadcast_in_dim3A_479 : vector<16xf32>
        %sub3A_1235 = arith.subf %mul3A_1234, %broadcast_in_dim3A_481 : vector<16xf32>
        %swap3A_1236 = arith.index_cast %scan3A_1224 : i32 to index
        %swap3A_1237 = arith.constant 16 : index
        %swap3A_1238 = tpu.vector_load %arg8[%swap3A_1236, %swap3A_1237] {strides = array<i32>} : memref<704x64xf32, #tpu.memory_space<vmem>>, vector<16xf32>,
        tpu.vector_store %arg8[%swap3A_1236, %swap3A_1237], %sub3A_1235 {strides = array<i32>} : memref<704x64xf32, #tpu.memory_space<vmem>>, vector<16xf32>,
        %get3A_1239 = arith.index_cast %scan3A_1224 : i32 to index
        %get3A_1240 = arith.constant 32 : index
        %get3A_1241 = tpu.vector_load %arg8[%get3A_1239, %get3A_1240] {strides = array<i32>} : memref<704x64xf32, #tpu.memory_space<vmem>>, vector<16xf32>,
        %mul3A_1242 = arith.mulf %get3A_1241, %broadcast_in_dim3A_479 : vector<16xf32>
        %sub3A_1243 = arith.subf %mul3A_1242, %broadcast_in_dim3A_481 : vector<16xf32>
        %swap3A_1244 = arith.index_cast %scan3A_1224 : i32 to index
        %swap3A_1245 = arith.constant 32 : index
        %swap3A_1246 = tpu.vector_load %arg8[%swap3A_1244, %swap3A_1245] {strides = array<i32>} : memref<704x64xf32, #tpu.memory_space<vmem>>, vector<16xf32>,
        tpu.vector_store %arg8[%swap3A_1244, %swap3A_1245], %sub3A_1243 {strides = array<i32>} : memref<704x64xf32, #tpu.memory_space<vmem>>, vector<16xf32>,
        %get3A_1247 = arith.index_cast %scan3A_1224 : i32 to index
        %get3A_1248 = arith.constant 48 : index
        %get3A_1249 = tpu.vector_load %arg8[%get3A_1247, %get3A_1248] {strides = array<i32>} : memref<704x64xf32, #tpu.memory_space<vmem>>, vector<16xf32>,
        %mul3A_1250 = arith.mulf %get3A_1249, %broadcast_in_dim3A_479 : vector<16xf32>
        %sub3A_1251 = arith.subf %mul3A_1250, %broadcast_in_dim3A_481 : vector<16xf32>
        %swap3A_1252 = arith.index_cast %scan3A_1224 : i32 to index
        %swap3A_1253 = arith.constant 48 : index
        %swap3A_1254 = tpu.vector_load %arg8[%swap3A_1252, %swap3A_1253] {strides = array<i32>} : memref<704x64xf32, #tpu.memory_space<vmem>>, vector<16xf32>,
        tpu.vector_store %arg8[%swap3A_1252, %swap3A_1253], %sub3A_1251 {strides = array<i32>} : memref<704x64xf32, #tpu.memory_space<vmem>>, vector<16xf32>,
      }
      %scan3A_487 = arith.constant 700 : i32
      %dma_start3A_488 = arith.constant 0 : i32
      %dma_start3A_489 = arith.constant 0 : i32
      %dma_start3A_490 = arith.constant 0 : i32
      %dma_start3A_491 = tpu.memref_slice %arg8[%dma_start3A_489, %dma_start3A_490] : memref<704x64xf32, #tpu.memory_space<vmem>> -> memref<35x64xf32, #tpu.memory_space<vmem>>
      %dma_start3A_492 = arith.constant 0 : i32
      %dma_start3A_493 = arith.constant 0 : i32
      %dma_start3A_494 = tpu.memref_slice %arg5[%add3A_363, %dma_start3A_488, %dma_start3A_492, %dma_start3A_493] : memref<1024x20x35x64xf32, #tpu.memory_space<hbm>> -> memref<1x1x35x64xf32, #tpu.memory_space<hbm>>
      %dma_start3A_495 = tpu.memref_squeeze %dma_start3A_494 : memref<1x1x35x64xf32, #tpu.memory_space<hbm>> -> memref<35x64xf32, #tpu.memory_space<hbm>>
      %dma_start3A_496 = arith.constant 0 : i32
      %dma_start3A_497 = arith.constant 0 : i32
      %dma_start3A_498 = tpu.memref_slice %arg5[%add3A_363, %dma_start3A_488, %dma_start3A_496, %dma_start3A_497] : memref<1024x20x35x64xf32, #tpu.memory_space<hbm>> -> memref<1x1x35x64xf32, #tpu.memory_space<hbm>>
      %dma_start3A_499 = tpu.memref_squeeze %dma_start3A_498 : memref<1x1x35x64xf32, #tpu.memory_space<hbm>> -> memref<35x64xf32, #tpu.memory_space<hbm>>
      %dma_start3A_500 = arith.constant 0 : i32
      %dma_start3A_501 = arith.constant 0 : i32
      %dma_start3A_502 = tpu.memref_slice %arg8[%dma_start3A_500, %dma_start3A_501] : memref<704x64xf32, #tpu.memory_space<vmem>> -> memref<35x64xf32, #tpu.memory_space<vmem>>
      tpu.enqueue_dma source(%dma_start3A_502 : memref<35x64xf32, #tpu.memory_space<vmem>>) target(%dma_start3A_499 : memref<35x64xf32, #tpu.memory_space<hbm>>) target_semaphore(%arg13 : memref<!tpu.dma_semaphore, #tpu.memory_space<semaphore_mem>>)
      %dma_start3A_503 = arith.constant 1 : i32
      %dma_start3A_504 = arith.constant 35 : i32
      %dma_start3A_505 = arith.constant 0 : i32
      %dma_start3A_506 = tpu.memref_slice %arg8[%dma_start3A_504, %dma_start3A_505] : memref<704x64xf32, #tpu.memory_space<vmem>> -> memref<35x64xf32, #tpu.memory_space<vmem>>
      %dma_start3A_507 = arith.constant 0 : i32
      %dma_start3A_508 = arith.constant 0 : i32
      %dma_start3A_509 = tpu.memref_slice %arg5[%add3A_363, %dma_start3A_503, %dma_start3A_507, %dma_start3A_508] : memref<1024x20x35x64xf32, #tpu.memory_space<hbm>> -> memref<1x1x35x64xf32, #tpu.memory_space<hbm>>
      %dma_start3A_510 = tpu.memref_squeeze %dma_start3A_509 : memref<1x1x35x64xf32, #tpu.memory_space<hbm>> -> memref<35x64xf32, #tpu.memory_space<hbm>>
      %dma_start3A_511 = arith.constant 0 : i32
      %dma_start3A_512 = arith.constant 0 : i32
      %dma_start3A_513 = tpu.memref_slice %arg5[%add3A_363, %dma_start3A_503, %dma_start3A_511, %dma_start3A_512] : memref<1024x20x35x64xf32, #tpu.memory_space<hbm>> -> memref<1x1x35x64xf32, #tpu.memory_space<hbm>>
      %dma_start3A_514 = tpu.memref_squeeze %dma_start3A_513 : memref<1x1x35x64xf32, #tpu.memory_space<hbm>> -> memref<35x64xf32, #tpu.memory_space<hbm>>
      %dma_start3A_515 = arith.constant 35 : i32
      %dma_start3A_516 = arith.constant 0 : i32
      %dma_start3A_517 = tpu.memref_slice %arg8[%dma_start3A_515, %dma_start3A_516] : memref<704x64xf32, #tpu.memory_space<vmem>> -> memref<35x64xf32, #tpu.memory_space<vmem>>
      tpu.enqueue_dma source(%dma_start3A_517 : memref<35x64xf32, #tpu.memory_space<vmem>>) target(%dma_start3A_514 : memref<35x64xf32, #tpu.memory_space<hbm>>) target_semaphore(%arg13 : memref<!tpu.dma_semaphore, #tpu.memory_space<semaphore_mem>>)
      %dma_start3A_518 = arith.constant 2 : i32
      %dma_start3A_519 = arith.constant 70 : i32
      %dma_start3A_520 = arith.constant 0 : i32
      %dma_start3A_521 = tpu.memref_slice %arg8[%dma_start3A_519, %dma_start3A_520] : memref<704x64xf32, #tpu.memory_space<vmem>> -> memref<35x64xf32, #tpu.memory_space<vmem>>
      %dma_start3A_522 = arith.constant 0 : i32
      %dma_start3A_523 = arith.constant 0 : i32
      %dma_start3A_524 = tpu.memref_slice %arg5[%add3A_363, %dma_start3A_518, %dma_start3A_522, %dma_start3A_523] : memref<1024x20x35x64xf32, #tpu.memory_space<hbm>> -> memref<1x1x35x64xf32, #tpu.memory_space<hbm>>
      %dma_start3A_525 = tpu.memref_squeeze %dma_start3A_524 : memref<1x1x35x64xf32, #tpu.memory_space<hbm>> -> memref<35x64xf32, #tpu.memory_space<hbm>>
      %dma_start3A_526 = arith.constant 0 : i32
      %dma_start3A_527 = arith.constant 0 : i32
      %dma_start3A_528 = tpu.memref_slice %arg5[%add3A_363, %dma_start3A_518, %dma_start3A_526, %dma_start3A_527] : memref<1024x20x35x64xf32, #tpu.memory_space<hbm>> -> memref<1x1x35x64xf32, #tpu.memory_space<hbm>>
      %dma_start3A_529 = tpu.memref_squeeze %dma_start3A_528 : memref<1x1x35x64xf32, #tpu.memory_space<hbm>> -> memref<35x64xf32, #tpu.memory_space<hbm>>
      %dma_start3A_530 = arith.constant 70 : i32
      %dma_start3A_531 = arith.constant 0 : i32
      %dma_start3A_532 = tpu.memref_slice %arg8[%dma_start3A_530, %dma_start3A_531] : memref<704x64xf32, #tpu.memory_space<vmem>> -> memref<35x64xf32, #tpu.memory_space<vmem>>
      tpu.enqueue_dma source(%dma_start3A_532 : memref<35x64xf32, #tpu.memory_space<vmem>>) target(%dma_start3A_529 : memref<35x64xf32, #tpu.memory_space<hbm>>) target_semaphore(%arg13 : memref<!tpu.dma_semaphore, #tpu.memory_space<semaphore_mem>>)
      %dma_start3A_533 = arith.constant 3 : i32
      %dma_start3A_534 = arith.constant 105 : i32
      %dma_start3A_535 = arith.constant 0 : i32
      %dma_start3A_536 = tpu.memref_slice %arg8[%dma_start3A_534, %dma_start3A_535] : memref<704x64xf32, #tpu.memory_space<vmem>> -> memref<35x64xf32, #tpu.memory_space<vmem>>
      %dma_start3A_537 = arith.constant 0 : i32
      %dma_start3A_538 = arith.constant 0 : i32
      %dma_start3A_539 = tpu.memref_slice %arg5[%add3A_363, %dma_start3A_533, %dma_start3A_537, %dma_start3A_538] : memref<1024x20x35x64xf32, #tpu.memory_space<hbm>> -> memref<1x1x35x64xf32, #tpu.memory_space<hbm>>
      %dma_start3A_540 = tpu.memref_squeeze %dma_start3A_539 : memref<1x1x35x64xf32, #tpu.memory_space<hbm>> -> memref<35x64xf32, #tpu.memory_space<hbm>>
      %dma_start3A_541 = arith.constant 0 : i32
      %dma_start3A_542 = arith.constant 0 : i32
      %dma_start3A_543 = tpu.memref_slice %arg5[%add3A_363, %dma_start3A_533, %dma_start3A_541, %dma_start3A_542] : memref<1024x20x35x64xf32, #tpu.memory_space<hbm>> -> memref<1x1x35x64xf32, #tpu.memory_space<hbm>>
      %dma_start3A_544 = tpu.memref_squeeze %dma_start3A_543 : memref<1x1x35x64xf32, #tpu.memory_space<hbm>> -> memref<35x64xf32, #tpu.memory_space<hbm>>
      %dma_start3A_545 = arith.constant 105 : i32
      %dma_start3A_546 = arith.constant 0 : i32
      %dma_start3A_547 = tpu.memref_slice %arg8[%dma_start3A_545, %dma_start3A_546] : memref<704x64xf32, #tpu.memory_space<vmem>> -> memref<35x64xf32, #tpu.memory_space<vmem>>
      tpu.enqueue_dma source(%dma_start3A_547 : memref<35x64xf32, #tpu.memory_space<vmem>>) target(%dma_start3A_544 : memref<35x64xf32, #tpu.memory_space<hbm>>) target_semaphore(%arg13 : memref<!tpu.dma_semaphore, #tpu.memory_space<semaphore_mem>>)
      %dma_start3A_548 = arith.constant 4 : i32
      %dma_start3A_549 = arith.constant 140 : i32
      %dma_start3A_550 = arith.constant 0 : i32
      %dma_start3A_551 = tpu.memref_slice %arg8[%dma_start3A_549, %dma_start3A_550] : memref<704x64xf32, #tpu.memory_space<vmem>> -> memref<35x64xf32, #tpu.memory_space<vmem>>
      %dma_start3A_552 = arith.constant 0 : i32
      %dma_start3A_553 = arith.constant 0 : i32
      %dma_start3A_554 = tpu.memref_slice %arg5[%add3A_363, %dma_start3A_548, %dma_start3A_552, %dma_start3A_553] : memref<1024x20x35x64xf32, #tpu.memory_space<hbm>> -> memref<1x1x35x64xf32, #tpu.memory_space<hbm>>
      %dma_start3A_555 = tpu.memref_squeeze %dma_start3A_554 : memref<1x1x35x64xf32, #tpu.memory_space<hbm>> -> memref<35x64xf32, #tpu.memory_space<hbm>>
      %dma_start3A_556 = arith.constant 0 : i32
      %dma_start3A_557 = arith.constant 0 : i32
      %dma_start3A_558 = tpu.memref_slice %arg5[%add3A_363, %dma_start3A_548, %dma_start3A_556, %dma_start3A_557] : memref<1024x20x35x64xf32, #tpu.memory_space<hbm>> -> memref<1x1x35x64xf32, #tpu.memory_space<hbm>>
      %dma_start3A_559 = tpu.memref_squeeze %dma_start3A_558 : memref<1x1x35x64xf32, #tpu.memory_space<hbm>> -> memref<35x64xf32, #tpu.memory_space<hbm>>
      %dma_start3A_560 = arith.constant 140 : i32
      %dma_start3A_561 = arith.constant 0 : i32
      %dma_start3A_562 = tpu.memref_slice %arg8[%dma_start3A_560, %dma_start3A_561] : memref<704x64xf32, #tpu.memory_space<vmem>> -> memref<35x64xf32, #tpu.memory_space<vmem>>
      tpu.enqueue_dma source(%dma_start3A_562 : memref<35x64xf32, #tpu.memory_space<vmem>>) target(%dma_start3A_559 : memref<35x64xf32, #tpu.memory_space<hbm>>) target_semaphore(%arg13 : memref<!tpu.dma_semaphore, #tpu.memory_space<semaphore_mem>>)
      %dma_start3A_563 = arith.constant 5 : i32
      %dma_start3A_564 = arith.constant 175 : i32
      %dma_start3A_565 = arith.constant 0 : i32
      %dma_start3A_566 = tpu.memref_slice %arg8[%dma_start3A_564, %dma_start3A_565] : memref<704x64xf32, #tpu.memory_space<vmem>> -> memref<35x64xf32, #tpu.memory_space<vmem>>
      %dma_start3A_567 = arith.constant 0 : i32
      %dma_start3A_568 = arith.constant 0 : i32
      %dma_start3A_569 = tpu.memref_slice %arg5[%add3A_363, %dma_start3A_563, %dma_start3A_567, %dma_start3A_568] : memref<1024x20x35x64xf32, #tpu.memory_space<hbm>> -> memref<1x1x35x64xf32, #tpu.memory_space<hbm>>
      %dma_start3A_570 = tpu.memref_squeeze %dma_start3A_569 : memref<1x1x35x64xf32, #tpu.memory_space<hbm>> -> memref<35x64xf32, #tpu.memory_space<hbm>>
      %dma_start3A_571 = arith.constant 0 : i32
      %dma_start3A_572 = arith.constant 0 : i32
      %dma_start3A_573 = tpu.memref_slice %arg5[%add3A_363, %dma_start3A_563, %dma_start3A_571, %dma_start3A_572] : memref<1024x20x35x64xf32, #tpu.memory_space<hbm>> -> memref<1x1x35x64xf32, #tpu.memory_space<hbm>>
      %dma_start3A_574 = tpu.memref_squeeze %dma_start3A_573 : memref<1x1x35x64xf32, #tpu.memory_space<hbm>> -> memref<35x64xf32, #tpu.memory_space<hbm>>
      %dma_start3A_575 = arith.constant 175 : i32
      %dma_start3A_576 = arith.constant 0 : i32
      %dma_start3A_577 = tpu.memref_slice %arg8[%dma_start3A_575, %dma_start3A_576] : memref<704x64xf32, #tpu.memory_space<vmem>> -> memref<35x64xf32, #tpu.memory_space<vmem>>
      tpu.enqueue_dma source(%dma_start3A_577 : memref<35x64xf32, #tpu.memory_space<vmem>>) target(%dma_start3A_574 : memref<35x64xf32, #tpu.memory_space<hbm>>) target_semaphore(%arg13 : memref<!tpu.dma_semaphore, #tpu.memory_space<semaphore_mem>>)
      %dma_start3A_578 = arith.constant 6 : i32
      %dma_start3A_579 = arith.constant 210 : i32
      %dma_start3A_580 = arith.constant 0 : i32
      %dma_start3A_581 = tpu.memref_slice %arg8[%dma_start3A_579, %dma_start3A_580] : memref<704x64xf32, #tpu.memory_space<vmem>> -> memref<35x64xf32, #tpu.memory_space<vmem>>
      %dma_start3A_582 = arith.constant 0 : i32
      %dma_start3A_583 = arith.constant 0 : i32
      %dma_start3A_584 = tpu.memref_slice %arg5[%add3A_363, %dma_start3A_578, %dma_start3A_582, %dma_start3A_583] : memref<1024x20x35x64xf32, #tpu.memory_space<hbm>> -> memref<1x1x35x64xf32, #tpu.memory_space<hbm>>
      %dma_start3A_585 = tpu.memref_squeeze %dma_start3A_584 : memref<1x1x35x64xf32, #tpu.memory_space<hbm>> -> memref<35x64xf32, #tpu.memory_space<hbm>>
      %dma_start3A_586 = arith.constant 0 : i32
      %dma_start3A_587 = arith.constant 0 : i32
      %dma_start3A_588 = tpu.memref_slice %arg5[%add3A_363, %dma_start3A_578, %dma_start3A_586, %dma_start3A_587] : memref<1024x20x35x64xf32, #tpu.memory_space<hbm>> -> memref<1x1x35x64xf32, #tpu.memory_space<hbm>>
      %dma_start3A_589 = tpu.memref_squeeze %dma_start3A_588 : memref<1x1x35x64xf32, #tpu.memory_space<hbm>> -> memref<35x64xf32, #tpu.memory_space<hbm>>
      %dma_start3A_590 = arith.constant 210 : i32
      %dma_start3A_591 = arith.constant 0 : i32
      %dma_start3A_592 = tpu.memref_slice %arg8[%dma_start3A_590, %dma_start3A_591] : memref<704x64xf32, #tpu.memory_space<vmem>> -> memref<35x64xf32, #tpu.memory_space<vmem>>
      tpu.enqueue_dma source(%dma_start3A_592 : memref<35x64xf32, #tpu.memory_space<vmem>>) target(%dma_start3A_589 : memref<35x64xf32, #tpu.memory_space<hbm>>) target_semaphore(%arg13 : memref<!tpu.dma_semaphore, #tpu.memory_space<semaphore_mem>>)
      %dma_start3A_593 = arith.constant 7 : i32
      %dma_start3A_594 = arith.constant 245 : i32
      %dma_start3A_595 = arith.constant 0 : i32
      %dma_start3A_596 = tpu.memref_slice %arg8[%dma_start3A_594, %dma_start3A_595] : memref<704x64xf32, #tpu.memory_space<vmem>> -> memref<35x64xf32, #tpu.memory_space<vmem>>
      %dma_start3A_597 = arith.constant 0 : i32
      %dma_start3A_598 = arith.constant 0 : i32
      %dma_start3A_599 = tpu.memref_slice %arg5[%add3A_363, %dma_start3A_593, %dma_start3A_597, %dma_start3A_598] : memref<1024x20x35x64xf32, #tpu.memory_space<hbm>> -> memref<1x1x35x64xf32, #tpu.memory_space<hbm>>
      %dma_start3A_600 = tpu.memref_squeeze %dma_start3A_599 : memref<1x1x35x64xf32, #tpu.memory_space<hbm>> -> memref<35x64xf32, #tpu.memory_space<hbm>>
      %dma_start3A_601 = arith.constant 0 : i32
      %dma_start3A_602 = arith.constant 0 : i32
      %dma_start3A_603 = tpu.memref_slice %arg5[%add3A_363, %dma_start3A_593, %dma_start3A_601, %dma_start3A_602] : memref<1024x20x35x64xf32, #tpu.memory_space<hbm>> -> memref<1x1x35x64xf32, #tpu.memory_space<hbm>>
      %dma_start3A_604 = tpu.memref_squeeze %dma_start3A_603 : memref<1x1x35x64xf32, #tpu.memory_space<hbm>> -> memref<35x64xf32, #tpu.memory_space<hbm>>
      %dma_start3A_605 = arith.constant 245 : i32
      %dma_start3A_606 = arith.constant 0 : i32
      %dma_start3A_607 = tpu.memref_slice %arg8[%dma_start3A_605, %dma_start3A_606] : memref<704x64xf32, #tpu.memory_space<vmem>> -> memref<35x64xf32, #tpu.memory_space<vmem>>
      tpu.enqueue_dma source(%dma_start3A_607 : memref<35x64xf32, #tpu.memory_space<vmem>>) target(%dma_start3A_604 : memref<35x64xf32, #tpu.memory_space<hbm>>) target_semaphore(%arg13 : memref<!tpu.dma_semaphore, #tpu.memory_space<semaphore_mem>>)
      %dma_start3A_608 = arith.constant 8 : i32
      %dma_start3A_609 = arith.constant 280 : i32
      %dma_start3A_610 = arith.constant 0 : i32
      %dma_start3A_611 = tpu.memref_slice %arg8[%dma_start3A_609, %dma_start3A_610] : memref<704x64xf32, #tpu.memory_space<vmem>> -> memref<35x64xf32, #tpu.memory_space<vmem>>
      %dma_start3A_612 = arith.constant 0 : i32
      %dma_start3A_613 = arith.constant 0 : i32
      %dma_start3A_614 = tpu.memref_slice %arg5[%add3A_363, %dma_start3A_608, %dma_start3A_612, %dma_start3A_613] : memref<1024x20x35x64xf32, #tpu.memory_space<hbm>> -> memref<1x1x35x64xf32, #tpu.memory_space<hbm>>
      %dma_start3A_615 = tpu.memref_squeeze %dma_start3A_614 : memref<1x1x35x64xf32, #tpu.memory_space<hbm>> -> memref<35x64xf32, #tpu.memory_space<hbm>>
      %dma_start3A_616 = arith.constant 0 : i32
      %dma_start3A_617 = arith.constant 0 : i32
      %dma_start3A_618 = tpu.memref_slice %arg5[%add3A_363, %dma_start3A_608, %dma_start3A_616, %dma_start3A_617] : memref<1024x20x35x64xf32, #tpu.memory_space<hbm>> -> memref<1x1x35x64xf32, #tpu.memory_space<hbm>>
      %dma_start3A_619 = tpu.memref_squeeze %dma_start3A_618 : memref<1x1x35x64xf32, #tpu.memory_space<hbm>> -> memref<35x64xf32, #tpu.memory_space<hbm>>
      %dma_start3A_620 = arith.constant 280 : i32
      %dma_start3A_621 = arith.constant 0 : i32
      %dma_start3A_622 = tpu.memref_slice %arg8[%dma_start3A_620, %dma_start3A_621] : memref<704x64xf32, #tpu.memory_space<vmem>> -> memref<35x64xf32, #tpu.memory_space<vmem>>
      tpu.enqueue_dma source(%dma_start3A_622 : memref<35x64xf32, #tpu.memory_space<vmem>>) target(%dma_start3A_619 : memref<35x64xf32, #tpu.memory_space<hbm>>) target_semaphore(%arg13 : memref<!tpu.dma_semaphore, #tpu.memory_space<semaphore_mem>>)
      %dma_start3A_623 = arith.constant 9 : i32
      %dma_start3A_624 = arith.constant 315 : i32
      %dma_start3A_625 = arith.constant 0 : i32
      %dma_start3A_626 = tpu.memref_slice %arg8[%dma_start3A_624, %dma_start3A_625] : memref<704x64xf32, #tpu.memory_space<vmem>> -> memref<35x64xf32, #tpu.memory_space<vmem>>
      %dma_start3A_627 = arith.constant 0 : i32
      %dma_start3A_628 = arith.constant 0 : i32
      %dma_start3A_629 = tpu.memref_slice %arg5[%add3A_363, %dma_start3A_623, %dma_start3A_627, %dma_start3A_628] : memref<1024x20x35x64xf32, #tpu.memory_space<hbm>> -> memref<1x1x35x64xf32, #tpu.memory_space<hbm>>
      %dma_start3A_630 = tpu.memref_squeeze %dma_start3A_629 : memref<1x1x35x64xf32, #tpu.memory_space<hbm>> -> memref<35x64xf32, #tpu.memory_space<hbm>>
      %dma_start3A_631 = arith.constant 0 : i32
      %dma_start3A_632 = arith.constant 0 : i32
      %dma_start3A_633 = tpu.memref_slice %arg5[%add3A_363, %dma_start3A_623, %dma_start3A_631, %dma_start3A_632] : memref<1024x20x35x64xf32, #tpu.memory_space<hbm>> -> memref<1x1x35x64xf32, #tpu.memory_space<hbm>>
      %dma_start3A_634 = tpu.memref_squeeze %dma_start3A_633 : memref<1x1x35x64xf32, #tpu.memory_space<hbm>> -> memref<35x64xf32, #tpu.memory_space<hbm>>
      %dma_start3A_635 = arith.constant 315 : i32
      %dma_start3A_636 = arith.constant 0 : i32
      %dma_start3A_637 = tpu.memref_slice %arg8[%dma_start3A_635, %dma_start3A_636] : memref<704x64xf32, #tpu.memory_space<vmem>> -> memref<35x64xf32, #tpu.memory_space<vmem>>
      tpu.enqueue_dma source(%dma_start3A_637 : memref<35x64xf32, #tpu.memory_space<vmem>>) target(%dma_start3A_634 : memref<35x64xf32, #tpu.memory_space<hbm>>) target_semaphore(%arg13 : memref<!tpu.dma_semaphore, #tpu.memory_space<semaphore_mem>>)
      %dma_start3A_638 = arith.constant 10 : i32
      %dma_start3A_639 = arith.constant 350 : i32
      %dma_start3A_640 = arith.constant 0 : i32
      %dma_start3A_641 = tpu.memref_slice %arg8[%dma_start3A_639, %dma_start3A_640] : memref<704x64xf32, #tpu.memory_space<vmem>> -> memref<35x64xf32, #tpu.memory_space<vmem>>
      %dma_start3A_642 = arith.constant 0 : i32
      %dma_start3A_643 = arith.constant 0 : i32
      %dma_start3A_644 = tpu.memref_slice %arg5[%add3A_363, %dma_start3A_638, %dma_start3A_642, %dma_start3A_643] : memref<1024x20x35x64xf32, #tpu.memory_space<hbm>> -> memref<1x1x35x64xf32, #tpu.memory_space<hbm>>
      %dma_start3A_645 = tpu.memref_squeeze %dma_start3A_644 : memref<1x1x35x64xf32, #tpu.memory_space<hbm>> -> memref<35x64xf32, #tpu.memory_space<hbm>>
      %dma_start3A_646 = arith.constant 0 : i32
      %dma_start3A_647 = arith.constant 0 : i32
      %dma_start3A_648 = tpu.memref_slice %arg5[%add3A_363, %dma_start3A_638, %dma_start3A_646, %dma_start3A_647] : memref<1024x20x35x64xf32, #tpu.memory_space<hbm>> -> memref<1x1x35x64xf32, #tpu.memory_space<hbm>>
      %dma_start3A_649 = tpu.memref_squeeze %dma_start3A_648 : memref<1x1x35x64xf32, #tpu.memory_space<hbm>> -> memref<35x64xf32, #tpu.memory_space<hbm>>
      %dma_start3A_650 = arith.constant 350 : i32
      %dma_start3A_651 = arith.constant 0 : i32
      %dma_start3A_652 = tpu.memref_slice %arg8[%dma_start3A_650, %dma_start3A_651] : memref<704x64xf32, #tpu.memory_space<vmem>> -> memref<35x64xf32, #tpu.memory_space<vmem>>
      tpu.enqueue_dma source(%dma_start3A_652 : memref<35x64xf32, #tpu.memory_space<vmem>>) target(%dma_start3A_649 : memref<35x64xf32, #tpu.memory_space<hbm>>) target_semaphore(%arg13 : memref<!tpu.dma_semaphore, #tpu.memory_space<semaphore_mem>>)
      %dma_start3A_653 = arith.constant 11 : i32
      %dma_start3A_654 = arith.constant 385 : i32
      %dma_start3A_655 = arith.constant 0 : i32
      %dma_start3A_656 = tpu.memref_slice %arg8[%dma_start3A_654, %dma_start3A_655] : memref<704x64xf32, #tpu.memory_space<vmem>> -> memref<35x64xf32, #tpu.memory_space<vmem>>
      %dma_start3A_657 = arith.constant 0 : i32
      %dma_start3A_658 = arith.constant 0 : i32
      %dma_start3A_659 = tpu.memref_slice %arg5[%add3A_363, %dma_start3A_653, %dma_start3A_657, %dma_start3A_658] : memref<1024x20x35x64xf32, #tpu.memory_space<hbm>> -> memref<1x1x35x64xf32, #tpu.memory_space<hbm>>
      %dma_start3A_660 = tpu.memref_squeeze %dma_start3A_659 : memref<1x1x35x64xf32, #tpu.memory_space<hbm>> -> memref<35x64xf32, #tpu.memory_space<hbm>>
      %dma_start3A_661 = arith.constant 0 : i32
      %dma_start3A_662 = arith.constant 0 : i32
      %dma_start3A_663 = tpu.memref_slice %arg5[%add3A_363, %dma_start3A_653, %dma_start3A_661, %dma_start3A_662] : memref<1024x20x35x64xf32, #tpu.memory_space<hbm>> -> memref<1x1x35x64xf32, #tpu.memory_space<hbm>>
      %dma_start3A_664 = tpu.memref_squeeze %dma_start3A_663 : memref<1x1x35x64xf32, #tpu.memory_space<hbm>> -> memref<35x64xf32, #tpu.memory_space<hbm>>
      %dma_start3A_665 = arith.constant 385 : i32
      %dma_start3A_666 = arith.constant 0 : i32
      %dma_start3A_667 = tpu.memref_slice %arg8[%dma_start3A_665, %dma_start3A_666] : memref<704x64xf32, #tpu.memory_space<vmem>> -> memref<35x64xf32, #tpu.memory_space<vmem>>
      tpu.enqueue_dma source(%dma_start3A_667 : memref<35x64xf32, #tpu.memory_space<vmem>>) target(%dma_start3A_664 : memref<35x64xf32, #tpu.memory_space<hbm>>) target_semaphore(%arg13 : memref<!tpu.dma_semaphore, #tpu.memory_space<semaphore_mem>>)
      %dma_start3A_668 = arith.constant 12 : i32
      %dma_start3A_669 = arith.constant 420 : i32
      %dma_start3A_670 = arith.constant 0 : i32
      %dma_start3A_671 = tpu.memref_slice %arg8[%dma_start3A_669, %dma_start3A_670] : memref<704x64xf32, #tpu.memory_space<vmem>> -> memref<35x64xf32, #tpu.memory_space<vmem>>
      %dma_start3A_672 = arith.constant 0 : i32
      %dma_start3A_673 = arith.constant 0 : i32
      %dma_start3A_674 = tpu.memref_slice %arg5[%add3A_363, %dma_start3A_668, %dma_start3A_672, %dma_start3A_673] : memref<1024x20x35x64xf32, #tpu.memory_space<hbm>> -> memref<1x1x35x64xf32, #tpu.memory_space<hbm>>
      %dma_start3A_675 = tpu.memref_squeeze %dma_start3A_674 : memref<1x1x35x64xf32, #tpu.memory_space<hbm>> -> memref<35x64xf32, #tpu.memory_space<hbm>>
      %dma_start3A_676 = arith.constant 0 : i32
      %dma_start3A_677 = arith.constant 0 : i32
      %dma_start3A_678 = tpu.memref_slice %arg5[%add3A_363, %dma_start3A_668, %dma_start3A_676, %dma_start3A_677] : memref<1024x20x35x64xf32, #tpu.memory_space<hbm>> -> memref<1x1x35x64xf32, #tpu.memory_space<hbm>>
      %dma_start3A_679 = tpu.memref_squeeze %dma_start3A_678 : memref<1x1x35x64xf32, #tpu.memory_space<hbm>> -> memref<35x64xf32, #tpu.memory_space<hbm>>
      %dma_start3A_680 = arith.constant 420 : i32
      %dma_start3A_681 = arith.constant 0 : i32
      %dma_start3A_682 = tpu.memref_slice %arg8[%dma_start3A_680, %dma_start3A_681] : memref<704x64xf32, #tpu.memory_space<vmem>> -> memref<35x64xf32, #tpu.memory_space<vmem>>
      tpu.enqueue_dma source(%dma_start3A_682 : memref<35x64xf32, #tpu.memory_space<vmem>>) target(%dma_start3A_679 : memref<35x64xf32, #tpu.memory_space<hbm>>) target_semaphore(%arg13 : memref<!tpu.dma_semaphore, #tpu.memory_space<semaphore_mem>>)
      %dma_start3A_683 = arith.constant 13 : i32
      %dma_start3A_684 = arith.constant 455 : i32
      %dma_start3A_685 = arith.constant 0 : i32
      %dma_start3A_686 = tpu.memref_slice %arg8[%dma_start3A_684, %dma_start3A_685] : memref<704x64xf32, #tpu.memory_space<vmem>> -> memref<35x64xf32, #tpu.memory_space<vmem>>
      %dma_start3A_687 = arith.constant 0 : i32
      %dma_start3A_688 = arith.constant 0 : i32
      %dma_start3A_689 = tpu.memref_slice %arg5[%add3A_363, %dma_start3A_683, %dma_start3A_687, %dma_start3A_688] : memref<1024x20x35x64xf32, #tpu.memory_space<hbm>> -> memref<1x1x35x64xf32, #tpu.memory_space<hbm>>
      %dma_start3A_690 = tpu.memref_squeeze %dma_start3A_689 : memref<1x1x35x64xf32, #tpu.memory_space<hbm>> -> memref<35x64xf32, #tpu.memory_space<hbm>>
      %dma_start3A_691 = arith.constant 0 : i32
      %dma_start3A_692 = arith.constant 0 : i32
      %dma_start3A_693 = tpu.memref_slice %arg5[%add3A_363, %dma_start3A_683, %dma_start3A_691, %dma_start3A_692] : memref<1024x20x35x64xf32, #tpu.memory_space<hbm>> -> memref<1x1x35x64xf32, #tpu.memory_space<hbm>>
      %dma_start3A_694 = tpu.memref_squeeze %dma_start3A_693 : memref<1x1x35x64xf32, #tpu.memory_space<hbm>> -> memref<35x64xf32, #tpu.memory_space<hbm>>
      %dma_start3A_695 = arith.constant 455 : i32
      %dma_start3A_696 = arith.constant 0 : i32
      %dma_start3A_697 = tpu.memref_slice %arg8[%dma_start3A_695, %dma_start3A_696] : memref<704x64xf32, #tpu.memory_space<vmem>> -> memref<35x64xf32, #tpu.memory_space<vmem>>
      tpu.enqueue_dma source(%dma_start3A_697 : memref<35x64xf32, #tpu.memory_space<vmem>>) target(%dma_start3A_694 : memref<35x64xf32, #tpu.memory_space<hbm>>) target_semaphore(%arg13 : memref<!tpu.dma_semaphore, #tpu.memory_space<semaphore_mem>>)
      %dma_start3A_698 = arith.constant 14 : i32
      %dma_start3A_699 = arith.constant 490 : i32
      %dma_start3A_700 = arith.constant 0 : i32
      %dma_start3A_701 = tpu.memref_slice %arg8[%dma_start3A_699, %dma_start3A_700] : memref<704x64xf32, #tpu.memory_space<vmem>> -> memref<35x64xf32, #tpu.memory_space<vmem>>
      %dma_start3A_702 = arith.constant 0 : i32
      %dma_start3A_703 = arith.constant 0 : i32
      %dma_start3A_704 = tpu.memref_slice %arg5[%add3A_363, %dma_start3A_698, %dma_start3A_702, %dma_start3A_703] : memref<1024x20x35x64xf32, #tpu.memory_space<hbm>> -> memref<1x1x35x64xf32, #tpu.memory_space<hbm>>
      %dma_start3A_705 = tpu.memref_squeeze %dma_start3A_704 : memref<1x1x35x64xf32, #tpu.memory_space<hbm>> -> memref<35x64xf32, #tpu.memory_space<hbm>>
      %dma_start3A_706 = arith.constant 0 : i32
      %dma_start3A_707 = arith.constant 0 : i32
      %dma_start3A_708 = tpu.memref_slice %arg5[%add3A_363, %dma_start3A_698, %dma_start3A_706, %dma_start3A_707] : memref<1024x20x35x64xf32, #tpu.memory_space<hbm>> -> memref<1x1x35x64xf32, #tpu.memory_space<hbm>>
      %dma_start3A_709 = tpu.memref_squeeze %dma_start3A_708 : memref<1x1x35x64xf32, #tpu.memory_space<hbm>> -> memref<35x64xf32, #tpu.memory_space<hbm>>
      %dma_start3A_710 = arith.constant 490 : i32
      %dma_start3A_711 = arith.constant 0 : i32
      %dma_start3A_712 = tpu.memref_slice %arg8[%dma_start3A_710, %dma_start3A_711] : memref<704x64xf32, #tpu.memory_space<vmem>> -> memref<35x64xf32, #tpu.memory_space<vmem>>
      tpu.enqueue_dma source(%dma_start3A_712 : memref<35x64xf32, #tpu.memory_space<vmem>>) target(%dma_start3A_709 : memref<35x64xf32, #tpu.memory_space<hbm>>) target_semaphore(%arg13 : memref<!tpu.dma_semaphore, #tpu.memory_space<semaphore_mem>>)
      %dma_start3A_713 = arith.constant 15 : i32
      %dma_start3A_714 = arith.constant 525 : i32
      %dma_start3A_715 = arith.constant 0 : i32
      %dma_start3A_716 = tpu.memref_slice %arg8[%dma_start3A_714, %dma_start3A_715] : memref<704x64xf32, #tpu.memory_space<vmem>> -> memref<35x64xf32, #tpu.memory_space<vmem>>
      %dma_start3A_717 = arith.constant 0 : i32
      %dma_start3A_718 = arith.constant 0 : i32
      %dma_start3A_719 = tpu.memref_slice %arg5[%add3A_363, %dma_start3A_713, %dma_start3A_717, %dma_start3A_718] : memref<1024x20x35x64xf32, #tpu.memory_space<hbm>> -> memref<1x1x35x64xf32, #tpu.memory_space<hbm>>
      %dma_start3A_720 = tpu.memref_squeeze %dma_start3A_719 : memref<1x1x35x64xf32, #tpu.memory_space<hbm>> -> memref<35x64xf32, #tpu.memory_space<hbm>>
      %dma_start3A_721 = arith.constant 0 : i32
      %dma_start3A_722 = arith.constant 0 : i32
      %dma_start3A_723 = tpu.memref_slice %arg5[%add3A_363, %dma_start3A_713, %dma_start3A_721, %dma_start3A_722] : memref<1024x20x35x64xf32, #tpu.memory_space<hbm>> -> memref<1x1x35x64xf32, #tpu.memory_space<hbm>>
      %dma_start3A_724 = tpu.memref_squeeze %dma_start3A_723 : memref<1x1x35x64xf32, #tpu.memory_space<hbm>> -> memref<35x64xf32, #tpu.memory_space<hbm>>
      %dma_start3A_725 = arith.constant 525 : i32
      %dma_start3A_726 = arith.constant 0 : i32
      %dma_start3A_727 = tpu.memref_slice %arg8[%dma_start3A_725, %dma_start3A_726] : memref<704x64xf32, #tpu.memory_space<vmem>> -> memref<35x64xf32, #tpu.memory_space<vmem>>
      tpu.enqueue_dma source(%dma_start3A_727 : memref<35x64xf32, #tpu.memory_space<vmem>>) target(%dma_start3A_724 : memref<35x64xf32, #tpu.memory_space<hbm>>) target_semaphore(%arg13 : memref<!tpu.dma_semaphore, #tpu.memory_space<semaphore_mem>>)
      %dma_start3A_728 = arith.constant 16 : i32
      %dma_start3A_729 = arith.constant 560 : i32
      %dma_start3A_730 = arith.constant 0 : i32
      %dma_start3A_731 = tpu.memref_slice %arg8[%dma_start3A_729, %dma_start3A_730] : memref<704x64xf32, #tpu.memory_space<vmem>> -> memref<35x64xf32, #tpu.memory_space<vmem>>
      %dma_start3A_732 = arith.constant 0 : i32
      %dma_start3A_733 = arith.constant 0 : i32
      %dma_start3A_734 = tpu.memref_slice %arg5[%add3A_363, %dma_start3A_728, %dma_start3A_732, %dma_start3A_733] : memref<1024x20x35x64xf32, #tpu.memory_space<hbm>> -> memref<1x1x35x64xf32, #tpu.memory_space<hbm>>
      %dma_start3A_735 = tpu.memref_squeeze %dma_start3A_734 : memref<1x1x35x64xf32, #tpu.memory_space<hbm>> -> memref<35x64xf32, #tpu.memory_space<hbm>>
      %dma_start3A_736 = arith.constant 0 : i32
      %dma_start3A_737 = arith.constant 0 : i32
      %dma_start3A_738 = tpu.memref_slice %arg5[%add3A_363, %dma_start3A_728, %dma_start3A_736, %dma_start3A_737] : memref<1024x20x35x64xf32, #tpu.memory_space<hbm>> -> memref<1x1x35x64xf32, #tpu.memory_space<hbm>>
      %dma_start3A_739 = tpu.memref_squeeze %dma_start3A_738 : memref<1x1x35x64xf32, #tpu.memory_space<hbm>> -> memref<35x64xf32, #tpu.memory_space<hbm>>
      %dma_start3A_740 = arith.constant 560 : i32
      %dma_start3A_741 = arith.constant 0 : i32
      %dma_start3A_742 = tpu.memref_slice %arg8[%dma_start3A_740, %dma_start3A_741] : memref<704x64xf32, #tpu.memory_space<vmem>> -> memref<35x64xf32, #tpu.memory_space<vmem>>
      tpu.enqueue_dma source(%dma_start3A_742 : memref<35x64xf32, #tpu.memory_space<vmem>>) target(%dma_start3A_739 : memref<35x64xf32, #tpu.memory_space<hbm>>) target_semaphore(%arg13 : memref<!tpu.dma_semaphore, #tpu.memory_space<semaphore_mem>>)
      %dma_start3A_743 = arith.constant 17 : i32
      %dma_start3A_744 = arith.constant 595 : i32
      %dma_start3A_745 = arith.constant 0 : i32
      %dma_start3A_746 = tpu.memref_slice %arg8[%dma_start3A_744, %dma_start3A_745] : memref<704x64xf32, #tpu.memory_space<vmem>> -> memref<35x64xf32, #tpu.memory_space<vmem>>
      %dma_start3A_747 = arith.constant 0 : i32
      %dma_start3A_748 = arith.constant 0 : i32
      %dma_start3A_749 = tpu.memref_slice %arg5[%add3A_363, %dma_start3A_743, %dma_start3A_747, %dma_start3A_748] : memref<1024x20x35x64xf32, #tpu.memory_space<hbm>> -> memref<1x1x35x64xf32, #tpu.memory_space<hbm>>
      %dma_start3A_750 = tpu.memref_squeeze %dma_start3A_749 : memref<1x1x35x64xf32, #tpu.memory_space<hbm>> -> memref<35x64xf32, #tpu.memory_space<hbm>>
      %dma_start3A_751 = arith.constant 0 : i32
      %dma_start3A_752 = arith.constant 0 : i32
      %dma_start3A_753 = tpu.memref_slice %arg5[%add3A_363, %dma_start3A_743, %dma_start3A_751, %dma_start3A_752] : memref<1024x20x35x64xf32, #tpu.memory_space<hbm>> -> memref<1x1x35x64xf32, #tpu.memory_space<hbm>>
      %dma_start3A_754 = tpu.memref_squeeze %dma_start3A_753 : memref<1x1x35x64xf32, #tpu.memory_space<hbm>> -> memref<35x64xf32, #tpu.memory_space<hbm>>
      %dma_start3A_755 = arith.constant 595 : i32
      %dma_start3A_756 = arith.constant 0 : i32
      %dma_start3A_757 = tpu.memref_slice %arg8[%dma_start3A_755, %dma_start3A_756] : memref<704x64xf32, #tpu.memory_space<vmem>> -> memref<35x64xf32, #tpu.memory_space<vmem>>
      tpu.enqueue_dma source(%dma_start3A_757 : memref<35x64xf32, #tpu.memory_space<vmem>>) target(%dma_start3A_754 : memref<35x64xf32, #tpu.memory_space<hbm>>) target_semaphore(%arg13 : memref<!tpu.dma_semaphore, #tpu.memory_space<semaphore_mem>>)
      %dma_start3A_758 = arith.constant 18 : i32
      %dma_start3A_759 = arith.constant 630 : i32
      %dma_start3A_760 = arith.constant 0 : i32
      %dma_start3A_761 = tpu.memref_slice %arg8[%dma_start3A_759, %dma_start3A_760] : memref<704x64xf32, #tpu.memory_space<vmem>> -> memref<35x64xf32, #tpu.memory_space<vmem>>
      %dma_start3A_762 = arith.constant 0 : i32
      %dma_start3A_763 = arith.constant 0 : i32
      %dma_start3A_764 = tpu.memref_slice %arg5[%add3A_363, %dma_start3A_758, %dma_start3A_762, %dma_start3A_763] : memref<1024x20x35x64xf32, #tpu.memory_space<hbm>> -> memref<1x1x35x64xf32, #tpu.memory_space<hbm>>
      %dma_start3A_765 = tpu.memref_squeeze %dma_start3A_764 : memref<1x1x35x64xf32, #tpu.memory_space<hbm>> -> memref<35x64xf32, #tpu.memory_space<hbm>>
      %dma_start3A_766 = arith.constant 0 : i32
      %dma_start3A_767 = arith.constant 0 : i32
      %dma_start3A_768 = tpu.memref_slice %arg5[%add3A_363, %dma_start3A_758, %dma_start3A_766, %dma_start3A_767] : memref<1024x20x35x64xf32, #tpu.memory_space<hbm>> -> memref<1x1x35x64xf32, #tpu.memory_space<hbm>>
      %dma_start3A_769 = tpu.memref_squeeze %dma_start3A_768 : memref<1x1x35x64xf32, #tpu.memory_space<hbm>> -> memref<35x64xf32, #tpu.memory_space<hbm>>
      %dma_start3A_770 = arith.constant 630 : i32
      %dma_start3A_771 = arith.constant 0 : i32
      %dma_start3A_772 = tpu.memref_slice %arg8[%dma_start3A_770, %dma_start3A_771] : memref<704x64xf32, #tpu.memory_space<vmem>> -> memref<35x64xf32, #tpu.memory_space<vmem>>
      tpu.enqueue_dma source(%dma_start3A_772 : memref<35x64xf32, #tpu.memory_space<vmem>>) target(%dma_start3A_769 : memref<35x64xf32, #tpu.memory_space<hbm>>) target_semaphore(%arg13 : memref<!tpu.dma_semaphore, #tpu.memory_space<semaphore_mem>>)
      %dma_start3A_773 = arith.constant 19 : i32
      %dma_start3A_774 = arith.constant 665 : i32
      %dma_start3A_775 = arith.constant 0 : i32
      %dma_start3A_776 = tpu.memref_slice %arg8[%dma_start3A_774, %dma_start3A_775] : memref<704x64xf32, #tpu.memory_space<vmem>> -> memref<35x64xf32, #tpu.memory_space<vmem>>
      %dma_start3A_777 = arith.constant 0 : i32
      %dma_start3A_778 = arith.constant 0 : i32
      %dma_start3A_779 = tpu.memref_slice %arg5[%add3A_363, %dma_start3A_773, %dma_start3A_777, %dma_start3A_778] : memref<1024x20x35x64xf32, #tpu.memory_space<hbm>> -> memref<1x1x35x64xf32, #tpu.memory_space<hbm>>
      %dma_start3A_780 = tpu.memref_squeeze %dma_start3A_779 : memref<1x1x35x64xf32, #tpu.memory_space<hbm>> -> memref<35x64xf32, #tpu.memory_space<hbm>>
      %dma_start3A_781 = arith.constant 0 : i32
      %dma_start3A_782 = arith.constant 0 : i32
      %dma_start3A_783 = tpu.memref_slice %arg5[%add3A_363, %dma_start3A_773, %dma_start3A_781, %dma_start3A_782] : memref<1024x20x35x64xf32, #tpu.memory_space<hbm>> -> memref<1x1x35x64xf32, #tpu.memory_space<hbm>>
      %dma_start3A_784 = tpu.memref_squeeze %dma_start3A_783 : memref<1x1x35x64xf32, #tpu.memory_space<hbm>> -> memref<35x64xf32, #tpu.memory_space<hbm>>
      %dma_start3A_785 = arith.constant 665 : i32
      %dma_start3A_786 = arith.constant 0 : i32
      %dma_start3A_787 = tpu.memref_slice %arg8[%dma_start3A_785, %dma_start3A_786] : memref<704x64xf32, #tpu.memory_space<vmem>> -> memref<35x64xf32, #tpu.memory_space<vmem>>
      tpu.enqueue_dma source(%dma_start3A_787 : memref<35x64xf32, #tpu.memory_space<vmem>>) target(%dma_start3A_784 : memref<35x64xf32, #tpu.memory_space<hbm>>) target_semaphore(%arg13 : memref<!tpu.dma_semaphore, #tpu.memory_space<semaphore_mem>>)
      %mul3A_788 = arith.constant 2 : i32
      %mul3A_789 = arith.muli %mul3A_788, %scan3A_360 : i32
      %add3A_790 = arith.constant 1 : i32
      %add3A_791 = arith.addi %mul3A_789, %add3A_790 : i32
      %add3A_792 = arith.addi %mul3A_2, %add3A_791 : i32
      %dma_wait3A_793 = arith.constant 0 : i32
      %dma_wait3A_794 = arith.constant 0 : i32
      %dma_wait3A_795 = tpu.memref_slice %arg9[%dma_wait3A_793, %dma_wait3A_794] : memref<704x64xf32, #tpu.memory_space<vmem>> -> memref<128x64xf32, #tpu.memory_space<vmem>>
      %dma_wait3A_796 = arith.constant 0 : i32
      %dma_wait3A_797 = tpu.memref_slice %arg7[%dma_wait3A_796] : memref<704xi32, #tpu.memory_space<vmem>> -> memref<128xi32, #tpu.memory_space<vmem>>
      %dma_wait3A_798 = arith.constant 0 : i32
      %dma_wait3A_799 = arith.constant 0 : i32
      %dma_wait3A_800 = tpu.memref_slice %arg3[%dma_wait3A_798, %dma_wait3A_799] : memref<200000x64xf32, #tpu.memory_space<hbm>> -> memref<200000x64xf32, #tpu.memory_space<hbm>>
      tpu.wait_indirect_dma semaphore(%arg12 : memref<!tpu.dma_semaphore, #tpu.memory_space<semaphore_mem>>) src(%dma_wait3A_800 : memref<200000x64xf32, #tpu.memory_space<hbm>>) dst(%dma_wait3A_795 : memref<128x64xf32, #tpu.memory_space<vmem>>)
      %dma_wait3A_801 = arith.constant 128 : i32
      %dma_wait3A_802 = arith.constant 0 : i32
      %dma_wait3A_803 = tpu.memref_slice %arg9[%dma_wait3A_801, %dma_wait3A_802] : memref<704x64xf32, #tpu.memory_space<vmem>> -> memref<128x64xf32, #tpu.memory_space<vmem>>
      %dma_wait3A_804 = arith.constant 128 : i32
      %dma_wait3A_805 = tpu.memref_slice %arg7[%dma_wait3A_804] : memref<704xi32, #tpu.memory_space<vmem>> -> memref<128xi32, #tpu.memory_space<vmem>>
      %dma_wait3A_806 = arith.constant 0 : i32
      %dma_wait3A_807 = arith.constant 0 : i32
      %dma_wait3A_808 = tpu.memref_slice %arg3[%dma_wait3A_806, %dma_wait3A_807] : memref<200000x64xf32, #tpu.memory_space<hbm>> -> memref<200000x64xf32, #tpu.memory_space<hbm>>
      tpu.wait_indirect_dma semaphore(%arg12 : memref<!tpu.dma_semaphore, #tpu.memory_space<semaphore_mem>>) src(%dma_wait3A_808 : memref<200000x64xf32, #tpu.memory_space<hbm>>) dst(%dma_wait3A_803 : memref<128x64xf32, #tpu.memory_space<vmem>>)
      %dma_wait3A_809 = arith.constant 256 : i32
      %dma_wait3A_810 = arith.constant 0 : i32
      %dma_wait3A_811 = tpu.memref_slice %arg9[%dma_wait3A_809, %dma_wait3A_810] : memref<704x64xf32, #tpu.memory_space<vmem>> -> memref<128x64xf32, #tpu.memory_space<vmem>>
      %dma_wait3A_812 = arith.constant 256 : i32
      %dma_wait3A_813 = tpu.memref_slice %arg7[%dma_wait3A_812] : memref<704xi32, #tpu.memory_space<vmem>> -> memref<128xi32, #tpu.memory_space<vmem>>
      %dma_wait3A_814 = arith.constant 0 : i32
      %dma_wait3A_815 = arith.constant 0 : i32
      %dma_wait3A_816 = tpu.memref_slice %arg3[%dma_wait3A_814, %dma_wait3A_815] : memref<200000x64xf32, #tpu.memory_space<hbm>> -> memref<200000x64xf32, #tpu.memory_space<hbm>>
      tpu.wait_indirect_dma semaphore(%arg12 : memref<!tpu.dma_semaphore, #tpu.memory_space<semaphore_mem>>) src(%dma_wait3A_816 : memref<200000x64xf32, #tpu.memory_space<hbm>>) dst(%dma_wait3A_811 : memref<128x64xf32, #tpu.memory_space<vmem>>)
      %dma_wait3A_817 = arith.constant 384 : i32
      %dma_wait3A_818 = arith.constant 0 : i32
      %dma_wait3A_819 = tpu.memref_slice %arg9[%dma_wait3A_817, %dma_wait3A_818] : memref<704x64xf32, #tpu.memory_space<vmem>> -> memref<128x64xf32, #tpu.memory_space<vmem>>
      %dma_wait3A_820 = arith.constant 384 : i32
      %dma_wait3A_821 = tpu.memref_slice %arg7[%dma_wait3A_820] : memref<704xi32, #tpu.memory_space<vmem>> -> memref<128xi32, #tpu.memory_space<vmem>>
      %dma_wait3A_822 = arith.constant 0 : i32
      %dma_wait3A_823 = arith.constant 0 : i32
      %dma_wait3A_824 = tpu.memref_slice %arg3[%dma_wait3A_822, %dma_wait3A_823] : memref<200000x64xf32, #tpu.memory_space<hbm>> -> memref<200000x64xf32, #tpu.memory_space<hbm>>
      tpu.wait_indirect_dma semaphore(%arg12 : memref<!tpu.dma_semaphore, #tpu.memory_space<semaphore_mem>>) src(%dma_wait3A_824 : memref<200000x64xf32, #tpu.memory_space<hbm>>) dst(%dma_wait3A_819 : memref<128x64xf32, #tpu.memory_space<vmem>>)
      %dma_wait3A_825 = arith.constant 512 : i32
      %dma_wait3A_826 = arith.constant 0 : i32
      %dma_wait3A_827 = tpu.memref_slice %arg9[%dma_wait3A_825, %dma_wait3A_826] : memref<704x64xf32, #tpu.memory_space<vmem>> -> memref<128x64xf32, #tpu.memory_space<vmem>>
      %dma_wait3A_828 = arith.constant 512 : i32
      %dma_wait3A_829 = tpu.memref_slice %arg7[%dma_wait3A_828] : memref<704xi32, #tpu.memory_space<vmem>> -> memref<128xi32, #tpu.memory_space<vmem>>
      %dma_wait3A_830 = arith.constant 0 : i32
      %dma_wait3A_831 = arith.constant 0 : i32
      %dma_wait3A_832 = tpu.memref_slice %arg3[%dma_wait3A_830, %dma_wait3A_831] : memref<200000x64xf32, #tpu.memory_space<hbm>> -> memref<200000x64xf32, #tpu.memory_space<hbm>>
      tpu.wait_indirect_dma semaphore(%arg12 : memref<!tpu.dma_semaphore, #tpu.memory_space<semaphore_mem>>) src(%dma_wait3A_832 : memref<200000x64xf32, #tpu.memory_space<hbm>>) dst(%dma_wait3A_827 : memref<128x64xf32, #tpu.memory_space<vmem>>)
      %dma_wait3A_833 = arith.constant 640 : i32
      %dma_wait3A_834 = arith.constant 0 : i32
      %dma_wait3A_835 = tpu.memref_slice %arg9[%dma_wait3A_833, %dma_wait3A_834] : memref<704x64xf32, #tpu.memory_space<vmem>> -> memref<64x64xf32, #tpu.memory_space<vmem>>
      %dma_wait3A_836 = arith.constant 640 : i32
      %dma_wait3A_837 = tpu.memref_slice %arg7[%dma_wait3A_836] : memref<704xi32, #tpu.memory_space<vmem>> -> memref<64xi32, #tpu.memory_space<vmem>>
      %dma_wait3A_838 = arith.constant 0 : i32
      %dma_wait3A_839 = arith.constant 0 : i32
      %dma_wait3A_840 = tpu.memref_slice %arg3[%dma_wait3A_838, %dma_wait3A_839] : memref<200000x64xf32, #tpu.memory_space<hbm>> -> memref<200000x64xf32, #tpu.memory_space<hbm>>
      tpu.wait_indirect_dma semaphore(%arg12 : memref<!tpu.dma_semaphore, #tpu.memory_space<semaphore_mem>>) src(%dma_wait3A_840 : memref<200000x64xf32, #tpu.memory_space<hbm>>) dst(%dma_wait3A_835 : memref<64x64xf32, #tpu.memory_space<vmem>>)
      %gt3A_841 = arith.constant 0 : i32
      %gt3A_842 = arith.cmpi sgt, %add3A_791, %gt3A_841 : i32
      %convert_element_type3A_843 = arith.extui %gt3A_842 : i1 to i32
      %cond3A_844 = arith.constant 0 : i32
      %cond3A_845 = arith.cmpi ne, %convert_element_type3A_843, %cond3A_844 : i32
      scf.if %cond3A_845 {
        %sub3A_1224 = arith.constant 1 : i32
        %sub3A_1225 = arith.subi %add3A_792, %sub3A_1224 : i32
        %dma_wait3A_1226 = arith.constant 0 : i32
        %dma_wait3A_1227 = arith.constant 0 : i32
        %dma_wait3A_1228 = arith.constant 0 : i32
        %dma_wait3A_1229 = tpu.memref_slice %arg8[%dma_wait3A_1227, %dma_wait3A_1228] : memref<704x64xf32, #tpu.memory_space<vmem>> -> memref<35x64xf32, #tpu.memory_space<vmem>>
        %dma_wait3A_1230 = arith.constant 0 : i32
        %dma_wait3A_1231 = arith.constant 0 : i32
        %dma_wait3A_1232 = tpu.memref_slice %arg5[%sub3A_1225, %dma_wait3A_1226, %dma_wait3A_1230, %dma_wait3A_1231] : memref<1024x20x35x64xf32, #tpu.memory_space<hbm>> -> memref<1x1x35x64xf32, #tpu.memory_space<hbm>>
        %dma_wait3A_1233 = tpu.memref_squeeze %dma_wait3A_1232 : memref<1x1x35x64xf32, #tpu.memory_space<hbm>> -> memref<35x64xf32, #tpu.memory_space<hbm>>
        %dma_wait3A_1234 = arith.constant 0 : i32
        %dma_wait3A_1235 = arith.constant 0 : i32
        %dma_wait3A_1236 = tpu.memref_slice %arg5[%sub3A_1225, %dma_wait3A_1226, %dma_wait3A_1234, %dma_wait3A_1235] : memref<1024x20x35x64xf32, #tpu.memory_space<hbm>> -> memref<1x1x35x64xf32, #tpu.memory_space<hbm>>
        %dma_wait3A_1237 = tpu.memref_squeeze %dma_wait3A_1236 : memref<1x1x35x64xf32, #tpu.memory_space<hbm>> -> memref<35x64xf32, #tpu.memory_space<hbm>>
        %dma_wait3A_1238 = arith.constant 0 : i32
        %dma_wait3A_1239 = arith.constant 0 : i32
        %dma_wait3A_1240 = tpu.memref_slice %arg8[%dma_wait3A_1238, %dma_wait3A_1239] : memref<704x64xf32, #tpu.memory_space<vmem>> -> memref<35x64xf32, #tpu.memory_space<vmem>>
        tpu.wait_dma2 semaphore(%arg13 : memref<!tpu.dma_semaphore, #tpu.memory_space<semaphore_mem>>) src(%dma_wait3A_1240 : memref<35x64xf32, #tpu.memory_space<vmem>>) dst(%dma_wait3A_1237 : memref<35x64xf32, #tpu.memory_space<hbm>>)
        %dma_wait3A_1241 = arith.constant 1 : i32
        %dma_wait3A_1242 = arith.constant 35 : i32
        %dma_wait3A_1243 = arith.constant 0 : i32
        %dma_wait3A_1244 = tpu.memref_slice %arg8[%dma_wait3A_1242, %dma_wait3A_1243] : memref<704x64xf32, #tpu.memory_space<vmem>> -> memref<35x64xf32, #tpu.memory_space<vmem>>
        %dma_wait3A_1245 = arith.constant 0 : i32
        %dma_wait3A_1246 = arith.constant 0 : i32
        %dma_wait3A_1247 = tpu.memref_slice %arg5[%sub3A_1225, %dma_wait3A_1241, %dma_wait3A_1245, %dma_wait3A_1246] : memref<1024x20x35x64xf32, #tpu.memory_space<hbm>> -> memref<1x1x35x64xf32, #tpu.memory_space<hbm>>
        %dma_wait3A_1248 = tpu.memref_squeeze %dma_wait3A_1247 : memref<1x1x35x64xf32, #tpu.memory_space<hbm>> -> memref<35x64xf32, #tpu.memory_space<hbm>>
        %dma_wait3A_1249 = arith.constant 0 : i32
        %dma_wait3A_1250 = arith.constant 0 : i32
        %dma_wait3A_1251 = tpu.memref_slice %arg5[%sub3A_1225, %dma_wait3A_1241, %dma_wait3A_1249, %dma_wait3A_1250] : memref<1024x20x35x64xf32, #tpu.memory_space<hbm>> -> memref<1x1x35x64xf32, #tpu.memory_space<hbm>>
        %dma_wait3A_1252 = tpu.memref_squeeze %dma_wait3A_1251 : memref<1x1x35x64xf32, #tpu.memory_space<hbm>> -> memref<35x64xf32, #tpu.memory_space<hbm>>
        %dma_wait3A_1253 = arith.constant 35 : i32
        %dma_wait3A_1254 = arith.constant 0 : i32
        %dma_wait3A_1255 = tpu.memref_slice %arg8[%dma_wait3A_1253, %dma_wait3A_1254] : memref<704x64xf32, #tpu.memory_space<vmem>> -> memref<35x64xf32, #tpu.memory_space<vmem>>
        tpu.wait_dma2 semaphore(%arg13 : memref<!tpu.dma_semaphore, #tpu.memory_space<semaphore_mem>>) src(%dma_wait3A_1255 : memref<35x64xf32, #tpu.memory_space<vmem>>) dst(%dma_wait3A_1252 : memref<35x64xf32, #tpu.memory_space<hbm>>)
        %dma_wait3A_1256 = arith.constant 2 : i32
        %dma_wait3A_1257 = arith.constant 70 : i32
        %dma_wait3A_1258 = arith.constant 0 : i32
        %dma_wait3A_1259 = tpu.memref_slice %arg8[%dma_wait3A_1257, %dma_wait3A_1258] : memref<704x64xf32, #tpu.memory_space<vmem>> -> memref<35x64xf32, #tpu.memory_space<vmem>>
        %dma_wait3A_1260 = arith.constant 0 : i32
        %dma_wait3A_1261 = arith.constant 0 : i32
        %dma_wait3A_1262 = tpu.memref_slice %arg5[%sub3A_1225, %dma_wait3A_1256, %dma_wait3A_1260, %dma_wait3A_1261] : memref<1024x20x35x64xf32, #tpu.memory_space<hbm>> -> memref<1x1x35x64xf32, #tpu.memory_space<hbm>>
        %dma_wait3A_1263 = tpu.memref_squeeze %dma_wait3A_1262 : memref<1x1x35x64xf32, #tpu.memory_space<hbm>> -> memref<35x64xf32, #tpu.memory_space<hbm>>
        %dma_wait3A_1264 = arith.constant 0 : i32
        %dma_wait3A_1265 = arith.constant 0 : i32
        %dma_wait3A_1266 = tpu.memref_slice %arg5[%sub3A_1225, %dma_wait3A_1256, %dma_wait3A_1264, %dma_wait3A_1265] : memref<1024x20x35x64xf32, #tpu.memory_space<hbm>> -> memref<1x1x35x64xf32, #tpu.memory_space<hbm>>
        %dma_wait3A_1267 = tpu.memref_squeeze %dma_wait3A_1266 : memref<1x1x35x64xf32, #tpu.memory_space<hbm>> -> memref<35x64xf32, #tpu.memory_space<hbm>>
        %dma_wait3A_1268 = arith.constant 70 : i32
        %dma_wait3A_1269 = arith.constant 0 : i32
        %dma_wait3A_1270 = tpu.memref_slice %arg8[%dma_wait3A_1268, %dma_wait3A_1269] : memref<704x64xf32, #tpu.memory_space<vmem>> -> memref<35x64xf32, #tpu.memory_space<vmem>>
        tpu.wait_dma2 semaphore(%arg13 : memref<!tpu.dma_semaphore, #tpu.memory_space<semaphore_mem>>) src(%dma_wait3A_1270 : memref<35x64xf32, #tpu.memory_space<vmem>>) dst(%dma_wait3A_1267 : memref<35x64xf32, #tpu.memory_space<hbm>>)
        %dma_wait3A_1271 = arith.constant 3 : i32
        %dma_wait3A_1272 = arith.constant 105 : i32
        %dma_wait3A_1273 = arith.constant 0 : i32
        %dma_wait3A_1274 = tpu.memref_slice %arg8[%dma_wait3A_1272, %dma_wait3A_1273] : memref<704x64xf32, #tpu.memory_space<vmem>> -> memref<35x64xf32, #tpu.memory_space<vmem>>
        %dma_wait3A_1275 = arith.constant 0 : i32
        %dma_wait3A_1276 = arith.constant 0 : i32
        %dma_wait3A_1277 = tpu.memref_slice %arg5[%sub3A_1225, %dma_wait3A_1271, %dma_wait3A_1275, %dma_wait3A_1276] : memref<1024x20x35x64xf32, #tpu.memory_space<hbm>> -> memref<1x1x35x64xf32, #tpu.memory_space<hbm>>
        %dma_wait3A_1278 = tpu.memref_squeeze %dma_wait3A_1277 : memref<1x1x35x64xf32, #tpu.memory_space<hbm>> -> memref<35x64xf32, #tpu.memory_space<hbm>>
        %dma_wait3A_1279 = arith.constant 0 : i32
        %dma_wait3A_1280 = arith.constant 0 : i32
        %dma_wait3A_1281 = tpu.memref_slice %arg5[%sub3A_1225, %dma_wait3A_1271, %dma_wait3A_1279, %dma_wait3A_1280] : memref<1024x20x35x64xf32, #tpu.memory_space<hbm>> -> memref<1x1x35x64xf32, #tpu.memory_space<hbm>>
        %dma_wait3A_1282 = tpu.memref_squeeze %dma_wait3A_1281 : memref<1x1x35x64xf32, #tpu.memory_space<hbm>> -> memref<35x64xf32, #tpu.memory_space<hbm>>
        %dma_wait3A_1283 = arith.constant 105 : i32
        %dma_wait3A_1284 = arith.constant 0 : i32
        %dma_wait3A_1285 = tpu.memref_slice %arg8[%dma_wait3A_1283, %dma_wait3A_1284] : memref<704x64xf32, #tpu.memory_space<vmem>> -> memref<35x64xf32, #tpu.memory_space<vmem>>
        tpu.wait_dma2 semaphore(%arg13 : memref<!tpu.dma_semaphore, #tpu.memory_space<semaphore_mem>>) src(%dma_wait3A_1285 : memref<35x64xf32, #tpu.memory_space<vmem>>) dst(%dma_wait3A_1282 : memref<35x64xf32, #tpu.memory_space<hbm>>)
        %dma_wait3A_1286 = arith.constant 4 : i32
        %dma_wait3A_1287 = arith.constant 140 : i32
        %dma_wait3A_1288 = arith.constant 0 : i32
        %dma_wait3A_1289 = tpu.memref_slice %arg8[%dma_wait3A_1287, %dma_wait3A_1288] : memref<704x64xf32, #tpu.memory_space<vmem>> -> memref<35x64xf32, #tpu.memory_space<vmem>>
        %dma_wait3A_1290 = arith.constant 0 : i32
        %dma_wait3A_1291 = arith.constant 0 : i32
        %dma_wait3A_1292 = tpu.memref_slice %arg5[%sub3A_1225, %dma_wait3A_1286, %dma_wait3A_1290, %dma_wait3A_1291] : memref<1024x20x35x64xf32, #tpu.memory_space<hbm>> -> memref<1x1x35x64xf32, #tpu.memory_space<hbm>>
        %dma_wait3A_1293 = tpu.memref_squeeze %dma_wait3A_1292 : memref<1x1x35x64xf32, #tpu.memory_space<hbm>> -> memref<35x64xf32, #tpu.memory_space<hbm>>
        %dma_wait3A_1294 = arith.constant 0 : i32
        %dma_wait3A_1295 = arith.constant 0 : i32
        %dma_wait3A_1296 = tpu.memref_slice %arg5[%sub3A_1225, %dma_wait3A_1286, %dma_wait3A_1294, %dma_wait3A_1295] : memref<1024x20x35x64xf32, #tpu.memory_space<hbm>> -> memref<1x1x35x64xf32, #tpu.memory_space<hbm>>
        %dma_wait3A_1297 = tpu.memref_squeeze %dma_wait3A_1296 : memref<1x1x35x64xf32, #tpu.memory_space<hbm>> -> memref<35x64xf32, #tpu.memory_space<hbm>>
        %dma_wait3A_1298 = arith.constant 140 : i32
        %dma_wait3A_1299 = arith.constant 0 : i32
        %dma_wait3A_1300 = tpu.memref_slice %arg8[%dma_wait3A_1298, %dma_wait3A_1299] : memref<704x64xf32, #tpu.memory_space<vmem>> -> memref<35x64xf32, #tpu.memory_space<vmem>>
        tpu.wait_dma2 semaphore(%arg13 : memref<!tpu.dma_semaphore, #tpu.memory_space<semaphore_mem>>) src(%dma_wait3A_1300 : memref<35x64xf32, #tpu.memory_space<vmem>>) dst(%dma_wait3A_1297 : memref<35x64xf32, #tpu.memory_space<hbm>>)
        %dma_wait3A_1301 = arith.constant 5 : i32
        %dma_wait3A_1302 = arith.constant 175 : i32
        %dma_wait3A_1303 = arith.constant 0 : i32
        %dma_wait3A_1304 = tpu.memref_slice %arg8[%dma_wait3A_1302, %dma_wait3A_1303] : memref<704x64xf32, #tpu.memory_space<vmem>> -> memref<35x64xf32, #tpu.memory_space<vmem>>
        %dma_wait3A_1305 = arith.constant 0 : i32
        %dma_wait3A_1306 = arith.constant 0 : i32
        %dma_wait3A_1307 = tpu.memref_slice %arg5[%sub3A_1225, %dma_wait3A_1301, %dma_wait3A_1305, %dma_wait3A_1306] : memref<1024x20x35x64xf32, #tpu.memory_space<hbm>> -> memref<1x1x35x64xf32, #tpu.memory_space<hbm>>
        %dma_wait3A_1308 = tpu.memref_squeeze %dma_wait3A_1307 : memref<1x1x35x64xf32, #tpu.memory_space<hbm>> -> memref<35x64xf32, #tpu.memory_space<hbm>>
        %dma_wait3A_1309 = arith.constant 0 : i32
        %dma_wait3A_1310 = arith.constant 0 : i32
        %dma_wait3A_1311 = tpu.memref_slice %arg5[%sub3A_1225, %dma_wait3A_1301, %dma_wait3A_1309, %dma_wait3A_1310] : memref<1024x20x35x64xf32, #tpu.memory_space<hbm>> -> memref<1x1x35x64xf32, #tpu.memory_space<hbm>>
        %dma_wait3A_1312 = tpu.memref_squeeze %dma_wait3A_1311 : memref<1x1x35x64xf32, #tpu.memory_space<hbm>> -> memref<35x64xf32, #tpu.memory_space<hbm>>
        %dma_wait3A_1313 = arith.constant 175 : i32
        %dma_wait3A_1314 = arith.constant 0 : i32
        %dma_wait3A_1315 = tpu.memref_slice %arg8[%dma_wait3A_1313, %dma_wait3A_1314] : memref<704x64xf32, #tpu.memory_space<vmem>> -> memref<35x64xf32, #tpu.memory_space<vmem>>
        tpu.wait_dma2 semaphore(%arg13 : memref<!tpu.dma_semaphore, #tpu.memory_space<semaphore_mem>>) src(%dma_wait3A_1315 : memref<35x64xf32, #tpu.memory_space<vmem>>) dst(%dma_wait3A_1312 : memref<35x64xf32, #tpu.memory_space<hbm>>)
        %dma_wait3A_1316 = arith.constant 6 : i32
        %dma_wait3A_1317 = arith.constant 210 : i32
        %dma_wait3A_1318 = arith.constant 0 : i32
        %dma_wait3A_1319 = tpu.memref_slice %arg8[%dma_wait3A_1317, %dma_wait3A_1318] : memref<704x64xf32, #tpu.memory_space<vmem>> -> memref<35x64xf32, #tpu.memory_space<vmem>>
        %dma_wait3A_1320 = arith.constant 0 : i32
        %dma_wait3A_1321 = arith.constant 0 : i32
        %dma_wait3A_1322 = tpu.memref_slice %arg5[%sub3A_1225, %dma_wait3A_1316, %dma_wait3A_1320, %dma_wait3A_1321] : memref<1024x20x35x64xf32, #tpu.memory_space<hbm>> -> memref<1x1x35x64xf32, #tpu.memory_space<hbm>>
        %dma_wait3A_1323 = tpu.memref_squeeze %dma_wait3A_1322 : memref<1x1x35x64xf32, #tpu.memory_space<hbm>> -> memref<35x64xf32, #tpu.memory_space<hbm>>
        %dma_wait3A_1324 = arith.constant 0 : i32
        %dma_wait3A_1325 = arith.constant 0 : i32
        %dma_wait3A_1326 = tpu.memref_slice %arg5[%sub3A_1225, %dma_wait3A_1316, %dma_wait3A_1324, %dma_wait3A_1325] : memref<1024x20x35x64xf32, #tpu.memory_space<hbm>> -> memref<1x1x35x64xf32, #tpu.memory_space<hbm>>
        %dma_wait3A_1327 = tpu.memref_squeeze %dma_wait3A_1326 : memref<1x1x35x64xf32, #tpu.memory_space<hbm>> -> memref<35x64xf32, #tpu.memory_space<hbm>>
        %dma_wait3A_1328 = arith.constant 210 : i32
        %dma_wait3A_1329 = arith.constant 0 : i32
        %dma_wait3A_1330 = tpu.memref_slice %arg8[%dma_wait3A_1328, %dma_wait3A_1329] : memref<704x64xf32, #tpu.memory_space<vmem>> -> memref<35x64xf32, #tpu.memory_space<vmem>>
        tpu.wait_dma2 semaphore(%arg13 : memref<!tpu.dma_semaphore, #tpu.memory_space<semaphore_mem>>) src(%dma_wait3A_1330 : memref<35x64xf32, #tpu.memory_space<vmem>>) dst(%dma_wait3A_1327 : memref<35x64xf32, #tpu.memory_space<hbm>>)
        %dma_wait3A_1331 = arith.constant 7 : i32
        %dma_wait3A_1332 = arith.constant 245 : i32
        %dma_wait3A_1333 = arith.constant 0 : i32
        %dma_wait3A_1334 = tpu.memref_slice %arg8[%dma_wait3A_1332, %dma_wait3A_1333] : memref<704x64xf32, #tpu.memory_space<vmem>> -> memref<35x64xf32, #tpu.memory_space<vmem>>
        %dma_wait3A_1335 = arith.constant 0 : i32
        %dma_wait3A_1336 = arith.constant 0 : i32
        %dma_wait3A_1337 = tpu.memref_slice %arg5[%sub3A_1225, %dma_wait3A_1331, %dma_wait3A_1335, %dma_wait3A_1336] : memref<1024x20x35x64xf32, #tpu.memory_space<hbm>> -> memref<1x1x35x64xf32, #tpu.memory_space<hbm>>
        %dma_wait3A_1338 = tpu.memref_squeeze %dma_wait3A_1337 : memref<1x1x35x64xf32, #tpu.memory_space<hbm>> -> memref<35x64xf32, #tpu.memory_space<hbm>>
        %dma_wait3A_1339 = arith.constant 0 : i32
        %dma_wait3A_1340 = arith.constant 0 : i32
        %dma_wait3A_1341 = tpu.memref_slice %arg5[%sub3A_1225, %dma_wait3A_1331, %dma_wait3A_1339, %dma_wait3A_1340] : memref<1024x20x35x64xf32, #tpu.memory_space<hbm>> -> memref<1x1x35x64xf32, #tpu.memory_space<hbm>>
        %dma_wait3A_1342 = tpu.memref_squeeze %dma_wait3A_1341 : memref<1x1x35x64xf32, #tpu.memory_space<hbm>> -> memref<35x64xf32, #tpu.memory_space<hbm>>
        %dma_wait3A_1343 = arith.constant 245 : i32
        %dma_wait3A_1344 = arith.constant 0 : i32
        %dma_wait3A_1345 = tpu.memref_slice %arg8[%dma_wait3A_1343, %dma_wait3A_1344] : memref<704x64xf32, #tpu.memory_space<vmem>> -> memref<35x64xf32, #tpu.memory_space<vmem>>
        tpu.wait_dma2 semaphore(%arg13 : memref<!tpu.dma_semaphore, #tpu.memory_space<semaphore_mem>>) src(%dma_wait3A_1345 : memref<35x64xf32, #tpu.memory_space<vmem>>) dst(%dma_wait3A_1342 : memref<35x64xf32, #tpu.memory_space<hbm>>)
        %dma_wait3A_1346 = arith.constant 8 : i32
        %dma_wait3A_1347 = arith.constant 280 : i32
        %dma_wait3A_1348 = arith.constant 0 : i32
        %dma_wait3A_1349 = tpu.memref_slice %arg8[%dma_wait3A_1347, %dma_wait3A_1348] : memref<704x64xf32, #tpu.memory_space<vmem>> -> memref<35x64xf32, #tpu.memory_space<vmem>>
        %dma_wait3A_1350 = arith.constant 0 : i32
        %dma_wait3A_1351 = arith.constant 0 : i32
        %dma_wait3A_1352 = tpu.memref_slice %arg5[%sub3A_1225, %dma_wait3A_1346, %dma_wait3A_1350, %dma_wait3A_1351] : memref<1024x20x35x64xf32, #tpu.memory_space<hbm>> -> memref<1x1x35x64xf32, #tpu.memory_space<hbm>>
        %dma_wait3A_1353 = tpu.memref_squeeze %dma_wait3A_1352 : memref<1x1x35x64xf32, #tpu.memory_space<hbm>> -> memref<35x64xf32, #tpu.memory_space<hbm>>
        %dma_wait3A_1354 = arith.constant 0 : i32
        %dma_wait3A_1355 = arith.constant 0 : i32
        %dma_wait3A_1356 = tpu.memref_slice %arg5[%sub3A_1225, %dma_wait3A_1346, %dma_wait3A_1354, %dma_wait3A_1355] : memref<1024x20x35x64xf32, #tpu.memory_space<hbm>> -> memref<1x1x35x64xf32, #tpu.memory_space<hbm>>
        %dma_wait3A_1357 = tpu.memref_squeeze %dma_wait3A_1356 : memref<1x1x35x64xf32, #tpu.memory_space<hbm>> -> memref<35x64xf32, #tpu.memory_space<hbm>>
        %dma_wait3A_1358 = arith.constant 280 : i32
        %dma_wait3A_1359 = arith.constant 0 : i32
        %dma_wait3A_1360 = tpu.memref_slice %arg8[%dma_wait3A_1358, %dma_wait3A_1359] : memref<704x64xf32, #tpu.memory_space<vmem>> -> memref<35x64xf32, #tpu.memory_space<vmem>>
        tpu.wait_dma2 semaphore(%arg13 : memref<!tpu.dma_semaphore, #tpu.memory_space<semaphore_mem>>) src(%dma_wait3A_1360 : memref<35x64xf32, #tpu.memory_space<vmem>>) dst(%dma_wait3A_1357 : memref<35x64xf32, #tpu.memory_space<hbm>>)
        %dma_wait3A_1361 = arith.constant 9 : i32
        %dma_wait3A_1362 = arith.constant 315 : i32
        %dma_wait3A_1363 = arith.constant 0 : i32
        %dma_wait3A_1364 = tpu.memref_slice %arg8[%dma_wait3A_1362, %dma_wait3A_1363] : memref<704x64xf32, #tpu.memory_space<vmem>> -> memref<35x64xf32, #tpu.memory_space<vmem>>
        %dma_wait3A_1365 = arith.constant 0 : i32
        %dma_wait3A_1366 = arith.constant 0 : i32
        %dma_wait3A_1367 = tpu.memref_slice %arg5[%sub3A_1225, %dma_wait3A_1361, %dma_wait3A_1365, %dma_wait3A_1366] : memref<1024x20x35x64xf32, #tpu.memory_space<hbm>> -> memref<1x1x35x64xf32, #tpu.memory_space<hbm>>
        %dma_wait3A_1368 = tpu.memref_squeeze %dma_wait3A_1367 : memref<1x1x35x64xf32, #tpu.memory_space<hbm>> -> memref<35x64xf32, #tpu.memory_space<hbm>>
        %dma_wait3A_1369 = arith.constant 0 : i32
        %dma_wait3A_1370 = arith.constant 0 : i32
        %dma_wait3A_1371 = tpu.memref_slice %arg5[%sub3A_1225, %dma_wait3A_1361, %dma_wait3A_1369, %dma_wait3A_1370] : memref<1024x20x35x64xf32, #tpu.memory_space<hbm>> -> memref<1x1x35x64xf32, #tpu.memory_space<hbm>>
        %dma_wait3A_1372 = tpu.memref_squeeze %dma_wait3A_1371 : memref<1x1x35x64xf32, #tpu.memory_space<hbm>> -> memref<35x64xf32, #tpu.memory_space<hbm>>
        %dma_wait3A_1373 = arith.constant 315 : i32
        %dma_wait3A_1374 = arith.constant 0 : i32
        %dma_wait3A_1375 = tpu.memref_slice %arg8[%dma_wait3A_1373, %dma_wait3A_1374] : memref<704x64xf32, #tpu.memory_space<vmem>> -> memref<35x64xf32, #tpu.memory_space<vmem>>
        tpu.wait_dma2 semaphore(%arg13 : memref<!tpu.dma_semaphore, #tpu.memory_space<semaphore_mem>>) src(%dma_wait3A_1375 : memref<35x64xf32, #tpu.memory_space<vmem>>) dst(%dma_wait3A_1372 : memref<35x64xf32, #tpu.memory_space<hbm>>)
        %dma_wait3A_1376 = arith.constant 10 : i32
        %dma_wait3A_1377 = arith.constant 350 : i32
        %dma_wait3A_1378 = arith.constant 0 : i32
        %dma_wait3A_1379 = tpu.memref_slice %arg8[%dma_wait3A_1377, %dma_wait3A_1378] : memref<704x64xf32, #tpu.memory_space<vmem>> -> memref<35x64xf32, #tpu.memory_space<vmem>>
        %dma_wait3A_1380 = arith.constant 0 : i32
        %dma_wait3A_1381 = arith.constant 0 : i32
        %dma_wait3A_1382 = tpu.memref_slice %arg5[%sub3A_1225, %dma_wait3A_1376, %dma_wait3A_1380, %dma_wait3A_1381] : memref<1024x20x35x64xf32, #tpu.memory_space<hbm>> -> memref<1x1x35x64xf32, #tpu.memory_space<hbm>>
        %dma_wait3A_1383 = tpu.memref_squeeze %dma_wait3A_1382 : memref<1x1x35x64xf32, #tpu.memory_space<hbm>> -> memref<35x64xf32, #tpu.memory_space<hbm>>
        %dma_wait3A_1384 = arith.constant 0 : i32
        %dma_wait3A_1385 = arith.constant 0 : i32
        %dma_wait3A_1386 = tpu.memref_slice %arg5[%sub3A_1225, %dma_wait3A_1376, %dma_wait3A_1384, %dma_wait3A_1385] : memref<1024x20x35x64xf32, #tpu.memory_space<hbm>> -> memref<1x1x35x64xf32, #tpu.memory_space<hbm>>
        %dma_wait3A_1387 = tpu.memref_squeeze %dma_wait3A_1386 : memref<1x1x35x64xf32, #tpu.memory_space<hbm>> -> memref<35x64xf32, #tpu.memory_space<hbm>>
        %dma_wait3A_1388 = arith.constant 350 : i32
        %dma_wait3A_1389 = arith.constant 0 : i32
        %dma_wait3A_1390 = tpu.memref_slice %arg8[%dma_wait3A_1388, %dma_wait3A_1389] : memref<704x64xf32, #tpu.memory_space<vmem>> -> memref<35x64xf32, #tpu.memory_space<vmem>>
        tpu.wait_dma2 semaphore(%arg13 : memref<!tpu.dma_semaphore, #tpu.memory_space<semaphore_mem>>) src(%dma_wait3A_1390 : memref<35x64xf32, #tpu.memory_space<vmem>>) dst(%dma_wait3A_1387 : memref<35x64xf32, #tpu.memory_space<hbm>>)
        %dma_wait3A_1391 = arith.constant 11 : i32
        %dma_wait3A_1392 = arith.constant 385 : i32
        %dma_wait3A_1393 = arith.constant 0 : i32
        %dma_wait3A_1394 = tpu.memref_slice %arg8[%dma_wait3A_1392, %dma_wait3A_1393] : memref<704x64xf32, #tpu.memory_space<vmem>> -> memref<35x64xf32, #tpu.memory_space<vmem>>
        %dma_wait3A_1395 = arith.constant 0 : i32
        %dma_wait3A_1396 = arith.constant 0 : i32
        %dma_wait3A_1397 = tpu.memref_slice %arg5[%sub3A_1225, %dma_wait3A_1391, %dma_wait3A_1395, %dma_wait3A_1396] : memref<1024x20x35x64xf32, #tpu.memory_space<hbm>> -> memref<1x1x35x64xf32, #tpu.memory_space<hbm>>
        %dma_wait3A_1398 = tpu.memref_squeeze %dma_wait3A_1397 : memref<1x1x35x64xf32, #tpu.memory_space<hbm>> -> memref<35x64xf32, #tpu.memory_space<hbm>>
        %dma_wait3A_1399 = arith.constant 0 : i32
        %dma_wait3A_1400 = arith.constant 0 : i32
        %dma_wait3A_1401 = tpu.memref_slice %arg5[%sub3A_1225, %dma_wait3A_1391, %dma_wait3A_1399, %dma_wait3A_1400] : memref<1024x20x35x64xf32, #tpu.memory_space<hbm>> -> memref<1x1x35x64xf32, #tpu.memory_space<hbm>>
        %dma_wait3A_1402 = tpu.memref_squeeze %dma_wait3A_1401 : memref<1x1x35x64xf32, #tpu.memory_space<hbm>> -> memref<35x64xf32, #tpu.memory_space<hbm>>
        %dma_wait3A_1403 = arith.constant 385 : i32
        %dma_wait3A_1404 = arith.constant 0 : i32
        %dma_wait3A_1405 = tpu.memref_slice %arg8[%dma_wait3A_1403, %dma_wait3A_1404] : memref<704x64xf32, #tpu.memory_space<vmem>> -> memref<35x64xf32, #tpu.memory_space<vmem>>
        tpu.wait_dma2 semaphore(%arg13 : memref<!tpu.dma_semaphore, #tpu.memory_space<semaphore_mem>>) src(%dma_wait3A_1405 : memref<35x64xf32, #tpu.memory_space<vmem>>) dst(%dma_wait3A_1402 : memref<35x64xf32, #tpu.memory_space<hbm>>)
        %dma_wait3A_1406 = arith.constant 12 : i32
        %dma_wait3A_1407 = arith.constant 420 : i32
        %dma_wait3A_1408 = arith.constant 0 : i32
        %dma_wait3A_1409 = tpu.memref_slice %arg8[%dma_wait3A_1407, %dma_wait3A_1408] : memref<704x64xf32, #tpu.memory_space<vmem>> -> memref<35x64xf32, #tpu.memory_space<vmem>>
        %dma_wait3A_1410 = arith.constant 0 : i32
        %dma_wait3A_1411 = arith.constant 0 : i32
        %dma_wait3A_1412 = tpu.memref_slice %arg5[%sub3A_1225, %dma_wait3A_1406, %dma_wait3A_1410, %dma_wait3A_1411] : memref<1024x20x35x64xf32, #tpu.memory_space<hbm>> -> memref<1x1x35x64xf32, #tpu.memory_space<hbm>>
        %dma_wait3A_1413 = tpu.memref_squeeze %dma_wait3A_1412 : memref<1x1x35x64xf32, #tpu.memory_space<hbm>> -> memref<35x64xf32, #tpu.memory_space<hbm>>
        %dma_wait3A_1414 = arith.constant 0 : i32
        %dma_wait3A_1415 = arith.constant 0 : i32
        %dma_wait3A_1416 = tpu.memref_slice %arg5[%sub3A_1225, %dma_wait3A_1406, %dma_wait3A_1414, %dma_wait3A_1415] : memref<1024x20x35x64xf32, #tpu.memory_space<hbm>> -> memref<1x1x35x64xf32, #tpu.memory_space<hbm>>
        %dma_wait3A_1417 = tpu.memref_squeeze %dma_wait3A_1416 : memref<1x1x35x64xf32, #tpu.memory_space<hbm>> -> memref<35x64xf32, #tpu.memory_space<hbm>>
        %dma_wait3A_1418 = arith.constant 420 : i32
        %dma_wait3A_1419 = arith.constant 0 : i32
        %dma_wait3A_1420 = tpu.memref_slice %arg8[%dma_wait3A_1418, %dma_wait3A_1419] : memref<704x64xf32, #tpu.memory_space<vmem>> -> memref<35x64xf32, #tpu.memory_space<vmem>>
        tpu.wait_dma2 semaphore(%arg13 : memref<!tpu.dma_semaphore, #tpu.memory_space<semaphore_mem>>) src(%dma_wait3A_1420 : memref<35x64xf32, #tpu.memory_space<vmem>>) dst(%dma_wait3A_1417 : memref<35x64xf32, #tpu.memory_space<hbm>>)
        %dma_wait3A_1421 = arith.constant 13 : i32
        %dma_wait3A_1422 = arith.constant 455 : i32
        %dma_wait3A_1423 = arith.constant 0 : i32
        %dma_wait3A_1424 = tpu.memref_slice %arg8[%dma_wait3A_1422, %dma_wait3A_1423] : memref<704x64xf32, #tpu.memory_space<vmem>> -> memref<35x64xf32, #tpu.memory_space<vmem>>
        %dma_wait3A_1425 = arith.constant 0 : i32
        %dma_wait3A_1426 = arith.constant 0 : i32
        %dma_wait3A_1427 = tpu.memref_slice %arg5[%sub3A_1225, %dma_wait3A_1421, %dma_wait3A_1425, %dma_wait3A_1426] : memref<1024x20x35x64xf32, #tpu.memory_space<hbm>> -> memref<1x1x35x64xf32, #tpu.memory_space<hbm>>
        %dma_wait3A_1428 = tpu.memref_squeeze %dma_wait3A_1427 : memref<1x1x35x64xf32, #tpu.memory_space<hbm>> -> memref<35x64xf32, #tpu.memory_space<hbm>>
        %dma_wait3A_1429 = arith.constant 0 : i32
        %dma_wait3A_1430 = arith.constant 0 : i32
        %dma_wait3A_1431 = tpu.memref_slice %arg5[%sub3A_1225, %dma_wait3A_1421, %dma_wait3A_1429, %dma_wait3A_1430] : memref<1024x20x35x64xf32, #tpu.memory_space<hbm>> -> memref<1x1x35x64xf32, #tpu.memory_space<hbm>>
        %dma_wait3A_1432 = tpu.memref_squeeze %dma_wait3A_1431 : memref<1x1x35x64xf32, #tpu.memory_space<hbm>> -> memref<35x64xf32, #tpu.memory_space<hbm>>
        %dma_wait3A_1433 = arith.constant 455 : i32
        %dma_wait3A_1434 = arith.constant 0 : i32
        %dma_wait3A_1435 = tpu.memref_slice %arg8[%dma_wait3A_1433, %dma_wait3A_1434] : memref<704x64xf32, #tpu.memory_space<vmem>> -> memref<35x64xf32, #tpu.memory_space<vmem>>
        tpu.wait_dma2 semaphore(%arg13 : memref<!tpu.dma_semaphore, #tpu.memory_space<semaphore_mem>>) src(%dma_wait3A_1435 : memref<35x64xf32, #tpu.memory_space<vmem>>) dst(%dma_wait3A_1432 : memref<35x64xf32, #tpu.memory_space<hbm>>)
        %dma_wait3A_1436 = arith.constant 14 : i32
        %dma_wait3A_1437 = arith.constant 490 : i32
        %dma_wait3A_1438 = arith.constant 0 : i32
        %dma_wait3A_1439 = tpu.memref_slice %arg8[%dma_wait3A_1437, %dma_wait3A_1438] : memref<704x64xf32, #tpu.memory_space<vmem>> -> memref<35x64xf32, #tpu.memory_space<vmem>>
        %dma_wait3A_1440 = arith.constant 0 : i32
        %dma_wait3A_1441 = arith.constant 0 : i32
        %dma_wait3A_1442 = tpu.memref_slice %arg5[%sub3A_1225, %dma_wait3A_1436, %dma_wait3A_1440, %dma_wait3A_1441] : memref<1024x20x35x64xf32, #tpu.memory_space<hbm>> -> memref<1x1x35x64xf32, #tpu.memory_space<hbm>>
        %dma_wait3A_1443 = tpu.memref_squeeze %dma_wait3A_1442 : memref<1x1x35x64xf32, #tpu.memory_space<hbm>> -> memref<35x64xf32, #tpu.memory_space<hbm>>
        %dma_wait3A_1444 = arith.constant 0 : i32
        %dma_wait3A_1445 = arith.constant 0 : i32
        %dma_wait3A_1446 = tpu.memref_slice %arg5[%sub3A_1225, %dma_wait3A_1436, %dma_wait3A_1444, %dma_wait3A_1445] : memref<1024x20x35x64xf32, #tpu.memory_space<hbm>> -> memref<1x1x35x64xf32, #tpu.memory_space<hbm>>
        %dma_wait3A_1447 = tpu.memref_squeeze %dma_wait3A_1446 : memref<1x1x35x64xf32, #tpu.memory_space<hbm>> -> memref<35x64xf32, #tpu.memory_space<hbm>>
        %dma_wait3A_1448 = arith.constant 490 : i32
        %dma_wait3A_1449 = arith.constant 0 : i32
        %dma_wait3A_1450 = tpu.memref_slice %arg8[%dma_wait3A_1448, %dma_wait3A_1449] : memref<704x64xf32, #tpu.memory_space<vmem>> -> memref<35x64xf32, #tpu.memory_space<vmem>>
        tpu.wait_dma2 semaphore(%arg13 : memref<!tpu.dma_semaphore, #tpu.memory_space<semaphore_mem>>) src(%dma_wait3A_1450 : memref<35x64xf32, #tpu.memory_space<vmem>>) dst(%dma_wait3A_1447 : memref<35x64xf32, #tpu.memory_space<hbm>>)
        %dma_wait3A_1451 = arith.constant 15 : i32
        %dma_wait3A_1452 = arith.constant 525 : i32
        %dma_wait3A_1453 = arith.constant 0 : i32
        %dma_wait3A_1454 = tpu.memref_slice %arg8[%dma_wait3A_1452, %dma_wait3A_1453] : memref<704x64xf32, #tpu.memory_space<vmem>> -> memref<35x64xf32, #tpu.memory_space<vmem>>
        %dma_wait3A_1455 = arith.constant 0 : i32
        %dma_wait3A_1456 = arith.constant 0 : i32
        %dma_wait3A_1457 = tpu.memref_slice %arg5[%sub3A_1225, %dma_wait3A_1451, %dma_wait3A_1455, %dma_wait3A_1456] : memref<1024x20x35x64xf32, #tpu.memory_space<hbm>> -> memref<1x1x35x64xf32, #tpu.memory_space<hbm>>
        %dma_wait3A_1458 = tpu.memref_squeeze %dma_wait3A_1457 : memref<1x1x35x64xf32, #tpu.memory_space<hbm>> -> memref<35x64xf32, #tpu.memory_space<hbm>>
        %dma_wait3A_1459 = arith.constant 0 : i32
        %dma_wait3A_1460 = arith.constant 0 : i32
        %dma_wait3A_1461 = tpu.memref_slice %arg5[%sub3A_1225, %dma_wait3A_1451, %dma_wait3A_1459, %dma_wait3A_1460] : memref<1024x20x35x64xf32, #tpu.memory_space<hbm>> -> memref<1x1x35x64xf32, #tpu.memory_space<hbm>>
        %dma_wait3A_1462 = tpu.memref_squeeze %dma_wait3A_1461 : memref<1x1x35x64xf32, #tpu.memory_space<hbm>> -> memref<35x64xf32, #tpu.memory_space<hbm>>
        %dma_wait3A_1463 = arith.constant 525 : i32
        %dma_wait3A_1464 = arith.constant 0 : i32
        %dma_wait3A_1465 = tpu.memref_slice %arg8[%dma_wait3A_1463, %dma_wait3A_1464] : memref<704x64xf32, #tpu.memory_space<vmem>> -> memref<35x64xf32, #tpu.memory_space<vmem>>
        tpu.wait_dma2 semaphore(%arg13 : memref<!tpu.dma_semaphore, #tpu.memory_space<semaphore_mem>>) src(%dma_wait3A_1465 : memref<35x64xf32, #tpu.memory_space<vmem>>) dst(%dma_wait3A_1462 : memref<35x64xf32, #tpu.memory_space<hbm>>)
        %dma_wait3A_1466 = arith.constant 16 : i32
        %dma_wait3A_1467 = arith.constant 560 : i32
        %dma_wait3A_1468 = arith.constant 0 : i32
        %dma_wait3A_1469 = tpu.memref_slice %arg8[%dma_wait3A_1467, %dma_wait3A_1468] : memref<704x64xf32, #tpu.memory_space<vmem>> -> memref<35x64xf32, #tpu.memory_space<vmem>>
        %dma_wait3A_1470 = arith.constant 0 : i32
        %dma_wait3A_1471 = arith.constant 0 : i32
        %dma_wait3A_1472 = tpu.memref_slice %arg5[%sub3A_1225, %dma_wait3A_1466, %dma_wait3A_1470, %dma_wait3A_1471] : memref<1024x20x35x64xf32, #tpu.memory_space<hbm>> -> memref<1x1x35x64xf32, #tpu.memory_space<hbm>>
        %dma_wait3A_1473 = tpu.memref_squeeze %dma_wait3A_1472 : memref<1x1x35x64xf32, #tpu.memory_space<hbm>> -> memref<35x64xf32, #tpu.memory_space<hbm>>
        %dma_wait3A_1474 = arith.constant 0 : i32
        %dma_wait3A_1475 = arith.constant 0 : i32
        %dma_wait3A_1476 = tpu.memref_slice %arg5[%sub3A_1225, %dma_wait3A_1466, %dma_wait3A_1474, %dma_wait3A_1475] : memref<1024x20x35x64xf32, #tpu.memory_space<hbm>> -> memref<1x1x35x64xf32, #tpu.memory_space<hbm>>
        %dma_wait3A_1477 = tpu.memref_squeeze %dma_wait3A_1476 : memref<1x1x35x64xf32, #tpu.memory_space<hbm>> -> memref<35x64xf32, #tpu.memory_space<hbm>>
        %dma_wait3A_1478 = arith.constant 560 : i32
        %dma_wait3A_1479 = arith.constant 0 : i32
        %dma_wait3A_1480 = tpu.memref_slice %arg8[%dma_wait3A_1478, %dma_wait3A_1479] : memref<704x64xf32, #tpu.memory_space<vmem>> -> memref<35x64xf32, #tpu.memory_space<vmem>>
        tpu.wait_dma2 semaphore(%arg13 : memref<!tpu.dma_semaphore, #tpu.memory_space<semaphore_mem>>) src(%dma_wait3A_1480 : memref<35x64xf32, #tpu.memory_space<vmem>>) dst(%dma_wait3A_1477 : memref<35x64xf32, #tpu.memory_space<hbm>>)
        %dma_wait3A_1481 = arith.constant 17 : i32
        %dma_wait3A_1482 = arith.constant 595 : i32
        %dma_wait3A_1483 = arith.constant 0 : i32
        %dma_wait3A_1484 = tpu.memref_slice %arg8[%dma_wait3A_1482, %dma_wait3A_1483] : memref<704x64xf32, #tpu.memory_space<vmem>> -> memref<35x64xf32, #tpu.memory_space<vmem>>
        %dma_wait3A_1485 = arith.constant 0 : i32
        %dma_wait3A_1486 = arith.constant 0 : i32
        %dma_wait3A_1487 = tpu.memref_slice %arg5[%sub3A_1225, %dma_wait3A_1481, %dma_wait3A_1485, %dma_wait3A_1486] : memref<1024x20x35x64xf32, #tpu.memory_space<hbm>> -> memref<1x1x35x64xf32, #tpu.memory_space<hbm>>
        %dma_wait3A_1488 = tpu.memref_squeeze %dma_wait3A_1487 : memref<1x1x35x64xf32, #tpu.memory_space<hbm>> -> memref<35x64xf32, #tpu.memory_space<hbm>>
        %dma_wait3A_1489 = arith.constant 0 : i32
        %dma_wait3A_1490 = arith.constant 0 : i32
        %dma_wait3A_1491 = tpu.memref_slice %arg5[%sub3A_1225, %dma_wait3A_1481, %dma_wait3A_1489, %dma_wait3A_1490] : memref<1024x20x35x64xf32, #tpu.memory_space<hbm>> -> memref<1x1x35x64xf32, #tpu.memory_space<hbm>>
        %dma_wait3A_1492 = tpu.memref_squeeze %dma_wait3A_1491 : memref<1x1x35x64xf32, #tpu.memory_space<hbm>> -> memref<35x64xf32, #tpu.memory_space<hbm>>
        %dma_wait3A_1493 = arith.constant 595 : i32
        %dma_wait3A_1494 = arith.constant 0 : i32
        %dma_wait3A_1495 = tpu.memref_slice %arg8[%dma_wait3A_1493, %dma_wait3A_1494] : memref<704x64xf32, #tpu.memory_space<vmem>> -> memref<35x64xf32, #tpu.memory_space<vmem>>
        tpu.wait_dma2 semaphore(%arg13 : memref<!tpu.dma_semaphore, #tpu.memory_space<semaphore_mem>>) src(%dma_wait3A_1495 : memref<35x64xf32, #tpu.memory_space<vmem>>) dst(%dma_wait3A_1492 : memref<35x64xf32, #tpu.memory_space<hbm>>)
        %dma_wait3A_1496 = arith.constant 18 : i32
        %dma_wait3A_1497 = arith.constant 630 : i32
        %dma_wait3A_1498 = arith.constant 0 : i32
        %dma_wait3A_1499 = tpu.memref_slice %arg8[%dma_wait3A_1497, %dma_wait3A_1498] : memref<704x64xf32, #tpu.memory_space<vmem>> -> memref<35x64xf32, #tpu.memory_space<vmem>>
        %dma_wait3A_1500 = arith.constant 0 : i32
        %dma_wait3A_1501 = arith.constant 0 : i32
        %dma_wait3A_1502 = tpu.memref_slice %arg5[%sub3A_1225, %dma_wait3A_1496, %dma_wait3A_1500, %dma_wait3A_1501] : memref<1024x20x35x64xf32, #tpu.memory_space<hbm>> -> memref<1x1x35x64xf32, #tpu.memory_space<hbm>>
        %dma_wait3A_1503 = tpu.memref_squeeze %dma_wait3A_1502 : memref<1x1x35x64xf32, #tpu.memory_space<hbm>> -> memref<35x64xf32, #tpu.memory_space<hbm>>
        %dma_wait3A_1504 = arith.constant 0 : i32
        %dma_wait3A_1505 = arith.constant 0 : i32
        %dma_wait3A_1506 = tpu.memref_slice %arg5[%sub3A_1225, %dma_wait3A_1496, %dma_wait3A_1504, %dma_wait3A_1505] : memref<1024x20x35x64xf32, #tpu.memory_space<hbm>> -> memref<1x1x35x64xf32, #tpu.memory_space<hbm>>
        %dma_wait3A_1507 = tpu.memref_squeeze %dma_wait3A_1506 : memref<1x1x35x64xf32, #tpu.memory_space<hbm>> -> memref<35x64xf32, #tpu.memory_space<hbm>>
        %dma_wait3A_1508 = arith.constant 630 : i32
        %dma_wait3A_1509 = arith.constant 0 : i32
        %dma_wait3A_1510 = tpu.memref_slice %arg8[%dma_wait3A_1508, %dma_wait3A_1509] : memref<704x64xf32, #tpu.memory_space<vmem>> -> memref<35x64xf32, #tpu.memory_space<vmem>>
        tpu.wait_dma2 semaphore(%arg13 : memref<!tpu.dma_semaphore, #tpu.memory_space<semaphore_mem>>) src(%dma_wait3A_1510 : memref<35x64xf32, #tpu.memory_space<vmem>>) dst(%dma_wait3A_1507 : memref<35x64xf32, #tpu.memory_space<hbm>>)
        %dma_wait3A_1511 = arith.constant 19 : i32
        %dma_wait3A_1512 = arith.constant 665 : i32
        %dma_wait3A_1513 = arith.constant 0 : i32
        %dma_wait3A_1514 = tpu.memref_slice %arg8[%dma_wait3A_1512, %dma_wait3A_1513] : memref<704x64xf32, #tpu.memory_space<vmem>> -> memref<35x64xf32, #tpu.memory_space<vmem>>
        %dma_wait3A_1515 = arith.constant 0 : i32
        %dma_wait3A_1516 = arith.constant 0 : i32
        %dma_wait3A_1517 = tpu.memref_slice %arg5[%sub3A_1225, %dma_wait3A_1511, %dma_wait3A_1515, %dma_wait3A_1516] : memref<1024x20x35x64xf32, #tpu.memory_space<hbm>> -> memref<1x1x35x64xf32, #tpu.memory_space<hbm>>
        %dma_wait3A_1518 = tpu.memref_squeeze %dma_wait3A_1517 : memref<1x1x35x64xf32, #tpu.memory_space<hbm>> -> memref<35x64xf32, #tpu.memory_space<hbm>>
        %dma_wait3A_1519 = arith.constant 0 : i32
        %dma_wait3A_1520 = arith.constant 0 : i32
        %dma_wait3A_1521 = tpu.memref_slice %arg5[%sub3A_1225, %dma_wait3A_1511, %dma_wait3A_1519, %dma_wait3A_1520] : memref<1024x20x35x64xf32, #tpu.memory_space<hbm>> -> memref<1x1x35x64xf32, #tpu.memory_space<hbm>>
        %dma_wait3A_1522 = tpu.memref_squeeze %dma_wait3A_1521 : memref<1x1x35x64xf32, #tpu.memory_space<hbm>> -> memref<35x64xf32, #tpu.memory_space<hbm>>
        %dma_wait3A_1523 = arith.constant 665 : i32
        %dma_wait3A_1524 = arith.constant 0 : i32
        %dma_wait3A_1525 = tpu.memref_slice %arg8[%dma_wait3A_1523, %dma_wait3A_1524] : memref<704x64xf32, #tpu.memory_space<vmem>> -> memref<35x64xf32, #tpu.memory_space<vmem>>
        tpu.wait_dma2 semaphore(%arg13 : memref<!tpu.dma_semaphore, #tpu.memory_space<semaphore_mem>>) src(%dma_wait3A_1525 : memref<35x64xf32, #tpu.memory_space<vmem>>) dst(%dma_wait3A_1522 : memref<35x64xf32, #tpu.memory_space<hbm>>)
      } else {
      }
      %add3A_846 = arith.constant 1 : i32
      %add3A_847 = arith.addi %add3A_791, %add3A_846 : i32
      %lt3A_848 = arith.constant 32 : i32
      %lt3A_849 = arith.cmpi slt, %add3A_847, %lt3A_848 : i32
      %convert_element_type3A_850 = arith.extui %lt3A_849 : i1 to i32
      %cond3A_851 = arith.constant 0 : i32
      %cond3A_852 = arith.cmpi ne, %convert_element_type3A_850, %cond3A_851 : i32
      scf.if %cond3A_852 {
        %add3A_1224 = arith.constant 1 : i32
        %add3A_1225 = arith.addi %add3A_792, %add3A_1224 : i32
        %mul3A_1226 = arith.constant 704 : i32
        %mul3A_1227 = arith.muli %add3A_1225, %mul3A_1226 : i32
        "tpu.region"() ({
          %run_scoped3A = tpu.sem_alloc : memref<!tpu.dma_semaphore, #tpu.memory_space<semaphore_mem>>
          %dma_start3A_1276 = tpu.memref_slice %arg2[%mul3A_1227] : memref<720896xi32, #tpu.memory_space<hbm>> -> memref<704xi32, #tpu.memory_space<hbm>>
          %dma_start3A_1277 = tpu.memref_slice %arg2[%mul3A_1227] : memref<720896xi32, #tpu.memory_space<hbm>> -> memref<704xi32, #tpu.memory_space<hbm>>
          tpu.enqueue_dma source(%dma_start3A_1277 : memref<704xi32, #tpu.memory_space<hbm>>) target(%arg6 : memref<704xi32, #tpu.memory_space<vmem>>) target_semaphore(%run_scoped3A : memref<!tpu.dma_semaphore, #tpu.memory_space<semaphore_mem>>)
          %dma_wait3A_1278 = tpu.memref_slice %arg2[%mul3A_1227] : memref<720896xi32, #tpu.memory_space<hbm>> -> memref<704xi32, #tpu.memory_space<hbm>>
          %dma_wait3A_1279 = tpu.memref_slice %arg2[%mul3A_1227] : memref<720896xi32, #tpu.memory_space<hbm>> -> memref<704xi32, #tpu.memory_space<hbm>>
          tpu.wait_dma2 semaphore(%run_scoped3A : memref<!tpu.dma_semaphore, #tpu.memory_space<semaphore_mem>>) src(%dma_wait3A_1279 : memref<704xi32, #tpu.memory_space<hbm>>) dst(%arg6 : memref<704xi32, #tpu.memory_space<vmem>>)
          tpu.yield
        }) : () -> ()
        %dma_start3A_1228 = arith.constant 0 : i32
        %dma_start3A_1229 = arith.constant 0 : i32
        %dma_start3A_1230 = tpu.memref_slice %arg8[%dma_start3A_1228, %dma_start3A_1229] : memref<704x64xf32, #tpu.memory_space<vmem>> -> memref<128x64xf32, #tpu.memory_space<vmem>>
        %dma_start3A_1231 = arith.constant 0 : i32
        %dma_start3A_1232 = tpu.memref_slice %arg6[%dma_start3A_1231] : memref<704xi32, #tpu.memory_space<vmem>> -> memref<128xi32, #tpu.memory_space<vmem>>
        %dma_start3A_1233 = arith.constant 0 : i32
        %dma_start3A_1234 = arith.constant 0 : i32
        %dma_start3A_1235 = tpu.memref_slice %arg3[%dma_start3A_1233, %dma_start3A_1234] : memref<200000x64xf32, #tpu.memory_space<hbm>> -> memref<200000x64xf32, #tpu.memory_space<hbm>>
        tpu.enqueue_indirect_dma source(%dma_start3A_1235 : memref<200000x64xf32, #tpu.memory_space<hbm>>) target(%dma_start3A_1230 : memref<128x64xf32, #tpu.memory_space<vmem>>) offsets(%dma_start3A_1232 : memref<128xi32, #tpu.memory_space<vmem>>) semaphore(%arg11 : memref<!tpu.dma_semaphore, #tpu.memory_space<semaphore_mem>>)
        %dma_start3A_1236 = arith.constant 128 : i32
        %dma_start3A_1237 = arith.constant 0 : i32
        %dma_start3A_1238 = tpu.memref_slice %arg8[%dma_start3A_1236, %dma_start3A_1237] : memref<704x64xf32, #tpu.memory_space<vmem>> -> memref<128x64xf32, #tpu.memory_space<vmem>>
        %dma_start3A_1239 = arith.constant 128 : i32
        %dma_start3A_1240 = tpu.memref_slice %arg6[%dma_start3A_1239] : memref<704xi32, #tpu.memory_space<vmem>> -> memref<128xi32, #tpu.memory_space<vmem>>
        %dma_start3A_1241 = arith.constant 0 : i32
        %dma_start3A_1242 = arith.constant 0 : i32
        %dma_start3A_1243 = tpu.memref_slice %arg3[%dma_start3A_1241, %dma_start3A_1242] : memref<200000x64xf32, #tpu.memory_space<hbm>> -> memref<200000x64xf32, #tpu.memory_space<hbm>>
        tpu.enqueue_indirect_dma source(%dma_start3A_1243 : memref<200000x64xf32, #tpu.memory_space<hbm>>) target(%dma_start3A_1238 : memref<128x64xf32, #tpu.memory_space<vmem>>) offsets(%dma_start3A_1240 : memref<128xi32, #tpu.memory_space<vmem>>) semaphore(%arg11 : memref<!tpu.dma_semaphore, #tpu.memory_space<semaphore_mem>>)
        %dma_start3A_1244 = arith.constant 256 : i32
        %dma_start3A_1245 = arith.constant 0 : i32
        %dma_start3A_1246 = tpu.memref_slice %arg8[%dma_start3A_1244, %dma_start3A_1245] : memref<704x64xf32, #tpu.memory_space<vmem>> -> memref<128x64xf32, #tpu.memory_space<vmem>>
        %dma_start3A_1247 = arith.constant 256 : i32
        %dma_start3A_1248 = tpu.memref_slice %arg6[%dma_start3A_1247] : memref<704xi32, #tpu.memory_space<vmem>> -> memref<128xi32, #tpu.memory_space<vmem>>
        %dma_start3A_1249 = arith.constant 0 : i32
        %dma_start3A_1250 = arith.constant 0 : i32
        %dma_start3A_1251 = tpu.memref_slice %arg3[%dma_start3A_1249, %dma_start3A_1250] : memref<200000x64xf32, #tpu.memory_space<hbm>> -> memref<200000x64xf32, #tpu.memory_space<hbm>>
        tpu.enqueue_indirect_dma source(%dma_start3A_1251 : memref<200000x64xf32, #tpu.memory_space<hbm>>) target(%dma_start3A_1246 : memref<128x64xf32, #tpu.memory_space<vmem>>) offsets(%dma_start3A_1248 : memref<128xi32, #tpu.memory_space<vmem>>) semaphore(%arg11 : memref<!tpu.dma_semaphore, #tpu.memory_space<semaphore_mem>>)
        %dma_start3A_1252 = arith.constant 384 : i32
        %dma_start3A_1253 = arith.constant 0 : i32
        %dma_start3A_1254 = tpu.memref_slice %arg8[%dma_start3A_1252, %dma_start3A_1253] : memref<704x64xf32, #tpu.memory_space<vmem>> -> memref<128x64xf32, #tpu.memory_space<vmem>>
        %dma_start3A_1255 = arith.constant 384 : i32
        %dma_start3A_1256 = tpu.memref_slice %arg6[%dma_start3A_1255] : memref<704xi32, #tpu.memory_space<vmem>> -> memref<128xi32, #tpu.memory_space<vmem>>
        %dma_start3A_1257 = arith.constant 0 : i32
        %dma_start3A_1258 = arith.constant 0 : i32
        %dma_start3A_1259 = tpu.memref_slice %arg3[%dma_start3A_1257, %dma_start3A_1258] : memref<200000x64xf32, #tpu.memory_space<hbm>> -> memref<200000x64xf32, #tpu.memory_space<hbm>>
        tpu.enqueue_indirect_dma source(%dma_start3A_1259 : memref<200000x64xf32, #tpu.memory_space<hbm>>) target(%dma_start3A_1254 : memref<128x64xf32, #tpu.memory_space<vmem>>) offsets(%dma_start3A_1256 : memref<128xi32, #tpu.memory_space<vmem>>) semaphore(%arg11 : memref<!tpu.dma_semaphore, #tpu.memory_space<semaphore_mem>>)
        %dma_start3A_1260 = arith.constant 512 : i32
        %dma_start3A_1261 = arith.constant 0 : i32
        %dma_start3A_1262 = tpu.memref_slice %arg8[%dma_start3A_1260, %dma_start3A_1261] : memref<704x64xf32, #tpu.memory_space<vmem>> -> memref<128x64xf32, #tpu.memory_space<vmem>>
        %dma_start3A_1263 = arith.constant 512 : i32
        %dma_start3A_1264 = tpu.memref_slice %arg6[%dma_start3A_1263] : memref<704xi32, #tpu.memory_space<vmem>> -> memref<128xi32, #tpu.memory_space<vmem>>
        %dma_start3A_1265 = arith.constant 0 : i32
        %dma_start3A_1266 = arith.constant 0 : i32
        %dma_start3A_1267 = tpu.memref_slice %arg3[%dma_start3A_1265, %dma_start3A_1266] : memref<200000x64xf32, #tpu.memory_space<hbm>> -> memref<200000x64xf32, #tpu.memory_space<hbm>>
        tpu.enqueue_indirect_dma source(%dma_start3A_1267 : memref<200000x64xf32, #tpu.memory_space<hbm>>) target(%dma_start3A_1262 : memref<128x64xf32, #tpu.memory_space<vmem>>) offsets(%dma_start3A_1264 : memref<128xi32, #tpu.memory_space<vmem>>) semaphore(%arg11 : memref<!tpu.dma_semaphore, #tpu.memory_space<semaphore_mem>>)
        %dma_start3A_1268 = arith.constant 640 : i32
        %dma_start3A_1269 = arith.constant 0 : i32
        %dma_start3A_1270 = tpu.memref_slice %arg8[%dma_start3A_1268, %dma_start3A_1269] : memref<704x64xf32, #tpu.memory_space<vmem>> -> memref<64x64xf32, #tpu.memory_space<vmem>>
        %dma_start3A_1271 = arith.constant 640 : i32
        %dma_start3A_1272 = tpu.memref_slice %arg6[%dma_start3A_1271] : memref<704xi32, #tpu.memory_space<vmem>> -> memref<64xi32, #tpu.memory_space<vmem>>
        %dma_start3A_1273 = arith.constant 0 : i32
        %dma_start3A_1274 = arith.constant 0 : i32
        %dma_start3A_1275 = tpu.memref_slice %arg3[%dma_start3A_1273, %dma_start3A_1274] : memref<200000x64xf32, #tpu.memory_space<hbm>> -> memref<200000x64xf32, #tpu.memory_space<hbm>>
        tpu.enqueue_indirect_dma source(%dma_start3A_1275 : memref<200000x64xf32, #tpu.memory_space<hbm>>) target(%dma_start3A_1270 : memref<64x64xf32, #tpu.memory_space<vmem>>) offsets(%dma_start3A_1272 : memref<64xi32, #tpu.memory_space<vmem>>) semaphore(%arg11 : memref<!tpu.dma_semaphore, #tpu.memory_space<semaphore_mem>>)
      } else {
      }
      %scan3A_853 = arith.constant 0 : i32
      %scan3A_854 = arith.constant 20 : i32
      %scan3A_855 = arith.addi %scan3A_853, %scan3A_854 : i32
      %scan3A_856 = arith.constant 1 : i32
      %scan3A_857:8 = scf.for %scan3A_1224 = %scan3A_853 to %scan3A_855 step %scan3A_856 iter_args(%scan3A_1225 = %broadcast_in_dim3A_3, %scan3A_1226 = %broadcast_in_dim3A_3, %scan3A_1227 = %broadcast_in_dim3A_3, %scan3A_1228 = %broadcast_in_dim3A_3, %scan3A_1229 = %broadcast_in_dim3A_3, %scan3A_1230 = %broadcast_in_dim3A_3, %scan3A_1231 = %broadcast_in_dim3A_3, %scan3A_1232 = %broadcast_in_dim3A_3) -> (vector<16xf32>, vector<16xf32>, vector<16xf32>, vector<16xf32>, vector<16xf32>, vector<16xf32>, vector<16xf32>, vector<16xf32>)  : i32 {
        %get3A = arith.index_cast %scan3A_1224 : i32 to index
        %get3A_1233 = arith.constant 0 : index
        %get3A_1234 = tpu.vector_load %arg10[%get3A, %get3A_1233] {strides = array<i32>} : memref<24x64xf32, #tpu.memory_space<vmem>>, vector<16xf32>,
        %get3A_1235 = arith.index_cast %scan3A_1224 : i32 to index
        %get3A_1236 = arith.constant 16 : index
        %get3A_1237 = tpu.vector_load %arg10[%get3A_1235, %get3A_1236] {strides = array<i32>} : memref<24x64xf32, #tpu.memory_space<vmem>>, vector<16xf32>,
        %get3A_1238 = arith.index_cast %scan3A_1224 : i32 to index
        %get3A_1239 = arith.constant 32 : index
        %get3A_1240 = tpu.vector_load %arg10[%get3A_1238, %get3A_1239] {strides = array<i32>} : memref<24x64xf32, #tpu.memory_space<vmem>>, vector<16xf32>,
        %get3A_1241 = arith.index_cast %scan3A_1224 : i32 to index
        %get3A_1242 = arith.constant 48 : index
        %get3A_1243 = tpu.vector_load %arg10[%get3A_1241, %get3A_1242] {strides = array<i32>} : memref<24x64xf32, #tpu.memory_space<vmem>>, vector<16xf32>,
        %scan3A_1244 = arith.constant 0 : i32
        %scan3A_1245 = arith.constant 35 : i32
        %scan3A_1246 = arith.addi %scan3A_1244, %scan3A_1245 : i32
        %scan3A_1247 = arith.constant 1 : i32
        %scan3A_1248:8 = scf.for %scan3A_1250 = %scan3A_1244 to %scan3A_1246 step %scan3A_1247 iter_args(%scan3A_1251 = %scan3A_1225, %scan3A_1252 = %scan3A_1226, %scan3A_1253 = %scan3A_1227, %scan3A_1254 = %scan3A_1228, %scan3A_1255 = %scan3A_1229, %scan3A_1256 = %scan3A_1230, %scan3A_1257 = %scan3A_1231, %scan3A_1258 = %scan3A_1232) -> (vector<16xf32>, vector<16xf32>, vector<16xf32>, vector<16xf32>, vector<16xf32>, vector<16xf32>, vector<16xf32>, vector<16xf32>)  : i32 {
          %mul3A_1259 = arith.constant 35 : i32
          %mul3A_1260 = arith.muli %scan3A_1224, %mul3A_1259 : i32
          %add3A_1261 = arith.addi %mul3A_1260, %scan3A_1250 : i32
          %get3A_1262 = arith.index_cast %add3A_1261 : i32 to index
          %get3A_1263 = arith.constant 0 : index
          %get3A_1264 = tpu.vector_load %arg9[%get3A_1262, %get3A_1263] {strides = array<i32>} : memref<704x64xf32, #tpu.memory_space<vmem>>, vector<16xf32>,
          %add3A_1265 = arith.addf %get3A_1264, %get3A_1234 : vector<16xf32>
          %swap3A = arith.index_cast %add3A_1261 : i32 to index
          %swap3A_1266 = arith.constant 0 : index
          %swap3A_1267 = tpu.vector_load %arg9[%swap3A, %swap3A_1266] {strides = array<i32>} : memref<704x64xf32, #tpu.memory_space<vmem>>, vector<16xf32>,
          tpu.vector_store %arg9[%swap3A, %swap3A_1266], %add3A_1265 {strides = array<i32>} : memref<704x64xf32, #tpu.memory_space<vmem>>, vector<16xf32>,
          %add3A_1268 = arith.addf %scan3A_1251, %add3A_1265 : vector<16xf32>
          %mul3A_1269 = arith.mulf %add3A_1265, %add3A_1265 : vector<16xf32>
          %add3A_1270 = arith.addf %scan3A_1255, %mul3A_1269 : vector<16xf32>
          %get3A_1271 = arith.index_cast %add3A_1261 : i32 to index
          %get3A_1272 = arith.constant 16 : index
          %get3A_1273 = tpu.vector_load %arg9[%get3A_1271, %get3A_1272] {strides = array<i32>} : memref<704x64xf32, #tpu.memory_space<vmem>>, vector<16xf32>,
          %add3A_1274 = arith.addf %get3A_1273, %get3A_1237 : vector<16xf32>
          %swap3A_1275 = arith.index_cast %add3A_1261 : i32 to index
          %swap3A_1276 = arith.constant 16 : index
          %swap3A_1277 = tpu.vector_load %arg9[%swap3A_1275, %swap3A_1276] {strides = array<i32>} : memref<704x64xf32, #tpu.memory_space<vmem>>, vector<16xf32>,
          tpu.vector_store %arg9[%swap3A_1275, %swap3A_1276], %add3A_1274 {strides = array<i32>} : memref<704x64xf32, #tpu.memory_space<vmem>>, vector<16xf32>,
          %add3A_1278 = arith.addf %scan3A_1252, %add3A_1274 : vector<16xf32>
          %mul3A_1279 = arith.mulf %add3A_1274, %add3A_1274 : vector<16xf32>
          %add3A_1280 = arith.addf %scan3A_1256, %mul3A_1279 : vector<16xf32>
          %get3A_1281 = arith.index_cast %add3A_1261 : i32 to index
          %get3A_1282 = arith.constant 32 : index
          %get3A_1283 = tpu.vector_load %arg9[%get3A_1281, %get3A_1282] {strides = array<i32>} : memref<704x64xf32, #tpu.memory_space<vmem>>, vector<16xf32>,
          %add3A_1284 = arith.addf %get3A_1283, %get3A_1240 : vector<16xf32>
          %swap3A_1285 = arith.index_cast %add3A_1261 : i32 to index
          %swap3A_1286 = arith.constant 32 : index
          %swap3A_1287 = tpu.vector_load %arg9[%swap3A_1285, %swap3A_1286] {strides = array<i32>} : memref<704x64xf32, #tpu.memory_space<vmem>>, vector<16xf32>,
          tpu.vector_store %arg9[%swap3A_1285, %swap3A_1286], %add3A_1284 {strides = array<i32>} : memref<704x64xf32, #tpu.memory_space<vmem>>, vector<16xf32>,
          %add3A_1288 = arith.addf %scan3A_1253, %add3A_1284 : vector<16xf32>
          %mul3A_1289 = arith.mulf %add3A_1284, %add3A_1284 : vector<16xf32>
          %add3A_1290 = arith.addf %scan3A_1257, %mul3A_1289 : vector<16xf32>
          %get3A_1291 = arith.index_cast %add3A_1261 : i32 to index
          %get3A_1292 = arith.constant 48 : index
          %get3A_1293 = tpu.vector_load %arg9[%get3A_1291, %get3A_1292] {strides = array<i32>} : memref<704x64xf32, #tpu.memory_space<vmem>>, vector<16xf32>,
          %add3A_1294 = arith.addf %get3A_1293, %get3A_1243 : vector<16xf32>
          %swap3A_1295 = arith.index_cast %add3A_1261 : i32 to index
          %swap3A_1296 = arith.constant 48 : index
          %swap3A_1297 = tpu.vector_load %arg9[%swap3A_1295, %swap3A_1296] {strides = array<i32>} : memref<704x64xf32, #tpu.memory_space<vmem>>, vector<16xf32>,
          tpu.vector_store %arg9[%swap3A_1295, %swap3A_1296], %add3A_1294 {strides = array<i32>} : memref<704x64xf32, #tpu.memory_space<vmem>>, vector<16xf32>,
          %add3A_1298 = arith.addf %scan3A_1254, %add3A_1294 : vector<16xf32>
          %mul3A_1299 = arith.mulf %add3A_1294, %add3A_1294 : vector<16xf32>
          %add3A_1300 = arith.addf %scan3A_1258, %mul3A_1299 : vector<16xf32>
          scf.yield %add3A_1268, %add3A_1278, %add3A_1288, %add3A_1298, %add3A_1270, %add3A_1280, %add3A_1290, %add3A_1300 : vector<16xf32>, vector<16xf32>, vector<16xf32>, vector<16xf32>, vector<16xf32>, vector<16xf32>, vector<16xf32>, vector<16xf32>
        }
        %scan3A_1249 = arith.constant 35 : i32
        scf.yield %scan3A_1248#0, %scan3A_1248#1, %scan3A_1248#2, %scan3A_1248#3, %scan3A_1248#4, %scan3A_1248#5, %scan3A_1248#6, %scan3A_1248#7 : vector<16xf32>, vector<16xf32>, vector<16xf32>, vector<16xf32>, vector<16xf32>, vector<16xf32>, vector<16xf32>, vector<16xf32>
      }
      %scan3A_858 = arith.constant 20 : i32
      %add3A_859 = arith.addf %scan3A_857#0, %scan3A_857#1 : vector<16xf32>
      %add3A_860 = arith.addf %add3A_859, %scan3A_857#2 : vector<16xf32>
      %add3A_861 = arith.addf %add3A_860, %scan3A_857#3 : vector<16xf32>
      %add3A_862 = arith.addf %scan3A_857#4, %scan3A_857#5 : vector<16xf32>
      %add3A_863 = arith.addf %add3A_862, %scan3A_857#6 : vector<16xf32>
      %add3A_864 = arith.addf %add3A_863, %scan3A_857#7 : vector<16xf32>
      %reduce_sum3A_865 = arith.constant true
      %reduce_sum3A_866 = vector.broadcast %reduce_sum3A_865 : i1 to vector<16xi1>
      %reduce_sum3A_867 = tpu.scan <sum>, %add3A_861 masked %reduce_sum3A_866 : vector<16xf32>, vector<16xi1> -> vector<16xf32>
      %reduce_sum3A_868 = vector.extract %reduce_sum3A_867[15] : f32 from vector<16xf32>
      %mul3A_869 = arith.constant 2.23214283E-5 : f32
      %mul3A_870 = arith.mulf %reduce_sum3A_868, %mul3A_869 : f32
      %reduce_sum3A_871 = arith.constant true
      %reduce_sum3A_872 = vector.broadcast %reduce_sum3A_871 : i1 to vector<16xi1>
      %reduce_sum3A_873 = tpu.scan <sum>, %add3A_864 masked %reduce_sum3A_872 : vector<16xf32>, vector<16xi1> -> vector<16xf32>
      %reduce_sum3A_874 = vector.extract %reduce_sum3A_873[15] : f32 from vector<16xf32>
      %mul3A_875 = arith.constant 2.23214283E-5 : f32
      %mul3A_876 = arith.mulf %reduce_sum3A_874, %mul3A_875 : f32
      %mul3A_877 = arith.mulf %mul3A_870, %mul3A_870 : f32
      %sub3A_878 = arith.subf %mul3A_876, %mul3A_877 : f32
      %add3A_879 = arith.constant 9.99999974E-6 : f32
      %add3A_880 = arith.addf %sub3A_878, %add3A_879 : f32
      %bitcast_convert_type3A_881 = arith.bitcast %add3A_880 : f32 to i32
      %shift_right_arithmetic3A_882 = arith.constant 1 : i32
      %shift_right_arithmetic3A_883 = arith.shrsi %bitcast_convert_type3A_881, %shift_right_arithmetic3A_882 : i32
      %sub3A_884 = arith.constant 1597463007 : i32
      %sub3A_885 = arith.subi %sub3A_884, %shift_right_arithmetic3A_883 : i32
      %bitcast_convert_type3A_886 = arith.bitcast %sub3A_885 : i32 to f32
      %mul3A_887 = arith.constant 5.000000e-01 : f32
      %mul3A_888 = arith.mulf %mul3A_887, %add3A_880 : f32
      %mul3A_889 = arith.mulf %mul3A_888, %bitcast_convert_type3A_886 : f32
      %mul3A_890 = arith.mulf %mul3A_889, %bitcast_convert_type3A_886 : f32
      %sub3A_891 = arith.constant 1.500000e+00 : f32
      %sub3A_892 = arith.subf %sub3A_891, %mul3A_890 : f32
      %mul3A_893 = arith.mulf %bitcast_convert_type3A_886, %sub3A_892 : f32
      %mul3A_894 = arith.constant 5.000000e-01 : f32
      %mul3A_895 = arith.mulf %mul3A_894, %add3A_880 : f32
      %mul3A_896 = arith.mulf %mul3A_895, %mul3A_893 : f32
      %mul3A_897 = arith.mulf %mul3A_896, %mul3A_893 : f32
      %sub3A_898 = arith.constant 1.500000e+00 : f32
      %sub3A_899 = arith.subf %sub3A_898, %mul3A_897 : f32
      %mul3A_900 = arith.mulf %mul3A_893, %sub3A_899 : f32
      %mul3A_901 = arith.constant 5.000000e-01 : f32
      %mul3A_902 = arith.mulf %mul3A_901, %add3A_880 : f32
      %mul3A_903 = arith.mulf %mul3A_902, %mul3A_900 : f32
      %mul3A_904 = arith.mulf %mul3A_903, %mul3A_900 : f32
      %sub3A_905 = arith.constant 1.500000e+00 : f32
      %sub3A_906 = arith.subf %sub3A_905, %mul3A_904 : f32
      %mul3A_907 = arith.mulf %mul3A_900, %sub3A_906 : f32
      %mul3A_908 = arith.constant 5.000000e-01 : f32
      %mul3A_909 = arith.mulf %mul3A_908, %add3A_880 : f32
      %mul3A_910 = arith.mulf %mul3A_909, %mul3A_907 : f32
      %mul3A_911 = arith.mulf %mul3A_910, %mul3A_907 : f32
      %sub3A_912 = arith.constant 1.500000e+00 : f32
      %sub3A_913 = arith.subf %sub3A_912, %mul3A_911 : f32
      %mul3A_914 = arith.mulf %mul3A_907, %sub3A_913 : f32
      %broadcast_in_dim3A_915 = vector.broadcast %mul3A_914 : f32 to vector<16xf32>
      %mul3A_916 = arith.mulf %mul3A_870, %mul3A_914 : f32
      %broadcast_in_dim3A_917 = vector.broadcast %mul3A_916 : f32 to vector<16xf32>
      %scan3A_918 = arith.constant 0 : i32
      %scan3A_919 = arith.constant 0 : i32
      %scan3A_920 = arith.constant 700 : i32
      %scan3A_921 = arith.addi %scan3A_919, %scan3A_920 : i32
      %scan3A_922 = arith.constant 1 : i32
      scf.for %scan3A_1224 = %scan3A_919 to %scan3A_921 step %scan3A_922  : i32 {
        %get3A = arith.index_cast %scan3A_1224 : i32 to index
        %get3A_1225 = arith.constant 0 : index
        %get3A_1226 = tpu.vector_load %arg9[%get3A, %get3A_1225] {strides = array<i32>} : memref<704x64xf32, #tpu.memory_space<vmem>>, vector<16xf32>,
        %mul3A_1227 = arith.mulf %get3A_1226, %broadcast_in_dim3A_915 : vector<16xf32>
        %sub3A_1228 = arith.subf %mul3A_1227, %broadcast_in_dim3A_917 : vector<16xf32>
        %swap3A = arith.index_cast %scan3A_1224 : i32 to index
        %swap3A_1229 = arith.constant 0 : index
        %swap3A_1230 = tpu.vector_load %arg9[%swap3A, %swap3A_1229] {strides = array<i32>} : memref<704x64xf32, #tpu.memory_space<vmem>>, vector<16xf32>,
        tpu.vector_store %arg9[%swap3A, %swap3A_1229], %sub3A_1228 {strides = array<i32>} : memref<704x64xf32, #tpu.memory_space<vmem>>, vector<16xf32>,
        %get3A_1231 = arith.index_cast %scan3A_1224 : i32 to index
        %get3A_1232 = arith.constant 16 : index
        %get3A_1233 = tpu.vector_load %arg9[%get3A_1231, %get3A_1232] {strides = array<i32>} : memref<704x64xf32, #tpu.memory_space<vmem>>, vector<16xf32>,
        %mul3A_1234 = arith.mulf %get3A_1233, %broadcast_in_dim3A_915 : vector<16xf32>
        %sub3A_1235 = arith.subf %mul3A_1234, %broadcast_in_dim3A_917 : vector<16xf32>
        %swap3A_1236 = arith.index_cast %scan3A_1224 : i32 to index
        %swap3A_1237 = arith.constant 16 : index
        %swap3A_1238 = tpu.vector_load %arg9[%swap3A_1236, %swap3A_1237] {strides = array<i32>} : memref<704x64xf32, #tpu.memory_space<vmem>>, vector<16xf32>,
        tpu.vector_store %arg9[%swap3A_1236, %swap3A_1237], %sub3A_1235 {strides = array<i32>} : memref<704x64xf32, #tpu.memory_space<vmem>>, vector<16xf32>,
        %get3A_1239 = arith.index_cast %scan3A_1224 : i32 to index
        %get3A_1240 = arith.constant 32 : index
        %get3A_1241 = tpu.vector_load %arg9[%get3A_1239, %get3A_1240] {strides = array<i32>} : memref<704x64xf32, #tpu.memory_space<vmem>>, vector<16xf32>,
        %mul3A_1242 = arith.mulf %get3A_1241, %broadcast_in_dim3A_915 : vector<16xf32>
        %sub3A_1243 = arith.subf %mul3A_1242, %broadcast_in_dim3A_917 : vector<16xf32>
        %swap3A_1244 = arith.index_cast %scan3A_1224 : i32 to index
        %swap3A_1245 = arith.constant 32 : index
        %swap3A_1246 = tpu.vector_load %arg9[%swap3A_1244, %swap3A_1245] {strides = array<i32>} : memref<704x64xf32, #tpu.memory_space<vmem>>, vector<16xf32>,
        tpu.vector_store %arg9[%swap3A_1244, %swap3A_1245], %sub3A_1243 {strides = array<i32>} : memref<704x64xf32, #tpu.memory_space<vmem>>, vector<16xf32>,
        %get3A_1247 = arith.index_cast %scan3A_1224 : i32 to index
        %get3A_1248 = arith.constant 48 : index
        %get3A_1249 = tpu.vector_load %arg9[%get3A_1247, %get3A_1248] {strides = array<i32>} : memref<704x64xf32, #tpu.memory_space<vmem>>, vector<16xf32>,
        %mul3A_1250 = arith.mulf %get3A_1249, %broadcast_in_dim3A_915 : vector<16xf32>
        %sub3A_1251 = arith.subf %mul3A_1250, %broadcast_in_dim3A_917 : vector<16xf32>
        %swap3A_1252 = arith.index_cast %scan3A_1224 : i32 to index
        %swap3A_1253 = arith.constant 48 : index
        %swap3A_1254 = tpu.vector_load %arg9[%swap3A_1252, %swap3A_1253] {strides = array<i32>} : memref<704x64xf32, #tpu.memory_space<vmem>>, vector<16xf32>,
        tpu.vector_store %arg9[%swap3A_1252, %swap3A_1253], %sub3A_1251 {strides = array<i32>} : memref<704x64xf32, #tpu.memory_space<vmem>>, vector<16xf32>,
      }
      %scan3A_923 = arith.constant 700 : i32
      %dma_start3A_924 = arith.constant 0 : i32
      %dma_start3A_925 = arith.constant 0 : i32
      %dma_start3A_926 = arith.constant 0 : i32
      %dma_start3A_927 = tpu.memref_slice %arg9[%dma_start3A_925, %dma_start3A_926] : memref<704x64xf32, #tpu.memory_space<vmem>> -> memref<35x64xf32, #tpu.memory_space<vmem>>
      %dma_start3A_928 = arith.constant 0 : i32
      %dma_start3A_929 = arith.constant 0 : i32
      %dma_start3A_930 = tpu.memref_slice %arg5[%add3A_792, %dma_start3A_924, %dma_start3A_928, %dma_start3A_929] : memref<1024x20x35x64xf32, #tpu.memory_space<hbm>> -> memref<1x1x35x64xf32, #tpu.memory_space<hbm>>
      %dma_start3A_931 = tpu.memref_squeeze %dma_start3A_930 : memref<1x1x35x64xf32, #tpu.memory_space<hbm>> -> memref<35x64xf32, #tpu.memory_space<hbm>>
      %dma_start3A_932 = arith.constant 0 : i32
      %dma_start3A_933 = arith.constant 0 : i32
      %dma_start3A_934 = tpu.memref_slice %arg5[%add3A_792, %dma_start3A_924, %dma_start3A_932, %dma_start3A_933] : memref<1024x20x35x64xf32, #tpu.memory_space<hbm>> -> memref<1x1x35x64xf32, #tpu.memory_space<hbm>>
      %dma_start3A_935 = tpu.memref_squeeze %dma_start3A_934 : memref<1x1x35x64xf32, #tpu.memory_space<hbm>> -> memref<35x64xf32, #tpu.memory_space<hbm>>
      %dma_start3A_936 = arith.constant 0 : i32
      %dma_start3A_937 = arith.constant 0 : i32
      %dma_start3A_938 = tpu.memref_slice %arg9[%dma_start3A_936, %dma_start3A_937] : memref<704x64xf32, #tpu.memory_space<vmem>> -> memref<35x64xf32, #tpu.memory_space<vmem>>
      tpu.enqueue_dma source(%dma_start3A_938 : memref<35x64xf32, #tpu.memory_space<vmem>>) target(%dma_start3A_935 : memref<35x64xf32, #tpu.memory_space<hbm>>) target_semaphore(%arg14 : memref<!tpu.dma_semaphore, #tpu.memory_space<semaphore_mem>>)
      %dma_start3A_939 = arith.constant 1 : i32
      %dma_start3A_940 = arith.constant 35 : i32
      %dma_start3A_941 = arith.constant 0 : i32
      %dma_start3A_942 = tpu.memref_slice %arg9[%dma_start3A_940, %dma_start3A_941] : memref<704x64xf32, #tpu.memory_space<vmem>> -> memref<35x64xf32, #tpu.memory_space<vmem>>
      %dma_start3A_943 = arith.constant 0 : i32
      %dma_start3A_944 = arith.constant 0 : i32
      %dma_start3A_945 = tpu.memref_slice %arg5[%add3A_792, %dma_start3A_939, %dma_start3A_943, %dma_start3A_944] : memref<1024x20x35x64xf32, #tpu.memory_space<hbm>> -> memref<1x1x35x64xf32, #tpu.memory_space<hbm>>
      %dma_start3A_946 = tpu.memref_squeeze %dma_start3A_945 : memref<1x1x35x64xf32, #tpu.memory_space<hbm>> -> memref<35x64xf32, #tpu.memory_space<hbm>>
      %dma_start3A_947 = arith.constant 0 : i32
      %dma_start3A_948 = arith.constant 0 : i32
      %dma_start3A_949 = tpu.memref_slice %arg5[%add3A_792, %dma_start3A_939, %dma_start3A_947, %dma_start3A_948] : memref<1024x20x35x64xf32, #tpu.memory_space<hbm>> -> memref<1x1x35x64xf32, #tpu.memory_space<hbm>>
      %dma_start3A_950 = tpu.memref_squeeze %dma_start3A_949 : memref<1x1x35x64xf32, #tpu.memory_space<hbm>> -> memref<35x64xf32, #tpu.memory_space<hbm>>
      %dma_start3A_951 = arith.constant 35 : i32
      %dma_start3A_952 = arith.constant 0 : i32
      %dma_start3A_953 = tpu.memref_slice %arg9[%dma_start3A_951, %dma_start3A_952] : memref<704x64xf32, #tpu.memory_space<vmem>> -> memref<35x64xf32, #tpu.memory_space<vmem>>
      tpu.enqueue_dma source(%dma_start3A_953 : memref<35x64xf32, #tpu.memory_space<vmem>>) target(%dma_start3A_950 : memref<35x64xf32, #tpu.memory_space<hbm>>) target_semaphore(%arg14 : memref<!tpu.dma_semaphore, #tpu.memory_space<semaphore_mem>>)
      %dma_start3A_954 = arith.constant 2 : i32
      %dma_start3A_955 = arith.constant 70 : i32
      %dma_start3A_956 = arith.constant 0 : i32
      %dma_start3A_957 = tpu.memref_slice %arg9[%dma_start3A_955, %dma_start3A_956] : memref<704x64xf32, #tpu.memory_space<vmem>> -> memref<35x64xf32, #tpu.memory_space<vmem>>
      %dma_start3A_958 = arith.constant 0 : i32
      %dma_start3A_959 = arith.constant 0 : i32
      %dma_start3A_960 = tpu.memref_slice %arg5[%add3A_792, %dma_start3A_954, %dma_start3A_958, %dma_start3A_959] : memref<1024x20x35x64xf32, #tpu.memory_space<hbm>> -> memref<1x1x35x64xf32, #tpu.memory_space<hbm>>
      %dma_start3A_961 = tpu.memref_squeeze %dma_start3A_960 : memref<1x1x35x64xf32, #tpu.memory_space<hbm>> -> memref<35x64xf32, #tpu.memory_space<hbm>>
      %dma_start3A_962 = arith.constant 0 : i32
      %dma_start3A_963 = arith.constant 0 : i32
      %dma_start3A_964 = tpu.memref_slice %arg5[%add3A_792, %dma_start3A_954, %dma_start3A_962, %dma_start3A_963] : memref<1024x20x35x64xf32, #tpu.memory_space<hbm>> -> memref<1x1x35x64xf32, #tpu.memory_space<hbm>>
      %dma_start3A_965 = tpu.memref_squeeze %dma_start3A_964 : memref<1x1x35x64xf32, #tpu.memory_space<hbm>> -> memref<35x64xf32, #tpu.memory_space<hbm>>
      %dma_start3A_966 = arith.constant 70 : i32
      %dma_start3A_967 = arith.constant 0 : i32
      %dma_start3A_968 = tpu.memref_slice %arg9[%dma_start3A_966, %dma_start3A_967] : memref<704x64xf32, #tpu.memory_space<vmem>> -> memref<35x64xf32, #tpu.memory_space<vmem>>
      tpu.enqueue_dma source(%dma_start3A_968 : memref<35x64xf32, #tpu.memory_space<vmem>>) target(%dma_start3A_965 : memref<35x64xf32, #tpu.memory_space<hbm>>) target_semaphore(%arg14 : memref<!tpu.dma_semaphore, #tpu.memory_space<semaphore_mem>>)
      %dma_start3A_969 = arith.constant 3 : i32
      %dma_start3A_970 = arith.constant 105 : i32
      %dma_start3A_971 = arith.constant 0 : i32
      %dma_start3A_972 = tpu.memref_slice %arg9[%dma_start3A_970, %dma_start3A_971] : memref<704x64xf32, #tpu.memory_space<vmem>> -> memref<35x64xf32, #tpu.memory_space<vmem>>
      %dma_start3A_973 = arith.constant 0 : i32
      %dma_start3A_974 = arith.constant 0 : i32
      %dma_start3A_975 = tpu.memref_slice %arg5[%add3A_792, %dma_start3A_969, %dma_start3A_973, %dma_start3A_974] : memref<1024x20x35x64xf32, #tpu.memory_space<hbm>> -> memref<1x1x35x64xf32, #tpu.memory_space<hbm>>
      %dma_start3A_976 = tpu.memref_squeeze %dma_start3A_975 : memref<1x1x35x64xf32, #tpu.memory_space<hbm>> -> memref<35x64xf32, #tpu.memory_space<hbm>>
      %dma_start3A_977 = arith.constant 0 : i32
      %dma_start3A_978 = arith.constant 0 : i32
      %dma_start3A_979 = tpu.memref_slice %arg5[%add3A_792, %dma_start3A_969, %dma_start3A_977, %dma_start3A_978] : memref<1024x20x35x64xf32, #tpu.memory_space<hbm>> -> memref<1x1x35x64xf32, #tpu.memory_space<hbm>>
      %dma_start3A_980 = tpu.memref_squeeze %dma_start3A_979 : memref<1x1x35x64xf32, #tpu.memory_space<hbm>> -> memref<35x64xf32, #tpu.memory_space<hbm>>
      %dma_start3A_981 = arith.constant 105 : i32
      %dma_start3A_982 = arith.constant 0 : i32
      %dma_start3A_983 = tpu.memref_slice %arg9[%dma_start3A_981, %dma_start3A_982] : memref<704x64xf32, #tpu.memory_space<vmem>> -> memref<35x64xf32, #tpu.memory_space<vmem>>
      tpu.enqueue_dma source(%dma_start3A_983 : memref<35x64xf32, #tpu.memory_space<vmem>>) target(%dma_start3A_980 : memref<35x64xf32, #tpu.memory_space<hbm>>) target_semaphore(%arg14 : memref<!tpu.dma_semaphore, #tpu.memory_space<semaphore_mem>>)
      %dma_start3A_984 = arith.constant 4 : i32
      %dma_start3A_985 = arith.constant 140 : i32
      %dma_start3A_986 = arith.constant 0 : i32
      %dma_start3A_987 = tpu.memref_slice %arg9[%dma_start3A_985, %dma_start3A_986] : memref<704x64xf32, #tpu.memory_space<vmem>> -> memref<35x64xf32, #tpu.memory_space<vmem>>
      %dma_start3A_988 = arith.constant 0 : i32
      %dma_start3A_989 = arith.constant 0 : i32
      %dma_start3A_990 = tpu.memref_slice %arg5[%add3A_792, %dma_start3A_984, %dma_start3A_988, %dma_start3A_989] : memref<1024x20x35x64xf32, #tpu.memory_space<hbm>> -> memref<1x1x35x64xf32, #tpu.memory_space<hbm>>
      %dma_start3A_991 = tpu.memref_squeeze %dma_start3A_990 : memref<1x1x35x64xf32, #tpu.memory_space<hbm>> -> memref<35x64xf32, #tpu.memory_space<hbm>>
      %dma_start3A_992 = arith.constant 0 : i32
      %dma_start3A_993 = arith.constant 0 : i32
      %dma_start3A_994 = tpu.memref_slice %arg5[%add3A_792, %dma_start3A_984, %dma_start3A_992, %dma_start3A_993] : memref<1024x20x35x64xf32, #tpu.memory_space<hbm>> -> memref<1x1x35x64xf32, #tpu.memory_space<hbm>>
      %dma_start3A_995 = tpu.memref_squeeze %dma_start3A_994 : memref<1x1x35x64xf32, #tpu.memory_space<hbm>> -> memref<35x64xf32, #tpu.memory_space<hbm>>
      %dma_start3A_996 = arith.constant 140 : i32
      %dma_start3A_997 = arith.constant 0 : i32
      %dma_start3A_998 = tpu.memref_slice %arg9[%dma_start3A_996, %dma_start3A_997] : memref<704x64xf32, #tpu.memory_space<vmem>> -> memref<35x64xf32, #tpu.memory_space<vmem>>
      tpu.enqueue_dma source(%dma_start3A_998 : memref<35x64xf32, #tpu.memory_space<vmem>>) target(%dma_start3A_995 : memref<35x64xf32, #tpu.memory_space<hbm>>) target_semaphore(%arg14 : memref<!tpu.dma_semaphore, #tpu.memory_space<semaphore_mem>>)
      %dma_start3A_999 = arith.constant 5 : i32
      %dma_start3A_1000 = arith.constant 175 : i32
      %dma_start3A_1001 = arith.constant 0 : i32
      %dma_start3A_1002 = tpu.memref_slice %arg9[%dma_start3A_1000, %dma_start3A_1001] : memref<704x64xf32, #tpu.memory_space<vmem>> -> memref<35x64xf32, #tpu.memory_space<vmem>>
      %dma_start3A_1003 = arith.constant 0 : i32
      %dma_start3A_1004 = arith.constant 0 : i32
      %dma_start3A_1005 = tpu.memref_slice %arg5[%add3A_792, %dma_start3A_999, %dma_start3A_1003, %dma_start3A_1004] : memref<1024x20x35x64xf32, #tpu.memory_space<hbm>> -> memref<1x1x35x64xf32, #tpu.memory_space<hbm>>
      %dma_start3A_1006 = tpu.memref_squeeze %dma_start3A_1005 : memref<1x1x35x64xf32, #tpu.memory_space<hbm>> -> memref<35x64xf32, #tpu.memory_space<hbm>>
      %dma_start3A_1007 = arith.constant 0 : i32
      %dma_start3A_1008 = arith.constant 0 : i32
      %dma_start3A_1009 = tpu.memref_slice %arg5[%add3A_792, %dma_start3A_999, %dma_start3A_1007, %dma_start3A_1008] : memref<1024x20x35x64xf32, #tpu.memory_space<hbm>> -> memref<1x1x35x64xf32, #tpu.memory_space<hbm>>
      %dma_start3A_1010 = tpu.memref_squeeze %dma_start3A_1009 : memref<1x1x35x64xf32, #tpu.memory_space<hbm>> -> memref<35x64xf32, #tpu.memory_space<hbm>>
      %dma_start3A_1011 = arith.constant 175 : i32
      %dma_start3A_1012 = arith.constant 0 : i32
      %dma_start3A_1013 = tpu.memref_slice %arg9[%dma_start3A_1011, %dma_start3A_1012] : memref<704x64xf32, #tpu.memory_space<vmem>> -> memref<35x64xf32, #tpu.memory_space<vmem>>
      tpu.enqueue_dma source(%dma_start3A_1013 : memref<35x64xf32, #tpu.memory_space<vmem>>) target(%dma_start3A_1010 : memref<35x64xf32, #tpu.memory_space<hbm>>) target_semaphore(%arg14 : memref<!tpu.dma_semaphore, #tpu.memory_space<semaphore_mem>>)
      %dma_start3A_1014 = arith.constant 6 : i32
      %dma_start3A_1015 = arith.constant 210 : i32
      %dma_start3A_1016 = arith.constant 0 : i32
      %dma_start3A_1017 = tpu.memref_slice %arg9[%dma_start3A_1015, %dma_start3A_1016] : memref<704x64xf32, #tpu.memory_space<vmem>> -> memref<35x64xf32, #tpu.memory_space<vmem>>
      %dma_start3A_1018 = arith.constant 0 : i32
      %dma_start3A_1019 = arith.constant 0 : i32
      %dma_start3A_1020 = tpu.memref_slice %arg5[%add3A_792, %dma_start3A_1014, %dma_start3A_1018, %dma_start3A_1019] : memref<1024x20x35x64xf32, #tpu.memory_space<hbm>> -> memref<1x1x35x64xf32, #tpu.memory_space<hbm>>
      %dma_start3A_1021 = tpu.memref_squeeze %dma_start3A_1020 : memref<1x1x35x64xf32, #tpu.memory_space<hbm>> -> memref<35x64xf32, #tpu.memory_space<hbm>>
      %dma_start3A_1022 = arith.constant 0 : i32
      %dma_start3A_1023 = arith.constant 0 : i32
      %dma_start3A_1024 = tpu.memref_slice %arg5[%add3A_792, %dma_start3A_1014, %dma_start3A_1022, %dma_start3A_1023] : memref<1024x20x35x64xf32, #tpu.memory_space<hbm>> -> memref<1x1x35x64xf32, #tpu.memory_space<hbm>>
      %dma_start3A_1025 = tpu.memref_squeeze %dma_start3A_1024 : memref<1x1x35x64xf32, #tpu.memory_space<hbm>> -> memref<35x64xf32, #tpu.memory_space<hbm>>
      %dma_start3A_1026 = arith.constant 210 : i32
      %dma_start3A_1027 = arith.constant 0 : i32
      %dma_start3A_1028 = tpu.memref_slice %arg9[%dma_start3A_1026, %dma_start3A_1027] : memref<704x64xf32, #tpu.memory_space<vmem>> -> memref<35x64xf32, #tpu.memory_space<vmem>>
      tpu.enqueue_dma source(%dma_start3A_1028 : memref<35x64xf32, #tpu.memory_space<vmem>>) target(%dma_start3A_1025 : memref<35x64xf32, #tpu.memory_space<hbm>>) target_semaphore(%arg14 : memref<!tpu.dma_semaphore, #tpu.memory_space<semaphore_mem>>)
      %dma_start3A_1029 = arith.constant 7 : i32
      %dma_start3A_1030 = arith.constant 245 : i32
      %dma_start3A_1031 = arith.constant 0 : i32
      %dma_start3A_1032 = tpu.memref_slice %arg9[%dma_start3A_1030, %dma_start3A_1031] : memref<704x64xf32, #tpu.memory_space<vmem>> -> memref<35x64xf32, #tpu.memory_space<vmem>>
      %dma_start3A_1033 = arith.constant 0 : i32
      %dma_start3A_1034 = arith.constant 0 : i32
      %dma_start3A_1035 = tpu.memref_slice %arg5[%add3A_792, %dma_start3A_1029, %dma_start3A_1033, %dma_start3A_1034] : memref<1024x20x35x64xf32, #tpu.memory_space<hbm>> -> memref<1x1x35x64xf32, #tpu.memory_space<hbm>>
      %dma_start3A_1036 = tpu.memref_squeeze %dma_start3A_1035 : memref<1x1x35x64xf32, #tpu.memory_space<hbm>> -> memref<35x64xf32, #tpu.memory_space<hbm>>
      %dma_start3A_1037 = arith.constant 0 : i32
      %dma_start3A_1038 = arith.constant 0 : i32
      %dma_start3A_1039 = tpu.memref_slice %arg5[%add3A_792, %dma_start3A_1029, %dma_start3A_1037, %dma_start3A_1038] : memref<1024x20x35x64xf32, #tpu.memory_space<hbm>> -> memref<1x1x35x64xf32, #tpu.memory_space<hbm>>
      %dma_start3A_1040 = tpu.memref_squeeze %dma_start3A_1039 : memref<1x1x35x64xf32, #tpu.memory_space<hbm>> -> memref<35x64xf32, #tpu.memory_space<hbm>>
      %dma_start3A_1041 = arith.constant 245 : i32
      %dma_start3A_1042 = arith.constant 0 : i32
      %dma_start3A_1043 = tpu.memref_slice %arg9[%dma_start3A_1041, %dma_start3A_1042] : memref<704x64xf32, #tpu.memory_space<vmem>> -> memref<35x64xf32, #tpu.memory_space<vmem>>
      tpu.enqueue_dma source(%dma_start3A_1043 : memref<35x64xf32, #tpu.memory_space<vmem>>) target(%dma_start3A_1040 : memref<35x64xf32, #tpu.memory_space<hbm>>) target_semaphore(%arg14 : memref<!tpu.dma_semaphore, #tpu.memory_space<semaphore_mem>>)
      %dma_start3A_1044 = arith.constant 8 : i32
      %dma_start3A_1045 = arith.constant 280 : i32
      %dma_start3A_1046 = arith.constant 0 : i32
      %dma_start3A_1047 = tpu.memref_slice %arg9[%dma_start3A_1045, %dma_start3A_1046] : memref<704x64xf32, #tpu.memory_space<vmem>> -> memref<35x64xf32, #tpu.memory_space<vmem>>
      %dma_start3A_1048 = arith.constant 0 : i32
      %dma_start3A_1049 = arith.constant 0 : i32
      %dma_start3A_1050 = tpu.memref_slice %arg5[%add3A_792, %dma_start3A_1044, %dma_start3A_1048, %dma_start3A_1049] : memref<1024x20x35x64xf32, #tpu.memory_space<hbm>> -> memref<1x1x35x64xf32, #tpu.memory_space<hbm>>
      %dma_start3A_1051 = tpu.memref_squeeze %dma_start3A_1050 : memref<1x1x35x64xf32, #tpu.memory_space<hbm>> -> memref<35x64xf32, #tpu.memory_space<hbm>>
      %dma_start3A_1052 = arith.constant 0 : i32
      %dma_start3A_1053 = arith.constant 0 : i32
      %dma_start3A_1054 = tpu.memref_slice %arg5[%add3A_792, %dma_start3A_1044, %dma_start3A_1052, %dma_start3A_1053] : memref<1024x20x35x64xf32, #tpu.memory_space<hbm>> -> memref<1x1x35x64xf32, #tpu.memory_space<hbm>>
      %dma_start3A_1055 = tpu.memref_squeeze %dma_start3A_1054 : memref<1x1x35x64xf32, #tpu.memory_space<hbm>> -> memref<35x64xf32, #tpu.memory_space<hbm>>
      %dma_start3A_1056 = arith.constant 280 : i32
      %dma_start3A_1057 = arith.constant 0 : i32
      %dma_start3A_1058 = tpu.memref_slice %arg9[%dma_start3A_1056, %dma_start3A_1057] : memref<704x64xf32, #tpu.memory_space<vmem>> -> memref<35x64xf32, #tpu.memory_space<vmem>>
      tpu.enqueue_dma source(%dma_start3A_1058 : memref<35x64xf32, #tpu.memory_space<vmem>>) target(%dma_start3A_1055 : memref<35x64xf32, #tpu.memory_space<hbm>>) target_semaphore(%arg14 : memref<!tpu.dma_semaphore, #tpu.memory_space<semaphore_mem>>)
      %dma_start3A_1059 = arith.constant 9 : i32
      %dma_start3A_1060 = arith.constant 315 : i32
      %dma_start3A_1061 = arith.constant 0 : i32
      %dma_start3A_1062 = tpu.memref_slice %arg9[%dma_start3A_1060, %dma_start3A_1061] : memref<704x64xf32, #tpu.memory_space<vmem>> -> memref<35x64xf32, #tpu.memory_space<vmem>>
      %dma_start3A_1063 = arith.constant 0 : i32
      %dma_start3A_1064 = arith.constant 0 : i32
      %dma_start3A_1065 = tpu.memref_slice %arg5[%add3A_792, %dma_start3A_1059, %dma_start3A_1063, %dma_start3A_1064] : memref<1024x20x35x64xf32, #tpu.memory_space<hbm>> -> memref<1x1x35x64xf32, #tpu.memory_space<hbm>>
      %dma_start3A_1066 = tpu.memref_squeeze %dma_start3A_1065 : memref<1x1x35x64xf32, #tpu.memory_space<hbm>> -> memref<35x64xf32, #tpu.memory_space<hbm>>
      %dma_start3A_1067 = arith.constant 0 : i32
      %dma_start3A_1068 = arith.constant 0 : i32
      %dma_start3A_1069 = tpu.memref_slice %arg5[%add3A_792, %dma_start3A_1059, %dma_start3A_1067, %dma_start3A_1068] : memref<1024x20x35x64xf32, #tpu.memory_space<hbm>> -> memref<1x1x35x64xf32, #tpu.memory_space<hbm>>
      %dma_start3A_1070 = tpu.memref_squeeze %dma_start3A_1069 : memref<1x1x35x64xf32, #tpu.memory_space<hbm>> -> memref<35x64xf32, #tpu.memory_space<hbm>>
      %dma_start3A_1071 = arith.constant 315 : i32
      %dma_start3A_1072 = arith.constant 0 : i32
      %dma_start3A_1073 = tpu.memref_slice %arg9[%dma_start3A_1071, %dma_start3A_1072] : memref<704x64xf32, #tpu.memory_space<vmem>> -> memref<35x64xf32, #tpu.memory_space<vmem>>
      tpu.enqueue_dma source(%dma_start3A_1073 : memref<35x64xf32, #tpu.memory_space<vmem>>) target(%dma_start3A_1070 : memref<35x64xf32, #tpu.memory_space<hbm>>) target_semaphore(%arg14 : memref<!tpu.dma_semaphore, #tpu.memory_space<semaphore_mem>>)
      %dma_start3A_1074 = arith.constant 10 : i32
      %dma_start3A_1075 = arith.constant 350 : i32
      %dma_start3A_1076 = arith.constant 0 : i32
      %dma_start3A_1077 = tpu.memref_slice %arg9[%dma_start3A_1075, %dma_start3A_1076] : memref<704x64xf32, #tpu.memory_space<vmem>> -> memref<35x64xf32, #tpu.memory_space<vmem>>
      %dma_start3A_1078 = arith.constant 0 : i32
      %dma_start3A_1079 = arith.constant 0 : i32
      %dma_start3A_1080 = tpu.memref_slice %arg5[%add3A_792, %dma_start3A_1074, %dma_start3A_1078, %dma_start3A_1079] : memref<1024x20x35x64xf32, #tpu.memory_space<hbm>> -> memref<1x1x35x64xf32, #tpu.memory_space<hbm>>
      %dma_start3A_1081 = tpu.memref_squeeze %dma_start3A_1080 : memref<1x1x35x64xf32, #tpu.memory_space<hbm>> -> memref<35x64xf32, #tpu.memory_space<hbm>>
      %dma_start3A_1082 = arith.constant 0 : i32
      %dma_start3A_1083 = arith.constant 0 : i32
      %dma_start3A_1084 = tpu.memref_slice %arg5[%add3A_792, %dma_start3A_1074, %dma_start3A_1082, %dma_start3A_1083] : memref<1024x20x35x64xf32, #tpu.memory_space<hbm>> -> memref<1x1x35x64xf32, #tpu.memory_space<hbm>>
      %dma_start3A_1085 = tpu.memref_squeeze %dma_start3A_1084 : memref<1x1x35x64xf32, #tpu.memory_space<hbm>> -> memref<35x64xf32, #tpu.memory_space<hbm>>
      %dma_start3A_1086 = arith.constant 350 : i32
      %dma_start3A_1087 = arith.constant 0 : i32
      %dma_start3A_1088 = tpu.memref_slice %arg9[%dma_start3A_1086, %dma_start3A_1087] : memref<704x64xf32, #tpu.memory_space<vmem>> -> memref<35x64xf32, #tpu.memory_space<vmem>>
      tpu.enqueue_dma source(%dma_start3A_1088 : memref<35x64xf32, #tpu.memory_space<vmem>>) target(%dma_start3A_1085 : memref<35x64xf32, #tpu.memory_space<hbm>>) target_semaphore(%arg14 : memref<!tpu.dma_semaphore, #tpu.memory_space<semaphore_mem>>)
      %dma_start3A_1089 = arith.constant 11 : i32
      %dma_start3A_1090 = arith.constant 385 : i32
      %dma_start3A_1091 = arith.constant 0 : i32
      %dma_start3A_1092 = tpu.memref_slice %arg9[%dma_start3A_1090, %dma_start3A_1091] : memref<704x64xf32, #tpu.memory_space<vmem>> -> memref<35x64xf32, #tpu.memory_space<vmem>>
      %dma_start3A_1093 = arith.constant 0 : i32
      %dma_start3A_1094 = arith.constant 0 : i32
      %dma_start3A_1095 = tpu.memref_slice %arg5[%add3A_792, %dma_start3A_1089, %dma_start3A_1093, %dma_start3A_1094] : memref<1024x20x35x64xf32, #tpu.memory_space<hbm>> -> memref<1x1x35x64xf32, #tpu.memory_space<hbm>>
      %dma_start3A_1096 = tpu.memref_squeeze %dma_start3A_1095 : memref<1x1x35x64xf32, #tpu.memory_space<hbm>> -> memref<35x64xf32, #tpu.memory_space<hbm>>
      %dma_start3A_1097 = arith.constant 0 : i32
      %dma_start3A_1098 = arith.constant 0 : i32
      %dma_start3A_1099 = tpu.memref_slice %arg5[%add3A_792, %dma_start3A_1089, %dma_start3A_1097, %dma_start3A_1098] : memref<1024x20x35x64xf32, #tpu.memory_space<hbm>> -> memref<1x1x35x64xf32, #tpu.memory_space<hbm>>
      %dma_start3A_1100 = tpu.memref_squeeze %dma_start3A_1099 : memref<1x1x35x64xf32, #tpu.memory_space<hbm>> -> memref<35x64xf32, #tpu.memory_space<hbm>>
      %dma_start3A_1101 = arith.constant 385 : i32
      %dma_start3A_1102 = arith.constant 0 : i32
      %dma_start3A_1103 = tpu.memref_slice %arg9[%dma_start3A_1101, %dma_start3A_1102] : memref<704x64xf32, #tpu.memory_space<vmem>> -> memref<35x64xf32, #tpu.memory_space<vmem>>
      tpu.enqueue_dma source(%dma_start3A_1103 : memref<35x64xf32, #tpu.memory_space<vmem>>) target(%dma_start3A_1100 : memref<35x64xf32, #tpu.memory_space<hbm>>) target_semaphore(%arg14 : memref<!tpu.dma_semaphore, #tpu.memory_space<semaphore_mem>>)
      %dma_start3A_1104 = arith.constant 12 : i32
      %dma_start3A_1105 = arith.constant 420 : i32
      %dma_start3A_1106 = arith.constant 0 : i32
      %dma_start3A_1107 = tpu.memref_slice %arg9[%dma_start3A_1105, %dma_start3A_1106] : memref<704x64xf32, #tpu.memory_space<vmem>> -> memref<35x64xf32, #tpu.memory_space<vmem>>
      %dma_start3A_1108 = arith.constant 0 : i32
      %dma_start3A_1109 = arith.constant 0 : i32
      %dma_start3A_1110 = tpu.memref_slice %arg5[%add3A_792, %dma_start3A_1104, %dma_start3A_1108, %dma_start3A_1109] : memref<1024x20x35x64xf32, #tpu.memory_space<hbm>> -> memref<1x1x35x64xf32, #tpu.memory_space<hbm>>
      %dma_start3A_1111 = tpu.memref_squeeze %dma_start3A_1110 : memref<1x1x35x64xf32, #tpu.memory_space<hbm>> -> memref<35x64xf32, #tpu.memory_space<hbm>>
      %dma_start3A_1112 = arith.constant 0 : i32
      %dma_start3A_1113 = arith.constant 0 : i32
      %dma_start3A_1114 = tpu.memref_slice %arg5[%add3A_792, %dma_start3A_1104, %dma_start3A_1112, %dma_start3A_1113] : memref<1024x20x35x64xf32, #tpu.memory_space<hbm>> -> memref<1x1x35x64xf32, #tpu.memory_space<hbm>>
      %dma_start3A_1115 = tpu.memref_squeeze %dma_start3A_1114 : memref<1x1x35x64xf32, #tpu.memory_space<hbm>> -> memref<35x64xf32, #tpu.memory_space<hbm>>
      %dma_start3A_1116 = arith.constant 420 : i32
      %dma_start3A_1117 = arith.constant 0 : i32
      %dma_start3A_1118 = tpu.memref_slice %arg9[%dma_start3A_1116, %dma_start3A_1117] : memref<704x64xf32, #tpu.memory_space<vmem>> -> memref<35x64xf32, #tpu.memory_space<vmem>>
      tpu.enqueue_dma source(%dma_start3A_1118 : memref<35x64xf32, #tpu.memory_space<vmem>>) target(%dma_start3A_1115 : memref<35x64xf32, #tpu.memory_space<hbm>>) target_semaphore(%arg14 : memref<!tpu.dma_semaphore, #tpu.memory_space<semaphore_mem>>)
      %dma_start3A_1119 = arith.constant 13 : i32
      %dma_start3A_1120 = arith.constant 455 : i32
      %dma_start3A_1121 = arith.constant 0 : i32
      %dma_start3A_1122 = tpu.memref_slice %arg9[%dma_start3A_1120, %dma_start3A_1121] : memref<704x64xf32, #tpu.memory_space<vmem>> -> memref<35x64xf32, #tpu.memory_space<vmem>>
      %dma_start3A_1123 = arith.constant 0 : i32
      %dma_start3A_1124 = arith.constant 0 : i32
      %dma_start3A_1125 = tpu.memref_slice %arg5[%add3A_792, %dma_start3A_1119, %dma_start3A_1123, %dma_start3A_1124] : memref<1024x20x35x64xf32, #tpu.memory_space<hbm>> -> memref<1x1x35x64xf32, #tpu.memory_space<hbm>>
      %dma_start3A_1126 = tpu.memref_squeeze %dma_start3A_1125 : memref<1x1x35x64xf32, #tpu.memory_space<hbm>> -> memref<35x64xf32, #tpu.memory_space<hbm>>
      %dma_start3A_1127 = arith.constant 0 : i32
      %dma_start3A_1128 = arith.constant 0 : i32
      %dma_start3A_1129 = tpu.memref_slice %arg5[%add3A_792, %dma_start3A_1119, %dma_start3A_1127, %dma_start3A_1128] : memref<1024x20x35x64xf32, #tpu.memory_space<hbm>> -> memref<1x1x35x64xf32, #tpu.memory_space<hbm>>
      %dma_start3A_1130 = tpu.memref_squeeze %dma_start3A_1129 : memref<1x1x35x64xf32, #tpu.memory_space<hbm>> -> memref<35x64xf32, #tpu.memory_space<hbm>>
      %dma_start3A_1131 = arith.constant 455 : i32
      %dma_start3A_1132 = arith.constant 0 : i32
      %dma_start3A_1133 = tpu.memref_slice %arg9[%dma_start3A_1131, %dma_start3A_1132] : memref<704x64xf32, #tpu.memory_space<vmem>> -> memref<35x64xf32, #tpu.memory_space<vmem>>
      tpu.enqueue_dma source(%dma_start3A_1133 : memref<35x64xf32, #tpu.memory_space<vmem>>) target(%dma_start3A_1130 : memref<35x64xf32, #tpu.memory_space<hbm>>) target_semaphore(%arg14 : memref<!tpu.dma_semaphore, #tpu.memory_space<semaphore_mem>>)
      %dma_start3A_1134 = arith.constant 14 : i32
      %dma_start3A_1135 = arith.constant 490 : i32
      %dma_start3A_1136 = arith.constant 0 : i32
      %dma_start3A_1137 = tpu.memref_slice %arg9[%dma_start3A_1135, %dma_start3A_1136] : memref<704x64xf32, #tpu.memory_space<vmem>> -> memref<35x64xf32, #tpu.memory_space<vmem>>
      %dma_start3A_1138 = arith.constant 0 : i32
      %dma_start3A_1139 = arith.constant 0 : i32
      %dma_start3A_1140 = tpu.memref_slice %arg5[%add3A_792, %dma_start3A_1134, %dma_start3A_1138, %dma_start3A_1139] : memref<1024x20x35x64xf32, #tpu.memory_space<hbm>> -> memref<1x1x35x64xf32, #tpu.memory_space<hbm>>
      %dma_start3A_1141 = tpu.memref_squeeze %dma_start3A_1140 : memref<1x1x35x64xf32, #tpu.memory_space<hbm>> -> memref<35x64xf32, #tpu.memory_space<hbm>>
      %dma_start3A_1142 = arith.constant 0 : i32
      %dma_start3A_1143 = arith.constant 0 : i32
      %dma_start3A_1144 = tpu.memref_slice %arg5[%add3A_792, %dma_start3A_1134, %dma_start3A_1142, %dma_start3A_1143] : memref<1024x20x35x64xf32, #tpu.memory_space<hbm>> -> memref<1x1x35x64xf32, #tpu.memory_space<hbm>>
      %dma_start3A_1145 = tpu.memref_squeeze %dma_start3A_1144 : memref<1x1x35x64xf32, #tpu.memory_space<hbm>> -> memref<35x64xf32, #tpu.memory_space<hbm>>
      %dma_start3A_1146 = arith.constant 490 : i32
      %dma_start3A_1147 = arith.constant 0 : i32
      %dma_start3A_1148 = tpu.memref_slice %arg9[%dma_start3A_1146, %dma_start3A_1147] : memref<704x64xf32, #tpu.memory_space<vmem>> -> memref<35x64xf32, #tpu.memory_space<vmem>>
      tpu.enqueue_dma source(%dma_start3A_1148 : memref<35x64xf32, #tpu.memory_space<vmem>>) target(%dma_start3A_1145 : memref<35x64xf32, #tpu.memory_space<hbm>>) target_semaphore(%arg14 : memref<!tpu.dma_semaphore, #tpu.memory_space<semaphore_mem>>)
      %dma_start3A_1149 = arith.constant 15 : i32
      %dma_start3A_1150 = arith.constant 525 : i32
      %dma_start3A_1151 = arith.constant 0 : i32
      %dma_start3A_1152 = tpu.memref_slice %arg9[%dma_start3A_1150, %dma_start3A_1151] : memref<704x64xf32, #tpu.memory_space<vmem>> -> memref<35x64xf32, #tpu.memory_space<vmem>>
      %dma_start3A_1153 = arith.constant 0 : i32
      %dma_start3A_1154 = arith.constant 0 : i32
      %dma_start3A_1155 = tpu.memref_slice %arg5[%add3A_792, %dma_start3A_1149, %dma_start3A_1153, %dma_start3A_1154] : memref<1024x20x35x64xf32, #tpu.memory_space<hbm>> -> memref<1x1x35x64xf32, #tpu.memory_space<hbm>>
      %dma_start3A_1156 = tpu.memref_squeeze %dma_start3A_1155 : memref<1x1x35x64xf32, #tpu.memory_space<hbm>> -> memref<35x64xf32, #tpu.memory_space<hbm>>
      %dma_start3A_1157 = arith.constant 0 : i32
      %dma_start3A_1158 = arith.constant 0 : i32
      %dma_start3A_1159 = tpu.memref_slice %arg5[%add3A_792, %dma_start3A_1149, %dma_start3A_1157, %dma_start3A_1158] : memref<1024x20x35x64xf32, #tpu.memory_space<hbm>> -> memref<1x1x35x64xf32, #tpu.memory_space<hbm>>
      %dma_start3A_1160 = tpu.memref_squeeze %dma_start3A_1159 : memref<1x1x35x64xf32, #tpu.memory_space<hbm>> -> memref<35x64xf32, #tpu.memory_space<hbm>>
      %dma_start3A_1161 = arith.constant 525 : i32
      %dma_start3A_1162 = arith.constant 0 : i32
      %dma_start3A_1163 = tpu.memref_slice %arg9[%dma_start3A_1161, %dma_start3A_1162] : memref<704x64xf32, #tpu.memory_space<vmem>> -> memref<35x64xf32, #tpu.memory_space<vmem>>
      tpu.enqueue_dma source(%dma_start3A_1163 : memref<35x64xf32, #tpu.memory_space<vmem>>) target(%dma_start3A_1160 : memref<35x64xf32, #tpu.memory_space<hbm>>) target_semaphore(%arg14 : memref<!tpu.dma_semaphore, #tpu.memory_space<semaphore_mem>>)
      %dma_start3A_1164 = arith.constant 16 : i32
      %dma_start3A_1165 = arith.constant 560 : i32
      %dma_start3A_1166 = arith.constant 0 : i32
      %dma_start3A_1167 = tpu.memref_slice %arg9[%dma_start3A_1165, %dma_start3A_1166] : memref<704x64xf32, #tpu.memory_space<vmem>> -> memref<35x64xf32, #tpu.memory_space<vmem>>
      %dma_start3A_1168 = arith.constant 0 : i32
      %dma_start3A_1169 = arith.constant 0 : i32
      %dma_start3A_1170 = tpu.memref_slice %arg5[%add3A_792, %dma_start3A_1164, %dma_start3A_1168, %dma_start3A_1169] : memref<1024x20x35x64xf32, #tpu.memory_space<hbm>> -> memref<1x1x35x64xf32, #tpu.memory_space<hbm>>
      %dma_start3A_1171 = tpu.memref_squeeze %dma_start3A_1170 : memref<1x1x35x64xf32, #tpu.memory_space<hbm>> -> memref<35x64xf32, #tpu.memory_space<hbm>>
      %dma_start3A_1172 = arith.constant 0 : i32
      %dma_start3A_1173 = arith.constant 0 : i32
      %dma_start3A_1174 = tpu.memref_slice %arg5[%add3A_792, %dma_start3A_1164, %dma_start3A_1172, %dma_start3A_1173] : memref<1024x20x35x64xf32, #tpu.memory_space<hbm>> -> memref<1x1x35x64xf32, #tpu.memory_space<hbm>>
      %dma_start3A_1175 = tpu.memref_squeeze %dma_start3A_1174 : memref<1x1x35x64xf32, #tpu.memory_space<hbm>> -> memref<35x64xf32, #tpu.memory_space<hbm>>
      %dma_start3A_1176 = arith.constant 560 : i32
      %dma_start3A_1177 = arith.constant 0 : i32
      %dma_start3A_1178 = tpu.memref_slice %arg9[%dma_start3A_1176, %dma_start3A_1177] : memref<704x64xf32, #tpu.memory_space<vmem>> -> memref<35x64xf32, #tpu.memory_space<vmem>>
      tpu.enqueue_dma source(%dma_start3A_1178 : memref<35x64xf32, #tpu.memory_space<vmem>>) target(%dma_start3A_1175 : memref<35x64xf32, #tpu.memory_space<hbm>>) target_semaphore(%arg14 : memref<!tpu.dma_semaphore, #tpu.memory_space<semaphore_mem>>)
      %dma_start3A_1179 = arith.constant 17 : i32
      %dma_start3A_1180 = arith.constant 595 : i32
      %dma_start3A_1181 = arith.constant 0 : i32
      %dma_start3A_1182 = tpu.memref_slice %arg9[%dma_start3A_1180, %dma_start3A_1181] : memref<704x64xf32, #tpu.memory_space<vmem>> -> memref<35x64xf32, #tpu.memory_space<vmem>>
      %dma_start3A_1183 = arith.constant 0 : i32
      %dma_start3A_1184 = arith.constant 0 : i32
      %dma_start3A_1185 = tpu.memref_slice %arg5[%add3A_792, %dma_start3A_1179, %dma_start3A_1183, %dma_start3A_1184] : memref<1024x20x35x64xf32, #tpu.memory_space<hbm>> -> memref<1x1x35x64xf32, #tpu.memory_space<hbm>>
      %dma_start3A_1186 = tpu.memref_squeeze %dma_start3A_1185 : memref<1x1x35x64xf32, #tpu.memory_space<hbm>> -> memref<35x64xf32, #tpu.memory_space<hbm>>
      %dma_start3A_1187 = arith.constant 0 : i32
      %dma_start3A_1188 = arith.constant 0 : i32
      %dma_start3A_1189 = tpu.memref_slice %arg5[%add3A_792, %dma_start3A_1179, %dma_start3A_1187, %dma_start3A_1188] : memref<1024x20x35x64xf32, #tpu.memory_space<hbm>> -> memref<1x1x35x64xf32, #tpu.memory_space<hbm>>
      %dma_start3A_1190 = tpu.memref_squeeze %dma_start3A_1189 : memref<1x1x35x64xf32, #tpu.memory_space<hbm>> -> memref<35x64xf32, #tpu.memory_space<hbm>>
      %dma_start3A_1191 = arith.constant 595 : i32
      %dma_start3A_1192 = arith.constant 0 : i32
      %dma_start3A_1193 = tpu.memref_slice %arg9[%dma_start3A_1191, %dma_start3A_1192] : memref<704x64xf32, #tpu.memory_space<vmem>> -> memref<35x64xf32, #tpu.memory_space<vmem>>
      tpu.enqueue_dma source(%dma_start3A_1193 : memref<35x64xf32, #tpu.memory_space<vmem>>) target(%dma_start3A_1190 : memref<35x64xf32, #tpu.memory_space<hbm>>) target_semaphore(%arg14 : memref<!tpu.dma_semaphore, #tpu.memory_space<semaphore_mem>>)
      %dma_start3A_1194 = arith.constant 18 : i32
      %dma_start3A_1195 = arith.constant 630 : i32
      %dma_start3A_1196 = arith.constant 0 : i32
      %dma_start3A_1197 = tpu.memref_slice %arg9[%dma_start3A_1195, %dma_start3A_1196] : memref<704x64xf32, #tpu.memory_space<vmem>> -> memref<35x64xf32, #tpu.memory_space<vmem>>
      %dma_start3A_1198 = arith.constant 0 : i32
      %dma_start3A_1199 = arith.constant 0 : i32
      %dma_start3A_1200 = tpu.memref_slice %arg5[%add3A_792, %dma_start3A_1194, %dma_start3A_1198, %dma_start3A_1199] : memref<1024x20x35x64xf32, #tpu.memory_space<hbm>> -> memref<1x1x35x64xf32, #tpu.memory_space<hbm>>
      %dma_start3A_1201 = tpu.memref_squeeze %dma_start3A_1200 : memref<1x1x35x64xf32, #tpu.memory_space<hbm>> -> memref<35x64xf32, #tpu.memory_space<hbm>>
      %dma_start3A_1202 = arith.constant 0 : i32
      %dma_start3A_1203 = arith.constant 0 : i32
      %dma_start3A_1204 = tpu.memref_slice %arg5[%add3A_792, %dma_start3A_1194, %dma_start3A_1202, %dma_start3A_1203] : memref<1024x20x35x64xf32, #tpu.memory_space<hbm>> -> memref<1x1x35x64xf32, #tpu.memory_space<hbm>>
      %dma_start3A_1205 = tpu.memref_squeeze %dma_start3A_1204 : memref<1x1x35x64xf32, #tpu.memory_space<hbm>> -> memref<35x64xf32, #tpu.memory_space<hbm>>
      %dma_start3A_1206 = arith.constant 630 : i32
      %dma_start3A_1207 = arith.constant 0 : i32
      %dma_start3A_1208 = tpu.memref_slice %arg9[%dma_start3A_1206, %dma_start3A_1207] : memref<704x64xf32, #tpu.memory_space<vmem>> -> memref<35x64xf32, #tpu.memory_space<vmem>>
      tpu.enqueue_dma source(%dma_start3A_1208 : memref<35x64xf32, #tpu.memory_space<vmem>>) target(%dma_start3A_1205 : memref<35x64xf32, #tpu.memory_space<hbm>>) target_semaphore(%arg14 : memref<!tpu.dma_semaphore, #tpu.memory_space<semaphore_mem>>)
      %dma_start3A_1209 = arith.constant 19 : i32
      %dma_start3A_1210 = arith.constant 665 : i32
      %dma_start3A_1211 = arith.constant 0 : i32
      %dma_start3A_1212 = tpu.memref_slice %arg9[%dma_start3A_1210, %dma_start3A_1211] : memref<704x64xf32, #tpu.memory_space<vmem>> -> memref<35x64xf32, #tpu.memory_space<vmem>>
      %dma_start3A_1213 = arith.constant 0 : i32
      %dma_start3A_1214 = arith.constant 0 : i32
      %dma_start3A_1215 = tpu.memref_slice %arg5[%add3A_792, %dma_start3A_1209, %dma_start3A_1213, %dma_start3A_1214] : memref<1024x20x35x64xf32, #tpu.memory_space<hbm>> -> memref<1x1x35x64xf32, #tpu.memory_space<hbm>>
      %dma_start3A_1216 = tpu.memref_squeeze %dma_start3A_1215 : memref<1x1x35x64xf32, #tpu.memory_space<hbm>> -> memref<35x64xf32, #tpu.memory_space<hbm>>
      %dma_start3A_1217 = arith.constant 0 : i32
      %dma_start3A_1218 = arith.constant 0 : i32
      %dma_start3A_1219 = tpu.memref_slice %arg5[%add3A_792, %dma_start3A_1209, %dma_start3A_1217, %dma_start3A_1218] : memref<1024x20x35x64xf32, #tpu.memory_space<hbm>> -> memref<1x1x35x64xf32, #tpu.memory_space<hbm>>
      %dma_start3A_1220 = tpu.memref_squeeze %dma_start3A_1219 : memref<1x1x35x64xf32, #tpu.memory_space<hbm>> -> memref<35x64xf32, #tpu.memory_space<hbm>>
      %dma_start3A_1221 = arith.constant 665 : i32
      %dma_start3A_1222 = arith.constant 0 : i32
      %dma_start3A_1223 = tpu.memref_slice %arg9[%dma_start3A_1221, %dma_start3A_1222] : memref<704x64xf32, #tpu.memory_space<vmem>> -> memref<35x64xf32, #tpu.memory_space<vmem>>
      tpu.enqueue_dma source(%dma_start3A_1223 : memref<35x64xf32, #tpu.memory_space<vmem>>) target(%dma_start3A_1220 : memref<35x64xf32, #tpu.memory_space<hbm>>) target_semaphore(%arg14 : memref<!tpu.dma_semaphore, #tpu.memory_space<semaphore_mem>>)
    }
    %scan3A_57 = arith.constant 16 : i32
    %add3A_58 = arith.constant 32 : i32
    %add3A_59 = arith.addi %mul3A_2, %add3A_58 : i32
    %sub3A = arith.constant 1 : i32
    %sub3A_60 = arith.subi %add3A_59, %sub3A : i32
    %dma_wait3A = arith.constant 0 : i32
    %dma_wait3A_61 = arith.constant 0 : i32
    %dma_wait3A_62 = arith.constant 0 : i32
    %dma_wait3A_63 = tpu.memref_slice %arg9[%dma_wait3A_61, %dma_wait3A_62] : memref<704x64xf32, #tpu.memory_space<vmem>> -> memref<35x64xf32, #tpu.memory_space<vmem>>
    %dma_wait3A_64 = arith.constant 0 : i32
    %dma_wait3A_65 = arith.constant 0 : i32
    %dma_wait3A_66 = tpu.memref_slice %arg5[%sub3A_60, %dma_wait3A, %dma_wait3A_64, %dma_wait3A_65] : memref<1024x20x35x64xf32, #tpu.memory_space<hbm>> -> memref<1x1x35x64xf32, #tpu.memory_space<hbm>>
    %dma_wait3A_67 = tpu.memref_squeeze %dma_wait3A_66 : memref<1x1x35x64xf32, #tpu.memory_space<hbm>> -> memref<35x64xf32, #tpu.memory_space<hbm>>
    %dma_wait3A_68 = arith.constant 0 : i32
    %dma_wait3A_69 = arith.constant 0 : i32
    %dma_wait3A_70 = tpu.memref_slice %arg5[%sub3A_60, %dma_wait3A, %dma_wait3A_68, %dma_wait3A_69] : memref<1024x20x35x64xf32, #tpu.memory_space<hbm>> -> memref<1x1x35x64xf32, #tpu.memory_space<hbm>>
    %dma_wait3A_71 = tpu.memref_squeeze %dma_wait3A_70 : memref<1x1x35x64xf32, #tpu.memory_space<hbm>> -> memref<35x64xf32, #tpu.memory_space<hbm>>
    %dma_wait3A_72 = arith.constant 0 : i32
    %dma_wait3A_73 = arith.constant 0 : i32
    %dma_wait3A_74 = tpu.memref_slice %arg9[%dma_wait3A_72, %dma_wait3A_73] : memref<704x64xf32, #tpu.memory_space<vmem>> -> memref<35x64xf32, #tpu.memory_space<vmem>>
    tpu.wait_dma2 semaphore(%arg14 : memref<!tpu.dma_semaphore, #tpu.memory_space<semaphore_mem>>) src(%dma_wait3A_74 : memref<35x64xf32, #tpu.memory_space<vmem>>) dst(%dma_wait3A_71 : memref<35x64xf32, #tpu.memory_space<hbm>>)
    %dma_wait3A_75 = arith.constant 1 : i32
    %dma_wait3A_76 = arith.constant 35 : i32
    %dma_wait3A_77 = arith.constant 0 : i32
    %dma_wait3A_78 = tpu.memref_slice %arg9[%dma_wait3A_76, %dma_wait3A_77] : memref<704x64xf32, #tpu.memory_space<vmem>> -> memref<35x64xf32, #tpu.memory_space<vmem>>
    %dma_wait3A_79 = arith.constant 0 : i32
    %dma_wait3A_80 = arith.constant 0 : i32
    %dma_wait3A_81 = tpu.memref_slice %arg5[%sub3A_60, %dma_wait3A_75, %dma_wait3A_79, %dma_wait3A_80] : memref<1024x20x35x64xf32, #tpu.memory_space<hbm>> -> memref<1x1x35x64xf32, #tpu.memory_space<hbm>>
    %dma_wait3A_82 = tpu.memref_squeeze %dma_wait3A_81 : memref<1x1x35x64xf32, #tpu.memory_space<hbm>> -> memref<35x64xf32, #tpu.memory_space<hbm>>
    %dma_wait3A_83 = arith.constant 0 : i32
    %dma_wait3A_84 = arith.constant 0 : i32
    %dma_wait3A_85 = tpu.memref_slice %arg5[%sub3A_60, %dma_wait3A_75, %dma_wait3A_83, %dma_wait3A_84] : memref<1024x20x35x64xf32, #tpu.memory_space<hbm>> -> memref<1x1x35x64xf32, #tpu.memory_space<hbm>>
    %dma_wait3A_86 = tpu.memref_squeeze %dma_wait3A_85 : memref<1x1x35x64xf32, #tpu.memory_space<hbm>> -> memref<35x64xf32, #tpu.memory_space<hbm>>
    %dma_wait3A_87 = arith.constant 35 : i32
    %dma_wait3A_88 = arith.constant 0 : i32
    %dma_wait3A_89 = tpu.memref_slice %arg9[%dma_wait3A_87, %dma_wait3A_88] : memref<704x64xf32, #tpu.memory_space<vmem>> -> memref<35x64xf32, #tpu.memory_space<vmem>>
    tpu.wait_dma2 semaphore(%arg14 : memref<!tpu.dma_semaphore, #tpu.memory_space<semaphore_mem>>) src(%dma_wait3A_89 : memref<35x64xf32, #tpu.memory_space<vmem>>) dst(%dma_wait3A_86 : memref<35x64xf32, #tpu.memory_space<hbm>>)
    %dma_wait3A_90 = arith.constant 2 : i32
    %dma_wait3A_91 = arith.constant 70 : i32
    %dma_wait3A_92 = arith.constant 0 : i32
    %dma_wait3A_93 = tpu.memref_slice %arg9[%dma_wait3A_91, %dma_wait3A_92] : memref<704x64xf32, #tpu.memory_space<vmem>> -> memref<35x64xf32, #tpu.memory_space<vmem>>
    %dma_wait3A_94 = arith.constant 0 : i32
    %dma_wait3A_95 = arith.constant 0 : i32
    %dma_wait3A_96 = tpu.memref_slice %arg5[%sub3A_60, %dma_wait3A_90, %dma_wait3A_94, %dma_wait3A_95] : memref<1024x20x35x64xf32, #tpu.memory_space<hbm>> -> memref<1x1x35x64xf32, #tpu.memory_space<hbm>>
    %dma_wait3A_97 = tpu.memref_squeeze %dma_wait3A_96 : memref<1x1x35x64xf32, #tpu.memory_space<hbm>> -> memref<35x64xf32, #tpu.memory_space<hbm>>
    %dma_wait3A_98 = arith.constant 0 : i32
    %dma_wait3A_99 = arith.constant 0 : i32
    %dma_wait3A_100 = tpu.memref_slice %arg5[%sub3A_60, %dma_wait3A_90, %dma_wait3A_98, %dma_wait3A_99] : memref<1024x20x35x64xf32, #tpu.memory_space<hbm>> -> memref<1x1x35x64xf32, #tpu.memory_space<hbm>>
    %dma_wait3A_101 = tpu.memref_squeeze %dma_wait3A_100 : memref<1x1x35x64xf32, #tpu.memory_space<hbm>> -> memref<35x64xf32, #tpu.memory_space<hbm>>
    %dma_wait3A_102 = arith.constant 70 : i32
    %dma_wait3A_103 = arith.constant 0 : i32
    %dma_wait3A_104 = tpu.memref_slice %arg9[%dma_wait3A_102, %dma_wait3A_103] : memref<704x64xf32, #tpu.memory_space<vmem>> -> memref<35x64xf32, #tpu.memory_space<vmem>>
    tpu.wait_dma2 semaphore(%arg14 : memref<!tpu.dma_semaphore, #tpu.memory_space<semaphore_mem>>) src(%dma_wait3A_104 : memref<35x64xf32, #tpu.memory_space<vmem>>) dst(%dma_wait3A_101 : memref<35x64xf32, #tpu.memory_space<hbm>>)
    %dma_wait3A_105 = arith.constant 3 : i32
    %dma_wait3A_106 = arith.constant 105 : i32
    %dma_wait3A_107 = arith.constant 0 : i32
    %dma_wait3A_108 = tpu.memref_slice %arg9[%dma_wait3A_106, %dma_wait3A_107] : memref<704x64xf32, #tpu.memory_space<vmem>> -> memref<35x64xf32, #tpu.memory_space<vmem>>
    %dma_wait3A_109 = arith.constant 0 : i32
    %dma_wait3A_110 = arith.constant 0 : i32
    %dma_wait3A_111 = tpu.memref_slice %arg5[%sub3A_60, %dma_wait3A_105, %dma_wait3A_109, %dma_wait3A_110] : memref<1024x20x35x64xf32, #tpu.memory_space<hbm>> -> memref<1x1x35x64xf32, #tpu.memory_space<hbm>>
    %dma_wait3A_112 = tpu.memref_squeeze %dma_wait3A_111 : memref<1x1x35x64xf32, #tpu.memory_space<hbm>> -> memref<35x64xf32, #tpu.memory_space<hbm>>
    %dma_wait3A_113 = arith.constant 0 : i32
    %dma_wait3A_114 = arith.constant 0 : i32
    %dma_wait3A_115 = tpu.memref_slice %arg5[%sub3A_60, %dma_wait3A_105, %dma_wait3A_113, %dma_wait3A_114] : memref<1024x20x35x64xf32, #tpu.memory_space<hbm>> -> memref<1x1x35x64xf32, #tpu.memory_space<hbm>>
    %dma_wait3A_116 = tpu.memref_squeeze %dma_wait3A_115 : memref<1x1x35x64xf32, #tpu.memory_space<hbm>> -> memref<35x64xf32, #tpu.memory_space<hbm>>
    %dma_wait3A_117 = arith.constant 105 : i32
    %dma_wait3A_118 = arith.constant 0 : i32
    %dma_wait3A_119 = tpu.memref_slice %arg9[%dma_wait3A_117, %dma_wait3A_118] : memref<704x64xf32, #tpu.memory_space<vmem>> -> memref<35x64xf32, #tpu.memory_space<vmem>>
    tpu.wait_dma2 semaphore(%arg14 : memref<!tpu.dma_semaphore, #tpu.memory_space<semaphore_mem>>) src(%dma_wait3A_119 : memref<35x64xf32, #tpu.memory_space<vmem>>) dst(%dma_wait3A_116 : memref<35x64xf32, #tpu.memory_space<hbm>>)
    %dma_wait3A_120 = arith.constant 4 : i32
    %dma_wait3A_121 = arith.constant 140 : i32
    %dma_wait3A_122 = arith.constant 0 : i32
    %dma_wait3A_123 = tpu.memref_slice %arg9[%dma_wait3A_121, %dma_wait3A_122] : memref<704x64xf32, #tpu.memory_space<vmem>> -> memref<35x64xf32, #tpu.memory_space<vmem>>
    %dma_wait3A_124 = arith.constant 0 : i32
    %dma_wait3A_125 = arith.constant 0 : i32
    %dma_wait3A_126 = tpu.memref_slice %arg5[%sub3A_60, %dma_wait3A_120, %dma_wait3A_124, %dma_wait3A_125] : memref<1024x20x35x64xf32, #tpu.memory_space<hbm>> -> memref<1x1x35x64xf32, #tpu.memory_space<hbm>>
    %dma_wait3A_127 = tpu.memref_squeeze %dma_wait3A_126 : memref<1x1x35x64xf32, #tpu.memory_space<hbm>> -> memref<35x64xf32, #tpu.memory_space<hbm>>
    %dma_wait3A_128 = arith.constant 0 : i32
    %dma_wait3A_129 = arith.constant 0 : i32
    %dma_wait3A_130 = tpu.memref_slice %arg5[%sub3A_60, %dma_wait3A_120, %dma_wait3A_128, %dma_wait3A_129] : memref<1024x20x35x64xf32, #tpu.memory_space<hbm>> -> memref<1x1x35x64xf32, #tpu.memory_space<hbm>>
    %dma_wait3A_131 = tpu.memref_squeeze %dma_wait3A_130 : memref<1x1x35x64xf32, #tpu.memory_space<hbm>> -> memref<35x64xf32, #tpu.memory_space<hbm>>
    %dma_wait3A_132 = arith.constant 140 : i32
    %dma_wait3A_133 = arith.constant 0 : i32
    %dma_wait3A_134 = tpu.memref_slice %arg9[%dma_wait3A_132, %dma_wait3A_133] : memref<704x64xf32, #tpu.memory_space<vmem>> -> memref<35x64xf32, #tpu.memory_space<vmem>>
    tpu.wait_dma2 semaphore(%arg14 : memref<!tpu.dma_semaphore, #tpu.memory_space<semaphore_mem>>) src(%dma_wait3A_134 : memref<35x64xf32, #tpu.memory_space<vmem>>) dst(%dma_wait3A_131 : memref<35x64xf32, #tpu.memory_space<hbm>>)
    %dma_wait3A_135 = arith.constant 5 : i32
    %dma_wait3A_136 = arith.constant 175 : i32
    %dma_wait3A_137 = arith.constant 0 : i32
    %dma_wait3A_138 = tpu.memref_slice %arg9[%dma_wait3A_136, %dma_wait3A_137] : memref<704x64xf32, #tpu.memory_space<vmem>> -> memref<35x64xf32, #tpu.memory_space<vmem>>
    %dma_wait3A_139 = arith.constant 0 : i32
    %dma_wait3A_140 = arith.constant 0 : i32
    %dma_wait3A_141 = tpu.memref_slice %arg5[%sub3A_60, %dma_wait3A_135, %dma_wait3A_139, %dma_wait3A_140] : memref<1024x20x35x64xf32, #tpu.memory_space<hbm>> -> memref<1x1x35x64xf32, #tpu.memory_space<hbm>>
    %dma_wait3A_142 = tpu.memref_squeeze %dma_wait3A_141 : memref<1x1x35x64xf32, #tpu.memory_space<hbm>> -> memref<35x64xf32, #tpu.memory_space<hbm>>
    %dma_wait3A_143 = arith.constant 0 : i32
    %dma_wait3A_144 = arith.constant 0 : i32
    %dma_wait3A_145 = tpu.memref_slice %arg5[%sub3A_60, %dma_wait3A_135, %dma_wait3A_143, %dma_wait3A_144] : memref<1024x20x35x64xf32, #tpu.memory_space<hbm>> -> memref<1x1x35x64xf32, #tpu.memory_space<hbm>>
    %dma_wait3A_146 = tpu.memref_squeeze %dma_wait3A_145 : memref<1x1x35x64xf32, #tpu.memory_space<hbm>> -> memref<35x64xf32, #tpu.memory_space<hbm>>
    %dma_wait3A_147 = arith.constant 175 : i32
    %dma_wait3A_148 = arith.constant 0 : i32
    %dma_wait3A_149 = tpu.memref_slice %arg9[%dma_wait3A_147, %dma_wait3A_148] : memref<704x64xf32, #tpu.memory_space<vmem>> -> memref<35x64xf32, #tpu.memory_space<vmem>>
    tpu.wait_dma2 semaphore(%arg14 : memref<!tpu.dma_semaphore, #tpu.memory_space<semaphore_mem>>) src(%dma_wait3A_149 : memref<35x64xf32, #tpu.memory_space<vmem>>) dst(%dma_wait3A_146 : memref<35x64xf32, #tpu.memory_space<hbm>>)
    %dma_wait3A_150 = arith.constant 6 : i32
    %dma_wait3A_151 = arith.constant 210 : i32
    %dma_wait3A_152 = arith.constant 0 : i32
    %dma_wait3A_153 = tpu.memref_slice %arg9[%dma_wait3A_151, %dma_wait3A_152] : memref<704x64xf32, #tpu.memory_space<vmem>> -> memref<35x64xf32, #tpu.memory_space<vmem>>
    %dma_wait3A_154 = arith.constant 0 : i32
    %dma_wait3A_155 = arith.constant 0 : i32
    %dma_wait3A_156 = tpu.memref_slice %arg5[%sub3A_60, %dma_wait3A_150, %dma_wait3A_154, %dma_wait3A_155] : memref<1024x20x35x64xf32, #tpu.memory_space<hbm>> -> memref<1x1x35x64xf32, #tpu.memory_space<hbm>>
    %dma_wait3A_157 = tpu.memref_squeeze %dma_wait3A_156 : memref<1x1x35x64xf32, #tpu.memory_space<hbm>> -> memref<35x64xf32, #tpu.memory_space<hbm>>
    %dma_wait3A_158 = arith.constant 0 : i32
    %dma_wait3A_159 = arith.constant 0 : i32
    %dma_wait3A_160 = tpu.memref_slice %arg5[%sub3A_60, %dma_wait3A_150, %dma_wait3A_158, %dma_wait3A_159] : memref<1024x20x35x64xf32, #tpu.memory_space<hbm>> -> memref<1x1x35x64xf32, #tpu.memory_space<hbm>>
    %dma_wait3A_161 = tpu.memref_squeeze %dma_wait3A_160 : memref<1x1x35x64xf32, #tpu.memory_space<hbm>> -> memref<35x64xf32, #tpu.memory_space<hbm>>
    %dma_wait3A_162 = arith.constant 210 : i32
    %dma_wait3A_163 = arith.constant 0 : i32
    %dma_wait3A_164 = tpu.memref_slice %arg9[%dma_wait3A_162, %dma_wait3A_163] : memref<704x64xf32, #tpu.memory_space<vmem>> -> memref<35x64xf32, #tpu.memory_space<vmem>>
    tpu.wait_dma2 semaphore(%arg14 : memref<!tpu.dma_semaphore, #tpu.memory_space<semaphore_mem>>) src(%dma_wait3A_164 : memref<35x64xf32, #tpu.memory_space<vmem>>) dst(%dma_wait3A_161 : memref<35x64xf32, #tpu.memory_space<hbm>>)
    %dma_wait3A_165 = arith.constant 7 : i32
    %dma_wait3A_166 = arith.constant 245 : i32
    %dma_wait3A_167 = arith.constant 0 : i32
    %dma_wait3A_168 = tpu.memref_slice %arg9[%dma_wait3A_166, %dma_wait3A_167] : memref<704x64xf32, #tpu.memory_space<vmem>> -> memref<35x64xf32, #tpu.memory_space<vmem>>
    %dma_wait3A_169 = arith.constant 0 : i32
    %dma_wait3A_170 = arith.constant 0 : i32
    %dma_wait3A_171 = tpu.memref_slice %arg5[%sub3A_60, %dma_wait3A_165, %dma_wait3A_169, %dma_wait3A_170] : memref<1024x20x35x64xf32, #tpu.memory_space<hbm>> -> memref<1x1x35x64xf32, #tpu.memory_space<hbm>>
    %dma_wait3A_172 = tpu.memref_squeeze %dma_wait3A_171 : memref<1x1x35x64xf32, #tpu.memory_space<hbm>> -> memref<35x64xf32, #tpu.memory_space<hbm>>
    %dma_wait3A_173 = arith.constant 0 : i32
    %dma_wait3A_174 = arith.constant 0 : i32
    %dma_wait3A_175 = tpu.memref_slice %arg5[%sub3A_60, %dma_wait3A_165, %dma_wait3A_173, %dma_wait3A_174] : memref<1024x20x35x64xf32, #tpu.memory_space<hbm>> -> memref<1x1x35x64xf32, #tpu.memory_space<hbm>>
    %dma_wait3A_176 = tpu.memref_squeeze %dma_wait3A_175 : memref<1x1x35x64xf32, #tpu.memory_space<hbm>> -> memref<35x64xf32, #tpu.memory_space<hbm>>
    %dma_wait3A_177 = arith.constant 245 : i32
    %dma_wait3A_178 = arith.constant 0 : i32
    %dma_wait3A_179 = tpu.memref_slice %arg9[%dma_wait3A_177, %dma_wait3A_178] : memref<704x64xf32, #tpu.memory_space<vmem>> -> memref<35x64xf32, #tpu.memory_space<vmem>>
    tpu.wait_dma2 semaphore(%arg14 : memref<!tpu.dma_semaphore, #tpu.memory_space<semaphore_mem>>) src(%dma_wait3A_179 : memref<35x64xf32, #tpu.memory_space<vmem>>) dst(%dma_wait3A_176 : memref<35x64xf32, #tpu.memory_space<hbm>>)
    %dma_wait3A_180 = arith.constant 8 : i32
    %dma_wait3A_181 = arith.constant 280 : i32
    %dma_wait3A_182 = arith.constant 0 : i32
    %dma_wait3A_183 = tpu.memref_slice %arg9[%dma_wait3A_181, %dma_wait3A_182] : memref<704x64xf32, #tpu.memory_space<vmem>> -> memref<35x64xf32, #tpu.memory_space<vmem>>
    %dma_wait3A_184 = arith.constant 0 : i32
    %dma_wait3A_185 = arith.constant 0 : i32
    %dma_wait3A_186 = tpu.memref_slice %arg5[%sub3A_60, %dma_wait3A_180, %dma_wait3A_184, %dma_wait3A_185] : memref<1024x20x35x64xf32, #tpu.memory_space<hbm>> -> memref<1x1x35x64xf32, #tpu.memory_space<hbm>>
    %dma_wait3A_187 = tpu.memref_squeeze %dma_wait3A_186 : memref<1x1x35x64xf32, #tpu.memory_space<hbm>> -> memref<35x64xf32, #tpu.memory_space<hbm>>
    %dma_wait3A_188 = arith.constant 0 : i32
    %dma_wait3A_189 = arith.constant 0 : i32
    %dma_wait3A_190 = tpu.memref_slice %arg5[%sub3A_60, %dma_wait3A_180, %dma_wait3A_188, %dma_wait3A_189] : memref<1024x20x35x64xf32, #tpu.memory_space<hbm>> -> memref<1x1x35x64xf32, #tpu.memory_space<hbm>>
    %dma_wait3A_191 = tpu.memref_squeeze %dma_wait3A_190 : memref<1x1x35x64xf32, #tpu.memory_space<hbm>> -> memref<35x64xf32, #tpu.memory_space<hbm>>
    %dma_wait3A_192 = arith.constant 280 : i32
    %dma_wait3A_193 = arith.constant 0 : i32
    %dma_wait3A_194 = tpu.memref_slice %arg9[%dma_wait3A_192, %dma_wait3A_193] : memref<704x64xf32, #tpu.memory_space<vmem>> -> memref<35x64xf32, #tpu.memory_space<vmem>>
    tpu.wait_dma2 semaphore(%arg14 : memref<!tpu.dma_semaphore, #tpu.memory_space<semaphore_mem>>) src(%dma_wait3A_194 : memref<35x64xf32, #tpu.memory_space<vmem>>) dst(%dma_wait3A_191 : memref<35x64xf32, #tpu.memory_space<hbm>>)
    %dma_wait3A_195 = arith.constant 9 : i32
    %dma_wait3A_196 = arith.constant 315 : i32
    %dma_wait3A_197 = arith.constant 0 : i32
    %dma_wait3A_198 = tpu.memref_slice %arg9[%dma_wait3A_196, %dma_wait3A_197] : memref<704x64xf32, #tpu.memory_space<vmem>> -> memref<35x64xf32, #tpu.memory_space<vmem>>
    %dma_wait3A_199 = arith.constant 0 : i32
    %dma_wait3A_200 = arith.constant 0 : i32
    %dma_wait3A_201 = tpu.memref_slice %arg5[%sub3A_60, %dma_wait3A_195, %dma_wait3A_199, %dma_wait3A_200] : memref<1024x20x35x64xf32, #tpu.memory_space<hbm>> -> memref<1x1x35x64xf32, #tpu.memory_space<hbm>>
    %dma_wait3A_202 = tpu.memref_squeeze %dma_wait3A_201 : memref<1x1x35x64xf32, #tpu.memory_space<hbm>> -> memref<35x64xf32, #tpu.memory_space<hbm>>
    %dma_wait3A_203 = arith.constant 0 : i32
    %dma_wait3A_204 = arith.constant 0 : i32
    %dma_wait3A_205 = tpu.memref_slice %arg5[%sub3A_60, %dma_wait3A_195, %dma_wait3A_203, %dma_wait3A_204] : memref<1024x20x35x64xf32, #tpu.memory_space<hbm>> -> memref<1x1x35x64xf32, #tpu.memory_space<hbm>>
    %dma_wait3A_206 = tpu.memref_squeeze %dma_wait3A_205 : memref<1x1x35x64xf32, #tpu.memory_space<hbm>> -> memref<35x64xf32, #tpu.memory_space<hbm>>
    %dma_wait3A_207 = arith.constant 315 : i32
    %dma_wait3A_208 = arith.constant 0 : i32
    %dma_wait3A_209 = tpu.memref_slice %arg9[%dma_wait3A_207, %dma_wait3A_208] : memref<704x64xf32, #tpu.memory_space<vmem>> -> memref<35x64xf32, #tpu.memory_space<vmem>>
    tpu.wait_dma2 semaphore(%arg14 : memref<!tpu.dma_semaphore, #tpu.memory_space<semaphore_mem>>) src(%dma_wait3A_209 : memref<35x64xf32, #tpu.memory_space<vmem>>) dst(%dma_wait3A_206 : memref<35x64xf32, #tpu.memory_space<hbm>>)
    %dma_wait3A_210 = arith.constant 10 : i32
    %dma_wait3A_211 = arith.constant 350 : i32
    %dma_wait3A_212 = arith.constant 0 : i32
    %dma_wait3A_213 = tpu.memref_slice %arg9[%dma_wait3A_211, %dma_wait3A_212] : memref<704x64xf32, #tpu.memory_space<vmem>> -> memref<35x64xf32, #tpu.memory_space<vmem>>
    %dma_wait3A_214 = arith.constant 0 : i32
    %dma_wait3A_215 = arith.constant 0 : i32
    %dma_wait3A_216 = tpu.memref_slice %arg5[%sub3A_60, %dma_wait3A_210, %dma_wait3A_214, %dma_wait3A_215] : memref<1024x20x35x64xf32, #tpu.memory_space<hbm>> -> memref<1x1x35x64xf32, #tpu.memory_space<hbm>>
    %dma_wait3A_217 = tpu.memref_squeeze %dma_wait3A_216 : memref<1x1x35x64xf32, #tpu.memory_space<hbm>> -> memref<35x64xf32, #tpu.memory_space<hbm>>
    %dma_wait3A_218 = arith.constant 0 : i32
    %dma_wait3A_219 = arith.constant 0 : i32
    %dma_wait3A_220 = tpu.memref_slice %arg5[%sub3A_60, %dma_wait3A_210, %dma_wait3A_218, %dma_wait3A_219] : memref<1024x20x35x64xf32, #tpu.memory_space<hbm>> -> memref<1x1x35x64xf32, #tpu.memory_space<hbm>>
    %dma_wait3A_221 = tpu.memref_squeeze %dma_wait3A_220 : memref<1x1x35x64xf32, #tpu.memory_space<hbm>> -> memref<35x64xf32, #tpu.memory_space<hbm>>
    %dma_wait3A_222 = arith.constant 350 : i32
    %dma_wait3A_223 = arith.constant 0 : i32
    %dma_wait3A_224 = tpu.memref_slice %arg9[%dma_wait3A_222, %dma_wait3A_223] : memref<704x64xf32, #tpu.memory_space<vmem>> -> memref<35x64xf32, #tpu.memory_space<vmem>>
    tpu.wait_dma2 semaphore(%arg14 : memref<!tpu.dma_semaphore, #tpu.memory_space<semaphore_mem>>) src(%dma_wait3A_224 : memref<35x64xf32, #tpu.memory_space<vmem>>) dst(%dma_wait3A_221 : memref<35x64xf32, #tpu.memory_space<hbm>>)
    %dma_wait3A_225 = arith.constant 11 : i32
    %dma_wait3A_226 = arith.constant 385 : i32
    %dma_wait3A_227 = arith.constant 0 : i32
    %dma_wait3A_228 = tpu.memref_slice %arg9[%dma_wait3A_226, %dma_wait3A_227] : memref<704x64xf32, #tpu.memory_space<vmem>> -> memref<35x64xf32, #tpu.memory_space<vmem>>
    %dma_wait3A_229 = arith.constant 0 : i32
    %dma_wait3A_230 = arith.constant 0 : i32
    %dma_wait3A_231 = tpu.memref_slice %arg5[%sub3A_60, %dma_wait3A_225, %dma_wait3A_229, %dma_wait3A_230] : memref<1024x20x35x64xf32, #tpu.memory_space<hbm>> -> memref<1x1x35x64xf32, #tpu.memory_space<hbm>>
    %dma_wait3A_232 = tpu.memref_squeeze %dma_wait3A_231 : memref<1x1x35x64xf32, #tpu.memory_space<hbm>> -> memref<35x64xf32, #tpu.memory_space<hbm>>
    %dma_wait3A_233 = arith.constant 0 : i32
    %dma_wait3A_234 = arith.constant 0 : i32
    %dma_wait3A_235 = tpu.memref_slice %arg5[%sub3A_60, %dma_wait3A_225, %dma_wait3A_233, %dma_wait3A_234] : memref<1024x20x35x64xf32, #tpu.memory_space<hbm>> -> memref<1x1x35x64xf32, #tpu.memory_space<hbm>>
    %dma_wait3A_236 = tpu.memref_squeeze %dma_wait3A_235 : memref<1x1x35x64xf32, #tpu.memory_space<hbm>> -> memref<35x64xf32, #tpu.memory_space<hbm>>
    %dma_wait3A_237 = arith.constant 385 : i32
    %dma_wait3A_238 = arith.constant 0 : i32
    %dma_wait3A_239 = tpu.memref_slice %arg9[%dma_wait3A_237, %dma_wait3A_238] : memref<704x64xf32, #tpu.memory_space<vmem>> -> memref<35x64xf32, #tpu.memory_space<vmem>>
    tpu.wait_dma2 semaphore(%arg14 : memref<!tpu.dma_semaphore, #tpu.memory_space<semaphore_mem>>) src(%dma_wait3A_239 : memref<35x64xf32, #tpu.memory_space<vmem>>) dst(%dma_wait3A_236 : memref<35x64xf32, #tpu.memory_space<hbm>>)
    %dma_wait3A_240 = arith.constant 12 : i32
    %dma_wait3A_241 = arith.constant 420 : i32
    %dma_wait3A_242 = arith.constant 0 : i32
    %dma_wait3A_243 = tpu.memref_slice %arg9[%dma_wait3A_241, %dma_wait3A_242] : memref<704x64xf32, #tpu.memory_space<vmem>> -> memref<35x64xf32, #tpu.memory_space<vmem>>
    %dma_wait3A_244 = arith.constant 0 : i32
    %dma_wait3A_245 = arith.constant 0 : i32
    %dma_wait3A_246 = tpu.memref_slice %arg5[%sub3A_60, %dma_wait3A_240, %dma_wait3A_244, %dma_wait3A_245] : memref<1024x20x35x64xf32, #tpu.memory_space<hbm>> -> memref<1x1x35x64xf32, #tpu.memory_space<hbm>>
    %dma_wait3A_247 = tpu.memref_squeeze %dma_wait3A_246 : memref<1x1x35x64xf32, #tpu.memory_space<hbm>> -> memref<35x64xf32, #tpu.memory_space<hbm>>
    %dma_wait3A_248 = arith.constant 0 : i32
    %dma_wait3A_249 = arith.constant 0 : i32
    %dma_wait3A_250 = tpu.memref_slice %arg5[%sub3A_60, %dma_wait3A_240, %dma_wait3A_248, %dma_wait3A_249] : memref<1024x20x35x64xf32, #tpu.memory_space<hbm>> -> memref<1x1x35x64xf32, #tpu.memory_space<hbm>>
    %dma_wait3A_251 = tpu.memref_squeeze %dma_wait3A_250 : memref<1x1x35x64xf32, #tpu.memory_space<hbm>> -> memref<35x64xf32, #tpu.memory_space<hbm>>
    %dma_wait3A_252 = arith.constant 420 : i32
    %dma_wait3A_253 = arith.constant 0 : i32
    %dma_wait3A_254 = tpu.memref_slice %arg9[%dma_wait3A_252, %dma_wait3A_253] : memref<704x64xf32, #tpu.memory_space<vmem>> -> memref<35x64xf32, #tpu.memory_space<vmem>>
    tpu.wait_dma2 semaphore(%arg14 : memref<!tpu.dma_semaphore, #tpu.memory_space<semaphore_mem>>) src(%dma_wait3A_254 : memref<35x64xf32, #tpu.memory_space<vmem>>) dst(%dma_wait3A_251 : memref<35x64xf32, #tpu.memory_space<hbm>>)
    %dma_wait3A_255 = arith.constant 13 : i32
    %dma_wait3A_256 = arith.constant 455 : i32
    %dma_wait3A_257 = arith.constant 0 : i32
    %dma_wait3A_258 = tpu.memref_slice %arg9[%dma_wait3A_256, %dma_wait3A_257] : memref<704x64xf32, #tpu.memory_space<vmem>> -> memref<35x64xf32, #tpu.memory_space<vmem>>
    %dma_wait3A_259 = arith.constant 0 : i32
    %dma_wait3A_260 = arith.constant 0 : i32
    %dma_wait3A_261 = tpu.memref_slice %arg5[%sub3A_60, %dma_wait3A_255, %dma_wait3A_259, %dma_wait3A_260] : memref<1024x20x35x64xf32, #tpu.memory_space<hbm>> -> memref<1x1x35x64xf32, #tpu.memory_space<hbm>>
    %dma_wait3A_262 = tpu.memref_squeeze %dma_wait3A_261 : memref<1x1x35x64xf32, #tpu.memory_space<hbm>> -> memref<35x64xf32, #tpu.memory_space<hbm>>
    %dma_wait3A_263 = arith.constant 0 : i32
    %dma_wait3A_264 = arith.constant 0 : i32
    %dma_wait3A_265 = tpu.memref_slice %arg5[%sub3A_60, %dma_wait3A_255, %dma_wait3A_263, %dma_wait3A_264] : memref<1024x20x35x64xf32, #tpu.memory_space<hbm>> -> memref<1x1x35x64xf32, #tpu.memory_space<hbm>>
    %dma_wait3A_266 = tpu.memref_squeeze %dma_wait3A_265 : memref<1x1x35x64xf32, #tpu.memory_space<hbm>> -> memref<35x64xf32, #tpu.memory_space<hbm>>
    %dma_wait3A_267 = arith.constant 455 : i32
    %dma_wait3A_268 = arith.constant 0 : i32
    %dma_wait3A_269 = tpu.memref_slice %arg9[%dma_wait3A_267, %dma_wait3A_268] : memref<704x64xf32, #tpu.memory_space<vmem>> -> memref<35x64xf32, #tpu.memory_space<vmem>>
    tpu.wait_dma2 semaphore(%arg14 : memref<!tpu.dma_semaphore, #tpu.memory_space<semaphore_mem>>) src(%dma_wait3A_269 : memref<35x64xf32, #tpu.memory_space<vmem>>) dst(%dma_wait3A_266 : memref<35x64xf32, #tpu.memory_space<hbm>>)
    %dma_wait3A_270 = arith.constant 14 : i32
    %dma_wait3A_271 = arith.constant 490 : i32
    %dma_wait3A_272 = arith.constant 0 : i32
    %dma_wait3A_273 = tpu.memref_slice %arg9[%dma_wait3A_271, %dma_wait3A_272] : memref<704x64xf32, #tpu.memory_space<vmem>> -> memref<35x64xf32, #tpu.memory_space<vmem>>
    %dma_wait3A_274 = arith.constant 0 : i32
    %dma_wait3A_275 = arith.constant 0 : i32
    %dma_wait3A_276 = tpu.memref_slice %arg5[%sub3A_60, %dma_wait3A_270, %dma_wait3A_274, %dma_wait3A_275] : memref<1024x20x35x64xf32, #tpu.memory_space<hbm>> -> memref<1x1x35x64xf32, #tpu.memory_space<hbm>>
    %dma_wait3A_277 = tpu.memref_squeeze %dma_wait3A_276 : memref<1x1x35x64xf32, #tpu.memory_space<hbm>> -> memref<35x64xf32, #tpu.memory_space<hbm>>
    %dma_wait3A_278 = arith.constant 0 : i32
    %dma_wait3A_279 = arith.constant 0 : i32
    %dma_wait3A_280 = tpu.memref_slice %arg5[%sub3A_60, %dma_wait3A_270, %dma_wait3A_278, %dma_wait3A_279] : memref<1024x20x35x64xf32, #tpu.memory_space<hbm>> -> memref<1x1x35x64xf32, #tpu.memory_space<hbm>>
    %dma_wait3A_281 = tpu.memref_squeeze %dma_wait3A_280 : memref<1x1x35x64xf32, #tpu.memory_space<hbm>> -> memref<35x64xf32, #tpu.memory_space<hbm>>
    %dma_wait3A_282 = arith.constant 490 : i32
    %dma_wait3A_283 = arith.constant 0 : i32
    %dma_wait3A_284 = tpu.memref_slice %arg9[%dma_wait3A_282, %dma_wait3A_283] : memref<704x64xf32, #tpu.memory_space<vmem>> -> memref<35x64xf32, #tpu.memory_space<vmem>>
    tpu.wait_dma2 semaphore(%arg14 : memref<!tpu.dma_semaphore, #tpu.memory_space<semaphore_mem>>) src(%dma_wait3A_284 : memref<35x64xf32, #tpu.memory_space<vmem>>) dst(%dma_wait3A_281 : memref<35x64xf32, #tpu.memory_space<hbm>>)
    %dma_wait3A_285 = arith.constant 15 : i32
    %dma_wait3A_286 = arith.constant 525 : i32
    %dma_wait3A_287 = arith.constant 0 : i32
    %dma_wait3A_288 = tpu.memref_slice %arg9[%dma_wait3A_286, %dma_wait3A_287] : memref<704x64xf32, #tpu.memory_space<vmem>> -> memref<35x64xf32, #tpu.memory_space<vmem>>
    %dma_wait3A_289 = arith.constant 0 : i32
    %dma_wait3A_290 = arith.constant 0 : i32
    %dma_wait3A_291 = tpu.memref_slice %arg5[%sub3A_60, %dma_wait3A_285, %dma_wait3A_289, %dma_wait3A_290] : memref<1024x20x35x64xf32, #tpu.memory_space<hbm>> -> memref<1x1x35x64xf32, #tpu.memory_space<hbm>>
    %dma_wait3A_292 = tpu.memref_squeeze %dma_wait3A_291 : memref<1x1x35x64xf32, #tpu.memory_space<hbm>> -> memref<35x64xf32, #tpu.memory_space<hbm>>
    %dma_wait3A_293 = arith.constant 0 : i32
    %dma_wait3A_294 = arith.constant 0 : i32
    %dma_wait3A_295 = tpu.memref_slice %arg5[%sub3A_60, %dma_wait3A_285, %dma_wait3A_293, %dma_wait3A_294] : memref<1024x20x35x64xf32, #tpu.memory_space<hbm>> -> memref<1x1x35x64xf32, #tpu.memory_space<hbm>>
    %dma_wait3A_296 = tpu.memref_squeeze %dma_wait3A_295 : memref<1x1x35x64xf32, #tpu.memory_space<hbm>> -> memref<35x64xf32, #tpu.memory_space<hbm>>
    %dma_wait3A_297 = arith.constant 525 : i32
    %dma_wait3A_298 = arith.constant 0 : i32
    %dma_wait3A_299 = tpu.memref_slice %arg9[%dma_wait3A_297, %dma_wait3A_298] : memref<704x64xf32, #tpu.memory_space<vmem>> -> memref<35x64xf32, #tpu.memory_space<vmem>>
    tpu.wait_dma2 semaphore(%arg14 : memref<!tpu.dma_semaphore, #tpu.memory_space<semaphore_mem>>) src(%dma_wait3A_299 : memref<35x64xf32, #tpu.memory_space<vmem>>) dst(%dma_wait3A_296 : memref<35x64xf32, #tpu.memory_space<hbm>>)
    %dma_wait3A_300 = arith.constant 16 : i32
    %dma_wait3A_301 = arith.constant 560 : i32
    %dma_wait3A_302 = arith.constant 0 : i32
    %dma_wait3A_303 = tpu.memref_slice %arg9[%dma_wait3A_301, %dma_wait3A_302] : memref<704x64xf32, #tpu.memory_space<vmem>> -> memref<35x64xf32, #tpu.memory_space<vmem>>
    %dma_wait3A_304 = arith.constant 0 : i32
    %dma_wait3A_305 = arith.constant 0 : i32
    %dma_wait3A_306 = tpu.memref_slice %arg5[%sub3A_60, %dma_wait3A_300, %dma_wait3A_304, %dma_wait3A_305] : memref<1024x20x35x64xf32, #tpu.memory_space<hbm>> -> memref<1x1x35x64xf32, #tpu.memory_space<hbm>>
    %dma_wait3A_307 = tpu.memref_squeeze %dma_wait3A_306 : memref<1x1x35x64xf32, #tpu.memory_space<hbm>> -> memref<35x64xf32, #tpu.memory_space<hbm>>
    %dma_wait3A_308 = arith.constant 0 : i32
    %dma_wait3A_309 = arith.constant 0 : i32
    %dma_wait3A_310 = tpu.memref_slice %arg5[%sub3A_60, %dma_wait3A_300, %dma_wait3A_308, %dma_wait3A_309] : memref<1024x20x35x64xf32, #tpu.memory_space<hbm>> -> memref<1x1x35x64xf32, #tpu.memory_space<hbm>>
    %dma_wait3A_311 = tpu.memref_squeeze %dma_wait3A_310 : memref<1x1x35x64xf32, #tpu.memory_space<hbm>> -> memref<35x64xf32, #tpu.memory_space<hbm>>
    %dma_wait3A_312 = arith.constant 560 : i32
    %dma_wait3A_313 = arith.constant 0 : i32
    %dma_wait3A_314 = tpu.memref_slice %arg9[%dma_wait3A_312, %dma_wait3A_313] : memref<704x64xf32, #tpu.memory_space<vmem>> -> memref<35x64xf32, #tpu.memory_space<vmem>>
    tpu.wait_dma2 semaphore(%arg14 : memref<!tpu.dma_semaphore, #tpu.memory_space<semaphore_mem>>) src(%dma_wait3A_314 : memref<35x64xf32, #tpu.memory_space<vmem>>) dst(%dma_wait3A_311 : memref<35x64xf32, #tpu.memory_space<hbm>>)
    %dma_wait3A_315 = arith.constant 17 : i32
    %dma_wait3A_316 = arith.constant 595 : i32
    %dma_wait3A_317 = arith.constant 0 : i32
    %dma_wait3A_318 = tpu.memref_slice %arg9[%dma_wait3A_316, %dma_wait3A_317] : memref<704x64xf32, #tpu.memory_space<vmem>> -> memref<35x64xf32, #tpu.memory_space<vmem>>
    %dma_wait3A_319 = arith.constant 0 : i32
    %dma_wait3A_320 = arith.constant 0 : i32
    %dma_wait3A_321 = tpu.memref_slice %arg5[%sub3A_60, %dma_wait3A_315, %dma_wait3A_319, %dma_wait3A_320] : memref<1024x20x35x64xf32, #tpu.memory_space<hbm>> -> memref<1x1x35x64xf32, #tpu.memory_space<hbm>>
    %dma_wait3A_322 = tpu.memref_squeeze %dma_wait3A_321 : memref<1x1x35x64xf32, #tpu.memory_space<hbm>> -> memref<35x64xf32, #tpu.memory_space<hbm>>
    %dma_wait3A_323 = arith.constant 0 : i32
    %dma_wait3A_324 = arith.constant 0 : i32
    %dma_wait3A_325 = tpu.memref_slice %arg5[%sub3A_60, %dma_wait3A_315, %dma_wait3A_323, %dma_wait3A_324] : memref<1024x20x35x64xf32, #tpu.memory_space<hbm>> -> memref<1x1x35x64xf32, #tpu.memory_space<hbm>>
    %dma_wait3A_326 = tpu.memref_squeeze %dma_wait3A_325 : memref<1x1x35x64xf32, #tpu.memory_space<hbm>> -> memref<35x64xf32, #tpu.memory_space<hbm>>
    %dma_wait3A_327 = arith.constant 595 : i32
    %dma_wait3A_328 = arith.constant 0 : i32
    %dma_wait3A_329 = tpu.memref_slice %arg9[%dma_wait3A_327, %dma_wait3A_328] : memref<704x64xf32, #tpu.memory_space<vmem>> -> memref<35x64xf32, #tpu.memory_space<vmem>>
    tpu.wait_dma2 semaphore(%arg14 : memref<!tpu.dma_semaphore, #tpu.memory_space<semaphore_mem>>) src(%dma_wait3A_329 : memref<35x64xf32, #tpu.memory_space<vmem>>) dst(%dma_wait3A_326 : memref<35x64xf32, #tpu.memory_space<hbm>>)
    %dma_wait3A_330 = arith.constant 18 : i32
    %dma_wait3A_331 = arith.constant 630 : i32
    %dma_wait3A_332 = arith.constant 0 : i32
    %dma_wait3A_333 = tpu.memref_slice %arg9[%dma_wait3A_331, %dma_wait3A_332] : memref<704x64xf32, #tpu.memory_space<vmem>> -> memref<35x64xf32, #tpu.memory_space<vmem>>
    %dma_wait3A_334 = arith.constant 0 : i32
    %dma_wait3A_335 = arith.constant 0 : i32
    %dma_wait3A_336 = tpu.memref_slice %arg5[%sub3A_60, %dma_wait3A_330, %dma_wait3A_334, %dma_wait3A_335] : memref<1024x20x35x64xf32, #tpu.memory_space<hbm>> -> memref<1x1x35x64xf32, #tpu.memory_space<hbm>>
    %dma_wait3A_337 = tpu.memref_squeeze %dma_wait3A_336 : memref<1x1x35x64xf32, #tpu.memory_space<hbm>> -> memref<35x64xf32, #tpu.memory_space<hbm>>
    %dma_wait3A_338 = arith.constant 0 : i32
    %dma_wait3A_339 = arith.constant 0 : i32
    %dma_wait3A_340 = tpu.memref_slice %arg5[%sub3A_60, %dma_wait3A_330, %dma_wait3A_338, %dma_wait3A_339] : memref<1024x20x35x64xf32, #tpu.memory_space<hbm>> -> memref<1x1x35x64xf32, #tpu.memory_space<hbm>>
    %dma_wait3A_341 = tpu.memref_squeeze %dma_wait3A_340 : memref<1x1x35x64xf32, #tpu.memory_space<hbm>> -> memref<35x64xf32, #tpu.memory_space<hbm>>
    %dma_wait3A_342 = arith.constant 630 : i32
    %dma_wait3A_343 = arith.constant 0 : i32
    %dma_wait3A_344 = tpu.memref_slice %arg9[%dma_wait3A_342, %dma_wait3A_343] : memref<704x64xf32, #tpu.memory_space<vmem>> -> memref<35x64xf32, #tpu.memory_space<vmem>>
    tpu.wait_dma2 semaphore(%arg14 : memref<!tpu.dma_semaphore, #tpu.memory_space<semaphore_mem>>) src(%dma_wait3A_344 : memref<35x64xf32, #tpu.memory_space<vmem>>) dst(%dma_wait3A_341 : memref<35x64xf32, #tpu.memory_space<hbm>>)
    %dma_wait3A_345 = arith.constant 19 : i32
    %dma_wait3A_346 = arith.constant 665 : i32
    %dma_wait3A_347 = arith.constant 0 : i32
    %dma_wait3A_348 = tpu.memref_slice %arg9[%dma_wait3A_346, %dma_wait3A_347] : memref<704x64xf32, #tpu.memory_space<vmem>> -> memref<35x64xf32, #tpu.memory_space<vmem>>
    %dma_wait3A_349 = arith.constant 0 : i32
    %dma_wait3A_350 = arith.constant 0 : i32
    %dma_wait3A_351 = tpu.memref_slice %arg5[%sub3A_60, %dma_wait3A_345, %dma_wait3A_349, %dma_wait3A_350] : memref<1024x20x35x64xf32, #tpu.memory_space<hbm>> -> memref<1x1x35x64xf32, #tpu.memory_space<hbm>>
    %dma_wait3A_352 = tpu.memref_squeeze %dma_wait3A_351 : memref<1x1x35x64xf32, #tpu.memory_space<hbm>> -> memref<35x64xf32, #tpu.memory_space<hbm>>
    %dma_wait3A_353 = arith.constant 0 : i32
    %dma_wait3A_354 = arith.constant 0 : i32
    %dma_wait3A_355 = tpu.memref_slice %arg5[%sub3A_60, %dma_wait3A_345, %dma_wait3A_353, %dma_wait3A_354] : memref<1024x20x35x64xf32, #tpu.memory_space<hbm>> -> memref<1x1x35x64xf32, #tpu.memory_space<hbm>>
    %dma_wait3A_356 = tpu.memref_squeeze %dma_wait3A_355 : memref<1x1x35x64xf32, #tpu.memory_space<hbm>> -> memref<35x64xf32, #tpu.memory_space<hbm>>
    %dma_wait3A_357 = arith.constant 665 : i32
    %dma_wait3A_358 = arith.constant 0 : i32
    %dma_wait3A_359 = tpu.memref_slice %arg9[%dma_wait3A_357, %dma_wait3A_358] : memref<704x64xf32, #tpu.memory_space<vmem>> -> memref<35x64xf32, #tpu.memory_space<vmem>>
    tpu.wait_dma2 semaphore(%arg14 : memref<!tpu.dma_semaphore, #tpu.memory_space<semaphore_mem>>) src(%dma_wait3A_359 : memref<35x64xf32, #tpu.memory_space<vmem>>) dst(%dma_wait3A_356 : memref<35x64xf32, #tpu.memory_space<hbm>>)
    return
  }
}

</mosaic_0001>

<sc_bundles>
// kernel: kernel.3.cloned.1.call-start
scs
__scs_entry_jumppad:
0x0: {  	(pc) =	sbr.rel $0x88, $3  }
0x1: {  	(tag) =	ssettag $0x0;
	lr =	simm.s32 $0x1  }
0x2: {  	[smem:$0x3F95] =	sst lr;
	_ =	strace $0xD0000000  }
0x3: {  	_ = 	snop  }
0x4: {  	_ = 	snop  }
0x5: {  	_ = 	snop  }
0x6: {  	_ = 	snop  }
0x7: {  	_ = 	snop  }
__scs_overlays_trampoline_lowered:
0x8: {  	[smem:$0x3FA4] =	sst s0  }
0x9: {  	[smem:$0x3FA5] =	sst s1  }
0xa: {  	[smem:$0x3FA6] =	sst s2  }
0xb: {  	[smem:$0x3FA7] =	sst s3  }
0xc: {  	[smem:$0x3FA8] =	sst s4  }
0xd: {  	[smem:$0x3FA9] =	sst s5  }
0xe: {  	[smem:$0x3FAA] =	sst s6  }
0xf: {  	[smem:$0x3FAB] =	sst s7  }
0x10: {  	[smem:$0x3FAC] =	sst s8  }
0x11: {  	[smem:$0x3FAD] =	sst s9;
	s0 =	simm.s32 @!p0 $0x0  }
0x12: {  	s1 =	sld [smem:$0x3F93];
	s0 =	simm.s32 @p0 $0x1  }
0x13: {  	[smem:$0x3FAE] =	sst s0;
	s0 =	simm.s32 @!p1 $0x0  }
0x14: {  	s2 =	sld [smem:$0x3F92];
	s0 =	simm.s32 @p1 $0x1  }
0x15: {  	[smem:$0x3FAF] =	sst s0;
	s0 =	simm.s32 @!p2 $0x0  }
0x16: {  	s3 =	sld [smem:$0x3FDB];
	s0 =	simm.s32 @p2 $0x1  }
0x17: {  	s4 =	simm.s32 $0x1BF5;
	[smem:$0x3FB1] =	sst s0  }
0x18: {  	s0 =	sld [smem:$0x3F94];
	_ =	swait.ge [sflag:s4], $0x0  }
0x19: {  	s7 =	sld [smem:$0x3F95]  }
0x1a: {  	s8 =	sadd.s32 $0xFFFFE003, lr  }
0x1b: {  	s9 =	sadd.s32 $0xFFFFFEF7, lr;
	s5 =	simm.s32 $0xFFFFFFFF;
	p2 =	slt.u32 s8, $0xFFFFF086  }
0x1c: {  	p1 =	slt.u32 s9, $0xF7A;
	s5 =	simm.s32 @!p2 $0x0  }
0x1d: {  	s5 =	simm.s32 @p1 $0x1;
	p0 =	seq.s32 s7, s2  }
0x1e: {  	s7 =	smul.u32 @!p0 $0xF7A, s2;
	p2 =	seq.s32 @!p0 s5, $0x0  }
0x1f: {  	s9 =	smul.u32 $0xF7A, s1;
	s8 =	simm.s32 @!p0 $0x1BF5;
	p2 =	por !p2, p0  }
0x20: {  	[sflag:s8] =	ssyncset.s32 @!p0 $0xFFFFF086;
	s6 =	sadd.s32 @!p0 s3, s7;
	s7 =	simm.s32 @!p0 $0x108  }
0x21: {  	s3 =	sadd.s32 s3, s9;
	s6 =	sadd.s32 @!p0 $0x88, s6;
	s7 =	simm.s32 @p2 $0x1082  }
0x22: {  	[simem:s7], [sflag:s8] =	dma.local @!p0 [hbm:s6], $0xF7A  }
0x23: {  	s9 =	sor.u32 $0xD0000000, s2;
	s6 =	simm.s32 $0x108;
	_ =	swait.ge @!p0 [sflag:s8], $0x0  }
0x24: {  	s3 =	sadd.s32 $0x88, s3;
	s6 =	simm.s32 @!p1 $0x1082;
	[sflag:s4] =	ssyncset.s32 $0xFFFFF086  }
0x25: {  	[simem:s6], [sflag:s4] =	dma.local [hbm:s3], $0xF7A  }
0x26: {  	[smem:$0x3F95] =	sst s1;
	(tag) =	ssettag s2;
	_ =	strace s9  }
0x27: {  	s1 =	sld [smem:$0x3FA5]  }
0x28: {  	s2 =	sld [smem:$0x3FA6]  }
0x29: {  	s4 =	sld [smem:$0x3FA8]  }
0x2a: {  	p0 =	seq.s32 s5, $0x0;
	s5 =	sld [smem:$0x3FA9]  }
0x2b: {  	s6 =	sld [smem:$0x3FAA]  }
0x2c: {  	s7 =	sld [smem:$0x3FAB]  }
0x2d: {  	s3 =	simm.s32 $0x108;
	s8 =	sld [smem:$0x3FAC]  }
0x2e: {  	s3 =	simm.s32 @!p0 $0x1082;
	s9 =	sld [smem:$0x3FAD]  }
0x2f: {  	lr =	sadd.s32 s0, s3;
	s0 =	sld [smem:$0x3FA4]  }
0x30: {  	s3 =	sld [smem:$0x3FA7]  }
0x31: {  	[smem:$0x3FB0] =	sst s10  }
0x32: {  	s10 =	sld [smem:$0x3FAE];
	_ =	sdelay $0x3  }
0x33: {  	p0 =	seq.s32 s10, $0x1;
	s10 =	sld [smem:$0x3FB0];
	_ =	sdelay $0x3  }
0x34: {  	[smem:$0x3FB0] =	sst s10  }
0x35: {  	s10 =	sld [smem:$0x3FAF];
	_ =	sdelay $0x3  }
0x36: {  	p1 =	seq.s32 s10, $0x1;
	s10 =	sld [smem:$0x3FB0];
	_ =	sdelay $0x3  }
0x37: {  	[smem:$0x3FB0] =	sst s10  }
0x38: {  	s10 =	sld [smem:$0x3FB1]  }
0x39: {  	_ = 	snop;
	(pc) =	sbr.ind lr, $3  }
0x3a: {  	_ = 	snop  }
0x3b: {  	_ = 	snop  }
0x3c: {  	p2 =	seq.s32 s10, $0x1;
	s10 =	sld [smem:$0x3FB0]  }
0x3d: {  	_ =	shalt  }
0x3e: {  	_ =	shalt  }
0x3f: {  	_ =	shalt  }
0x40: {  	_ =	shalt  }
0x41: {  	_ =	shalt  }
0x42: {  	_ =	shalt  }
0x43: {  	_ =	shalt  }
0x44: {  	_ =	shalt  }
0x45: {  	_ =	shalt  }
0x46: {  	_ =	shalt  }
0x47: {  	_ =	shalt  }
0x48: {  	_ =	shalt  }
0x49: {  	_ =	shalt  }
0x4a: {  	_ =	shalt  }
0x4b: {  	_ =	shalt  }
0x4c: {  	_ =	shalt  }
0x4d: {  	_ =	shalt  }
0x4e: {  	_ =	shalt  }
0x4f: {  	_ =	shalt  }
0x50: {  	_ =	shalt  }
0x51: {  	_ =	shalt  }
0x52: {  	_ =	shalt  }
0x53: {  	_ =	shalt  }
0x54: {  	_ =	shalt  }
0x55: {  	_ =	shalt  }
0x56: {  	_ =	shalt  }
0x57: {  	_ =	shalt  }
0x58: {  	_ =	shalt  }
0x59: {  	_ =	shalt  }
0x5a: {  	_ =	shalt  }
0x5b: {  	_ =	shalt  }
0x5c: {  	_ =	shalt  }
0x5d: {  	_ =	shalt  }
0x5e: {  	_ =	shalt  }
0x5f: {  	_ =	shalt  }
0x60: {  	_ =	shalt  }
0x61: {  	_ =	shalt  }
0x62: {  	_ =	shalt  }
0x63: {  	_ =	shalt  }
0x64: {  	_ =	shalt  }
0x65: {  	_ =	shalt  }
0x66: {  	_ =	shalt  }
0x67: {  	_ =	shalt  }
0x68: {  	_ =	shalt  }
0x69: {  	_ =	shalt  }
0x6a: {  	_ =	shalt  }
0x6b: {  	_ =	shalt  }
0x6c: {  	_ =	shalt  }
0x6d: {  	_ =	shalt  }
0x6e: {  	_ =	shalt  }
0x6f: {  	_ =	shalt  }
0x70: {  	_ =	shalt  }
0x71: {  	_ =	shalt  }
0x72: {  	_ =	shalt  }
0x73: {  	_ =	shalt  }
0x74: {  	_ =	shalt  }
0x75: {  	_ =	shalt  }
0x76: {  	_ =	shalt  }
0x77: {  	_ =	shalt  }
0x78: {  	_ =	shalt  }
0x79: {  	_ =	shalt  }
0x7a: {  	_ =	shalt  }
0x7b: {  	_ =	shalt  }
0x7c: {  	_ =	shalt  }
0x7d: {  	_ =	shalt  }
0x7e: {  	_ =	shalt  }
0x7f: {  	_ =	shalt  }
0x80: {  	_ =	shalt  }
0x81: {  	_ =	shalt  }
0x82: {  	_ =	shalt  }
0x83: {  	_ =	shalt  }
0x84: {  	_ =	shalt  }
0x85: {  	_ =	shalt  }
0x86: {  	_ =	shalt  }
0x87: {  	_ =	shalt  }
.Lfunc_end0:
.L_simem_size_0:
called_computation.1_lowered:
.L_overlay_start_0:
0x88: {  	s2 =	sld [smem:$0x3FD9]  }
0x89: {  	s3 =	sld [smem:$0x3FFE];
	_ =	sdelay $0x1  }
0x8a: {  	s1 =	srdreg.scid  }
0x8b: {  	s0 =	sand.u32 $0x1, s1  }
0x8c: {  	s17 =	sshll.u32 s0, $0xA;
	s2 =	sadd.s32 s3, s2  }
0x8d: {  	s2 =	sadd.s32 s2, s17  }
0x8e: {  	[smem:$0x3FBC] =	sst s2  }
0x8f: {  	_ = 	snop  }
0x90: {  	s2 =	sld [smem:$0x3FD0];
	(tm) =	ssettm $0x1  }
0x91: {  	s18 =	sld [smem:$0x3FFB];
	_ =	sdelay $0x3  }
0x92: {  	_ =	strace s18  }
0x93: {  	s3 =	sld [smem:$0x3FFC];
	_ =	sdelay $0x3  }
0x94: {  	_ =	strace s3  }
0x95: {  	s3 =	sld [smem:$0x3FFD];
	_ =	sdelay $0x3  }
0x96: {  	_ =	strace s3  }
0x97: {  	_ =	strace $0x8FFFFFFF  }
0x98: {  	s19 =	sld [smem:$0x3FDB];
	_ =	sdelay $0x1  }
0x99: {  	s4 =	simm.s32 $_scs_section_size  }
0x9a: {  	s5 =	simm.s32 $_size__tile_overlayer_lowered;
	s6 =	simm.s32 $_tile_overlayer_lowered  }
0x9b: {  	s22 =	simm.s32 $0x1BFF;
	s21 =	sshll.u32 s6, $0x1;
	s3 =	sadd.s32 s4, s19  }
0x9c: {  	s7 =	simm.s32 $0x0;
	s20 =	sshll.u32 s5, $0x1;
	s5 =	sadd.s32 s21, s3  }
0x9d: {  	[timem:s7], [sflag:s22] =	dma.local [hbm:s5], s20  }
0x9e: {  	_ =	swait.ge [sflag:s22], s20  }
0x9f: {  	s4 =	ssub.s32 $0x0, s20;
	[sflag:s22] =	ssyncset.done $0x0  }
0xa0: {  	[sflag:s22] =	ssyncadd.s32 s4;
	_ =	sdelay $0x1  }
0xa1: {  	s23 =	simm.s32 $0x1B8B  }
0xa2: {  	_ =	swait.ge [sflag:s23], $0x1  }
0xa3: {  	[sflag:s23] =	ssyncset.done $0x0  }
0xa4: {  	s25 =	simm.s32 $0x1B8E;
	s24 =	sld [smem:$0x3FFE];
	[sflag:s23] =	ssyncadd.s32 $0xFFFFFFFF  }
0xa5: {  	s26 =	simm.s32 $execute0_lowered;
	[smem:$0x3FD2] =	sst s25  }
0xa6: {  	s5 =	sshll.u32 s26, $0x1;
	_ =	strace $0x80000046;
	[dreg:$0x1] =	wrdreg $0xFFFFFFFF  }
0xa7: {  	s28 =	simm.s32 $_size_execute0_lowered;
	s3 =	sadd.s32 s3, s5;
	[dreg:$0x0] =	wrdreg $0x0  }
0xa8: {  	s5 =	sshll.u32 s28, $0x1;
	[dreg:$0x2] =	wrdreg s3  }
0xa9: {  	[dreg:$0x3] =	wrdreg s5  }
0xaa: {  	[dreg:$0x4] =	wrdreg $0xC0  }
0xab: {  	_ =	task [dreg:s7], $0x5FFFF  }
0xac: {  	[dreg:$0x1] =	wrdreg $0xFFFFFFFF  }
0xad: {  	[dreg:$0x0] =	wrdreg $0x60  }
0xae: {  	[dreg:$0x2] =	wrdreg s24  }
0xaf: {  	[dreg:$0x3] =	wrdreg s2  }
0xb0: {  	[dreg:$0x4] =	wrdreg $0x9  }
0xb1: {  	_ =	task.clear_ibuf [dreg:s7], $0x5FFFF;
	_ =	strace $0x90000046  }
0xb2: {  	s29 =	simm.s32 $0x9;
	_ =	strace $0x80000048  }
0xb3: {  	_ =	swait.ge [sflag:s29], $0x1  }
0xb4: {  	[sflag:s29] =	ssyncadd.s32 $0xFFFFFFFF  }
0xb5: {  	_ =	strace $0x90000048  }
0xb6: {  	_ =	sfence  }
0xb7: {  	s30 =	sld [smem:$0x0];
	_ =	sdelay $0x2  }
0xb8: {  	s31 =	sshll.u32 s1, $0xD;
	s1 =	sshrl.u32 s1, $0x2  }
0xb9: {  	s3 =	sand.u32 $0x4000, s31;
	s1 =	sadd.s32 s1, s30  }
0xba: {  	s0 =	sor.u32 s3, s0;
	s1 =	sshll.u32 s1, $0x11  }
0xbb: {  	s0 =	sor.u32 s1, s0  }
0xbc: {  	s0 =	sadd.s32 $0x8F2B, s0  }
0xbd: {  	[sflag:s0] =	ssyncadd.remote.s32 $0x1  }
0xbe: {  	_ =	sfence.sel $0xFFFF  }
0xbf: {  	[dreg:$0x0] =	wrdreg $0xFFFFFFFF;
	(pc) =	sbr.abs _section_cstart, $3  }
0xc0: {  	[dreg:$0x1] =	wrdreg $0xFFFFFFFF  }
0xc1: {  	_ =	task.clear_ibuf [dreg:s7], $0x2FFFF;
	_ =	strace $0x9FFFFFFF  }
0xc2: {  	(tm) =	ssettm $0x7FFFFFFF  }
0xc3: {  	_ =	shalt  }
tec
execute0_lowered:
.L_overlay_start_1:
0x0: {  	(tag) =	ssettag $0x1  }
0x1: {  	s0 =	rddreg [dreg:$0x0]  }
0x2: {  	s2 =	rddreg [dreg:$0x1];
	s3 =	simm.s32 $0x0;
	s1 =	srdreg.scid  }
0x3: {  	s4 =	stileid.u32;
	s11 =	simm.s32 $0x5;
	s12 =	simm.s32 $0x80  }
0x4: {  	s24 =	simm.s32 $0x1;
	s17 =	simm.s32 $0x2;
	s18 =	simm.s32 $0x3  }
0x5: {  	s28 =	simm.s32 $0x10440;
	s29 =	simm.s32 $0x10D00;
	s30 =	simm.s32 $0x115C0  }
0x6: {  	s31 =	simm.s32 $0x11E80;
	s21 =	simm.s32 $0x12740;
	s10 =	simm.s32 $0x14180  }
0x7: {  	s14 =	simm.s32 $0x14A40;
	s15 =	simm.s32 $0x15300;
	s16 =	simm.s32 $0x15BC0  }
0x8: {  	s19 =	simm.s32 $0x4;
	[smem:$0x7FF] =	sst s3;
	s1 =	sand.u32 $0x1, s1  }
0x9: {  	s4 =	sshll.u32 s4, $0x1;
	s5 =	sadd.s32 $0x17400, s0;
	_ =	strace $0x80000047  }
0xa: {  	s6 =	ssub.s32 $0x2, s1;
	s1 =	sor.u32 s1, s4;
	s4 =	sadd.s32 $0x1400, s0  }
0xb: {  	s0 =	sadd.s32 $0x1200, s0;
	s7 =	sshrl.u32 s6, $0x1;
	s8 =	smul.u32 $0xB00, s1  }
0xc: {  	[dreg:$0x3] =	wrdreg s0;
	s25 =	ssub.s32 s6, s7;
	s7 =	sshll.u32 s1, $0x5  }
0xd: {  	s1 =	simm.s32 $0x138C0;
	s26 =	sadd.s32 s4, s8;
	s0 =	smax.u32 s25, $0x1  }
0xe: {  	s25 =	simm.s32 $0x2C0;
	s8 =	simm.s32 $0x0;
	[dreg:$0x4] =	wrdreg s26  }
0xf: {  	[dreg:$0x5] =	wrdreg s0;
	s26 =	simm.s32 $0xB580;
	s0 =	simm.s32 $0x13000  }
.LBB2_1:
0x10: {  	[dreg:$0x6] =	wrdreg s8  }
0x11: {  	s6 =	rddreg [dreg:$0x3];
	s23 =	simm.s32 $0x16580  }
0x12: {  	[tilespmem:s23], [sflag:$0x5] =	stream.linear.gather [hbm4b:s6+s3], $0x600, $0x38;
	[tilespmem:$0x16B80] =	vst v63  }
0x13: {  	_ =	swait.ge [sflag:s11], $0x600  }
0x14: {  	[sflag:s11] =	ssyncset.done $0x0  }
0x15: {  	s9 =	rddreg [dreg:$0x4];
	[sflag:s11] =	ssyncadd.s32 $0xFFFFFA00  }
0x16: {  	[tilespmem:s3], [sflag:$0x5] =	stream.linear.gather [hbm4b:s9+s3], $0x2C0, $0x38;
	[tilespmem:$0x16B80] =	vst v63  }
0x17: {  	_ =	swait.ge [sflag:s11], $0x2C0  }
0x18: {  	[sflag:s11] =	ssyncset.done $0x0  }
0x19: {  	s13 =	simm.s32 $0x580;
	[sflag:s11] =	ssyncadd.s32 $0xFFFFFD40  }
0x1a: {  	[tilespmem:s13], [sflag:$0x1] =	stream.indirect.gather [hbm4b:s5+s12], $0x40, s3, s12, $0xb8;
	[tilespmem:$0x16B80] =	vst v63  }
0x1b: {  	s20 =	simm.s32 $0x2580  }
0x1c: {  	[tilespmem:s20], [sflag:$0x1] =	stream.indirect.gather [hbm4b:s5+s12], $0x40, s12, s12, $0xb8;
	[tilespmem:$0x16B80] =	vst v63  }
0x1d: {  	s22 =	simm.s32 $0x100;
	s23 =	simm.s32 $0x4580  }
0x1e: {  	[tilespmem:s23], [sflag:$0x1] =	stream.indirect.gather [hbm4b:s5+s12], $0x40, s22, s12, $0xb8;
	[tilespmem:$0x16B80] =	vst v63  }
0x1f: {  	s8 =	simm.s32 $0x180;
	s9 =	simm.s32 $0x6580  }
0x20: {  	[tilespmem:s9], [sflag:$0x1] =	stream.indirect.gather [hbm4b:s5+s12], $0x40, s8, s12, $0xb8;
	[tilespmem:$0x16B80] =	vst v63  }
0x21: {  	s13 =	simm.s32 $0x200;
	s20 =	simm.s32 $0x8580;
	s22 =	simm.s32 $0x40  }
0x22: {  	[tilespmem:s20], [sflag:$0x1] =	stream.indirect.gather [hbm4b:s5+s12], $0x40, s13, s12, $0xb8;
	[tilespmem:$0x16B80] =	vst v63  }
0x23: {  	s23 =	simm.s32 $0x280;
	s9 =	simm.s32 $0xA580;
	s20 =	simm.s32 $0x0  }
0x24: {  	[tilespmem:s9], [sflag:$0x1] =	stream.indirect.gather [hbm4b:s5+s22], $0x40, s23, s22, $0xb8;
	[tilespmem:$0x16B80] =	vst v63  }
.LBB2_2:
0x25: {  	_ =	swait.ge [sflag:s24], $0x2000  }
0x26: {  	[sflag:s24] =	ssyncset.done $0x0  }
0x27: {  	[sflag:s24] =	ssyncadd.s32 $0xFFFFE000  }
0x28: {  	_ =	swait.ge [sflag:s24], $0x2000  }
0x29: {  	[sflag:s24] =	ssyncset.done $0x0  }
0x2a: {  	[sflag:s24] =	ssyncadd.s32 $0xFFFFE000  }
0x2b: {  	_ =	swait.ge [sflag:s24], $0x2000  }
0x2c: {  	[sflag:s24] =	ssyncset.done $0x0  }
0x2d: {  	[sflag:s24] =	ssyncadd.s32 $0xFFFFE000  }
0x2e: {  	_ =	swait.ge [sflag:s24], $0x2000  }
0x2f: {  	[sflag:s24] =	ssyncset.done $0x0  }
0x30: {  	[sflag:s24] =	ssyncadd.s32 $0xFFFFE000  }
0x31: {  	_ =	swait.ge [sflag:s24], $0x2000  }
0x32: {  	[sflag:s24] =	ssyncset.done $0x0  }
0x33: {  	[sflag:s24] =	ssyncadd.s32 $0xFFFFE000  }
0x34: {  	_ =	swait.ge [sflag:s24], $0x1000  }
0x35: {  	p0 =	seq.s32 s20, $0x0;
	[sflag:s24] =	ssyncset.done $0x0  }
0x36: {  	s6 =	simm.s32 @!p0 $0x4;
	[sflag:s24] =	ssyncadd.s32 $0xFFFFF000  }
0x37: {  	_ =	swait.ge @!p0 [sflag:s6], $0x8C0  }
0x38: {  	[sflag:s6] =	ssyncset.done @!p0 $0x0  }
0x39: {  	[sflag:s6] =	ssyncadd.s32 @!p0 $0xFFFFF740  }
0x3a: {  	_ =	swait.ge @!p0 [sflag:s6], $0x8C0  }
0x3b: {  	[sflag:s6] =	ssyncset.done @!p0 $0x0  }
0x3c: {  	[sflag:s6] =	ssyncadd.s32 @!p0 $0xFFFFF740  }
0x3d: {  	_ =	swait.ge @!p0 [sflag:s6], $0x8C0  }
0x3e: {  	[sflag:s6] =	ssyncset.done @!p0 $0x0  }
0x3f: {  	[sflag:s6] =	ssyncadd.s32 @!p0 $0xFFFFF740  }
0x40: {  	_ =	swait.ge @!p0 [sflag:s6], $0x8C0  }
0x41: {  	[sflag:s6] =	ssyncset.done @!p0 $0x0  }
0x42: {  	[sflag:s6] =	ssyncadd.s32 @!p0 $0xFFFFF740  }
0x43: {  	_ =	swait.ge @!p0 [sflag:s6], $0x8C0  }
0x44: {  	[sflag:s6] =	ssyncset.done @!p0 $0x0  }
0x45: {  	[sflag:s6] =	ssyncadd.s32 @!p0 $0xFFFFF740  }
0x46: {  	_ =	swait.ge @!p0 [sflag:s6], $0x8C0  }
0x47: {  	[sflag:s6] =	ssyncset.done @!p0 $0x0  }
0x48: {  	[sflag:s6] =	ssyncadd.s32 @!p0 $0xFFFFF740  }
0x49: {  	_ =	swait.ge @!p0 [sflag:s6], $0x8C0  }
0x4a: {  	[sflag:s6] =	ssyncset.done @!p0 $0x0  }
0x4b: {  	[sflag:s6] =	ssyncadd.s32 @!p0 $0xFFFFF740  }
0x4c: {  	_ =	swait.ge @!p0 [sflag:s6], $0x8C0  }
0x4d: {  	[sflag:s6] =	ssyncset.done @!p0 $0x0  }
0x4e: {  	[sflag:s6] =	ssyncadd.s32 @!p0 $0xFFFFF740  }
0x4f: {  	_ =	swait.ge @!p0 [sflag:s6], $0x8C0  }
0x50: {  	[sflag:s6] =	ssyncset.done @!p0 $0x0  }
0x51: {  	[sflag:s6] =	ssyncadd.s32 @!p0 $0xFFFFF740  }
0x52: {  	_ =	swait.ge @!p0 [sflag:s6], $0x8C0  }
0x53: {  	[sflag:s6] =	ssyncset.done @!p0 $0x0  }
0x54: {  	[sflag:s6] =	ssyncadd.s32 @!p0 $0xFFFFF740  }
0x55: {  	_ =	swait.ge @!p0 [sflag:s6], $0x8C0  }
0x56: {  	[sflag:s6] =	ssyncset.done @!p0 $0x0  }
0x57: {  	[sflag:s6] =	ssyncadd.s32 @!p0 $0xFFFFF740  }
0x58: {  	_ =	swait.ge @!p0 [sflag:s6], $0x8C0  }
0x59: {  	[sflag:s6] =	ssyncset.done @!p0 $0x0  }
0x5a: {  	[sflag:s6] =	ssyncadd.s32 @!p0 $0xFFFFF740  }
0x5b: {  	_ =	swait.ge @!p0 [sflag:s6], $0x8C0  }
0x5c: {  	[sflag:s6] =	ssyncset.done @!p0 $0x0  }
0x5d: {  	[sflag:s6] =	ssyncadd.s32 @!p0 $0xFFFFF740  }
0x5e: {  	_ =	swait.ge @!p0 [sflag:s6], $0x8C0  }
0x5f: {  	[sflag:s6] =	ssyncset.done @!p0 $0x0  }
0x60: {  	[sflag:s6] =	ssyncadd.s32 @!p0 $0xFFFFF740  }
0x61: {  	_ =	swait.ge @!p0 [sflag:s6], $0x8C0  }
0x62: {  	[sflag:s6] =	ssyncset.done @!p0 $0x0  }
0x63: {  	[sflag:s6] =	ssyncadd.s32 @!p0 $0xFFFFF740  }
0x64: {  	_ =	swait.ge @!p0 [sflag:s6], $0x8C0  }
0x65: {  	[sflag:s6] =	ssyncset.done @!p0 $0x0  }
0x66: {  	[sflag:s6] =	ssyncadd.s32 @!p0 $0xFFFFF740  }
0x67: {  	_ =	swait.ge @!p0 [sflag:s6], $0x8C0  }
0x68: {  	[sflag:s6] =	ssyncset.done @!p0 $0x0  }
0x69: {  	[sflag:s6] =	ssyncadd.s32 @!p0 $0xFFFFF740  }
0x6a: {  	_ =	swait.ge @!p0 [sflag:s6], $0x8C0  }
0x6b: {  	[sflag:s6] =	ssyncset.done @!p0 $0x0  }
0x6c: {  	s8 =	sshll.u32 s20, $0x1;
	[sflag:s6] =	ssyncadd.s32 @!p0 $0xFFFFF740  }
0x6d: {  	s22 =	sor.u32 s7, s8;
	_ =	swait.ge @!p0 [sflag:s6], $0x8C0  }
0x6e: {  	s8 =	smul.u32 $0x2C0, s22;
	[sflag:s6] =	ssyncset.done @!p0 $0x0  }
0x6f: {  	[sflag:s6] =	ssyncadd.s32 @!p0 $0xFFFFF740  }
0x70: {  	s8 =	sshrl.u32 s8, $0x3;
	_ =	swait.ge @!p0 [sflag:s6], $0x8C0  }
0x71: {  	s8 =	sadd.s32 s4, s8;
	[sflag:s6] =	ssyncset.done @!p0 $0x0  }
0x72: {  	s13 =	simm.s32 $0x0;
	s8 =	sadd.s32 $0x58, s8;
	[sflag:s6] =	ssyncadd.s32 @!p0 $0xFFFFF740  }
0x73: {  	[tilespmem:s25], [sflag:$0x5] =	stream.linear.gather [hbm4b:s8+s13], $0x2C0, $0x38;
	[tilespmem:$0x16B80] =	vst v63  }
0x74: {  	_ =	swait.ge [sflag:s11], $0x2C0  }
0x75: {  	[sflag:s11] =	ssyncset.done $0x0  }
0x76: {  	[sflag:s11] =	ssyncadd.s32 $0xFFFFFD40  }
0x77: {  	[tilespmem:s26], [sflag:$0x2] =	stream.indirect.gather [hbm4b:s5+s12], $0x40, s25, s12, $0xb8;
	[tilespmem:$0x16B80] =	vst v63  }
0x78: {  	s9 =	simm.s32 $0x340;
	s23 =	simm.s32 $0xD580  }
0x79: {  	[tilespmem:s23], [sflag:$0x2] =	stream.indirect.gather [hbm4b:s5+s12], $0x40, s9, s12, $0xb8;
	[tilespmem:$0x16B80] =	vst v63  }
0x7a: {  	s9 =	simm.s32 $0x3C0;
	s23 =	simm.s32 $0xF580  }
0x7b: {  	[tilespmem:s23], [sflag:$0x2] =	stream.indirect.gather [hbm4b:s5+s12], $0x40, s9, s12, $0xb8;
	[tilespmem:$0x16B80] =	vst v63  }
0x7c: {  	s9 =	simm.s32 $0x440;
	s23 =	simm.s32 $0x11580  }
0x7d: {  	[tilespmem:s23], [sflag:$0x2] =	stream.indirect.gather [hbm4b:s5+s12], $0x40, s9, s12, $0xb8;
	[tilespmem:$0x16B80] =	vst v63  }
0x7e: {  	s9 =	simm.s32 $0x4C0;
	s23 =	simm.s32 $0x13580  }
0x7f: {  	[tilespmem:s23], [sflag:$0x2] =	stream.indirect.gather [hbm4b:s5+s12], $0x40, s9, s12, $0xb8;
	[tilespmem:$0x16B80] =	vst v63  }
0x80: {  	v0 =	vimm.f32 $0.0e+00;
	v12 =	vimm.f32 $0.0e+00;
	s8 =	simm.s32 $0x40;
	s23 =	simm.s32 $0x540;
	s9 =	simm.s32 $0x15580  }
0x81: {  	v11 =	vimm.f32 $0.0e+00;
	v10 =	vimm.f32 $0.0e+00;
	v9 =	vimm.f32 $0.0e+00;
	[tilespmem:s9], [sflag:$0x2] =	stream.indirect.gather [hbm4b:s5+s8], $0x40, s23, s8, $0xb8;
	[tilespmem:$0x16B80] =	vst v63  }
0x82: {  	v7 =	vimm.f32 $0.0e+00;
	v8 =	vimm.f32 $0.0e+00;
	v6 =	vimm.f32 $0.0e+00;
	s23 =	simm.s32 $0x5A0  }
.LBB2_3:
0x83: {  	v1 =	vmov s23;
	_ =	sdelay $0x1  }
0x84: {  	s6 =	sshll.u32 s13, $0x6  }
0x85: {  	s6 =	sand.u32 $0x3FFFFFC0, s6  }
0x86: {  	s8 =	simm.s32 $0x0;
	v4 =	vld [tilespmem:s6+$0x16580]  }
0x87: {  	v2 =	vld.idx.msk [tilespmem:v1+s8+$0xFFFFFFE0 ss:$0x1], $0xffff;
	_ =	sdelay $0x4  }
0x88: {  	v5 =	vld [tilespmem:s6+$0x16590];
	v13 =	vadd.f32 v2, v4  }
0x89: {  	v3 =	vld [tilespmem:s6+$0x165A0]  }
0x8a: {  	v2 =	vld [tilespmem:s6+$0x165B0];
	[tilespmem:v1+s8+$0xFFFFFFE0 ss:$0x1] =	vst.idx.msk $0xffff, v13  }
0x8b: {  	v14 =	vld.idx.msk [tilespmem:v1+s8+$0xFFFFFFF0 ss:$0x1], $0xffff;
	_ =	sdelay $0x4  }
0x8c: {  	v14 =	vadd.f32 v14, v5;
	_ =	sdelay $0x1  }
0x8d: {  	[tilespmem:v1+s8+$0xFFFFFFF0 ss:$0x1] =	vst.idx.msk $0xffff, v14  }
0x8e: {  	v15 =	vld.idx.msk [tilespmem:v1+s8+$0x0 ss:$0x1], $0xffff;
	_ =	sdelay $0x4  }
0x8f: {  	v15 =	vadd.f32 v15, v3;
	_ =	sdelay $0x1  }
0x90: {  	[tilespmem:v1+s8+$0x0 ss:$0x1] =	vst.idx.msk $0xffff, v15  }
0x91: {  	v16 =	vld.idx.msk [tilespmem:v1+s8+$0x10 ss:$0x1], $0xffff;
	_ =	sdelay $0x2  }
0x92: {  	v17 =	vmul.f32 v13, v13  }
0x93: {  	v6 =	vadd.f32 v13, v6;
	v13 =	vmul.f32 v14, v14  }
0x94: {  	v10 =	vadd.f32 v17, v10;
	v16 =	vadd.f32 v16, v2  }
0x95: {  	v8 =	vadd.f32 v14, v8;
	v11 =	vadd.f32 v13, v11;
	v14 =	vmul.f32 v15, v15  }
0x96: {  	s6 =	simm.s32 $0x40;
	v7 =	vadd.f32 v15, v7;
	[tilespmem:v1+s8+$0x10 ss:$0x1] =	vst.idx.msk $0xffff, v16;
	v13 =	vmul.f32 v16, v16  }
0x97: {  	v12 =	vadd.f32 v14, v12;
	s8 =	simm.s32 $0x200;
	v9 =	vadd.f32 v16, v9;
	v14 =	vld.idx.msk [tilespmem:v1+s6+$0xFFFFFFE0 ss:$0x1], $0xffff  }
.LBB2_4:
0x98: {  	p0 =	sne.s32 s8, $0x2200;
	v0 =	vadd.f32 v13, v0;
	s9 =	smov.u32 s8;
	s8 =	sadd.s32 $0x100, s8  }
0x99: {  	_ =	sdelay $0x3  }
0x9a: {  	v13 =	vadd.f32 v14, v4;
	_ =	sdelay $0x1  }
0x9b: {  	v6 =	vadd.f32 v13, v6;
	[tilespmem:v1+s6+$0xFFFFFFE0 ss:$0x1] =	vst.idx.msk $0xffff, v13;
	v13 =	vmul.f32 v13, v13  }
0x9c: {  	v14 =	vld.idx.msk [tilespmem:v1+s6+$0xFFFFFFF0 ss:$0x1], $0xffff  }
0x9d: {  	v10 =	vadd.f32 v13, v10;
	_ =	sdelay $0x4  }
0x9e: {  	v13 =	vadd.f32 v14, v5;
	_ =	sdelay $0x1  }
0x9f: {  	v8 =	vadd.f32 v13, v8;
	[tilespmem:v1+s6+$0xFFFFFFF0 ss:$0x1] =	vst.idx.msk $0xffff, v13;
	v13 =	vmul.f32 v13, v13  }
0xa0: {  	v14 =	vld.idx.msk [tilespmem:v1+s6+$0x0 ss:$0x1], $0xffff  }
0xa1: {  	v11 =	vadd.f32 v13, v11;
	_ =	sdelay $0x4  }
0xa2: {  	v13 =	vadd.f32 v14, v3;
	_ =	sdelay $0x1  }
0xa3: {  	v7 =	vadd.f32 v13, v7;
	[tilespmem:v1+s6+$0x0 ss:$0x1] =	vst.idx.msk $0xffff, v13;
	v13 =	vmul.f32 v13, v13  }
0xa4: {  	v14 =	vld.idx.msk [tilespmem:v1+s6+$0x10 ss:$0x1], $0xffff  }
0xa5: {  	v12 =	vadd.f32 v13, v12;
	_ =	sdelay $0x3  }
.Ltmp0:
0xa6: {  	(pc) =	sbr.rel @p0 .LBB2_4-.Ltmp0, $3  }
0xa7: {  	v13 =	vadd.f32 v14, v2;
	_ =	sdelay $0x1  }
0xa8: {  	v9 =	vadd.f32 v13, v9;
	[tilespmem:v1+s6+$0x10 ss:$0x1] =	vst.idx.msk $0xffff, v13;
	s6 =	sshra.s32 s9, $0x2;
	v13 =	vmul.f32 v13, v13  }
0xa9: {  	v14 =	vld.idx.msk [tilespmem:v1+s6+$0xFFFFFFE0 ss:$0x1], $0xffff  }
0xaa: {  	_ =	sdelay $0x3  }
0xab: {  	v4 =	vadd.f32 v14, v4;
	_ =	sdelay $0x1  }
0xac: {  	[tilespmem:v1+s6+$0xFFFFFFE0 ss:$0x1] =	vst.idx.msk $0xffff, v4  }
0xad: {  	v14 =	vld.idx.msk [tilespmem:v1+s6+$0xFFFFFFF0 ss:$0x1], $0xffff;
	_ =	sdelay $0x4  }
0xae: {  	v5 =	vadd.f32 v14, v5;
	_ =	sdelay $0x1  }
0xaf: {  	[tilespmem:v1+s6+$0xFFFFFFF0 ss:$0x1] =	vst.idx.msk $0xffff, v5  }
0xb0: {  	v14 =	vld.idx.msk [tilespmem:v1+s6+$0x0 ss:$0x1], $0xffff;
	_ =	sdelay $0x4  }
0xb1: {  	v3 =	vadd.f32 v14, v3;
	_ =	sdelay $0x1  }
0xb2: {  	[tilespmem:v1+s6+$0x0 ss:$0x1] =	vst.idx.msk $0xffff, v3  }
0xb3: {  	v14 =	vld.idx.msk [tilespmem:v1+s6+$0x10 ss:$0x1], $0xffff;
	_ =	sdelay $0x3  }
0xb4: {  	s13 =	sadd.s32 $0x1, s13  }
0xb5: {  	p0 =	sne.s32 s13, $0x14;
	v2 =	vadd.f32 v14, v2  }
.Ltmp1:
0xb6: {  	v0 =	vadd.f32 v13, v0;
	v15 =	vmul.f32 v4, v4;
	v13 =	vmul.f32 v5, v5;
	(pc) =	sbr.rel @p0 .LBB2_3-.Ltmp1, $4  }
0xb7: {  	v6 =	vadd.f32 v4, v6;
	v8 =	vadd.f32 v5, v8;
	v5 =	vmul.f32 v2, v2  }
0xb8: {  	v10 =	vadd.f32 v15, v10;
	v11 =	vadd.f32 v13, v11;
	v4 =	vmul.f32 v3, v3  }
0xb9: {  	v7 =	vadd.f32 v3, v7;
	v0 =	vadd.f32 v5, v0  }
0xba: {  	s23 =	sadd.s32 $0x8C0, s23;
	v12 =	vadd.f32 v4, v12;
	[tilespmem:v1+s6+$0x10 ss:$0x1] =	vst.idx.msk $0xffff, v2;
	v9 =	vadd.f32 v2, v9  }
0xbb: {  	v1 =	vadd.f32 v8, v6  }
0xbc: {  	v2 =	vadd.f32 v11, v10  }
0xbd: {  	v1 =	vadd.f32 v7, v1  }
0xbe: {  	v2 =	vadd.f32 v12, v2  }
0xbf: {  	v1 =	vadd.f32 v9, v1  }
0xc0: {  	v0 =	vadd.f32 v0, v2  }
0xc1: {  	(xrf2) =	vadd.scan.msk.f32 $0xffff, v1  }
0xc2: {  	(xrf2) =	vadd.scan.msk.f32 $0xffff, v0;
	_ =	sdelay $0x8  }
0xc3: {  	v0, _, _ =	vpop (xrf2)  }
0xc4: {  	(v2sf) =	vpush v0, $0xF;
	v0, _, _ =	vpop (xrf2)  }
0xc5: {  	(v2sf) =	vpush v0, $0xF;
	_ =	sdelay $0xd  }
0xc6: {  	s6 =	spop (v2sf)  }
0xc7: {  	s8 =	smul.f32 $2.232142830e-05, s6;
	s13 =	spop (v2sf)  }
0xc8: {  	s6 =	smul.f32 $2.232142830e-05, s13  }
0xc9: {  	s9 =	smul.f32 s8, s8;
	_ =	sdelay $0x1  }
0xca: {  	s6 =	ssub.f32 s6, s9;
	_ =	sdelay $0x1  }
0xcb: {  	s6 =	sadd.f32 $9.999999740e-06, s6;
	_ =	sdelay $0x1  }
0xcc: {  	s23 =	sshra.s32 s6, $0x1;
	s6 =	smul.f32 $5.000000000e-01, s6  }
0xcd: {  	s9 =	ssub.s32 $0x5F3759DF, s23  }
0xce: {  	s13 =	smul.f32 s9, s6;
	_ =	sdelay $0x1  }
0xcf: {  	s13 =	smul.f32 s9, s13;
	_ =	sdelay $0x1  }
0xd0: {  	s13 =	ssub.f32 $1.500000000e+00, s13;
	_ =	sdelay $0x1  }
0xd1: {  	s9 =	smul.f32 s9, s13;
	_ =	sdelay $0x1  }
0xd2: {  	s13 =	smul.f32 s9, s6;
	_ =	sdelay $0x1  }
0xd3: {  	s13 =	smul.f32 s13, s9;
	_ =	sdelay $0x1  }
0xd4: {  	s13 =	ssub.f32 $1.500000000e+00, s13;
	_ =	sdelay $0x1  }
0xd5: {  	s9 =	smul.f32 s13, s9;
	_ =	sdelay $0x1  }
0xd6: {  	s13 =	smul.f32 s9, s6;
	_ =	sdelay $0x1  }
0xd7: {  	s13 =	smul.f32 s13, s9;
	_ =	sdelay $0x1  }
0xd8: {  	s13 =	ssub.f32 $1.500000000e+00, s13;
	_ =	sdelay $0x1  }
0xd9: {  	s9 =	smul.f32 s13, s9;
	_ =	sdelay $0x1  }
0xda: {  	s6 =	smul.f32 s9, s6;
	_ =	sdelay $0x1  }
0xdb: {  	s6 =	smul.f32 s6, s9;
	_ =	sdelay $0x1  }
0xdc: {  	s6 =	ssub.f32 $1.500000000e+00, s6;
	_ =	sdelay $0x1  }
0xdd: {  	s9 =	smul.f32 s6, s9  }
0xde: {  	s6 =	simm.s32 $0x0  }
0xdf: {  	v2 =	vld [tilespmem:s6+$0x580];
	s8 =	smul.f32 s9, s8  }
0xe0: {  	v3 =	vld [tilespmem:s6+$0x590]  }
0xe1: {  	v4 =	vld [tilespmem:s6+$0x5A0];
	v1 =	vmov s9;
	v0 =	vmov s8;
	s8 =	simm.s32 $0x100  }
.LBB2_7:
0xe2: {  	p0 =	sne.s32 s8, $0x2BB00;
	v5 =	vld [tilespmem:s6+$0x5B0];
	_ =	sdelay $0x1  }
0xe3: {  	v2 =	vmul.f32 v2, v1  }
0xe4: {  	v3 =	vmul.f32 v3, v1  }
0xe5: {  	v2 =	vsub.f32 v2, v0;
	v4 =	vmul.f32 v4, v1  }
.Ltmp2:
0xe6: {  	v3 =	vsub.f32 v3, v0;
	v5 =	vmul.f32 v5, v1;
	(pc) =	sbr.rel @p0 .LBB2_7-.Ltmp2, $4  }
0xe7: {  	s9 =	sshra.s32 s8, $0x2;
	[tilespmem:s6+$0x580] =	vst v2;
	v4 =	vsub.f32 v4, v0  }
0xe8: {  	v2 =	vld [tilespmem:s9+$0x580];
	[tilespmem:s6+$0x590] =	vst v3;
	v5 =	vsub.f32 v5, v0  }
0xe9: {  	v3 =	vld [tilespmem:s9+$0x590];
	[tilespmem:s6+$0x5A0] =	vst v4  }
0xea: {  	s8 =	sadd.s32 $0x100, s8;
	v4 =	vld [tilespmem:s9+$0x5A0];
	[tilespmem:s6+$0x5B0] =	vst v5;
	s6 =	smov.u32 s9  }
0xeb: {  	v5 =	vld [tilespmem:s6+$0x5B0];
	_ =	sdelay $0x1  }
0xec: {  	v2 =	vmul.f32 v2, v1  }
0xed: {  	v3 =	vmul.f32 v3, v1  }
0xee: {  	v2 =	vsub.f32 v2, v0;
	v4 =	vmul.f32 v4, v1  }
0xef: {  	v3 =	vsub.f32 v3, v0;
	v1 =	vmul.f32 v5, v1  }
0xf0: {  	s8 =	smul.u32 $0xAF00, s22;
	[tilespmem:s6+$0x580] =	vst v2;
	v2 =	vsub.f32 v4, v0  }
0xf1: {  	[tilespmem:s6+$0x590] =	vst v3;
	v0 =	vsub.f32 v1, v0  }
0xf2: {  	s8 =	sshrl.u32 s8, $0x3;
	[tilespmem:s6+$0x5A0] =	vst v2  }
0xf3: {  	s13 =	simm.s32 $0x580;
	[tilespmem:s6+$0x5B0] =	vst v0;
	s6 =	sadd.s32 s2, s8  }
0xf4: {  	[hbm4b:s6+s3] =	stream.linear.scatter [tilespmem:s13], [sflag:$0x3], $0x8C0, $0x38;
	[tilespmem:$0x16B80] =	vst v63  }
0xf5: {  	s9 =	simm.s32 $0xE40;
	s23 =	sadd.s32 $0x118, s6  }
0xf6: {  	[hbm4b:s23+s3] =	stream.linear.scatter [tilespmem:s9], [sflag:$0x3], $0x8C0, $0x38;
	[tilespmem:$0x16B80] =	vst v63  }
0xf7: {  	s13 =	sadd.s32 $0x230, s6;
	s23 =	simm.s32 $0x1700  }
0xf8: {  	[hbm4b:s13+s3] =	stream.linear.scatter [tilespmem:s23], [sflag:$0x3], $0x8C0, $0x38;
	[tilespmem:$0x16B80] =	vst v63  }
0xf9: {  	s13 =	sadd.s32 $0x348, s6;
	s23 =	simm.s32 $0x1FC0  }
0xfa: {  	[hbm4b:s13+s3] =	stream.linear.scatter [tilespmem:s23], [sflag:$0x3], $0x8C0, $0x38;
	[tilespmem:$0x16B80] =	vst v63  }
0xfb: {  	s13 =	sadd.s32 $0x460, s6;
	s23 =	simm.s32 $0x2880  }
0xfc: {  	[hbm4b:s13+s3] =	stream.linear.scatter [tilespmem:s23], [sflag:$0x3], $0x8C0, $0x38;
	[tilespmem:$0x16B80] =	vst v63  }
0xfd: {  	s13 =	sadd.s32 $0x578, s6;
	s23 =	simm.s32 $0x3140  }
0xfe: {  	[hbm4b:s13+s3] =	stream.linear.scatter [tilespmem:s23], [sflag:$0x3], $0x8C0, $0x38;
	[tilespmem:$0x16B80] =	vst v63  }
0xff: {  	s13 =	sadd.s32 $0x690, s6;
	s23 =	simm.s32 $0x3A00  }
0x100: {  	[hbm4b:s13+s3] =	stream.linear.scatter [tilespmem:s23], [sflag:$0x3], $0x8C0, $0x38;
	[tilespmem:$0x16B80] =	vst v63  }
0x101: {  	s13 =	sadd.s32 $0x7A8, s6;
	s23 =	simm.s32 $0x42C0  }
0x102: {  	[hbm4b:s13+s3] =	stream.linear.scatter [tilespmem:s23], [sflag:$0x3], $0x8C0, $0x38;
	[tilespmem:$0x16B80] =	vst v63  }
0x103: {  	s13 =	sadd.s32 $0x8C0, s6;
	s23 =	simm.s32 $0x4B80  }
0x104: {  	[hbm4b:s13+s3] =	stream.linear.scatter [tilespmem:s23], [sflag:$0x3], $0x8C0, $0x38;
	[tilespmem:$0x16B80] =	vst v63  }
0x105: {  	s13 =	sadd.s32 $0x9D8, s6;
	s23 =	simm.s32 $0x5440  }
0x106: {  	[hbm4b:s13+s3] =	stream.linear.scatter [tilespmem:s23], [sflag:$0x3], $0x8C0, $0x38;
	[tilespmem:$0x16B80] =	vst v63  }
0x107: {  	s13 =	sadd.s32 $0xAF0, s6;
	s23 =	simm.s32 $0x5D00  }
0x108: {  	[hbm4b:s13+s3] =	stream.linear.scatter [tilespmem:s23], [sflag:$0x3], $0x8C0, $0x38;
	[tilespmem:$0x16B80] =	vst v63  }
0x109: {  	s13 =	sadd.s32 $0xC08, s6;
	s23 =	simm.s32 $0x65C0  }
0x10a: {  	[hbm4b:s13+s3] =	stream.linear.scatter [tilespmem:s23], [sflag:$0x3], $0x8C0, $0x38;
	[tilespmem:$0x16B80] =	vst v63  }
0x10b: {  	s13 =	sadd.s32 $0xD20, s6;
	s23 =	simm.s32 $0x6E80  }
0x10c: {  	[hbm4b:s13+s3] =	stream.linear.scatter [tilespmem:s23], [sflag:$0x3], $0x8C0, $0x38;
	[tilespmem:$0x16B80] =	vst v63  }
0x10d: {  	s13 =	sadd.s32 $0xE38, s6;
	s23 =	simm.s32 $0x7740  }
0x10e: {  	[hbm4b:s13+s3] =	stream.linear.scatter [tilespmem:s23], [sflag:$0x3], $0x8C0, $0x38;
	[tilespmem:$0x16B80] =	vst v63  }
0x10f: {  	s13 =	sadd.s32 $0xF50, s6;
	s23 =	simm.s32 $0x8000  }
0x110: {  	[hbm4b:s13+s3] =	stream.linear.scatter [tilespmem:s23], [sflag:$0x3], $0x8C0, $0x38;
	[tilespmem:$0x16B80] =	vst v63  }
0x111: {  	s13 =	sadd.s32 $0x1068, s6;
	s23 =	simm.s32 $0x88C0  }
0x112: {  	[hbm4b:s13+s3] =	stream.linear.scatter [tilespmem:s23], [sflag:$0x3], $0x8C0, $0x38;
	[tilespmem:$0x16B80] =	vst v63  }
0x113: {  	s13 =	sadd.s32 $0x1180, s6;
	s23 =	simm.s32 $0x9180  }
0x114: {  	[hbm4b:s13+s3] =	stream.linear.scatter [tilespmem:s23], [sflag:$0x3], $0x8C0, $0x38;
	[tilespmem:$0x16B80] =	vst v63  }
0x115: {  	s13 =	sadd.s32 $0x1298, s6;
	s23 =	simm.s32 $0x9A40  }
0x116: {  	[hbm4b:s13+s3] =	stream.linear.scatter [tilespmem:s23], [sflag:$0x3], $0x8C0, $0x38;
	[tilespmem:$0x16B80] =	vst v63  }
0x117: {  	s9 =	sadd.s32 $0x13B0, s6;
	s13 =	simm.s32 $0xA300  }
0x118: {  	[hbm4b:s9+s3] =	stream.linear.scatter [tilespmem:s13], [sflag:$0x3], $0x8C0, $0x38;
	[tilespmem:$0x16B80] =	vst v63  }
0x119: {  	s6 =	sadd.s32 $0x14C8, s6;
	s23 =	simm.s32 $0xABC0  }
0x11a: {  	[hbm4b:s6+s3] =	stream.linear.scatter [tilespmem:s23], [sflag:$0x3], $0x8C0, $0x38;
	[tilespmem:$0x16B80] =	vst v63  }
0x11b: {  	_ =	swait.ge [sflag:s17], $0x2000  }
0x11c: {  	[sflag:s17] =	ssyncset.done $0x0  }
0x11d: {  	[sflag:s17] =	ssyncadd.s32 $0xFFFFE000  }
0x11e: {  	_ =	swait.ge [sflag:s17], $0x2000  }
0x11f: {  	[sflag:s17] =	ssyncset.done $0x0  }
0x120: {  	[sflag:s17] =	ssyncadd.s32 $0xFFFFE000  }
0x121: {  	_ =	swait.ge [sflag:s17], $0x2000  }
0x122: {  	[sflag:s17] =	ssyncset.done $0x0  }
0x123: {  	[sflag:s17] =	ssyncadd.s32 $0xFFFFE000  }
0x124: {  	_ =	swait.ge [sflag:s17], $0x2000  }
0x125: {  	[sflag:s17] =	ssyncset.done $0x0  }
0x126: {  	[sflag:s17] =	ssyncadd.s32 $0xFFFFE000  }
0x127: {  	_ =	swait.ge [sflag:s17], $0x2000  }
0x128: {  	[sflag:s17] =	ssyncset.done $0x0  }
0x129: {  	[sflag:s17] =	ssyncadd.s32 $0xFFFFE000  }
0x12a: {  	_ =	swait.ge [sflag:s17], $0x1000  }
0x12b: {  	[sflag:s17] =	ssyncset.done $0x0  }
0x12c: {  	[sflag:s17] =	ssyncadd.s32 $0xFFFFF000  }
0x12d: {  	_ =	swait.ge [sflag:s18], $0x8C0  }
0x12e: {  	[sflag:s18] =	ssyncset.done $0x0  }
0x12f: {  	[sflag:s18] =	ssyncadd.s32 $0xFFFFF740  }
0x130: {  	_ =	swait.ge [sflag:s18], $0x8C0  }
0x131: {  	[sflag:s18] =	ssyncset.done $0x0  }
0x132: {  	[sflag:s18] =	ssyncadd.s32 $0xFFFFF740  }
0x133: {  	_ =	swait.ge [sflag:s18], $0x8C0  }
0x134: {  	[sflag:s18] =	ssyncset.done $0x0  }
0x135: {  	[sflag:s18] =	ssyncadd.s32 $0xFFFFF740  }
0x136: {  	_ =	swait.ge [sflag:s18], $0x8C0  }
0x137: {  	[sflag:s18] =	ssyncset.done $0x0  }
0x138: {  	[sflag:s18] =	ssyncadd.s32 $0xFFFFF740  }
0x139: {  	_ =	swait.ge [sflag:s18], $0x8C0  }
0x13a: {  	[sflag:s18] =	ssyncset.done $0x0  }
0x13b: {  	[sflag:s18] =	ssyncadd.s32 $0xFFFFF740  }
0x13c: {  	_ =	swait.ge [sflag:s18], $0x8C0  }
0x13d: {  	[sflag:s18] =	ssyncset.done $0x0  }
0x13e: {  	[sflag:s18] =	ssyncadd.s32 $0xFFFFF740  }
0x13f: {  	_ =	swait.ge [sflag:s18], $0x8C0  }
0x140: {  	[sflag:s18] =	ssyncset.done $0x0  }
0x141: {  	[sflag:s18] =	ssyncadd.s32 $0xFFFFF740  }
0x142: {  	_ =	swait.ge [sflag:s18], $0x8C0  }
0x143: {  	[sflag:s18] =	ssyncset.done $0x0  }
0x144: {  	[sflag:s18] =	ssyncadd.s32 $0xFFFFF740  }
0x145: {  	_ =	swait.ge [sflag:s18], $0x8C0  }
0x146: {  	[sflag:s18] =	ssyncset.done $0x0  }
0x147: {  	[sflag:s18] =	ssyncadd.s32 $0xFFFFF740  }
0x148: {  	_ =	swait.ge [sflag:s18], $0x8C0  }
0x149: {  	[sflag:s18] =	ssyncset.done $0x0  }
0x14a: {  	[sflag:s18] =	ssyncadd.s32 $0xFFFFF740  }
0x14b: {  	_ =	swait.ge [sflag:s18], $0x8C0  }
0x14c: {  	[sflag:s18] =	ssyncset.done $0x0  }
0x14d: {  	[sflag:s18] =	ssyncadd.s32 $0xFFFFF740  }
0x14e: {  	_ =	swait.ge [sflag:s18], $0x8C0  }
0x14f: {  	[sflag:s18] =	ssyncset.done $0x0  }
0x150: {  	[sflag:s18] =	ssyncadd.s32 $0xFFFFF740  }
0x151: {  	_ =	swait.ge [sflag:s18], $0x8C0  }
0x152: {  	[sflag:s18] =	ssyncset.done $0x0  }
0x153: {  	[sflag:s18] =	ssyncadd.s32 $0xFFFFF740  }
0x154: {  	_ =	swait.ge [sflag:s18], $0x8C0  }
0x155: {  	[sflag:s18] =	ssyncset.done $0x0  }
0x156: {  	[sflag:s18] =	ssyncadd.s32 $0xFFFFF740  }
0x157: {  	_ =	swait.ge [sflag:s18], $0x8C0  }
0x158: {  	[sflag:s18] =	ssyncset.done $0x0  }
0x159: {  	[sflag:s18] =	ssyncadd.s32 $0xFFFFF740  }
0x15a: {  	_ =	swait.ge [sflag:s18], $0x8C0  }
0x15b: {  	[sflag:s18] =	ssyncset.done $0x0  }
0x15c: {  	[sflag:s18] =	ssyncadd.s32 $0xFFFFF740  }
0x15d: {  	_ =	swait.ge [sflag:s18], $0x8C0  }
0x15e: {  	[sflag:s18] =	ssyncset.done $0x0  }
0x15f: {  	[sflag:s18] =	ssyncadd.s32 $0xFFFFF740  }
0x160: {  	_ =	swait.ge [sflag:s18], $0x8C0  }
0x161: {  	[sflag:s18] =	ssyncset.done $0x0  }
0x162: {  	[sflag:s18] =	ssyncadd.s32 $0xFFFFF740  }
0x163: {  	s22 =	sor.u32 $0x1, s22;
	p0 =	seq.s32 s20, $0xF;
	_ =	swait.ge [sflag:s18], $0x8C0  }
0x164: {  	s6 =	smul.u32 @!p0 $0x2C0, s22;
	[sflag:s18] =	ssyncset.done $0x0  }
0x165: {  	[sflag:s18] =	ssyncadd.s32 $0xFFFFF740  }
0x166: {  	s6 =	sshrl.u32 @!p0 s6, $0x3;
	_ =	swait.ge [sflag:s18], $0x8C0  }
0x167: {  	s6 =	sadd.s32 @!p0 s4, s6;
	[sflag:s18] =	ssyncset.done $0x0  }
0x168: {  	s8 =	simm.s32 @!p0 $0x0;
	s6 =	sadd.s32 @!p0 $0x58, s6;
	[sflag:s18] =	ssyncadd.s32 $0xFFFFF740  }
0x169: {  	[tilespmem:s8], [sflag:$0x5] =	stream.linear.gather @!p0 [hbm4b:s6+s8], $0x2C0, $0x38;
	[tilespmem:$0x16B80] =	vst v63  }
0x16a: {  	s6 =	simm.s32 @!p0 $0x5  }
0x16b: {  	_ =	swait.ge @!p0 [sflag:s6], $0x2C0  }
0x16c: {  	[sflag:s6] =	ssyncset.done @!p0 $0x0  }
0x16d: {  	s9 =	simm.s32 @!p0 $0x580;
	[sflag:s6] =	ssyncadd.s32 @!p0 $0xFFFFFD40;
	s6 =	simm.s32 @!p0 $0x80  }
0x16e: {  	[tilespmem:s9], [sflag:$0x1] =	stream.indirect.gather @!p0 [hbm4b:s5+s6], $0x40, s8, s6, $0xb8;
	[tilespmem:$0x16B80] =	vst v63  }
0x16f: {  	s8 =	simm.s32 @!p0 $0x2580  }
0x170: {  	[tilespmem:s8], [sflag:$0x1] =	stream.indirect.gather @!p0 [hbm4b:s5+s6], $0x40, s6, s6, $0xb8;
	[tilespmem:$0x16B80] =	vst v63  }
0x171: {  	s9 =	simm.s32 @!p0 $0x4580;
	s8 =	simm.s32 @!p0 $0x100  }
0x172: {  	[tilespmem:s9], [sflag:$0x1] =	stream.indirect.gather @!p0 [hbm4b:s5+s6], $0x40, s8, s6, $0xb8;
	[tilespmem:$0x16B80] =	vst v63  }
0x173: {  	s13 =	simm.s32 $0x0;
	s8 =	simm.s32 @!p0 $0x180;
	s9 =	simm.s32 @!p0 $0x6580  }
0x174: {  	[tilespmem:s9], [sflag:$0x1] =	stream.indirect.gather @!p0 [hbm4b:s5+s6], $0x40, s8, s6, $0xb8;
	[tilespmem:$0x16B80] =	vst v63  }
0x175: {  	s23 =	simm.s32 $0xB5A0;
	s8 =	simm.s32 @!p0 $0x200;
	s9 =	simm.s32 @!p0 $0x8580  }
0x176: {  	v12 =	vimm.f32 $0.0e+00;
	v11 =	vimm.f32 $0.0e+00;
	[tilespmem:s9], [sflag:$0x1] =	stream.indirect.gather @!p0 [hbm4b:s5+s6], $0x40, s8, s6, $0xb8;
	[tilespmem:$0x16B80] =	vst v63  }
0x177: {  	v10 =	vimm.f32 $0.0e+00;
	v9 =	vimm.f32 $0.0e+00;
	v7 =	vimm.f32 $0.0e+00;
	s6 =	simm.s32 @!p0 $0x40;
	s8 =	simm.s32 @!p0 $0x280;
	s9 =	simm.s32 @!p0 $0xA580  }
0x178: {  	v8 =	vimm.f32 $0.0e+00;
	v6 =	vimm.f32 $0.0e+00;
	v0 =	vimm.f32 $0.0e+00;
	[tilespmem:s9], [sflag:$0x1] =	stream.indirect.gather @!p0 [hbm4b:s5+s6], $0x40, s8, s6, $0xb8;
	[tilespmem:$0x16B80] =	vst v63  }
.LBB2_9:
0x179: {  	v1 =	vmov s23;
	_ =	sdelay $0x1  }
0x17a: {  	s6 =	sshll.u32 s13, $0x6  }
0x17b: {  	s6 =	sand.u32 $0x3FFFFFC0, s6  }
0x17c: {  	s8 =	simm.s32 $0x0;
	v4 =	vld [tilespmem:s6+$0x16580]  }
0x17d: {  	v2 =	vld.idx.msk [tilespmem:v1+s8+$0xFFFFFFE0 ss:$0x1], $0xffff;
	_ =	sdelay $0x4  }
0x17e: {  	v5 =	vld [tilespmem:s6+$0x16590];
	v13 =	vadd.f32 v2, v4  }
0x17f: {  	v3 =	vld [tilespmem:s6+$0x165A0]  }
0x180: {  	v2 =	vld [tilespmem:s6+$0x165B0];
	[tilespmem:v1+s8+$0xFFFFFFE0 ss:$0x1] =	vst.idx.msk $0xffff, v13  }
0x181: {  	v14 =	vld.idx.msk [tilespmem:v1+s8+$0xFFFFFFF0 ss:$0x1], $0xffff;
	_ =	sdelay $0x4  }
0x182: {  	v14 =	vadd.f32 v14, v5;
	_ =	sdelay $0x1  }
0x183: {  	[tilespmem:v1+s8+$0xFFFFFFF0 ss:$0x1] =	vst.idx.msk $0xffff, v14  }
0x184: {  	v15 =	vld.idx.msk [tilespmem:v1+s8+$0x0 ss:$0x1], $0xffff;
	_ =	sdelay $0x4  }
0x185: {  	v15 =	vadd.f32 v15, v3;
	_ =	sdelay $0x1  }
0x186: {  	[tilespmem:v1+s8+$0x0 ss:$0x1] =	vst.idx.msk $0xffff, v15  }
0x187: {  	v16 =	vld.idx.msk [tilespmem:v1+s8+$0x10 ss:$0x1], $0xffff;
	_ =	sdelay $0x2  }
0x188: {  	v17 =	vmul.f32 v13, v13  }
0x189: {  	v6 =	vadd.f32 v13, v6;
	v13 =	vmul.f32 v14, v14  }
0x18a: {  	v10 =	vadd.f32 v17, v10;
	v16 =	vadd.f32 v16, v2  }
0x18b: {  	v8 =	vadd.f32 v14, v8;
	v11 =	vadd.f32 v13, v11;
	v14 =	vmul.f32 v15, v15  }
0x18c: {  	s6 =	simm.s32 $0x40;
	v7 =	vadd.f32 v15, v7;
	[tilespmem:v1+s8+$0x10 ss:$0x1] =	vst.idx.msk $0xffff, v16;
	v13 =	vmul.f32 v16, v16  }
0x18d: {  	v12 =	vadd.f32 v14, v12;
	s8 =	simm.s32 $0x200;
	v9 =	vadd.f32 v16, v9;
	v14 =	vld.idx.msk [tilespmem:v1+s6+$0xFFFFFFE0 ss:$0x1], $0xffff  }
.LBB2_10:
0x18e: {  	p0 =	sne.s32 s8, $0x2200;
	v0 =	vadd.f32 v13, v0;
	s9 =	smov.u32 s8;
	s8 =	sadd.s32 $0x100, s8  }
0x18f: {  	_ =	sdelay $0x3  }
0x190: {  	v13 =	vadd.f32 v14, v4;
	_ =	sdelay $0x1  }
0x191: {  	v6 =	vadd.f32 v13, v6;
	[tilespmem:v1+s6+$0xFFFFFFE0 ss:$0x1] =	vst.idx.msk $0xffff, v13;
	v13 =	vmul.f32 v13, v13  }
0x192: {  	v14 =	vld.idx.msk [tilespmem:v1+s6+$0xFFFFFFF0 ss:$0x1], $0xffff  }
0x193: {  	v10 =	vadd.f32 v13, v10;
	_ =	sdelay $0x4  }
0x194: {  	v13 =	vadd.f32 v14, v5;
	_ =	sdelay $0x1  }
0x195: {  	v8 =	vadd.f32 v13, v8;
	[tilespmem:v1+s6+$0xFFFFFFF0 ss:$0x1] =	vst.idx.msk $0xffff, v13;
	v13 =	vmul.f32 v13, v13  }
0x196: {  	v14 =	vld.idx.msk [tilespmem:v1+s6+$0x0 ss:$0x1], $0xffff  }
0x197: {  	v11 =	vadd.f32 v13, v11;
	_ =	sdelay $0x4  }
0x198: {  	v13 =	vadd.f32 v14, v3;
	_ =	sdelay $0x1  }
0x199: {  	v7 =	vadd.f32 v13, v7;
	[tilespmem:v1+s6+$0x0 ss:$0x1] =	vst.idx.msk $0xffff, v13;
	v13 =	vmul.f32 v13, v13  }
0x19a: {  	v14 =	vld.idx.msk [tilespmem:v1+s6+$0x10 ss:$0x1], $0xffff  }
0x19b: {  	v12 =	vadd.f32 v13, v12;
	_ =	sdelay $0x3  }
.Ltmp3:
0x19c: {  	(pc) =	sbr.rel @p0 .LBB2_10-.Ltmp3, $3  }
0x19d: {  	v13 =	vadd.f32 v14, v2;
	_ =	sdelay $0x1  }
0x19e: {  	v9 =	vadd.f32 v13, v9;
	[tilespmem:v1+s6+$0x10 ss:$0x1] =	vst.idx.msk $0xffff, v13;
	s6 =	sshra.s32 s9, $0x2;
	v13 =	vmul.f32 v13, v13  }
0x19f: {  	v14 =	vld.idx.msk [tilespmem:v1+s6+$0xFFFFFFE0 ss:$0x1], $0xffff  }
0x1a0: {  	_ =	sdelay $0x3  }
0x1a1: {  	v4 =	vadd.f32 v14, v4;
	_ =	sdelay $0x1  }
0x1a2: {  	[tilespmem:v1+s6+$0xFFFFFFE0 ss:$0x1] =	vst.idx.msk $0xffff, v4  }
0x1a3: {  	v14 =	vld.idx.msk [tilespmem:v1+s6+$0xFFFFFFF0 ss:$0x1], $0xffff;
	_ =	sdelay $0x4  }
0x1a4: {  	v5 =	vadd.f32 v14, v5;
	_ =	sdelay $0x1  }
0x1a5: {  	[tilespmem:v1+s6+$0xFFFFFFF0 ss:$0x1] =	vst.idx.msk $0xffff, v5  }
0x1a6: {  	v14 =	vld.idx.msk [tilespmem:v1+s6+$0x0 ss:$0x1], $0xffff;
	_ =	sdelay $0x4  }
0x1a7: {  	v3 =	vadd.f32 v14, v3;
	_ =	sdelay $0x1  }
0x1a8: {  	[tilespmem:v1+s6+$0x0 ss:$0x1] =	vst.idx.msk $0xffff, v3  }
0x1a9: {  	v14 =	vld.idx.msk [tilespmem:v1+s6+$0x10 ss:$0x1], $0xffff;
	_ =	sdelay $0x3  }
0x1aa: {  	s13 =	sadd.s32 $0x1, s13  }
0x1ab: {  	p0 =	sne.s32 s13, $0x14;
	v2 =	vadd.f32 v14, v2  }
.Ltmp4:
0x1ac: {  	v0 =	vadd.f32 v13, v0;
	v15 =	vmul.f32 v4, v4;
	v13 =	vmul.f32 v5, v5;
	(pc) =	sbr.rel @p0 .LBB2_9-.Ltmp4, $4  }
0x1ad: {  	v6 =	vadd.f32 v4, v6;
	v8 =	vadd.f32 v5, v8;
	v5 =	vmul.f32 v2, v2  }
0x1ae: {  	v10 =	vadd.f32 v15, v10;
	v11 =	vadd.f32 v13, v11;
	v4 =	vmul.f32 v3, v3  }
0x1af: {  	v7 =	vadd.f32 v3, v7;
	v0 =	vadd.f32 v5, v0  }
0x1b0: {  	s23 =	sadd.s32 $0x8C0, s23;
	v12 =	vadd.f32 v4, v12;
	[tilespmem:v1+s6+$0x10 ss:$0x1] =	vst.idx.msk $0xffff, v2;
	v9 =	vadd.f32 v2, v9  }
0x1b1: {  	v1 =	vadd.f32 v8, v6  }
0x1b2: {  	v2 =	vadd.f32 v11, v10  }
0x1b3: {  	v1 =	vadd.f32 v7, v1  }
0x1b4: {  	v2 =	vadd.f32 v12, v2  }
0x1b5: {  	v1 =	vadd.f32 v9, v1  }
0x1b6: {  	v0 =	vadd.f32 v0, v2  }
0x1b7: {  	(xrf2) =	vadd.scan.msk.f32 $0xffff, v1  }
0x1b8: {  	(xrf2) =	vadd.scan.msk.f32 $0xffff, v0;
	_ =	sdelay $0x8  }
0x1b9: {  	v0, _, _ =	vpop (xrf2)  }
0x1ba: {  	(v2sf) =	vpush v0, $0xF;
	v0, _, _ =	vpop (xrf2)  }
0x1bb: {  	(v2sf) =	vpush v0, $0xF;
	_ =	sdelay $0xd  }
0x1bc: {  	s6 =	spop (v2sf)  }
0x1bd: {  	s8 =	smul.f32 $2.232142830e-05, s6;
	s13 =	spop (v2sf)  }
0x1be: {  	s6 =	smul.f32 $2.232142830e-05, s13  }
0x1bf: {  	s9 =	smul.f32 s8, s8;
	_ =	sdelay $0x1  }
0x1c0: {  	s6 =	ssub.f32 s6, s9;
	_ =	sdelay $0x1  }
0x1c1: {  	s6 =	sadd.f32 $9.999999740e-06, s6;
	_ =	sdelay $0x1  }
0x1c2: {  	s23 =	sshra.s32 s6, $0x1;
	s6 =	smul.f32 $5.000000000e-01, s6  }
0x1c3: {  	s9 =	ssub.s32 $0x5F3759DF, s23  }
0x1c4: {  	s13 =	smul.f32 s9, s6;
	_ =	sdelay $0x1  }
0x1c5: {  	s13 =	smul.f32 s9, s13;
	_ =	sdelay $0x1  }
0x1c6: {  	s13 =	ssub.f32 $1.500000000e+00, s13;
	_ =	sdelay $0x1  }
0x1c7: {  	s9 =	smul.f32 s9, s13;
	_ =	sdelay $0x1  }
0x1c8: {  	s13 =	smul.f32 s9, s6;
	_ =	sdelay $0x1  }
0x1c9: {  	s13 =	smul.f32 s13, s9;
	_ =	sdelay $0x1  }
0x1ca: {  	s13 =	ssub.f32 $1.500000000e+00, s13;
	_ =	sdelay $0x1  }
0x1cb: {  	s9 =	smul.f32 s13, s9;
	_ =	sdelay $0x1  }
0x1cc: {  	s13 =	smul.f32 s9, s6;
	_ =	sdelay $0x1  }
0x1cd: {  	s13 =	smul.f32 s13, s9;
	_ =	sdelay $0x1  }
0x1ce: {  	s13 =	ssub.f32 $1.500000000e+00, s13;
	_ =	sdelay $0x1  }
0x1cf: {  	s9 =	smul.f32 s13, s9;
	_ =	sdelay $0x1  }
0x1d0: {  	s6 =	smul.f32 s9, s6;
	_ =	sdelay $0x1  }
0x1d1: {  	s6 =	smul.f32 s6, s9;
	_ =	sdelay $0x1  }
0x1d2: {  	s6 =	ssub.f32 $1.500000000e+00, s6;
	_ =	sdelay $0x1  }
0x1d3: {  	s9 =	smul.f32 s6, s9  }
0x1d4: {  	s6 =	simm.s32 $0x0  }
0x1d5: {  	v2 =	vld [tilespmem:s6+$0xB580];
	s8 =	smul.f32 s9, s8  }
0x1d6: {  	v3 =	vld [tilespmem:s6+$0xB590]  }
0x1d7: {  	v4 =	vld [tilespmem:s6+$0xB5A0];
	v1 =	vmov s9;
	v0 =	vmov s8;
	s8 =	simm.s32 $0x100  }
.LBB2_13:
0x1d8: {  	p0 =	sne.s32 s8, $0x2BB00;
	v5 =	vld [tilespmem:s6+$0xB5B0];
	_ =	sdelay $0x1  }
0x1d9: {  	v2 =	vmul.f32 v2, v1  }
0x1da: {  	v3 =	vmul.f32 v3, v1  }
0x1db: {  	v2 =	vsub.f32 v2, v0;
	v4 =	vmul.f32 v4, v1  }
.Ltmp5:
0x1dc: {  	v3 =	vsub.f32 v3, v0;
	v5 =	vmul.f32 v5, v1;
	(pc) =	sbr.rel @p0 .LBB2_13-.Ltmp5, $4  }
0x1dd: {  	s9 =	sshra.s32 s8, $0x2;
	[tilespmem:s6+$0xB580] =	vst v2;
	v4 =	vsub.f32 v4, v0  }
0x1de: {  	v2 =	vld [tilespmem:s9+$0xB580];
	[tilespmem:s6+$0xB590] =	vst v3;
	v5 =	vsub.f32 v5, v0  }
0x1df: {  	v3 =	vld [tilespmem:s9+$0xB590];
	[tilespmem:s6+$0xB5A0] =	vst v4  }
0x1e0: {  	s8 =	sadd.s32 $0x100, s8;
	v4 =	vld [tilespmem:s9+$0xB5A0];
	[tilespmem:s6+$0xB5B0] =	vst v5;
	s6 =	smov.u32 s9  }
0x1e1: {  	v5 =	vld [tilespmem:s6+$0xB5B0];
	_ =	sdelay $0x1  }
0x1e2: {  	v2 =	vmul.f32 v2, v1  }
0x1e3: {  	v3 =	vmul.f32 v3, v1  }
0x1e4: {  	v2 =	vsub.f32 v2, v0;
	v4 =	vmul.f32 v4, v1  }
0x1e5: {  	v3 =	vsub.f32 v3, v0;
	v61 =	vmul.f32 v5, v1  }
0x1e6: {  	s8 =	smul.u32 $0xAF00, s22;
	[tilespmem:s6+$0xB580] =	vst v2;
	v62 =	vsub.f32 v4, v0  }
0x1e7: {  	[tilespmem:s6+$0xB590] =	vst v3;
	v63 =	vsub.f32 v61, v0  }
0x1e8: {  	s8 =	sshrl.u32 s8, $0x3;
	[tilespmem:s6+$0xB5A0] =	vst v62  }
0x1e9: {  	[tilespmem:s6+$0xB5B0] =	vst v63;
	s6 =	sadd.s32 s2, s8  }
0x1ea: {  	[hbm4b:s6+s3] =	stream.linear.scatter [tilespmem:s26], [sflag:$0x4], $0x8C0, $0x38;
	[tilespmem:$0x16B80] =	vst v63  }
0x1eb: {  	s9 =	simm.s32 $0xBE40;
	s8 =	sadd.s32 $0x118, s6  }
0x1ec: {  	[hbm4b:s8+s3] =	stream.linear.scatter [tilespmem:s9], [sflag:$0x4], $0x8C0, $0x38;
	[tilespmem:$0x16B80] =	vst v63  }
0x1ed: {  	s13 =	simm.s32 $0xC700;
	s9 =	sadd.s32 $0x230, s6  }
0x1ee: {  	[hbm4b:s9+s3] =	stream.linear.scatter [tilespmem:s13], [sflag:$0x4], $0x8C0, $0x38;
	[tilespmem:$0x16B80] =	vst v63  }
0x1ef: {  	s23 =	simm.s32 $0xCFC0;
	s22 =	sadd.s32 $0x348, s6  }
0x1f0: {  	[hbm4b:s22+s3] =	stream.linear.scatter [tilespmem:s23], [sflag:$0x4], $0x8C0, $0x38;
	[tilespmem:$0x16B80] =	vst v63  }
0x1f1: {  	s9 =	sadd.s32 $0x460, s6;
	s13 =	simm.s32 $0xD880  }
0x1f2: {  	[hbm4b:s9+s3] =	stream.linear.scatter [tilespmem:s13], [sflag:$0x4], $0x8C0, $0x38;
	[tilespmem:$0x16B80] =	vst v63  }
0x1f3: {  	s22 =	sadd.s32 $0x578, s6;
	s23 =	simm.s32 $0xE140  }
0x1f4: {  	[hbm4b:s22+s3] =	stream.linear.scatter [tilespmem:s23], [sflag:$0x4], $0x8C0, $0x38;
	[tilespmem:$0x16B80] =	vst v63  }
0x1f5: {  	s9 =	sadd.s32 $0x690, s6;
	s13 =	simm.s32 $0xEA00  }
0x1f6: {  	[hbm4b:s9+s3] =	stream.linear.scatter [tilespmem:s13], [sflag:$0x4], $0x8C0, $0x38;
	[tilespmem:$0x16B80] =	vst v63  }
0x1f7: {  	s22 =	sadd.s32 $0x7A8, s6;
	s23 =	simm.s32 $0xF2C0  }
0x1f8: {  	[hbm4b:s22+s3] =	stream.linear.scatter [tilespmem:s23], [sflag:$0x4], $0x8C0, $0x38;
	[tilespmem:$0x16B80] =	vst v63  }
0x1f9: {  	s9 =	sadd.s32 $0x8C0, s6;
	s13 =	simm.s32 $0xFB80  }
0x1fa: {  	[hbm4b:s9+s3] =	stream.linear.scatter [tilespmem:s13], [sflag:$0x4], $0x8C0, $0x38;
	[tilespmem:$0x16B80] =	vst v63  }
0x1fb: {  	s22 =	sadd.s32 $0x9D8, s6  }
0x1fc: {  	[hbm4b:s22+s3] =	stream.linear.scatter [tilespmem:s28], [sflag:$0x4], $0x8C0, $0x38;
	[tilespmem:$0x16B80] =	vst v63  }
0x1fd: {  	s23 =	sadd.s32 $0xAF0, s6  }
0x1fe: {  	[hbm4b:s23+s3] =	stream.linear.scatter [tilespmem:s29], [sflag:$0x4], $0x8C0, $0x38;
	[tilespmem:$0x16B80] =	vst v63  }
0x1ff: {  	s9 =	sadd.s32 $0xC08, s6  }
0x200: {  	[hbm4b:s9+s3] =	stream.linear.scatter [tilespmem:s30], [sflag:$0x4], $0x8C0, $0x38;
	[tilespmem:$0x16B80] =	vst v63  }
0x201: {  	s13 =	sadd.s32 $0xD20, s6  }
0x202: {  	[hbm4b:s13+s3] =	stream.linear.scatter [tilespmem:s31], [sflag:$0x4], $0x8C0, $0x38;
	[tilespmem:$0x16B80] =	vst v63  }
0x203: {  	s22 =	sadd.s32 $0xE38, s6  }
0x204: {  	[hbm4b:s22+s3] =	stream.linear.scatter [tilespmem:s21], [sflag:$0x4], $0x8C0, $0x38;
	[tilespmem:$0x16B80] =	vst v63  }
0x205: {  	s23 =	sadd.s32 $0xF50, s6  }
0x206: {  	[hbm4b:s23+s3] =	stream.linear.scatter [tilespmem:s0], [sflag:$0x4], $0x8C0, $0x38;
	[tilespmem:$0x16B80] =	vst v63  }
0x207: {  	s9 =	sadd.s32 $0x1068, s6  }
0x208: {  	[hbm4b:s9+s3] =	stream.linear.scatter [tilespmem:s1], [sflag:$0x4], $0x8C0, $0x38;
	[tilespmem:$0x16B80] =	vst v63  }
0x209: {  	s20 =	sadd.s32 $0x1, s20;
	s13 =	sadd.s32 $0x1180, s6  }
0x20a: {  	[hbm4b:s13+s3] =	stream.linear.scatter [tilespmem:s10], [sflag:$0x4], $0x8C0, $0x38;
	[tilespmem:$0x16B80] =	vst v63  }
0x20b: {  	p0 =	sne.s32 s20, $0x10;
	s22 =	sadd.s32 $0x1298, s6  }
0x20c: {  	[hbm4b:s22+s3] =	stream.linear.scatter [tilespmem:s14], [sflag:$0x4], $0x8C0, $0x38;
	[tilespmem:$0x16B80] =	vst v63  }
.Ltmp6:
0x20d: {  	_ = 	snop;
	(pc) =	sbr.rel @p0 .LBB2_2-.Ltmp6, $4  }
0x20e: {  	s23 =	sadd.s32 $0x13B0, s6  }
0x20f: {  	[hbm4b:s23+s3] =	stream.linear.scatter [tilespmem:s15], [sflag:$0x4], $0x8C0, $0x38;
	[tilespmem:$0x16B80] =	vst v63  }
0x210: {  	s6 =	sadd.s32 $0x14C8, s6  }
0x211: {  	[hbm4b:s6+s3] =	stream.linear.scatter [tilespmem:s16], [sflag:$0x4], $0x8C0, $0x38;
	[tilespmem:$0x16B80] =	vst v63  }
0x212: {  	_ =	swait.ge [sflag:s19], $0x8C0  }
0x213: {  	[sflag:s19] =	ssyncset.done $0x0  }
0x214: {  	[sflag:s19] =	ssyncadd.s32 $0xFFFFF740  }
0x215: {  	_ =	swait.ge [sflag:s19], $0x8C0  }
0x216: {  	[sflag:s19] =	ssyncset.done $0x0  }
0x217: {  	[sflag:s19] =	ssyncadd.s32 $0xFFFFF740  }
0x218: {  	_ =	swait.ge [sflag:s19], $0x8C0  }
0x219: {  	[sflag:s19] =	ssyncset.done $0x0  }
0x21a: {  	[sflag:s19] =	ssyncadd.s32 $0xFFFFF740  }
0x21b: {  	_ =	swait.ge [sflag:s19], $0x8C0  }
0x21c: {  	[sflag:s19] =	ssyncset.done $0x0  }
0x21d: {  	[sflag:s19] =	ssyncadd.s32 $0xFFFFF740  }
0x21e: {  	_ =	swait.ge [sflag:s19], $0x8C0  }
0x21f: {  	[sflag:s19] =	ssyncset.done $0x0  }
0x220: {  	[sflag:s19] =	ssyncadd.s32 $0xFFFFF740  }
0x221: {  	_ =	swait.ge [sflag:s19], $0x8C0  }
0x222: {  	[sflag:s19] =	ssyncset.done $0x0  }
0x223: {  	[sflag:s19] =	ssyncadd.s32 $0xFFFFF740  }
0x224: {  	_ =	swait.ge [sflag:s19], $0x8C0  }
0x225: {  	[sflag:s19] =	ssyncset.done $0x0  }
0x226: {  	[sflag:s19] =	ssyncadd.s32 $0xFFFFF740  }
0x227: {  	_ =	swait.ge [sflag:s19], $0x8C0  }
0x228: {  	[sflag:s19] =	ssyncset.done $0x0  }
0x229: {  	[sflag:s19] =	ssyncadd.s32 $0xFFFFF740  }
0x22a: {  	_ =	swait.ge [sflag:s19], $0x8C0  }
0x22b: {  	[sflag:s19] =	ssyncset.done $0x0  }
0x22c: {  	[sflag:s19] =	ssyncadd.s32 $0xFFFFF740  }
0x22d: {  	_ =	swait.ge [sflag:s19], $0x8C0  }
0x22e: {  	[sflag:s19] =	ssyncset.done $0x0  }
0x22f: {  	[sflag:s19] =	ssyncadd.s32 $0xFFFFF740  }
0x230: {  	_ =	swait.ge [sflag:s19], $0x8C0  }
0x231: {  	[sflag:s19] =	ssyncset.done $0x0  }
0x232: {  	[sflag:s19] =	ssyncadd.s32 $0xFFFFF740  }
0x233: {  	_ =	swait.ge [sflag:s19], $0x8C0  }
0x234: {  	[sflag:s19] =	ssyncset.done $0x0  }
0x235: {  	[sflag:s19] =	ssyncadd.s32 $0xFFFFF740  }
0x236: {  	_ =	swait.ge [sflag:s19], $0x8C0  }
0x237: {  	[sflag:s19] =	ssyncset.done $0x0  }
0x238: {  	[sflag:s19] =	ssyncadd.s32 $0xFFFFF740  }
0x239: {  	_ =	swait.ge [sflag:s19], $0x8C0  }
0x23a: {  	[sflag:s19] =	ssyncset.done $0x0  }
0x23b: {  	[sflag:s19] =	ssyncadd.s32 $0xFFFFF740  }
0x23c: {  	_ =	swait.ge [sflag:s19], $0x8C0  }
0x23d: {  	[sflag:s19] =	ssyncset.done $0x0  }
0x23e: {  	[sflag:s19] =	ssyncadd.s32 $0xFFFFF740  }
0x23f: {  	_ =	swait.ge [sflag:s19], $0x8C0  }
0x240: {  	[sflag:s19] =	ssyncset.done $0x0  }
0x241: {  	[sflag:s19] =	ssyncadd.s32 $0xFFFFF740  }
0x242: {  	_ =	swait.ge [sflag:s19], $0x8C0  }
0x243: {  	[sflag:s19] =	ssyncset.done $0x0  }
0x244: {  	[sflag:s19] =	ssyncadd.s32 $0xFFFFF740  }
0x245: {  	_ =	swait.ge [sflag:s19], $0x8C0  }
0x246: {  	[sflag:s19] =	ssyncset.done $0x0  }
0x247: {  	[sflag:s19] =	ssyncadd.s32 $0xFFFFF740  }
0x248: {  	_ =	swait.ge [sflag:s19], $0x8C0  }
0x249: {  	[sflag:s19] =	ssyncset.done $0x0  }
0x24a: {  	[sflag:s19] =	ssyncadd.s32 $0xFFFFF740  }
0x24b: {  	_ =	swait.ge [sflag:s19], $0x8C0  }
0x24c: {  	s8 =	rddreg [dreg:$0x6]  }
0x24d: {  	s6 =	rddreg [dreg:$0x5];
	s8 =	sadd.s32 $0x1, s8  }
0x24e: {  	p0 =	sne.s32 s8, s6  }
.Ltmp7:
0x24f: {  	_ = 	snop;
	(pc) =	sbr.rel @p0 .LBB2_1-.Ltmp7, $3  }
0x250: {  	_ =	sdelay $0x1  }
0x251: {  	[sflag:s19] =	ssyncset.done $0x0  }
0x252: {  	[sflag:s19] =	ssyncadd.s32 $0xFFFFF740  }
0x253: {  	_ =	sfence.sel $0x180000  }
0x254: {  	[bflag:$0x0] =	sbarrier.arrive $0xFFFF  }
0x255: {  	_ =	strace $0x90000047  }
0x256: {  	s0 =	stileid.u32;
	[bflag:$0x2] =	sbarrier.arrive $0xFFFF  }
0x257: {  	p0 =	sne.s32 s0, $0x0;
	s0 =	rddreg [dreg:$0x2]  }
0x258: {  	s0 =	sadd.s32 @!p0 $0x100000, s0  }
0x259: {  	[sflag:s0] =	ssyncadd.tile.s32 @!p0 $0x1;
	_ =	shalt  }
.Lfunc_end2:
_tile_overlayer_lowered:
.L_overlay_start_2:
0x25a: {  	(tag) =	ssettag $0x2  }
0x25b: {  	s0 =	rddreg [dreg:$0x0];
	s2 =	stileid.u32  }
0x25c: {  	s1 =	rddreg [dreg:$0x1];
	p0 =	sne.s32 s2, $0x0  }
0x25d: {  	s3 =	rddreg [dreg:$0x2];
	[bflag:$0x3] =	sbarrier.arrive $0xFFFF;
	s2 =	simm.s32 @!p0 $0x1C05  }
0x25e: {  	[timem:s3], [sflag:s2] =	dma.local @!p0 [hbm:s0], s1  }
0x25f: {  	s0 =	simm.s32 @!p0 $0x5  }
0x260: {  	_ =	swait.ge @!p0 [sflag:s0], s1  }
0x261: {  	s1 =	ssub.s32 @!p0 $0x0, s1;
	[sflag:s0] =	ssyncset.done @!p0 $0x0  }
0x262: {  	[sflag:s0] =	ssyncadd.s32 @!p0 s1  }
0x263: {  	[bflag:$0x3] =	sbarrier.arrive $0xFFFF  }
0x264: {  	_ =	shalt  }

// kernel: sparse-core-data-format-call.cloned.1.call-start
scs
called_computation_lowered:
.L_overlay_start_0:
0x0: {  	s2 =	sld [smem:$0x3FD9]  }
0x1: {  	s3 =	sld [smem:$0x3FFE];
	_ =	sdelay $0x1  }
0x2: {  	s1 =	srdreg.scid  }
0x3: {  	s0 =	sand.u32 $0x1, s1  }
0x4: {  	s18 =	sshll.u32 s0, $0xA;
	s2 =	sadd.s32 s3, s2  }
0x5: {  	s2 =	sadd.s32 s2, s18  }
0x6: {  	[smem:$0x3FBC] =	sst s2  }
0x7: {  	_ = 	snop  }
0x8: {  	s2 =	sld [smem:$0x3FD0];
	(tm) =	ssettm $0x1  }
0x9: {  	s19 =	sld [smem:$0x3FFB];
	_ =	sdelay $0x3  }
0xa: {  	_ =	strace s19  }
0xb: {  	s3 =	sld [smem:$0x3FFC];
	_ =	sdelay $0x3  }
0xc: {  	_ =	strace s3  }
0xd: {  	s3 =	sld [smem:$0x3FFD];
	_ =	sdelay $0x3  }
0xe: {  	_ =	strace s3  }
0xf: {  	_ =	strace $0x8FFFFFFF  }
0x10: {  	s20 =	sld [smem:$0x3FDB];
	_ =	sdelay $0x1  }
0x11: {  	s4 =	simm.s32 $_scs_section_size  }
0x12: {  	s5 =	simm.s32 $_size__tile_overlayer_lowered;
	s6 =	simm.s32 $_tile_overlayer_lowered  }
0x13: {  	s23 =	simm.s32 $0x1BFF;
	s22 =	sshll.u32 s6, $0x1;
	s3 =	sadd.s32 s4, s20  }
0x14: {  	s7 =	simm.s32 $0x0;
	s21 =	sshll.u32 s5, $0x1;
	s5 =	sadd.s32 s22, s3  }
0x15: {  	[timem:s7], [sflag:s23] =	dma.local [hbm:s5], s21  }
0x16: {  	_ =	swait.ge [sflag:s23], s21  }
0x17: {  	s4 =	ssub.s32 $0x0, s21;
	[sflag:s23] =	ssyncset.done $0x0  }
0x18: {  	[sflag:s23] =	ssyncadd.s32 s4;
	_ =	sdelay $0x1  }
0x19: {  	s24 =	simm.s32 $0x1B8B  }
0x1a: {  	_ =	swait.ge [sflag:s24], $0x1  }
0x1b: {  	[sflag:s24] =	ssyncset.done $0x0  }
0x1c: {  	s26 =	simm.s32 $0x1B8E;
	s25 =	sld [smem:$0x3FFE];
	[sflag:s24] =	ssyncadd.s32 $0xFFFFFFFF  }
0x1d: {  	s27 =	simm.s32 $execute0_lowered;
	[smem:$0x3FD2] =	sst s26  }
0x1e: {  	s5 =	sshll.u32 s27, $0x1;
	_ =	strace $0x80000049;
	[dreg:$0x1] =	wrdreg $0xFFFFFFFF  }
0x1f: {  	s28 =	simm.s32 $_size_execute0_lowered;
	s3 =	sadd.s32 s3, s5;
	[dreg:$0x0] =	wrdreg $0x0  }
0x20: {  	s5 =	sshll.u32 s28, $0x1;
	[dreg:$0x2] =	wrdreg s3  }
0x21: {  	[dreg:$0x3] =	wrdreg s5  }
0x22: {  	[dreg:$0x4] =	wrdreg $0xC0  }
0x23: {  	_ =	task [dreg:s7], $0x5FFFF  }
0x24: {  	[dreg:$0x1] =	wrdreg $0xFFFFFFFF  }
0x25: {  	[dreg:$0x0] =	wrdreg $0x60  }
0x26: {  	[dreg:$0x2] =	wrdreg s25  }
0x27: {  	[dreg:$0x3] =	wrdreg s2  }
0x28: {  	[dreg:$0x4] =	wrdreg $0x9  }
0x29: {  	_ =	task.clear_ibuf [dreg:s7], $0x5FFFF;
	_ =	strace $0x90000049  }
0x2a: {  	s29 =	simm.s32 $0x9;
	_ =	strace $0x8000004B  }
0x2b: {  	_ =	swait.ge [sflag:s29], $0x1  }
0x2c: {  	[sflag:s29] =	ssyncadd.s32 $0xFFFFFFFF  }
0x2d: {  	_ =	strace $0x9000004B  }
0x2e: {  	_ =	sfence  }
0x2f: {  	s30 =	sld [smem:$0x0];
	_ =	sdelay $0x2  }
0x30: {  	s31 =	sshll.u32 s1, $0xD;
	s1 =	sshrl.u32 s1, $0x2  }
0x31: {  	s3 =	sand.u32 $0x4000, s31;
	s1 =	sadd.s32 s1, s30  }
0x32: {  	s0 =	sor.u32 s3, s0;
	s1 =	sshll.u32 s1, $0x11  }
0x33: {  	s0 =	sor.u32 s1, s0  }
0x34: {  	s0 =	sadd.s32 $0x8F2B, s0  }
0x35: {  	[sflag:s0] =	ssyncadd.remote.s32 $0x1  }
0x36: {  	_ =	sfence.sel $0xFFFF  }
0x37: {  	[dreg:$0x0] =	wrdreg $0xFFFFFFFF;
	(pc) =	sbr.abs _section_cstart, $3  }
0x38: {  	[dreg:$0x1] =	wrdreg $0xFFFFFFFF  }
0x39: {  	_ =	task.clear_ibuf [dreg:s7], $0x2FFFF;
	_ =	strace $0x9FFFFFFF  }
0x3a: {  	(tm) =	ssettm $0x7FFFFFFF  }
0x3b: {  	_ =	shalt  }
tec
execute0_lowered:
.L_overlay_start_1:
0x0: {  	(tag) =	ssettag $0x1  }
0x1: {  	s4 =	rddreg [dreg:$0x0]  }
0x2: {  	s0 =	stileid.u32;
	s2 =	rddreg [dreg:$0x1]  }
0x3: {  	s7 =	srdreg.scid;
	s8 =	simm.s32 $0x2;
	s14 =	simm.s32 $0x0  }
0x4: {  	s9 =	simm.s32 $0x2000;
	s16 =	simm.s32 $0x0;
	s1 =	sshll.u32 s0, $0x7  }
0x5: {  	s15 =	simm.s32 $0x0;
	s10 =	simm.s32 $0x0;
	s3 =	sand.u32 $0x380, s1  }
0x6: {  	s13 =	simm.s32 $0x0;
	s7 =	sshll.u32 s7, $0x4;
	s5 =	ssub.s32 $0x400, s3  }
0x7: {  	s4 =	sadd.s32 $0x1200, s4;
	s1 =	rddreg [dreg:$0x2];
	s6 =	sand.u32 $0x380, s5  }
0x8: {  	s7 =	sand.u32 $0x10, s7;
	p0 =	sne.s32 s6, $0x0;
	s6 =	simm.s32 $0x1  }
.Ltmp0:
0x9: {  	s5 =	sshrl.u32 s5, $0xA;
	s6 =	simm.s32 @!p0 $0x0;
	(pc) =	sbr.rel .LBB1_1-.Ltmp0, $4  }
0xa: {  	_ =	strace $0x8000004A;
	s7 =	sor.u32 s0, s7;
	s6 =	sadd.s32 s6, s5  }
0xb: {  	s7 =	sshrl.u32 s7, $0x3;
	s5 =	simm.s32 $0x1;
	s6 =	smul.u32 $0xAF, s6  }
0xc: {  	s12 =	smov.u32 s3;
	s11 =	smov.u32 s7;
	[sflag:s5] =	ssyncpa.u1 $0x0  }
0xd: {  	p0 =	por $0x0, $0x0;
	[sflag:s8] =	ssyncpa.u1 $0x0;
	s8 =	sadd.s32 $0x1, s6  }
.LBB1_4:
0xe: {  	s19 =	sand.u32 $0x1F80, s15;
	s16 =	smul.u32 $0x46000, s16  }
0xf: {  	s20 =	sshrl.u32 s15, $0x3;
	s19 =	sadd.s32 s2, s19  }
0x10: {  	[tilespmem:s18+$0x810 ss:$0x81] =	vst.msk $0xffff, v2;
	s31 =	sand.u32 $0x7, s15;
	s20 =	sand.u32 $0xF, s20;
	s16 =	sadd.s32 s16, s19  }
0x11: {  	[tilespmem:s18+$0x1020 ss:$0x81] =	vst.msk $0xffff, v0;
	s14 =	sshll.u32 s14, $0xD;
	s15 =	sshll.u32 s31, $0x12;
	s16 =	sadd.s32 s20, s16  }
0x12: {  	[tilespmem:s18+$0x0 ss:$0x81] =	vst.msk $0xffff, v1;
	s15 =	sor.u32 $0x400, s15;
	s14 =	sadd.s32 s14, s16  }
0x13: {  	[hbm4b:s14+s15] =	stream.strided.scatter [tilespmem:s17], [sflag:$0x2], $0x2000, s9, s15, $0x20;
	[tilespmem:$0x8080] =	vst v63  }
.LBB1_5:
0x14: {  	s17 =	sadd.s32 $0x1, s10  }
0x15: {  	s14 =	sadd.s32 $0x4, s11;
	s18 =	smov.u32 s11;
	p2 =	sgt.s32 s17, $0x22  }
0x16: {  	s18 =	smov.u32 @p2 s14  }
0x17: {  	s20 =	smov.u32 s12;
	s14 =	sadd.s32 $0x400, s12;
	p3 =	sgt.s32 s18, $0x13  }
0x18: {  	s20 =	smov.u32 @p3 s14  }
0x19: {  	s17 =	simm.s32 @p2 $0x0;
	p2 =	sgt.s32 s20, $0x3FF  }
0x1a: {  	p1 =	slt.u32 s13, $0x2;
	s20 =	smov.u32 @p2 s3;
	p2 =	sne.s32 s13, s8  }
.Ltmp1:
0x1b: {  	s19 =	simm.s32 @!p1 $0x2;
	(pc) =	sbr.rel @!p2 .LBB1_6-.Ltmp1, $4  }
0x1c: {  	s16 =	smov.u32 s11;
	s15 =	smov.u32 s12;
	_ =	swait.ge @!p1 [sflag:s19], $0x2000  }
0x1d: {  	p0 =	por !p0, !p0;
	[sflag:s19] =	ssyncset.done @!p1 $0x0;
	s18 =	smov.u32 @p3 s7  }
0x1e: {  	s14 =	smov.u32 s10;
	[sflag:s19] =	ssyncadd.s32 @!p1 $0xFFFFE000;
	s10 =	smov.u32 s17  }
0x1f: {  	s11 =	smov.u32 s18;
	s13 =	sadd.s32 $0x1, s13;
	s12 =	smov.u32 s20  }
.LBB1_1:
0x20: {  	p1 =	sge.u32 s13, s6  }
0x21: {  	s17 =	sand.u32 @!p1 $0x1FFFFFF, s10;
	s19 =	smul.u32 @!p1 $0x3200, s12  }
0x22: {  	s18 =	smulhi.u32 @!p1 $0x6666667, s17  }
0x23: {  	s21 =	smul.u32 @!p1 $0x280, s11  }
0x24: {  	s18 =	smul.u32 @!p1 $0x28, s18  }
0x25: {  	s31 =	sadd.s32 $0xFFFFFFFF, s13;
	s19 =	sadd.s32 @!p1 s4, s19  }
0x26: {  	s20 =	sxor.u32 @!p1 $0xFFFFFFFF, s13;
	s19 =	sadd.s32 @!p1 s21, s19;
	s17 =	ssub.s32 @!p1 s17, s18  }
0x27: {  	s18 =	sshll.u32 @!p1 s20, $0xD;
	s20 =	simm.s32 @!p1 $0x19000;
	s17 =	sshll.u32 @!p1 s17, $0x4  }
0x28: {  	s18 =	sand.u32 @!p1 $0x2000, s18;
	s17 =	sadd.s32 @!p1 s17, s19;
	s19 =	simm.s32 @!p1 $0x40  }
0x29: {  	[tilespmem:s18], [sflag:$0x1] =	stream.strided.gather @!p1 [hbm4b:s17+s19], $0x2000, s20, s19, $0x38;
	[tilespmem:$0x8080] =	vst v63  }
0x2a: {  	p1 =	sge.u32 s31, s6  }
.Ltmp2:
0x2b: {  	_ = 	snop;
	(pc) =	sbr.rel @p1 .LBB1_5-.Ltmp2, $1  }
0x2c: {  	_ =	sdelay $0x3  }
0x2d: {  	s17 =	simm.s32 $0x1  }
0x2e: {  	_ =	swait.ge [sflag:s5], $0x2000;
	s17 =	simm.s32 @!p0 $0x0  }
0x2f: {  	[sflag:s5] =	ssyncset.done $0x0;
	s18 =	sshll.u32 s17, $0xD  }
0x30: {  	[sflag:s5] =	ssyncadd.s32 $0xFFFFE000;
	s21 =	sor.u32 $0x20, s18  }
0x31: {  	s17 =	smul.u32 $0x8100, s17;
	v3 =	vld [tilespmem:s21+$0x10]  }
0x32: {  	s30 =	sand.u32 $0x1, s13;
	v2 =	vld [tilespmem:s21+$0xFFFFFFF0]  }
0x33: {  	s18 =	smul.u32 $0x8100, s30;
	s17 =	sshrl.u32 s17, $0x2;
	v0 =	vld [tilespmem:s21+$0x0]  }
0x34: {  	v1 =	vld [tilespmem:s21+$0xFFFFFFE0];
	s19 =	sor.u32 $0x4000, s17  }
0x35: {  	s31 =	sshrl.u32 s18, $0x2;
	s18 =	sadd.s32 $0x0, s19  }
0x36: {  	s20 =	simm.s32 $0x4;
	s21 =	sadd.s32 $0x40, s21;
	s17 =	sor.u32 $0x4000, s31;
	[tilespmem:s18+$0x1830 ss:$0x81] =	vst.msk $0xffff, v3  }
.LBB1_3:
0x37: {  	v3 =	vld [tilespmem:s21+$0x10];
	p1 =	sne.s32 s20, $0x1FC;
	[tilespmem:s18+$0x810 ss:$0x81] =	vst.msk $0xffff, v2;
	s22 =	smov.u32 s20;
	s20 =	sadd.s32 $0x4, s20  }
.Ltmp3:
0x38: {  	v2 =	vld [tilespmem:s21+$0xFFFFFFF0];
	[tilespmem:s18+$0x1020 ss:$0x81] =	vst.msk $0xffff, v0;
	(pc) =	sbr.rel @p1 .LBB1_3-.Ltmp3, $4  }
0x39: {  	v0 =	vld [tilespmem:s21+$0x0];
	[tilespmem:s18+$0x0 ss:$0x81] =	vst.msk $0xffff, v1  }
0x3a: {  	s18 =	sshra.s32 s22, $0x2;
	v1 =	vld [tilespmem:s21+$0xFFFFFFE0]  }
0x3b: {  	s18 =	sadd.s32 s18, s19  }
0x3c: {  	s21 =	sadd.s32 $0x40, s21;
	[tilespmem:s18+$0x1830 ss:$0x81] =	vst.msk $0xffff, v3  }
.Ltmp4:
0x3d: {  	_ = 	snop;
	(pc) =	sbr.rel .LBB1_4-.Ltmp4, $1  }
0x3e: {  	_ =	sdelay $0x3  }
.LBB1_6:
0x3f: {  	_ =	sfence.sel $0x180000  }
0x40: {  	s2 =	simm.s32 $0x1;
	[bflag:$0x0] =	sbarrier.arrive $0xFFFF  }
0x41: {  	s31 =	simm.s32 $0x2;
	[sflag:s2] =	ssyncpa.u1 $0x1  }
0x42: {  	[sflag:s31] =	ssyncpa.u1 $0x1  }
0x43: {  	p0 =	sne.s32 s0, $0x0;
	_ =	strace $0x9000004A  }
0x44: {  	s0 =	sadd.s32 @!p0 $0x100000, s1;
	[bflag:$0x2] =	sbarrier.arrive $0xFFFF  }
0x45: {  	[sflag:s0] =	ssyncadd.tile.s32 @!p0 $0x1;
	_ =	shalt  }
.Lfunc_end1:
_tile_overlayer_lowered:
.L_overlay_start_2:
0x46: {  	(tag) =	ssettag $0x2  }
0x47: {  	s0 =	rddreg [dreg:$0x0];
	s2 =	stileid.u32  }
0x48: {  	s1 =	rddreg [dreg:$0x1];
	p0 =	sne.s32 s2, $0x0  }
0x49: {  	s3 =	rddreg [dreg:$0x2];
	[bflag:$0x3] =	sbarrier.arrive $0xFFFF;
	s2 =	simm.s32 @!p0 $0x1C01  }
0x4a: {  	[timem:s3], [sflag:s2] =	dma.local @!p0 [hbm:s0], s1  }
0x4b: {  	s0 =	simm.s32 @!p0 $0x1  }
0x4c: {  	_ =	swait.ge @!p0 [sflag:s0], s1  }
0x4d: {  	s1 =	ssub.s32 @!p0 $0x0, s1;
	[sflag:s0] =	ssyncset.done @!p0 $0x0  }
0x4e: {  	[sflag:s0] =	ssyncadd.s32 @!p0 s1  }
0x4f: {  	[bflag:$0x3] =	sbarrier.arrive $0xFFFF  }
0x50: {  	_ =	shalt  }

</sc_bundles>
